<compile_context>
chip_gen: v7x
topology: tpu7x:2x2x1
jax: 0.10.2.dev20260603
libtpu: 0.0.44.dev20260713+nightly
codegen_flags: <defaults>
</compile_context>

<pallas_src>
import functools

import jax
import jax.numpy as jnp
from jax import lax
from jax.experimental import pallas as pl
from jax.experimental.pallas import tpu as pltpu
from jax.experimental.pallas import tpu_sc as plsc

B = 64
C = 3
N = 512 * 512

TBL_WORDS = 65536
M_BUCKETS = 4 * TBL_WORDS
SC_CHUNK = 16384
NCHUNK = N // SC_CHUNK
LANES = 16
USCAT = 8
UCNT = 4


def _u32(x):
    return lax.bitcast_convert_type(x, jnp.uint32)


def _tc_pass_kernel(x_ref, hash_ref, stats_ref):
    x = x_ref[0]
    x = x + 0.0
    u = _u32(x)

    h = (u[0] * jnp.uint32(0xCC9E2D51)
         + u[1] * jnp.uint32(0x1B873593)
         + u[2] * jnp.uint32(0x85EBCA6B))
    h = h ^ lax.shift_right_logical(h, jnp.uint32(16))
    h = h * jnp.uint32(0x7FEB352D)
    h = h ^ lax.shift_right_logical(h, jnp.uint32(15))
    h = h * jnp.uint32(0x846CA68B)
    h = h ^ lax.shift_right_logical(h, jnp.uint32(16))
    hash_ref[0] = lax.bitcast_convert_type(h, jnp.int32)

    n = jnp.float32(N)
    var_sum = jnp.float32(0.0)
    s_tot = jnp.float32(0.0)
    for c in range(C):
        sc = jnp.sum(x[c])
        qc = jnp.sum(x[c] * x[c])
        var_sum = var_sum + (qc - sc * sc / n) / (n - 1.0)
        s_tot = s_tot + sc
    var_mean = var_sum / jnp.float32(C)
    bright = s_tot / (jnp.float32(C) * n)
    lane = lax.broadcasted_iota(jnp.int32, (128,), 0)
    row = jnp.where(lane == 0, var_mean,
                    jnp.where(lane == 1, bright, jnp.float32(0.0)))
    stats_ref[0, 0, :] = row


def _tc_pass(batch4, s0, nb):
    return pl.pallas_call(
        _tc_pass_kernel,
        grid=(nb,),
        in_specs=[pl.BlockSpec((1, C, 512, 512),
                               lambda i: (s0 + i, 0, 0, 0))],
        out_specs=[
            pl.BlockSpec((1, 512, 512), lambda i: (i, 0, 0)),
            pl.BlockSpec((1, 1, 128), lambda i: (i, 0, 0)),
        ],
        out_shape=[
            jax.ShapeDtypeStruct((nb, 512, 512), jnp.int32),
            jax.ShapeDtypeStruct((nb, 1, 128), jnp.float32),
        ],
        compiler_params=pltpu.CompilerParams(
            dimension_semantics=("arbitrary",)),
    )(batch4)


def _sc_count_body(ipt, hash_hbm, out_hbm, table, buf, outbuf, sem0, sem1):
    nc = 2
    wid = lax.axis_index("s") * nc + lax.axis_index("c")
    sems = (sem0, sem1)
    zero16 = jnp.zeros((LANES,), jnp.int32)

    @plsc.parallel_loop(0, TBL_WORDS // LANES, unroll=USCAT)
    def _zero(i):
        table[pl.ds(i * LANES, LANES)] = zero16

    rows = SC_CHUNK // 512

    def _start(cidx, par, img):
        pltpu.async_copy(
            hash_hbm.at[img, pl.ds(cidx * rows, rows)],
            buf.at[par], sems[par])

    def _wait(par):
        pltpu.make_async_copy(
            hash_hbm.at[0, pl.ds(0, rows)], buf.at[par], sems[par]).wait()

    for img_slot in range(ipt):
        img = wid * ipt + img_slot
        _start(0, 0, img)
        _start(1, 1, img)

        def _chunk2(c2, _):
            for par in range(2):
                cidx = c2 * 2 + par
                _wait(par)

                one16 = jnp.full((LANES,), 1, jnp.int32)

                def _vec(k, __):
                    for g in range(512 // (LANES * USCAT)):
                        hs = [buf[par, k,
                                  pl.ds((g * USCAT + uu) * LANES, LANES)]
                              for uu in range(USCAT)]
                        for h in hs:
                            word = (lax.shift_right_logical(h, 5)
                                    & jnp.int32(TBL_WORDS - 1))
                            val = lax.shift_left(one16, h & jnp.int32(0x18))
                            plsc.addupdate_scatter(table, [word], val)
                    return __
                lax.fori_loop(0, rows, _vec, 0)

                @pl.when(cidx + 2 < NCHUNK)
                def _next():
                    _start(cidx + 2, par, img)
            return _
        lax.fori_loop(0, NCHUNK // 2, _chunk2, 0)

        def _count(i, acc):
            sls = [pl.ds((i * UCNT + uu) * LANES, LANES)
                   for uu in range(UCNT)]
            ws = [table[sl] for sl in sls]
            for sl, w in zip(sls, ws):
                table[sl] = zero16
                b = w | lax.shift_right_logical(w, 4)
                b = b | lax.shift_right_logical(b, 2)
                b = b | lax.shift_right_logical(b, 1)
                b = b & jnp.int32(0x01010101)
                acc = acc + lax.shift_right_logical(
                    b * jnp.int32(0x01010101), 24)
            return acc
        acc = lax.fori_loop(0, TBL_WORDS // (LANES * UCNT), _count,
                            jnp.zeros((LANES,), jnp.int32))
        total = jnp.sum(acc, axis=0)
        outbuf[...] = jnp.broadcast_to(total, (LANES,))
        pltpu.sync_copy(outbuf, out_hbm.at[img])


def _sc_count(hashes, nb):
    ipt = nb // 32
    mesh = plsc.VectorSubcoreMesh(core_axis_name="c", subcore_axis_name="s")
    fn = pl.kernel(
        functools.partial(_sc_count_body, ipt),
        out_type=jax.ShapeDtypeStruct((nb, LANES), jnp.int32),
        mesh=mesh,
        scratch_types=[
            pltpu.VMEM((TBL_WORDS,), jnp.int32),
            pltpu.VMEM((2, SC_CHUNK // 512, 512), jnp.int32),
            pltpu.VMEM((LANES,), jnp.int32),
            pltpu.SemaphoreType.DMA,
            pltpu.SemaphoreType.DMA,
        ],
        compiler_params=pltpu.CompilerParams(needs_layout_passes=False),
    )
    return fn(hashes)


def _estimate_kernel(k_ref, out_ref):
    kf = k_ref[...].astype(jnp.float32)
    m = jnp.float32(M_BUCKETS)
    y = jnp.minimum(kf / m, jnp.float32(0.99999))
    est = -m * jnp.log1p(-y)
    est = jnp.clip(jnp.round(est), 1.0, jnp.float32(N))
    out_ref[...] = est.astype(jnp.int32)


def _estimate(k2d):
    return pl.pallas_call(
        _estimate_kernel,
        out_shape=jax.ShapeDtypeStruct((8, 128), jnp.int32),
    )(k2d)


NSPLIT = 2


def kernel(batch_tensors):
    batch4 = batch_tensors
    nb = B // NSPLIT
    ks, stats_parts = [], []
    for s in range(NSPLIT):
        hashes, stats = _tc_pass(batch4, s * nb, nb)
        ks.append(_sc_count(hashes, nb))
        stats_parts.append(stats)
    k = jnp.concatenate(ks, axis=0)
    stats = jnp.concatenate(stats_parts, axis=0)
    counts = _estimate(k.reshape(8, 128)).reshape(B, LANES)[:, 0]
    color_variances = stats[:, 0, 0]
    brightness = stats[:, 0, 1]
    return (counts, color_variances, brightness)

# --- scband reference (transcript-rebuilt; emitter-appended) ---
"""Pipeline reference for scband-empty-image-detector-27049704030576 (READ-ONLY COPY).

The authoritative reference and input builder live on the scoring server;
editing this copy changes nothing except your own understanding.
"""

import jax, jax.numpy as jnp
import numpy as np


def setup_inputs(seed: int = 0) -> dict:
    key = jax.random.key(seed)
    batch_tensors = jax.random.normal(key, (64, 3, 512, 512), dtype=jnp.float32)
    return {"batch_tensors": batch_tensors}


def reference(batch_tensors):
    B = batch_tensors.shape[0]
    C = batch_tensors.shape[1]
    reshaped = batch_tensors.reshape(B, C, -1)
    # torch.unique(img, dim=1): unique columns (unique pixel colors across channels)
    def _count_unique_columns(mat):
        sorted_rows = jax.lax.sort(tuple(mat[c] for c in range(C)), num_keys=C)
        stacked = jnp.stack(sorted_rows)
        changed = jnp.any(stacked[:, 1:] != stacked[:, :-1], axis=0)
        return (jnp.sum(changed) + 1).astype(jnp.int32)

    unique_color_counts = jax.vmap(_count_unique_columns)(reshaped)
    # torch.var defaults to unbiased (ddof=1)
    color_variances = jnp.var(reshaped, axis=2, ddof=1).mean(axis=1)
    brightness = jnp.mean(batch_tensors, axis=(1, 2, 3))
    return (unique_color_counts, color_variances, brightness)

if __name__ == "__main__":
    import jax
    _d = setup_inputs()
    print(jax.jit(kernel)(*tuple(_d.values())))

</pallas_src>

<mosaic_0001>
#map = affine_map<(d0, d1) -> (0, 0, 0)>
#map1 = affine_map<(d0, d1) -> (0, 0)>
module attributes {stable_mosaic.version = 14 : i64} {
  func.func @_sc_count_body(%arg0: i32, %arg1: i32, %arg2: memref<32x512x512xi32, #tpu.memory_space<hbm>>, %arg3: memref<32x16xi32, #tpu.memory_space<hbm>>, %arg4: memref<65536xi32, #tpu.memory_space<vmem>>, %arg5: memref<2x32x512xi32, #tpu.memory_space<vmem>>, %arg6: memref<16xi32, #tpu.memory_space<vmem>>, %arg7: memref<!tpu.dma_semaphore, #tpu.memory_space<semaphore_mem>>, %arg8: memref<!tpu.dma_semaphore, #tpu.memory_space<semaphore_mem>>) attributes {dimension_semantics = [#tpu.dimension_semantics<core_parallel>, #tpu.dimension_semantics<subcore_parallel>], iteration_bounds = array<i64: 2, 16>, scalar_prefetch = 0 : i64, scratch_operands = 5 : i64, tpu.core_type = #tpu.core_type<sc_vector_subcore>, window_params = [{transform_indices = #map}, {transform_indices = #map1}]} {
    %mul3A = arith.constant 2 : i32
    %mul3A_0 = arith.muli %arg1, %mul3A : i32
    %add3A = arith.addi %mul3A_0, %arg0 : i32
    %broadcast_in_dim3A = arith.constant 0 : i32
    %broadcast_in_dim3A_1 = vector.broadcast %broadcast_in_dim3A : i32 to vector<16xi32>
    %parallel_loop3A = arith.constant 0 : i32
    %parallel_loop3A_2 = arith.constant 4096 : i32
    %parallel_loop3A_3 = arith.constant 1 : i32
    scf.for %parallel_loop3A_59 = %parallel_loop3A to %parallel_loop3A_2 step %parallel_loop3A_3  : i32 {
      %parallel_loop3A_60 = arith.constant 16 : i32
      %parallel_loop3A_61 = arith.muli %parallel_loop3A_59, %parallel_loop3A_60 : i32
      %parallel_loop3A_62 = arith.index_cast %parallel_loop3A_61 : i32 to index
      %parallel_loop3A_63 = tpu.vector_load %arg4[%parallel_loop3A_62] {strides = array<i32>} : memref<65536xi32, #tpu.memory_space<vmem>>, vector<16xi32>,
      tpu.vector_store %arg4[%parallel_loop3A_62], %broadcast_in_dim3A_1 {strides = array<i32>} : memref<65536xi32, #tpu.memory_space<vmem>>, vector<16xi32>,
    } {sc.loop_unroll_factor = 8 : i64, sc.parallel_access}
    %mul3A_4 = arith.constant 1 : i32
    %mul3A_5 = arith.muli %add3A, %mul3A_4 : i32
    %add3A_6 = arith.constant 0 : i32
    %add3A_7 = arith.addi %mul3A_5, %add3A_6 : i32
    %dma_start3A = arith.constant 0 : i32
    %dma_start3A_8 = arith.constant 0 : i32
    %dma_start3A_9 = arith.constant 0 : i32
    %dma_start3A_10 = tpu.memref_slice %arg5[%dma_start3A, %dma_start3A_8, %dma_start3A_9] : memref<2x32x512xi32, #tpu.memory_space<vmem>> -> memref<1x32x512xi32, #tpu.memory_space<vmem>>
    %dma_start3A_11 = tpu.memref_squeeze %dma_start3A_10 : memref<1x32x512xi32, #tpu.memory_space<vmem>> -> memref<32x512xi32, #tpu.memory_space<vmem>>
    %dma_start3A_12 = arith.constant 0 : i32
    %dma_start3A_13 = arith.constant 0 : i32
    %dma_start3A_14 = tpu.memref_slice %arg2[%add3A_7, %dma_start3A_12, %dma_start3A_13] : memref<32x512x512xi32, #tpu.memory_space<hbm>> -> memref<1x32x512xi32, #tpu.memory_space<hbm>>
    %dma_start3A_15 = tpu.memref_squeeze %dma_start3A_14 : memref<1x32x512xi32, #tpu.memory_space<hbm>> -> memref<32x512xi32, #tpu.memory_space<hbm>>
    %dma_start3A_16 = arith.constant 0 : i32
    %dma_start3A_17 = arith.constant 0 : i32
    %dma_start3A_18 = tpu.memref_slice %arg5[%dma_start3A, %dma_start3A_16, %dma_start3A_17] : memref<2x32x512xi32, #tpu.memory_space<vmem>> -> memref<1x32x512xi32, #tpu.memory_space<vmem>>
    %dma_start3A_19 = tpu.memref_squeeze %dma_start3A_18 : memref<1x32x512xi32, #tpu.memory_space<vmem>> -> memref<32x512xi32, #tpu.memory_space<vmem>>
    %dma_start3A_20 = arith.constant 0 : i32
    %dma_start3A_21 = arith.constant 0 : i32
    %dma_start3A_22 = tpu.memref_slice %arg2[%add3A_7, %dma_start3A_20, %dma_start3A_21] : memref<32x512x512xi32, #tpu.memory_space<hbm>> -> memref<1x32x512xi32, #tpu.memory_space<hbm>>
    %dma_start3A_23 = tpu.memref_squeeze %dma_start3A_22 : memref<1x32x512xi32, #tpu.memory_space<hbm>> -> memref<32x512xi32, #tpu.memory_space<hbm>>
    tpu.enqueue_dma source(%dma_start3A_23 : memref<32x512xi32, #tpu.memory_space<hbm>>) target(%dma_start3A_19 : memref<32x512xi32, #tpu.memory_space<vmem>>) target_semaphore(%arg7 : memref<!tpu.dma_semaphore, #tpu.memory_space<semaphore_mem>>)
    %dma_start3A_24 = arith.constant 1 : i32
    %dma_start3A_25 = arith.constant 0 : i32
    %dma_start3A_26 = arith.constant 0 : i32
    %dma_start3A_27 = tpu.memref_slice %arg5[%dma_start3A_24, %dma_start3A_25, %dma_start3A_26] : memref<2x32x512xi32, #tpu.memory_space<vmem>> -> memref<1x32x512xi32, #tpu.memory_space<vmem>>
    %dma_start3A_28 = tpu.memref_squeeze %dma_start3A_27 : memref<1x32x512xi32, #tpu.memory_space<vmem>> -> memref<32x512xi32, #tpu.memory_space<vmem>>
    %dma_start3A_29 = arith.constant 32 : i32
    %dma_start3A_30 = arith.constant 0 : i32
    %dma_start3A_31 = tpu.memref_slice %arg2[%add3A_7, %dma_start3A_29, %dma_start3A_30] : memref<32x512x512xi32, #tpu.memory_space<hbm>> -> memref<1x32x512xi32, #tpu.memory_space<hbm>>
    %dma_start3A_32 = tpu.memref_squeeze %dma_start3A_31 : memref<1x32x512xi32, #tpu.memory_space<hbm>> -> memref<32x512xi32, #tpu.memory_space<hbm>>
    %dma_start3A_33 = arith.constant 0 : i32
    %dma_start3A_34 = arith.constant 0 : i32
    %dma_start3A_35 = tpu.memref_slice %arg5[%dma_start3A_24, %dma_start3A_33, %dma_start3A_34] : memref<2x32x512xi32, #tpu.memory_space<vmem>> -> memref<1x32x512xi32, #tpu.memory_space<vmem>>
    %dma_start3A_36 = tpu.memref_squeeze %dma_start3A_35 : memref<1x32x512xi32, #tpu.memory_space<vmem>> -> memref<32x512xi32, #tpu.memory_space<vmem>>
    %dma_start3A_37 = arith.constant 32 : i32
    %dma_start3A_38 = arith.constant 0 : i32
    %dma_start3A_39 = tpu.memref_slice %arg2[%add3A_7, %dma_start3A_37, %dma_start3A_38] : memref<32x512x512xi32, #tpu.memory_space<hbm>> -> memref<1x32x512xi32, #tpu.memory_space<hbm>>
    %dma_start3A_40 = tpu.memref_squeeze %dma_start3A_39 : memref<1x32x512xi32, #tpu.memory_space<hbm>> -> memref<32x512xi32, #tpu.memory_space<hbm>>
    tpu.enqueue_dma source(%dma_start3A_40 : memref<32x512xi32, #tpu.memory_space<hbm>>) target(%dma_start3A_36 : memref<32x512xi32, #tpu.memory_space<vmem>>) target_semaphore(%arg8 : memref<!tpu.dma_semaphore, #tpu.memory_space<semaphore_mem>>)
    %scan3A = arith.constant 0 : i32
    %scan3A_41 = arith.constant 0 : i32
    %scan3A_42 = arith.constant 8 : i32
    %scan3A_43 = arith.addi %scan3A_41, %scan3A_42 : i32
    %scan3A_44 = arith.constant 1 : i32
    scf.for %scan3A_59 = %scan3A_41 to %scan3A_43 step %scan3A_44  : i32 {
      %mul3A_60 = arith.constant 2 : i32
      %mul3A_61 = arith.muli %scan3A_59, %mul3A_60 : i32
      %add3A_62 = arith.constant 0 : i32
      %add3A_63 = arith.addi %mul3A_61, %add3A_62 : i32
      %dma_wait3A = arith.constant 0 : i32
      %dma_wait3A_64 = arith.constant 0 : i32
      %dma_wait3A_65 = arith.constant 0 : i32
      %dma_wait3A_66 = arith.constant 0 : i32
      %dma_wait3A_67 = tpu.memref_slice %arg5[%dma_wait3A_64, %dma_wait3A_65, %dma_wait3A_66] : memref<2x32x512xi32, #tpu.memory_space<vmem>> -> memref<1x32x512xi32, #tpu.memory_space<vmem>>
      %dma_wait3A_68 = tpu.memref_squeeze %dma_wait3A_67 : memref<1x32x512xi32, #tpu.memory_space<vmem>> -> memref<32x512xi32, #tpu.memory_space<vmem>>
      %dma_wait3A_69 = arith.constant 0 : i32
      %dma_wait3A_70 = arith.constant 0 : i32
      %dma_wait3A_71 = tpu.memref_slice %arg2[%dma_wait3A, %dma_wait3A_69, %dma_wait3A_70] : memref<32x512x512xi32, #tpu.memory_space<hbm>> -> memref<1x32x512xi32, #tpu.memory_space<hbm>>
      %dma_wait3A_72 = tpu.memref_squeeze %dma_wait3A_71 : memref<1x32x512xi32, #tpu.memory_space<hbm>> -> memref<32x512xi32, #tpu.memory_space<hbm>>
      %dma_wait3A_73 = arith.constant 0 : i32
      %dma_wait3A_74 = arith.constant 0 : i32
      %dma_wait3A_75 = tpu.memref_slice %arg5[%dma_wait3A_64, %dma_wait3A_73, %dma_wait3A_74] : memref<2x32x512xi32, #tpu.memory_space<vmem>> -> memref<1x32x512xi32, #tpu.memory_space<vmem>>
      %dma_wait3A_76 = tpu.memref_squeeze %dma_wait3A_75 : memref<1x32x512xi32, #tpu.memory_space<vmem>> -> memref<32x512xi32, #tpu.memory_space<vmem>>
      %dma_wait3A_77 = arith.constant 0 : i32
      %dma_wait3A_78 = arith.constant 0 : i32
      %dma_wait3A_79 = tpu.memref_slice %arg2[%dma_wait3A, %dma_wait3A_77, %dma_wait3A_78] : memref<32x512x512xi32, #tpu.memory_space<hbm>> -> memref<1x32x512xi32, #tpu.memory_space<hbm>>
      %dma_wait3A_80 = tpu.memref_squeeze %dma_wait3A_79 : memref<1x32x512xi32, #tpu.memory_space<hbm>> -> memref<32x512xi32, #tpu.memory_space<hbm>>
      tpu.wait_dma2 semaphore(%arg7 : memref<!tpu.dma_semaphore, #tpu.memory_space<semaphore_mem>>) src(%dma_wait3A_80 : memref<32x512xi32, #tpu.memory_space<hbm>>) dst(%dma_wait3A_76 : memref<32x512xi32, #tpu.memory_space<vmem>>)
      %broadcast_in_dim3A_81 = arith.constant 1 : i32
      %broadcast_in_dim3A_82 = vector.broadcast %broadcast_in_dim3A_81 : i32 to vector<16xi32>
      %scan3A_83 = arith.constant 0 : i32
      %scan3A_84 = arith.constant 0 : i32
      %scan3A_85 = arith.constant 32 : i32
      %scan3A_86 = arith.addi %scan3A_84, %scan3A_85 : i32
      %scan3A_87 = arith.constant 1 : i32
      scf.for %scan3A_130 = %scan3A_84 to %scan3A_86 step %scan3A_87  : i32 {
        %get3A = arith.constant 0 : i32
        %get3A_131 = arith.index_cast %get3A : i32 to index
        %get3A_132 = arith.index_cast %scan3A_130 : i32 to index
        %get3A_133 = arith.constant 0 : index
        %get3A_134 = tpu.vector_load %arg5[%get3A_131, %get3A_132, %get3A_133] {strides = array<i32>} : memref<2x32x512xi32, #tpu.memory_space<vmem>>, vector<16xi32>,
        %get3A_135 = arith.constant 0 : i32
        %get3A_136 = arith.index_cast %get3A_135 : i32 to index
        %get3A_137 = arith.index_cast %scan3A_130 : i32 to index
        %get3A_138 = arith.constant 16 : index
        %get3A_139 = tpu.vector_load %arg5[%get3A_136, %get3A_137, %get3A_138] {strides = array<i32>} : memref<2x32x512xi32, #tpu.memory_space<vmem>>, vector<16xi32>,
        %get3A_140 = arith.constant 0 : i32
        %get3A_141 = arith.index_cast %get3A_140 : i32 to index
        %get3A_142 = arith.index_cast %scan3A_130 : i32 to index
        %get3A_143 = arith.constant 32 : index
        %get3A_144 = tpu.vector_load %arg5[%get3A_141, %get3A_142, %get3A_143] {strides = array<i32>} : memref<2x32x512xi32, #tpu.memory_space<vmem>>, vector<16xi32>,
        %get3A_145 = arith.constant 0 : i32
        %get3A_146 = arith.index_cast %get3A_145 : i32 to index
        %get3A_147 = arith.index_cast %scan3A_130 : i32 to index
        %get3A_148 = arith.constant 48 : index
        %get3A_149 = tpu.vector_load %arg5[%get3A_146, %get3A_147, %get3A_148] {strides = array<i32>} : memref<2x32x512xi32, #tpu.memory_space<vmem>>, vector<16xi32>,
        %get3A_150 = arith.constant 0 : i32
        %get3A_151 = arith.index_cast %get3A_150 : i32 to index
        %get3A_152 = arith.index_cast %scan3A_130 : i32 to index
        %get3A_153 = arith.constant 64 : index
        %get3A_154 = tpu.vector_load %arg5[%get3A_151, %get3A_152, %get3A_153] {strides = array<i32>} : memref<2x32x512xi32, #tpu.memory_space<vmem>>, vector<16xi32>,
        %get3A_155 = arith.constant 0 : i32
        %get3A_156 = arith.index_cast %get3A_155 : i32 to index
        %get3A_157 = arith.index_cast %scan3A_130 : i32 to index
        %get3A_158 = arith.constant 80 : index
        %get3A_159 = tpu.vector_load %arg5[%get3A_156, %get3A_157, %get3A_158] {strides = array<i32>} : memref<2x32x512xi32, #tpu.memory_space<vmem>>, vector<16xi32>,
        %get3A_160 = arith.constant 0 : i32
        %get3A_161 = arith.index_cast %get3A_160 : i32 to index
        %get3A_162 = arith.index_cast %scan3A_130 : i32 to index
        %get3A_163 = arith.constant 96 : index
        %get3A_164 = tpu.vector_load %arg5[%get3A_161, %get3A_162, %get3A_163] {strides = array<i32>} : memref<2x32x512xi32, #tpu.memory_space<vmem>>, vector<16xi32>,
        %get3A_165 = arith.constant 0 : i32
        %get3A_166 = arith.index_cast %get3A_165 : i32 to index
        %get3A_167 = arith.index_cast %scan3A_130 : i32 to index
        %get3A_168 = arith.constant 112 : index
        %get3A_169 = tpu.vector_load %arg5[%get3A_166, %get3A_167, %get3A_168] {strides = array<i32>} : memref<2x32x512xi32, #tpu.memory_space<vmem>>, vector<16xi32>,
        %shift_right_logical3A = arith.constant 5 : i32
        %shift_right_logical3A_170 = vector.broadcast %shift_right_logical3A : i32 to vector<16xi32>
        %shift_right_logical3A_171 = arith.shrui %get3A_134, %shift_right_logical3A_170 : vector<16xi32>
        %and3A = arith.constant 65535 : i32
        %and3A_172 = vector.broadcast %and3A : i32 to vector<16xi32>
        %and3A_173 = arith.andi %shift_right_logical3A_171, %and3A_172 : vector<16xi32>
        %and3A_174 = arith.constant 24 : i32
        %and3A_175 = vector.broadcast %and3A_174 : i32 to vector<16xi32>
        %and3A_176 = arith.andi %get3A_134, %and3A_175 : vector<16xi32>
        %shift_left3A = arith.shli %broadcast_in_dim3A_82, %and3A_176 : vector<16xi32>
        tpu.vector_store_idx %arg4[%and3A_173], %shift_left3A {add = true} : memref<65536xi32, #tpu.memory_space<vmem>>[vector<16xi32>], vector<16xi32>,
        %shift_right_logical3A_177 = arith.constant 5 : i32
        %shift_right_logical3A_178 = vector.broadcast %shift_right_logical3A_177 : i32 to vector<16xi32>
        %shift_right_logical3A_179 = arith.shrui %get3A_139, %shift_right_logical3A_178 : vector<16xi32>
        %and3A_180 = arith.constant 65535 : i32
        %and3A_181 = vector.broadcast %and3A_180 : i32 to vector<16xi32>
        %and3A_182 = arith.andi %shift_right_logical3A_179, %and3A_181 : vector<16xi32>
        %and3A_183 = arith.constant 24 : i32
        %and3A_184 = vector.broadcast %and3A_183 : i32 to vector<16xi32>
        %and3A_185 = arith.andi %get3A_139, %and3A_184 : vector<16xi32>
        %shift_left3A_186 = arith.shli %broadcast_in_dim3A_82, %and3A_185 : vector<16xi32>
        tpu.vector_store_idx %arg4[%and3A_182], %shift_left3A_186 {add = true} : memref<65536xi32, #tpu.memory_space<vmem>>[vector<16xi32>], vector<16xi32>,
        %shift_right_logical3A_187 = arith.constant 5 : i32
        %shift_right_logical3A_188 = vector.broadcast %shift_right_logical3A_187 : i32 to vector<16xi32>
        %shift_right_logical3A_189 = arith.shrui %get3A_144, %shift_right_logical3A_188 : vector<16xi32>
        %and3A_190 = arith.constant 65535 : i32
        %and3A_191 = vector.broadcast %and3A_190 : i32 to vector<16xi32>
        %and3A_192 = arith.andi %shift_right_logical3A_189, %and3A_191 : vector<16xi32>
        %and3A_193 = arith.constant 24 : i32
        %and3A_194 = vector.broadcast %and3A_193 : i32 to vector<16xi32>
        %and3A_195 = arith.andi %get3A_144, %and3A_194 : vector<16xi32>
        %shift_left3A_196 = arith.shli %broadcast_in_dim3A_82, %and3A_195 : vector<16xi32>
        tpu.vector_store_idx %arg4[%and3A_192], %shift_left3A_196 {add = true} : memref<65536xi32, #tpu.memory_space<vmem>>[vector<16xi32>], vector<16xi32>,
        %shift_right_logical3A_197 = arith.constant 5 : i32
        %shift_right_logical3A_198 = vector.broadcast %shift_right_logical3A_197 : i32 to vector<16xi32>
        %shift_right_logical3A_199 = arith.shrui %get3A_149, %shift_right_logical3A_198 : vector<16xi32>
        %and3A_200 = arith.constant 65535 : i32
        %and3A_201 = vector.broadcast %and3A_200 : i32 to vector<16xi32>
        %and3A_202 = arith.andi %shift_right_logical3A_199, %and3A_201 : vector<16xi32>
        %and3A_203 = arith.constant 24 : i32
        %and3A_204 = vector.broadcast %and3A_203 : i32 to vector<16xi32>
        %and3A_205 = arith.andi %get3A_149, %and3A_204 : vector<16xi32>
        %shift_left3A_206 = arith.shli %broadcast_in_dim3A_82, %and3A_205 : vector<16xi32>
        tpu.vector_store_idx %arg4[%and3A_202], %shift_left3A_206 {add = true} : memref<65536xi32, #tpu.memory_space<vmem>>[vector<16xi32>], vector<16xi32>,
        %shift_right_logical3A_207 = arith.constant 5 : i32
        %shift_right_logical3A_208 = vector.broadcast %shift_right_logical3A_207 : i32 to vector<16xi32>
        %shift_right_logical3A_209 = arith.shrui %get3A_154, %shift_right_logical3A_208 : vector<16xi32>
        %and3A_210 = arith.constant 65535 : i32
        %and3A_211 = vector.broadcast %and3A_210 : i32 to vector<16xi32>
        %and3A_212 = arith.andi %shift_right_logical3A_209, %and3A_211 : vector<16xi32>
        %and3A_213 = arith.constant 24 : i32
        %and3A_214 = vector.broadcast %and3A_213 : i32 to vector<16xi32>
        %and3A_215 = arith.andi %get3A_154, %and3A_214 : vector<16xi32>
        %shift_left3A_216 = arith.shli %broadcast_in_dim3A_82, %and3A_215 : vector<16xi32>
        tpu.vector_store_idx %arg4[%and3A_212], %shift_left3A_216 {add = true} : memref<65536xi32, #tpu.memory_space<vmem>>[vector<16xi32>], vector<16xi32>,
        %shift_right_logical3A_217 = arith.constant 5 : i32
        %shift_right_logical3A_218 = vector.broadcast %shift_right_logical3A_217 : i32 to vector<16xi32>
        %shift_right_logical3A_219 = arith.shrui %get3A_159, %shift_right_logical3A_218 : vector<16xi32>
        %and3A_220 = arith.constant 65535 : i32
        %and3A_221 = vector.broadcast %and3A_220 : i32 to vector<16xi32>
        %and3A_222 = arith.andi %shift_right_logical3A_219, %and3A_221 : vector<16xi32>
        %and3A_223 = arith.constant 24 : i32
        %and3A_224 = vector.broadcast %and3A_223 : i32 to vector<16xi32>
        %and3A_225 = arith.andi %get3A_159, %and3A_224 : vector<16xi32>
        %shift_left3A_226 = arith.shli %broadcast_in_dim3A_82, %and3A_225 : vector<16xi32>
        tpu.vector_store_idx %arg4[%and3A_222], %shift_left3A_226 {add = true} : memref<65536xi32, #tpu.memory_space<vmem>>[vector<16xi32>], vector<16xi32>,
        %shift_right_logical3A_227 = arith.constant 5 : i32
        %shift_right_logical3A_228 = vector.broadcast %shift_right_logical3A_227 : i32 to vector<16xi32>
        %shift_right_logical3A_229 = arith.shrui %get3A_164, %shift_right_logical3A_228 : vector<16xi32>
        %and3A_230 = arith.constant 65535 : i32
        %and3A_231 = vector.broadcast %and3A_230 : i32 to vector<16xi32>
        %and3A_232 = arith.andi %shift_right_logical3A_229, %and3A_231 : vector<16xi32>
        %and3A_233 = arith.constant 24 : i32
        %and3A_234 = vector.broadcast %and3A_233 : i32 to vector<16xi32>
        %and3A_235 = arith.andi %get3A_164, %and3A_234 : vector<16xi32>
        %shift_left3A_236 = arith.shli %broadcast_in_dim3A_82, %and3A_235 : vector<16xi32>
        tpu.vector_store_idx %arg4[%and3A_232], %shift_left3A_236 {add = true} : memref<65536xi32, #tpu.memory_space<vmem>>[vector<16xi32>], vector<16xi32>,
        %shift_right_logical3A_237 = arith.constant 5 : i32
        %shift_right_logical3A_238 = vector.broadcast %shift_right_logical3A_237 : i32 to vector<16xi32>
        %shift_right_logical3A_239 = arith.shrui %get3A_169, %shift_right_logical3A_238 : vector<16xi32>
        %and3A_240 = arith.constant 65535 : i32
        %and3A_241 = vector.broadcast %and3A_240 : i32 to vector<16xi32>
        %and3A_242 = arith.andi %shift_right_logical3A_239, %and3A_241 : vector<16xi32>
        %and3A_243 = arith.constant 24 : i32
        %and3A_244 = vector.broadcast %and3A_243 : i32 to vector<16xi32>
        %and3A_245 = arith.andi %get3A_169, %and3A_244 : vector<16xi32>
        %shift_left3A_246 = arith.shli %broadcast_in_dim3A_82, %and3A_245 : vector<16xi32>
        tpu.vector_store_idx %arg4[%and3A_242], %shift_left3A_246 {add = true} : memref<65536xi32, #tpu.memory_space<vmem>>[vector<16xi32>], vector<16xi32>,
        %get3A_247 = arith.constant 0 : i32
        %get3A_248 = arith.index_cast %get3A_247 : i32 to index
        %get3A_249 = arith.index_cast %scan3A_130 : i32 to index
        %get3A_250 = arith.constant 128 : index
        %get3A_251 = tpu.vector_load %arg5[%get3A_248, %get3A_249, %get3A_250] {strides = array<i32>} : memref<2x32x512xi32, #tpu.memory_space<vmem>>, vector<16xi32>,
        %get3A_252 = arith.constant 0 : i32
        %get3A_253 = arith.index_cast %get3A_252 : i32 to index
        %get3A_254 = arith.index_cast %scan3A_130 : i32 to index
        %get3A_255 = arith.constant 144 : index
        %get3A_256 = tpu.vector_load %arg5[%get3A_253, %get3A_254, %get3A_255] {strides = array<i32>} : memref<2x32x512xi32, #tpu.memory_space<vmem>>, vector<16xi32>,
        %get3A_257 = arith.constant 0 : i32
        %get3A_258 = arith.index_cast %get3A_257 : i32 to index
        %get3A_259 = arith.index_cast %scan3A_130 : i32 to index
        %get3A_260 = arith.constant 160 : index
        %get3A_261 = tpu.vector_load %arg5[%get3A_258, %get3A_259, %get3A_260] {strides = array<i32>} : memref<2x32x512xi32, #tpu.memory_space<vmem>>, vector<16xi32>,
        %get3A_262 = arith.constant 0 : i32
        %get3A_263 = arith.index_cast %get3A_262 : i32 to index
        %get3A_264 = arith.index_cast %scan3A_130 : i32 to index
        %get3A_265 = arith.constant 176 : index
        %get3A_266 = tpu.vector_load %arg5[%get3A_263, %get3A_264, %get3A_265] {strides = array<i32>} : memref<2x32x512xi32, #tpu.memory_space<vmem>>, vector<16xi32>,
        %get3A_267 = arith.constant 0 : i32
        %get3A_268 = arith.index_cast %get3A_267 : i32 to index
        %get3A_269 = arith.index_cast %scan3A_130 : i32 to index
        %get3A_270 = arith.constant 192 : index
        %get3A_271 = tpu.vector_load %arg5[%get3A_268, %get3A_269, %get3A_270] {strides = array<i32>} : memref<2x32x512xi32, #tpu.memory_space<vmem>>, vector<16xi32>,
        %get3A_272 = arith.constant 0 : i32
        %get3A_273 = arith.index_cast %get3A_272 : i32 to index
        %get3A_274 = arith.index_cast %scan3A_130 : i32 to index
        %get3A_275 = arith.constant 208 : index
        %get3A_276 = tpu.vector_load %arg5[%get3A_273, %get3A_274, %get3A_275] {strides = array<i32>} : memref<2x32x512xi32, #tpu.memory_space<vmem>>, vector<16xi32>,
        %get3A_277 = arith.constant 0 : i32
        %get3A_278 = arith.index_cast %get3A_277 : i32 to index
        %get3A_279 = arith.index_cast %scan3A_130 : i32 to index
        %get3A_280 = arith.constant 224 : index
        %get3A_281 = tpu.vector_load %arg5[%get3A_278, %get3A_279, %get3A_280] {strides = array<i32>} : memref<2x32x512xi32, #tpu.memory_space<vmem>>, vector<16xi32>,
        %get3A_282 = arith.constant 0 : i32
        %get3A_283 = arith.index_cast %get3A_282 : i32 to index
        %get3A_284 = arith.index_cast %scan3A_130 : i32 to index
        %get3A_285 = arith.constant 240 : index
        %get3A_286 = tpu.vector_load %arg5[%get3A_283, %get3A_284, %get3A_285] {strides = array<i32>} : memref<2x32x512xi32, #tpu.memory_space<vmem>>, vector<16xi32>,
        %shift_right_logical3A_287 = arith.constant 5 : i32
        %shift_right_logical3A_288 = vector.broadcast %shift_right_logical3A_287 : i32 to vector<16xi32>
        %shift_right_logical3A_289 = arith.shrui %get3A_251, %shift_right_logical3A_288 : vector<16xi32>
        %and3A_290 = arith.constant 65535 : i32
        %and3A_291 = vector.broadcast %and3A_290 : i32 to vector<16xi32>
        %and3A_292 = arith.andi %shift_right_logical3A_289, %and3A_291 : vector<16xi32>
        %and3A_293 = arith.constant 24 : i32
        %and3A_294 = vector.broadcast %and3A_293 : i32 to vector<16xi32>
        %and3A_295 = arith.andi %get3A_251, %and3A_294 : vector<16xi32>
        %shift_left3A_296 = arith.shli %broadcast_in_dim3A_82, %and3A_295 : vector<16xi32>
        tpu.vector_store_idx %arg4[%and3A_292], %shift_left3A_296 {add = true} : memref<65536xi32, #tpu.memory_space<vmem>>[vector<16xi32>], vector<16xi32>,
        %shift_right_logical3A_297 = arith.constant 5 : i32
        %shift_right_logical3A_298 = vector.broadcast %shift_right_logical3A_297 : i32 to vector<16xi32>
        %shift_right_logical3A_299 = arith.shrui %get3A_256, %shift_right_logical3A_298 : vector<16xi32>
        %and3A_300 = arith.constant 65535 : i32
        %and3A_301 = vector.broadcast %and3A_300 : i32 to vector<16xi32>
        %and3A_302 = arith.andi %shift_right_logical3A_299, %and3A_301 : vector<16xi32>
        %and3A_303 = arith.constant 24 : i32
        %and3A_304 = vector.broadcast %and3A_303 : i32 to vector<16xi32>
        %and3A_305 = arith.andi %get3A_256, %and3A_304 : vector<16xi32>
        %shift_left3A_306 = arith.shli %broadcast_in_dim3A_82, %and3A_305 : vector<16xi32>
        tpu.vector_store_idx %arg4[%and3A_302], %shift_left3A_306 {add = true} : memref<65536xi32, #tpu.memory_space<vmem>>[vector<16xi32>], vector<16xi32>,
        %shift_right_logical3A_307 = arith.constant 5 : i32
        %shift_right_logical3A_308 = vector.broadcast %shift_right_logical3A_307 : i32 to vector<16xi32>
        %shift_right_logical3A_309 = arith.shrui %get3A_261, %shift_right_logical3A_308 : vector<16xi32>
        %and3A_310 = arith.constant 65535 : i32
        %and3A_311 = vector.broadcast %and3A_310 : i32 to vector<16xi32>
        %and3A_312 = arith.andi %shift_right_logical3A_309, %and3A_311 : vector<16xi32>
        %and3A_313 = arith.constant 24 : i32
        %and3A_314 = vector.broadcast %and3A_313 : i32 to vector<16xi32>
        %and3A_315 = arith.andi %get3A_261, %and3A_314 : vector<16xi32>
        %shift_left3A_316 = arith.shli %broadcast_in_dim3A_82, %and3A_315 : vector<16xi32>
        tpu.vector_store_idx %arg4[%and3A_312], %shift_left3A_316 {add = true} : memref<65536xi32, #tpu.memory_space<vmem>>[vector<16xi32>], vector<16xi32>,
        %shift_right_logical3A_317 = arith.constant 5 : i32
        %shift_right_logical3A_318 = vector.broadcast %shift_right_logical3A_317 : i32 to vector<16xi32>
        %shift_right_logical3A_319 = arith.shrui %get3A_266, %shift_right_logical3A_318 : vector<16xi32>
        %and3A_320 = arith.constant 65535 : i32
        %and3A_321 = vector.broadcast %and3A_320 : i32 to vector<16xi32>
        %and3A_322 = arith.andi %shift_right_logical3A_319, %and3A_321 : vector<16xi32>
        %and3A_323 = arith.constant 24 : i32
        %and3A_324 = vector.broadcast %and3A_323 : i32 to vector<16xi32>
        %and3A_325 = arith.andi %get3A_266, %and3A_324 : vector<16xi32>
        %shift_left3A_326 = arith.shli %broadcast_in_dim3A_82, %and3A_325 : vector<16xi32>
        tpu.vector_store_idx %arg4[%and3A_322], %shift_left3A_326 {add = true} : memref<65536xi32, #tpu.memory_space<vmem>>[vector<16xi32>], vector<16xi32>,
        %shift_right_logical3A_327 = arith.constant 5 : i32
        %shift_right_logical3A_328 = vector.broadcast %shift_right_logical3A_327 : i32 to vector<16xi32>
        %shift_right_logical3A_329 = arith.shrui %get3A_271, %shift_right_logical3A_328 : vector<16xi32>
        %and3A_330 = arith.constant 65535 : i32
        %and3A_331 = vector.broadcast %and3A_330 : i32 to vector<16xi32>
        %and3A_332 = arith.andi %shift_right_logical3A_329, %and3A_331 : vector<16xi32>
        %and3A_333 = arith.constant 24 : i32
        %and3A_334 = vector.broadcast %and3A_333 : i32 to vector<16xi32>
        %and3A_335 = arith.andi %get3A_271, %and3A_334 : vector<16xi32>
        %shift_left3A_336 = arith.shli %broadcast_in_dim3A_82, %and3A_335 : vector<16xi32>
        tpu.vector_store_idx %arg4[%and3A_332], %shift_left3A_336 {add = true} : memref<65536xi32, #tpu.memory_space<vmem>>[vector<16xi32>], vector<16xi32>,
        %shift_right_logical3A_337 = arith.constant 5 : i32
        %shift_right_logical3A_338 = vector.broadcast %shift_right_logical3A_337 : i32 to vector<16xi32>
        %shift_right_logical3A_339 = arith.shrui %get3A_276, %shift_right_logical3A_338 : vector<16xi32>
        %and3A_340 = arith.constant 65535 : i32
        %and3A_341 = vector.broadcast %and3A_340 : i32 to vector<16xi32>
        %and3A_342 = arith.andi %shift_right_logical3A_339, %and3A_341 : vector<16xi32>
        %and3A_343 = arith.constant 24 : i32
        %and3A_344 = vector.broadcast %and3A_343 : i32 to vector<16xi32>
        %and3A_345 = arith.andi %get3A_276, %and3A_344 : vector<16xi32>
        %shift_left3A_346 = arith.shli %broadcast_in_dim3A_82, %and3A_345 : vector<16xi32>
        tpu.vector_store_idx %arg4[%and3A_342], %shift_left3A_346 {add = true} : memref<65536xi32, #tpu.memory_space<vmem>>[vector<16xi32>], vector<16xi32>,
        %shift_right_logical3A_347 = arith.constant 5 : i32
        %shift_right_logical3A_348 = vector.broadcast %shift_right_logical3A_347 : i32 to vector<16xi32>
        %shift_right_logical3A_349 = arith.shrui %get3A_281, %shift_right_logical3A_348 : vector<16xi32>
        %and3A_350 = arith.constant 65535 : i32
        %and3A_351 = vector.broadcast %and3A_350 : i32 to vector<16xi32>
        %and3A_352 = arith.andi %shift_right_logical3A_349, %and3A_351 : vector<16xi32>
        %and3A_353 = arith.constant 24 : i32
        %and3A_354 = vector.broadcast %and3A_353 : i32 to vector<16xi32>
        %and3A_355 = arith.andi %get3A_281, %and3A_354 : vector<16xi32>
        %shift_left3A_356 = arith.shli %broadcast_in_dim3A_82, %and3A_355 : vector<16xi32>
        tpu.vector_store_idx %arg4[%and3A_352], %shift_left3A_356 {add = true} : memref<65536xi32, #tpu.memory_space<vmem>>[vector<16xi32>], vector<16xi32>,
        %shift_right_logical3A_357 = arith.constant 5 : i32
        %shift_right_logical3A_358 = vector.broadcast %shift_right_logical3A_357 : i32 to vector<16xi32>
        %shift_right_logical3A_359 = arith.shrui %get3A_286, %shift_right_logical3A_358 : vector<16xi32>
        %and3A_360 = arith.constant 65535 : i32
        %and3A_361 = vector.broadcast %and3A_360 : i32 to vector<16xi32>
        %and3A_362 = arith.andi %shift_right_logical3A_359, %and3A_361 : vector<16xi32>
        %and3A_363 = arith.constant 24 : i32
        %and3A_364 = vector.broadcast %and3A_363 : i32 to vector<16xi32>
        %and3A_365 = arith.andi %get3A_286, %and3A_364 : vector<16xi32>
        %shift_left3A_366 = arith.shli %broadcast_in_dim3A_82, %and3A_365 : vector<16xi32>
        tpu.vector_store_idx %arg4[%and3A_362], %shift_left3A_366 {add = true} : memref<65536xi32, #tpu.memory_space<vmem>>[vector<16xi32>], vector<16xi32>,
        %get3A_367 = arith.constant 0 : i32
        %get3A_368 = arith.index_cast %get3A_367 : i32 to index
        %get3A_369 = arith.index_cast %scan3A_130 : i32 to index
        %get3A_370 = arith.constant 256 : index
        %get3A_371 = tpu.vector_load %arg5[%get3A_368, %get3A_369, %get3A_370] {strides = array<i32>} : memref<2x32x512xi32, #tpu.memory_space<vmem>>, vector<16xi32>,
        %get3A_372 = arith.constant 0 : i32
        %get3A_373 = arith.index_cast %get3A_372 : i32 to index
        %get3A_374 = arith.index_cast %scan3A_130 : i32 to index
        %get3A_375 = arith.constant 272 : index
        %get3A_376 = tpu.vector_load %arg5[%get3A_373, %get3A_374, %get3A_375] {strides = array<i32>} : memref<2x32x512xi32, #tpu.memory_space<vmem>>, vector<16xi32>,
        %get3A_377 = arith.constant 0 : i32
        %get3A_378 = arith.index_cast %get3A_377 : i32 to index
        %get3A_379 = arith.index_cast %scan3A_130 : i32 to index
        %get3A_380 = arith.constant 288 : index
        %get3A_381 = tpu.vector_load %arg5[%get3A_378, %get3A_379, %get3A_380] {strides = array<i32>} : memref<2x32x512xi32, #tpu.memory_space<vmem>>, vector<16xi32>,
        %get3A_382 = arith.constant 0 : i32
        %get3A_383 = arith.index_cast %get3A_382 : i32 to index
        %get3A_384 = arith.index_cast %scan3A_130 : i32 to index
        %get3A_385 = arith.constant 304 : index
        %get3A_386 = tpu.vector_load %arg5[%get3A_383, %get3A_384, %get3A_385] {strides = array<i32>} : memref<2x32x512xi32, #tpu.memory_space<vmem>>, vector<16xi32>,
        %get3A_387 = arith.constant 0 : i32
        %get3A_388 = arith.index_cast %get3A_387 : i32 to index
        %get3A_389 = arith.index_cast %scan3A_130 : i32 to index
        %get3A_390 = arith.constant 320 : index
        %get3A_391 = tpu.vector_load %arg5[%get3A_388, %get3A_389, %get3A_390] {strides = array<i32>} : memref<2x32x512xi32, #tpu.memory_space<vmem>>, vector<16xi32>,
        %get3A_392 = arith.constant 0 : i32
        %get3A_393 = arith.index_cast %get3A_392 : i32 to index
        %get3A_394 = arith.index_cast %scan3A_130 : i32 to index
        %get3A_395 = arith.constant 336 : index
        %get3A_396 = tpu.vector_load %arg5[%get3A_393, %get3A_394, %get3A_395] {strides = array<i32>} : memref<2x32x512xi32, #tpu.memory_space<vmem>>, vector<16xi32>,
        %get3A_397 = arith.constant 0 : i32
        %get3A_398 = arith.index_cast %get3A_397 : i32 to index
        %get3A_399 = arith.index_cast %scan3A_130 : i32 to index
        %get3A_400 = arith.constant 352 : index
        %get3A_401 = tpu.vector_load %arg5[%get3A_398, %get3A_399, %get3A_400] {strides = array<i32>} : memref<2x32x512xi32, #tpu.memory_space<vmem>>, vector<16xi32>,
        %get3A_402 = arith.constant 0 : i32
        %get3A_403 = arith.index_cast %get3A_402 : i32 to index
        %get3A_404 = arith.index_cast %scan3A_130 : i32 to index
        %get3A_405 = arith.constant 368 : index
        %get3A_406 = tpu.vector_load %arg5[%get3A_403, %get3A_404, %get3A_405] {strides = array<i32>} : memref<2x32x512xi32, #tpu.memory_space<vmem>>, vector<16xi32>,
        %shift_right_logical3A_407 = arith.constant 5 : i32
        %shift_right_logical3A_408 = vector.broadcast %shift_right_logical3A_407 : i32 to vector<16xi32>
        %shift_right_logical3A_409 = arith.shrui %get3A_371, %shift_right_logical3A_408 : vector<16xi32>
        %and3A_410 = arith.constant 65535 : i32
        %and3A_411 = vector.broadcast %and3A_410 : i32 to vector<16xi32>
        %and3A_412 = arith.andi %shift_right_logical3A_409, %and3A_411 : vector<16xi32>
        %and3A_413 = arith.constant 24 : i32
        %and3A_414 = vector.broadcast %and3A_413 : i32 to vector<16xi32>
        %and3A_415 = arith.andi %get3A_371, %and3A_414 : vector<16xi32>
        %shift_left3A_416 = arith.shli %broadcast_in_dim3A_82, %and3A_415 : vector<16xi32>
        tpu.vector_store_idx %arg4[%and3A_412], %shift_left3A_416 {add = true} : memref<65536xi32, #tpu.memory_space<vmem>>[vector<16xi32>], vector<16xi32>,
        %shift_right_logical3A_417 = arith.constant 5 : i32
        %shift_right_logical3A_418 = vector.broadcast %shift_right_logical3A_417 : i32 to vector<16xi32>
        %shift_right_logical3A_419 = arith.shrui %get3A_376, %shift_right_logical3A_418 : vector<16xi32>
        %and3A_420 = arith.constant 65535 : i32
        %and3A_421 = vector.broadcast %and3A_420 : i32 to vector<16xi32>
        %and3A_422 = arith.andi %shift_right_logical3A_419, %and3A_421 : vector<16xi32>
        %and3A_423 = arith.constant 24 : i32
        %and3A_424 = vector.broadcast %and3A_423 : i32 to vector<16xi32>
        %and3A_425 = arith.andi %get3A_376, %and3A_424 : vector<16xi32>
        %shift_left3A_426 = arith.shli %broadcast_in_dim3A_82, %and3A_425 : vector<16xi32>
        tpu.vector_store_idx %arg4[%and3A_422], %shift_left3A_426 {add = true} : memref<65536xi32, #tpu.memory_space<vmem>>[vector<16xi32>], vector<16xi32>,
        %shift_right_logical3A_427 = arith.constant 5 : i32
        %shift_right_logical3A_428 = vector.broadcast %shift_right_logical3A_427 : i32 to vector<16xi32>
        %shift_right_logical3A_429 = arith.shrui %get3A_381, %shift_right_logical3A_428 : vector<16xi32>
        %and3A_430 = arith.constant 65535 : i32
        %and3A_431 = vector.broadcast %and3A_430 : i32 to vector<16xi32>
        %and3A_432 = arith.andi %shift_right_logical3A_429, %and3A_431 : vector<16xi32>
        %and3A_433 = arith.constant 24 : i32
        %and3A_434 = vector.broadcast %and3A_433 : i32 to vector<16xi32>
        %and3A_435 = arith.andi %get3A_381, %and3A_434 : vector<16xi32>
        %shift_left3A_436 = arith.shli %broadcast_in_dim3A_82, %and3A_435 : vector<16xi32>
        tpu.vector_store_idx %arg4[%and3A_432], %shift_left3A_436 {add = true} : memref<65536xi32, #tpu.memory_space<vmem>>[vector<16xi32>], vector<16xi32>,
        %shift_right_logical3A_437 = arith.constant 5 : i32
        %shift_right_logical3A_438 = vector.broadcast %shift_right_logical3A_437 : i32 to vector<16xi32>
        %shift_right_logical3A_439 = arith.shrui %get3A_386, %shift_right_logical3A_438 : vector<16xi32>
        %and3A_440 = arith.constant 65535 : i32
        %and3A_441 = vector.broadcast %and3A_440 : i32 to vector<16xi32>
        %and3A_442 = arith.andi %shift_right_logical3A_439, %and3A_441 : vector<16xi32>
        %and3A_443 = arith.constant 24 : i32
        %and3A_444 = vector.broadcast %and3A_443 : i32 to vector<16xi32>
        %and3A_445 = arith.andi %get3A_386, %and3A_444 : vector<16xi32>
        %shift_left3A_446 = arith.shli %broadcast_in_dim3A_82, %and3A_445 : vector<16xi32>
        tpu.vector_store_idx %arg4[%and3A_442], %shift_left3A_446 {add = true} : memref<65536xi32, #tpu.memory_space<vmem>>[vector<16xi32>], vector<16xi32>,
        %shift_right_logical3A_447 = arith.constant 5 : i32
        %shift_right_logical3A_448 = vector.broadcast %shift_right_logical3A_447 : i32 to vector<16xi32>
        %shift_right_logical3A_449 = arith.shrui %get3A_391, %shift_right_logical3A_448 : vector<16xi32>
        %and3A_450 = arith.constant 65535 : i32
        %and3A_451 = vector.broadcast %and3A_450 : i32 to vector<16xi32>
        %and3A_452 = arith.andi %shift_right_logical3A_449, %and3A_451 : vector<16xi32>
        %and3A_453 = arith.constant 24 : i32
        %and3A_454 = vector.broadcast %and3A_453 : i32 to vector<16xi32>
        %and3A_455 = arith.andi %get3A_391, %and3A_454 : vector<16xi32>
        %shift_left3A_456 = arith.shli %broadcast_in_dim3A_82, %and3A_455 : vector<16xi32>
        tpu.vector_store_idx %arg4[%and3A_452], %shift_left3A_456 {add = true} : memref<65536xi32, #tpu.memory_space<vmem>>[vector<16xi32>], vector<16xi32>,
        %shift_right_logical3A_457 = arith.constant 5 : i32
        %shift_right_logical3A_458 = vector.broadcast %shift_right_logical3A_457 : i32 to vector<16xi32>
        %shift_right_logical3A_459 = arith.shrui %get3A_396, %shift_right_logical3A_458 : vector<16xi32>
        %and3A_460 = arith.constant 65535 : i32
        %and3A_461 = vector.broadcast %and3A_460 : i32 to vector<16xi32>
        %and3A_462 = arith.andi %shift_right_logical3A_459, %and3A_461 : vector<16xi32>
        %and3A_463 = arith.constant 24 : i32
        %and3A_464 = vector.broadcast %and3A_463 : i32 to vector<16xi32>
        %and3A_465 = arith.andi %get3A_396, %and3A_464 : vector<16xi32>
        %shift_left3A_466 = arith.shli %broadcast_in_dim3A_82, %and3A_465 : vector<16xi32>
        tpu.vector_store_idx %arg4[%and3A_462], %shift_left3A_466 {add = true} : memref<65536xi32, #tpu.memory_space<vmem>>[vector<16xi32>], vector<16xi32>,
        %shift_right_logical3A_467 = arith.constant 5 : i32
        %shift_right_logical3A_468 = vector.broadcast %shift_right_logical3A_467 : i32 to vector<16xi32>
        %shift_right_logical3A_469 = arith.shrui %get3A_401, %shift_right_logical3A_468 : vector<16xi32>
        %and3A_470 = arith.constant 65535 : i32
        %and3A_471 = vector.broadcast %and3A_470 : i32 to vector<16xi32>
        %and3A_472 = arith.andi %shift_right_logical3A_469, %and3A_471 : vector<16xi32>
        %and3A_473 = arith.constant 24 : i32
        %and3A_474 = vector.broadcast %and3A_473 : i32 to vector<16xi32>
        %and3A_475 = arith.andi %get3A_401, %and3A_474 : vector<16xi32>
        %shift_left3A_476 = arith.shli %broadcast_in_dim3A_82, %and3A_475 : vector<16xi32>
        tpu.vector_store_idx %arg4[%and3A_472], %shift_left3A_476 {add = true} : memref<65536xi32, #tpu.memory_space<vmem>>[vector<16xi32>], vector<16xi32>,
        %shift_right_logical3A_477 = arith.constant 5 : i32
        %shift_right_logical3A_478 = vector.broadcast %shift_right_logical3A_477 : i32 to vector<16xi32>
        %shift_right_logical3A_479 = arith.shrui %get3A_406, %shift_right_logical3A_478 : vector<16xi32>
        %and3A_480 = arith.constant 65535 : i32
        %and3A_481 = vector.broadcast %and3A_480 : i32 to vector<16xi32>
        %and3A_482 = arith.andi %shift_right_logical3A_479, %and3A_481 : vector<16xi32>
        %and3A_483 = arith.constant 24 : i32
        %and3A_484 = vector.broadcast %and3A_483 : i32 to vector<16xi32>
        %and3A_485 = arith.andi %get3A_406, %and3A_484 : vector<16xi32>
        %shift_left3A_486 = arith.shli %broadcast_in_dim3A_82, %and3A_485 : vector<16xi32>
        tpu.vector_store_idx %arg4[%and3A_482], %shift_left3A_486 {add = true} : memref<65536xi32, #tpu.memory_space<vmem>>[vector<16xi32>], vector<16xi32>,
        %get3A_487 = arith.constant 0 : i32
        %get3A_488 = arith.index_cast %get3A_487 : i32 to index
        %get3A_489 = arith.index_cast %scan3A_130 : i32 to index
        %get3A_490 = arith.constant 384 : index
        %get3A_491 = tpu.vector_load %arg5[%get3A_488, %get3A_489, %get3A_490] {strides = array<i32>} : memref<2x32x512xi32, #tpu.memory_space<vmem>>, vector<16xi32>,
        %get3A_492 = arith.constant 0 : i32
        %get3A_493 = arith.index_cast %get3A_492 : i32 to index
        %get3A_494 = arith.index_cast %scan3A_130 : i32 to index
        %get3A_495 = arith.constant 400 : index
        %get3A_496 = tpu.vector_load %arg5[%get3A_493, %get3A_494, %get3A_495] {strides = array<i32>} : memref<2x32x512xi32, #tpu.memory_space<vmem>>, vector<16xi32>,
        %get3A_497 = arith.constant 0 : i32
        %get3A_498 = arith.index_cast %get3A_497 : i32 to index
        %get3A_499 = arith.index_cast %scan3A_130 : i32 to index
        %get3A_500 = arith.constant 416 : index
        %get3A_501 = tpu.vector_load %arg5[%get3A_498, %get3A_499, %get3A_500] {strides = array<i32>} : memref<2x32x512xi32, #tpu.memory_space<vmem>>, vector<16xi32>,
        %get3A_502 = arith.constant 0 : i32
        %get3A_503 = arith.index_cast %get3A_502 : i32 to index
        %get3A_504 = arith.index_cast %scan3A_130 : i32 to index
        %get3A_505 = arith.constant 432 : index
        %get3A_506 = tpu.vector_load %arg5[%get3A_503, %get3A_504, %get3A_505] {strides = array<i32>} : memref<2x32x512xi32, #tpu.memory_space<vmem>>, vector<16xi32>,
        %get3A_507 = arith.constant 0 : i32
        %get3A_508 = arith.index_cast %get3A_507 : i32 to index
        %get3A_509 = arith.index_cast %scan3A_130 : i32 to index
        %get3A_510 = arith.constant 448 : index
        %get3A_511 = tpu.vector_load %arg5[%get3A_508, %get3A_509, %get3A_510] {strides = array<i32>} : memref<2x32x512xi32, #tpu.memory_space<vmem>>, vector<16xi32>,
        %get3A_512 = arith.constant 0 : i32
        %get3A_513 = arith.index_cast %get3A_512 : i32 to index
        %get3A_514 = arith.index_cast %scan3A_130 : i32 to index
        %get3A_515 = arith.constant 464 : index
        %get3A_516 = tpu.vector_load %arg5[%get3A_513, %get3A_514, %get3A_515] {strides = array<i32>} : memref<2x32x512xi32, #tpu.memory_space<vmem>>, vector<16xi32>,
        %get3A_517 = arith.constant 0 : i32
        %get3A_518 = arith.index_cast %get3A_517 : i32 to index
        %get3A_519 = arith.index_cast %scan3A_130 : i32 to index
        %get3A_520 = arith.constant 480 : index
        %get3A_521 = tpu.vector_load %arg5[%get3A_518, %get3A_519, %get3A_520] {strides = array<i32>} : memref<2x32x512xi32, #tpu.memory_space<vmem>>, vector<16xi32>,
        %get3A_522 = arith.constant 0 : i32
        %get3A_523 = arith.index_cast %get3A_522 : i32 to index
        %get3A_524 = arith.index_cast %scan3A_130 : i32 to index
        %get3A_525 = arith.constant 496 : index
        %get3A_526 = tpu.vector_load %arg5[%get3A_523, %get3A_524, %get3A_525] {strides = array<i32>} : memref<2x32x512xi32, #tpu.memory_space<vmem>>, vector<16xi32>,
        %shift_right_logical3A_527 = arith.constant 5 : i32
        %shift_right_logical3A_528 = vector.broadcast %shift_right_logical3A_527 : i32 to vector<16xi32>
        %shift_right_logical3A_529 = arith.shrui %get3A_491, %shift_right_logical3A_528 : vector<16xi32>
        %and3A_530 = arith.constant 65535 : i32
        %and3A_531 = vector.broadcast %and3A_530 : i32 to vector<16xi32>
        %and3A_532 = arith.andi %shift_right_logical3A_529, %and3A_531 : vector<16xi32>
        %and3A_533 = arith.constant 24 : i32
        %and3A_534 = vector.broadcast %and3A_533 : i32 to vector<16xi32>
        %and3A_535 = arith.andi %get3A_491, %and3A_534 : vector<16xi32>
        %shift_left3A_536 = arith.shli %broadcast_in_dim3A_82, %and3A_535 : vector<16xi32>
        tpu.vector_store_idx %arg4[%and3A_532], %shift_left3A_536 {add = true} : memref<65536xi32, #tpu.memory_space<vmem>>[vector<16xi32>], vector<16xi32>,
        %shift_right_logical3A_537 = arith.constant 5 : i32
        %shift_right_logical3A_538 = vector.broadcast %shift_right_logical3A_537 : i32 to vector<16xi32>
        %shift_right_logical3A_539 = arith.shrui %get3A_496, %shift_right_logical3A_538 : vector<16xi32>
        %and3A_540 = arith.constant 65535 : i32
        %and3A_541 = vector.broadcast %and3A_540 : i32 to vector<16xi32>
        %and3A_542 = arith.andi %shift_right_logical3A_539, %and3A_541 : vector<16xi32>
        %and3A_543 = arith.constant 24 : i32
        %and3A_544 = vector.broadcast %and3A_543 : i32 to vector<16xi32>
        %and3A_545 = arith.andi %get3A_496, %and3A_544 : vector<16xi32>
        %shift_left3A_546 = arith.shli %broadcast_in_dim3A_82, %and3A_545 : vector<16xi32>
        tpu.vector_store_idx %arg4[%and3A_542], %shift_left3A_546 {add = true} : memref<65536xi32, #tpu.memory_space<vmem>>[vector<16xi32>], vector<16xi32>,
        %shift_right_logical3A_547 = arith.constant 5 : i32
        %shift_right_logical3A_548 = vector.broadcast %shift_right_logical3A_547 : i32 to vector<16xi32>
        %shift_right_logical3A_549 = arith.shrui %get3A_501, %shift_right_logical3A_548 : vector<16xi32>
        %and3A_550 = arith.constant 65535 : i32
        %and3A_551 = vector.broadcast %and3A_550 : i32 to vector<16xi32>
        %and3A_552 = arith.andi %shift_right_logical3A_549, %and3A_551 : vector<16xi32>
        %and3A_553 = arith.constant 24 : i32
        %and3A_554 = vector.broadcast %and3A_553 : i32 to vector<16xi32>
        %and3A_555 = arith.andi %get3A_501, %and3A_554 : vector<16xi32>
        %shift_left3A_556 = arith.shli %broadcast_in_dim3A_82, %and3A_555 : vector<16xi32>
        tpu.vector_store_idx %arg4[%and3A_552], %shift_left3A_556 {add = true} : memref<65536xi32, #tpu.memory_space<vmem>>[vector<16xi32>], vector<16xi32>,
        %shift_right_logical3A_557 = arith.constant 5 : i32
        %shift_right_logical3A_558 = vector.broadcast %shift_right_logical3A_557 : i32 to vector<16xi32>
        %shift_right_logical3A_559 = arith.shrui %get3A_506, %shift_right_logical3A_558 : vector<16xi32>
        %and3A_560 = arith.constant 65535 : i32
        %and3A_561 = vector.broadcast %and3A_560 : i32 to vector<16xi32>
        %and3A_562 = arith.andi %shift_right_logical3A_559, %and3A_561 : vector<16xi32>
        %and3A_563 = arith.constant 24 : i32
        %and3A_564 = vector.broadcast %and3A_563 : i32 to vector<16xi32>
        %and3A_565 = arith.andi %get3A_506, %and3A_564 : vector<16xi32>
        %shift_left3A_566 = arith.shli %broadcast_in_dim3A_82, %and3A_565 : vector<16xi32>
        tpu.vector_store_idx %arg4[%and3A_562], %shift_left3A_566 {add = true} : memref<65536xi32, #tpu.memory_space<vmem>>[vector<16xi32>], vector<16xi32>,
        %shift_right_logical3A_567 = arith.constant 5 : i32
        %shift_right_logical3A_568 = vector.broadcast %shift_right_logical3A_567 : i32 to vector<16xi32>
        %shift_right_logical3A_569 = arith.shrui %get3A_511, %shift_right_logical3A_568 : vector<16xi32>
        %and3A_570 = arith.constant 65535 : i32
        %and3A_571 = vector.broadcast %and3A_570 : i32 to vector<16xi32>
        %and3A_572 = arith.andi %shift_right_logical3A_569, %and3A_571 : vector<16xi32>
        %and3A_573 = arith.constant 24 : i32
        %and3A_574 = vector.broadcast %and3A_573 : i32 to vector<16xi32>
        %and3A_575 = arith.andi %get3A_511, %and3A_574 : vector<16xi32>
        %shift_left3A_576 = arith.shli %broadcast_in_dim3A_82, %and3A_575 : vector<16xi32>
        tpu.vector_store_idx %arg4[%and3A_572], %shift_left3A_576 {add = true} : memref<65536xi32, #tpu.memory_space<vmem>>[vector<16xi32>], vector<16xi32>,
        %shift_right_logical3A_577 = arith.constant 5 : i32
        %shift_right_logical3A_578 = vector.broadcast %shift_right_logical3A_577 : i32 to vector<16xi32>
        %shift_right_logical3A_579 = arith.shrui %get3A_516, %shift_right_logical3A_578 : vector<16xi32>
        %and3A_580 = arith.constant 65535 : i32
        %and3A_581 = vector.broadcast %and3A_580 : i32 to vector<16xi32>
        %and3A_582 = arith.andi %shift_right_logical3A_579, %and3A_581 : vector<16xi32>
        %and3A_583 = arith.constant 24 : i32
        %and3A_584 = vector.broadcast %and3A_583 : i32 to vector<16xi32>
        %and3A_585 = arith.andi %get3A_516, %and3A_584 : vector<16xi32>
        %shift_left3A_586 = arith.shli %broadcast_in_dim3A_82, %and3A_585 : vector<16xi32>
        tpu.vector_store_idx %arg4[%and3A_582], %shift_left3A_586 {add = true} : memref<65536xi32, #tpu.memory_space<vmem>>[vector<16xi32>], vector<16xi32>,
        %shift_right_logical3A_587 = arith.constant 5 : i32
        %shift_right_logical3A_588 = vector.broadcast %shift_right_logical3A_587 : i32 to vector<16xi32>
        %shift_right_logical3A_589 = arith.shrui %get3A_521, %shift_right_logical3A_588 : vector<16xi32>
        %and3A_590 = arith.constant 65535 : i32
        %and3A_591 = vector.broadcast %and3A_590 : i32 to vector<16xi32>
        %and3A_592 = arith.andi %shift_right_logical3A_589, %and3A_591 : vector<16xi32>
        %and3A_593 = arith.constant 24 : i32
        %and3A_594 = vector.broadcast %and3A_593 : i32 to vector<16xi32>
        %and3A_595 = arith.andi %get3A_521, %and3A_594 : vector<16xi32>
        %shift_left3A_596 = arith.shli %broadcast_in_dim3A_82, %and3A_595 : vector<16xi32>
        tpu.vector_store_idx %arg4[%and3A_592], %shift_left3A_596 {add = true} : memref<65536xi32, #tpu.memory_space<vmem>>[vector<16xi32>], vector<16xi32>,
        %shift_right_logical3A_597 = arith.constant 5 : i32
        %shift_right_logical3A_598 = vector.broadcast %shift_right_logical3A_597 : i32 to vector<16xi32>
        %shift_right_logical3A_599 = arith.shrui %get3A_526, %shift_right_logical3A_598 : vector<16xi32>
        %and3A_600 = arith.constant 65535 : i32
        %and3A_601 = vector.broadcast %and3A_600 : i32 to vector<16xi32>
        %and3A_602 = arith.andi %shift_right_logical3A_599, %and3A_601 : vector<16xi32>
        %and3A_603 = arith.constant 24 : i32
        %and3A_604 = vector.broadcast %and3A_603 : i32 to vector<16xi32>
        %and3A_605 = arith.andi %get3A_526, %and3A_604 : vector<16xi32>
        %shift_left3A_606 = arith.shli %broadcast_in_dim3A_82, %and3A_605 : vector<16xi32>
        tpu.vector_store_idx %arg4[%and3A_602], %shift_left3A_606 {add = true} : memref<65536xi32, #tpu.memory_space<vmem>>[vector<16xi32>], vector<16xi32>,
      }
      %scan3A_88 = arith.constant 32 : i32
      %add3A_89 = arith.constant 2 : i32
      %add3A_90 = arith.addi %add3A_63, %add3A_89 : i32
      %lt3A = arith.constant 16 : i32
      %lt3A_91 = arith.cmpi slt, %add3A_90, %lt3A : i32
      %convert_element_type3A = arith.extui %lt3A_91 : i1 to i32
      %cond3A = arith.constant 0 : i32
      %cond3A_92 = arith.cmpi ne, %convert_element_type3A, %cond3A : i32
      scf.if %cond3A_92 {
        %add3A_130 = arith.constant 2 : i32
        %add3A_131 = arith.addi %add3A_63, %add3A_130 : i32
        %mul3A_132 = arith.constant 32 : i32
        %mul3A_133 = arith.muli %add3A_131, %mul3A_132 : i32
        %dma_start3A_134 = arith.constant 0 : i32
        %dma_start3A_135 = arith.constant 0 : i32
        %dma_start3A_136 = arith.constant 0 : i32
        %dma_start3A_137 = tpu.memref_slice %arg5[%dma_start3A_134, %dma_start3A_135, %dma_start3A_136] : memref<2x32x512xi32, #tpu.memory_space<vmem>> -> memref<1x32x512xi32, #tpu.memory_space<vmem>>
        %dma_start3A_138 = tpu.memref_squeeze %dma_start3A_137 : memref<1x32x512xi32, #tpu.memory_space<vmem>> -> memref<32x512xi32, #tpu.memory_space<vmem>>
        %dma_start3A_139 = arith.constant 0 : i32
        %dma_start3A_140 = tpu.memref_slice %arg2[%add3A_7, %mul3A_133, %dma_start3A_139] : memref<32x512x512xi32, #tpu.memory_space<hbm>> -> memref<1x32x512xi32, #tpu.memory_space<hbm>>
        %dma_start3A_141 = tpu.memref_squeeze %dma_start3A_140 : memref<1x32x512xi32, #tpu.memory_space<hbm>> -> memref<32x512xi32, #tpu.memory_space<hbm>>
        %dma_start3A_142 = arith.constant 0 : i32
        %dma_start3A_143 = arith.constant 0 : i32
        %dma_start3A_144 = tpu.memref_slice %arg5[%dma_start3A_134, %dma_start3A_142, %dma_start3A_143] : memref<2x32x512xi32, #tpu.memory_space<vmem>> -> memref<1x32x512xi32, #tpu.memory_space<vmem>>
        %dma_start3A_145 = tpu.memref_squeeze %dma_start3A_144 : memref<1x32x512xi32, #tpu.memory_space<vmem>> -> memref<32x512xi32, #tpu.memory_space<vmem>>
        %dma_start3A_146 = arith.constant 0 : i32
        %dma_start3A_147 = tpu.memref_slice %arg2[%add3A_7, %mul3A_133, %dma_start3A_146] : memref<32x512x512xi32, #tpu.memory_space<hbm>> -> memref<1x32x512xi32, #tpu.memory_space<hbm>>
        %dma_start3A_148 = tpu.memref_squeeze %dma_start3A_147 : memref<1x32x512xi32, #tpu.memory_space<hbm>> -> memref<32x512xi32, #tpu.memory_space<hbm>>
        tpu.enqueue_dma source(%dma_start3A_148 : memref<32x512xi32, #tpu.memory_space<hbm>>) target(%dma_start3A_145 : memref<32x512xi32, #tpu.memory_space<vmem>>) target_semaphore(%arg7 : memref<!tpu.dma_semaphore, #tpu.memory_space<semaphore_mem>>)
      } else {
      }
      %mul3A_93 = arith.constant 2 : i32
      %mul3A_94 = arith.muli %scan3A_59, %mul3A_93 : i32
      %add3A_95 = arith.constant 1 : i32
      %add3A_96 = arith.addi %mul3A_94, %add3A_95 : i32
      %dma_wait3A_97 = arith.constant 0 : i32
      %dma_wait3A_98 = arith.constant 1 : i32
      %dma_wait3A_99 = arith.constant 0 : i32
      %dma_wait3A_100 = arith.constant 0 : i32
      %dma_wait3A_101 = tpu.memref_slice %arg5[%dma_wait3A_98, %dma_wait3A_99, %dma_wait3A_100] : memref<2x32x512xi32, #tpu.memory_space<vmem>> -> memref<1x32x512xi32, #tpu.memory_space<vmem>>
      %dma_wait3A_102 = tpu.memref_squeeze %dma_wait3A_101 : memref<1x32x512xi32, #tpu.memory_space<vmem>> -> memref<32x512xi32, #tpu.memory_space<vmem>>
      %dma_wait3A_103 = arith.constant 0 : i32
      %dma_wait3A_104 = arith.constant 0 : i32
      %dma_wait3A_105 = tpu.memref_slice %arg2[%dma_wait3A_97, %dma_wait3A_103, %dma_wait3A_104] : memref<32x512x512xi32, #tpu.memory_space<hbm>> -> memref<1x32x512xi32, #tpu.memory_space<hbm>>
      %dma_wait3A_106 = tpu.memref_squeeze %dma_wait3A_105 : memref<1x32x512xi32, #tpu.memory_space<hbm>> -> memref<32x512xi32, #tpu.memory_space<hbm>>
      %dma_wait3A_107 = arith.constant 0 : i32
      %dma_wait3A_108 = arith.constant 0 : i32
      %dma_wait3A_109 = tpu.memref_slice %arg5[%dma_wait3A_98, %dma_wait3A_107, %dma_wait3A_108] : memref<2x32x512xi32, #tpu.memory_space<vmem>> -> memref<1x32x512xi32, #tpu.memory_space<vmem>>
      %dma_wait3A_110 = tpu.memref_squeeze %dma_wait3A_109 : memref<1x32x512xi32, #tpu.memory_space<vmem>> -> memref<32x512xi32, #tpu.memory_space<vmem>>
      %dma_wait3A_111 = arith.constant 0 : i32
      %dma_wait3A_112 = arith.constant 0 : i32
      %dma_wait3A_113 = tpu.memref_slice %arg2[%dma_wait3A_97, %dma_wait3A_111, %dma_wait3A_112] : memref<32x512x512xi32, #tpu.memory_space<hbm>> -> memref<1x32x512xi32, #tpu.memory_space<hbm>>
      %dma_wait3A_114 = tpu.memref_squeeze %dma_wait3A_113 : memref<1x32x512xi32, #tpu.memory_space<hbm>> -> memref<32x512xi32, #tpu.memory_space<hbm>>
      tpu.wait_dma2 semaphore(%arg8 : memref<!tpu.dma_semaphore, #tpu.memory_space<semaphore_mem>>) src(%dma_wait3A_114 : memref<32x512xi32, #tpu.memory_space<hbm>>) dst(%dma_wait3A_110 : memref<32x512xi32, #tpu.memory_space<vmem>>)
      %broadcast_in_dim3A_115 = arith.constant 1 : i32
      %broadcast_in_dim3A_116 = vector.broadcast %broadcast_in_dim3A_115 : i32 to vector<16xi32>
      %scan3A_117 = arith.constant 0 : i32
      %scan3A_118 = arith.constant 0 : i32
      %scan3A_119 = arith.constant 32 : i32
      %scan3A_120 = arith.addi %scan3A_118, %scan3A_119 : i32
      %scan3A_121 = arith.constant 1 : i32
      scf.for %scan3A_130 = %scan3A_118 to %scan3A_120 step %scan3A_121  : i32 {
        %get3A = arith.constant 1 : i32
        %get3A_131 = arith.index_cast %get3A : i32 to index
        %get3A_132 = arith.index_cast %scan3A_130 : i32 to index
        %get3A_133 = arith.constant 0 : index
        %get3A_134 = tpu.vector_load %arg5[%get3A_131, %get3A_132, %get3A_133] {strides = array<i32>} : memref<2x32x512xi32, #tpu.memory_space<vmem>>, vector<16xi32>,
        %get3A_135 = arith.constant 1 : i32
        %get3A_136 = arith.index_cast %get3A_135 : i32 to index
        %get3A_137 = arith.index_cast %scan3A_130 : i32 to index
        %get3A_138 = arith.constant 16 : index
        %get3A_139 = tpu.vector_load %arg5[%get3A_136, %get3A_137, %get3A_138] {strides = array<i32>} : memref<2x32x512xi32, #tpu.memory_space<vmem>>, vector<16xi32>,
        %get3A_140 = arith.constant 1 : i32
        %get3A_141 = arith.index_cast %get3A_140 : i32 to index
        %get3A_142 = arith.index_cast %scan3A_130 : i32 to index
        %get3A_143 = arith.constant 32 : index
        %get3A_144 = tpu.vector_load %arg5[%get3A_141, %get3A_142, %get3A_143] {strides = array<i32>} : memref<2x32x512xi32, #tpu.memory_space<vmem>>, vector<16xi32>,
        %get3A_145 = arith.constant 1 : i32
        %get3A_146 = arith.index_cast %get3A_145 : i32 to index
        %get3A_147 = arith.index_cast %scan3A_130 : i32 to index
        %get3A_148 = arith.constant 48 : index
        %get3A_149 = tpu.vector_load %arg5[%get3A_146, %get3A_147, %get3A_148] {strides = array<i32>} : memref<2x32x512xi32, #tpu.memory_space<vmem>>, vector<16xi32>,
        %get3A_150 = arith.constant 1 : i32
        %get3A_151 = arith.index_cast %get3A_150 : i32 to index
        %get3A_152 = arith.index_cast %scan3A_130 : i32 to index
        %get3A_153 = arith.constant 64 : index
        %get3A_154 = tpu.vector_load %arg5[%get3A_151, %get3A_152, %get3A_153] {strides = array<i32>} : memref<2x32x512xi32, #tpu.memory_space<vmem>>, vector<16xi32>,
        %get3A_155 = arith.constant 1 : i32
        %get3A_156 = arith.index_cast %get3A_155 : i32 to index
        %get3A_157 = arith.index_cast %scan3A_130 : i32 to index
        %get3A_158 = arith.constant 80 : index
        %get3A_159 = tpu.vector_load %arg5[%get3A_156, %get3A_157, %get3A_158] {strides = array<i32>} : memref<2x32x512xi32, #tpu.memory_space<vmem>>, vector<16xi32>,
        %get3A_160 = arith.constant 1 : i32
        %get3A_161 = arith.index_cast %get3A_160 : i32 to index
        %get3A_162 = arith.index_cast %scan3A_130 : i32 to index
        %get3A_163 = arith.constant 96 : index
        %get3A_164 = tpu.vector_load %arg5[%get3A_161, %get3A_162, %get3A_163] {strides = array<i32>} : memref<2x32x512xi32, #tpu.memory_space<vmem>>, vector<16xi32>,
        %get3A_165 = arith.constant 1 : i32
        %get3A_166 = arith.index_cast %get3A_165 : i32 to index
        %get3A_167 = arith.index_cast %scan3A_130 : i32 to index
        %get3A_168 = arith.constant 112 : index
        %get3A_169 = tpu.vector_load %arg5[%get3A_166, %get3A_167, %get3A_168] {strides = array<i32>} : memref<2x32x512xi32, #tpu.memory_space<vmem>>, vector<16xi32>,
        %shift_right_logical3A = arith.constant 5 : i32
        %shift_right_logical3A_170 = vector.broadcast %shift_right_logical3A : i32 to vector<16xi32>
        %shift_right_logical3A_171 = arith.shrui %get3A_134, %shift_right_logical3A_170 : vector<16xi32>
        %and3A = arith.constant 65535 : i32
        %and3A_172 = vector.broadcast %and3A : i32 to vector<16xi32>
        %and3A_173 = arith.andi %shift_right_logical3A_171, %and3A_172 : vector<16xi32>
        %and3A_174 = arith.constant 24 : i32
        %and3A_175 = vector.broadcast %and3A_174 : i32 to vector<16xi32>
        %and3A_176 = arith.andi %get3A_134, %and3A_175 : vector<16xi32>
        %shift_left3A = arith.shli %broadcast_in_dim3A_116, %and3A_176 : vector<16xi32>
        tpu.vector_store_idx %arg4[%and3A_173], %shift_left3A {add = true} : memref<65536xi32, #tpu.memory_space<vmem>>[vector<16xi32>], vector<16xi32>,
        %shift_right_logical3A_177 = arith.constant 5 : i32
        %shift_right_logical3A_178 = vector.broadcast %shift_right_logical3A_177 : i32 to vector<16xi32>
        %shift_right_logical3A_179 = arith.shrui %get3A_139, %shift_right_logical3A_178 : vector<16xi32>
        %and3A_180 = arith.constant 65535 : i32
        %and3A_181 = vector.broadcast %and3A_180 : i32 to vector<16xi32>
        %and3A_182 = arith.andi %shift_right_logical3A_179, %and3A_181 : vector<16xi32>
        %and3A_183 = arith.constant 24 : i32
        %and3A_184 = vector.broadcast %and3A_183 : i32 to vector<16xi32>
        %and3A_185 = arith.andi %get3A_139, %and3A_184 : vector<16xi32>
        %shift_left3A_186 = arith.shli %broadcast_in_dim3A_116, %and3A_185 : vector<16xi32>
        tpu.vector_store_idx %arg4[%and3A_182], %shift_left3A_186 {add = true} : memref<65536xi32, #tpu.memory_space<vmem>>[vector<16xi32>], vector<16xi32>,
        %shift_right_logical3A_187 = arith.constant 5 : i32
        %shift_right_logical3A_188 = vector.broadcast %shift_right_logical3A_187 : i32 to vector<16xi32>
        %shift_right_logical3A_189 = arith.shrui %get3A_144, %shift_right_logical3A_188 : vector<16xi32>
        %and3A_190 = arith.constant 65535 : i32
        %and3A_191 = vector.broadcast %and3A_190 : i32 to vector<16xi32>
        %and3A_192 = arith.andi %shift_right_logical3A_189, %and3A_191 : vector<16xi32>
        %and3A_193 = arith.constant 24 : i32
        %and3A_194 = vector.broadcast %and3A_193 : i32 to vector<16xi32>
        %and3A_195 = arith.andi %get3A_144, %and3A_194 : vector<16xi32>
        %shift_left3A_196 = arith.shli %broadcast_in_dim3A_116, %and3A_195 : vector<16xi32>
        tpu.vector_store_idx %arg4[%and3A_192], %shift_left3A_196 {add = true} : memref<65536xi32, #tpu.memory_space<vmem>>[vector<16xi32>], vector<16xi32>,
        %shift_right_logical3A_197 = arith.constant 5 : i32
        %shift_right_logical3A_198 = vector.broadcast %shift_right_logical3A_197 : i32 to vector<16xi32>
        %shift_right_logical3A_199 = arith.shrui %get3A_149, %shift_right_logical3A_198 : vector<16xi32>
        %and3A_200 = arith.constant 65535 : i32
        %and3A_201 = vector.broadcast %and3A_200 : i32 to vector<16xi32>
        %and3A_202 = arith.andi %shift_right_logical3A_199, %and3A_201 : vector<16xi32>
        %and3A_203 = arith.constant 24 : i32
        %and3A_204 = vector.broadcast %and3A_203 : i32 to vector<16xi32>
        %and3A_205 = arith.andi %get3A_149, %and3A_204 : vector<16xi32>
        %shift_left3A_206 = arith.shli %broadcast_in_dim3A_116, %and3A_205 : vector<16xi32>
        tpu.vector_store_idx %arg4[%and3A_202], %shift_left3A_206 {add = true} : memref<65536xi32, #tpu.memory_space<vmem>>[vector<16xi32>], vector<16xi32>,
        %shift_right_logical3A_207 = arith.constant 5 : i32
        %shift_right_logical3A_208 = vector.broadcast %shift_right_logical3A_207 : i32 to vector<16xi32>
        %shift_right_logical3A_209 = arith.shrui %get3A_154, %shift_right_logical3A_208 : vector<16xi32>
        %and3A_210 = arith.constant 65535 : i32
        %and3A_211 = vector.broadcast %and3A_210 : i32 to vector<16xi32>
        %and3A_212 = arith.andi %shift_right_logical3A_209, %and3A_211 : vector<16xi32>
        %and3A_213 = arith.constant 24 : i32
        %and3A_214 = vector.broadcast %and3A_213 : i32 to vector<16xi32>
        %and3A_215 = arith.andi %get3A_154, %and3A_214 : vector<16xi32>
        %shift_left3A_216 = arith.shli %broadcast_in_dim3A_116, %and3A_215 : vector<16xi32>
        tpu.vector_store_idx %arg4[%and3A_212], %shift_left3A_216 {add = true} : memref<65536xi32, #tpu.memory_space<vmem>>[vector<16xi32>], vector<16xi32>,
        %shift_right_logical3A_217 = arith.constant 5 : i32
        %shift_right_logical3A_218 = vector.broadcast %shift_right_logical3A_217 : i32 to vector<16xi32>
        %shift_right_logical3A_219 = arith.shrui %get3A_159, %shift_right_logical3A_218 : vector<16xi32>
        %and3A_220 = arith.constant 65535 : i32
        %and3A_221 = vector.broadcast %and3A_220 : i32 to vector<16xi32>
        %and3A_222 = arith.andi %shift_right_logical3A_219, %and3A_221 : vector<16xi32>
        %and3A_223 = arith.constant 24 : i32
        %and3A_224 = vector.broadcast %and3A_223 : i32 to vector<16xi32>
        %and3A_225 = arith.andi %get3A_159, %and3A_224 : vector<16xi32>
        %shift_left3A_226 = arith.shli %broadcast_in_dim3A_116, %and3A_225 : vector<16xi32>
        tpu.vector_store_idx %arg4[%and3A_222], %shift_left3A_226 {add = true} : memref<65536xi32, #tpu.memory_space<vmem>>[vector<16xi32>], vector<16xi32>,
        %shift_right_logical3A_227 = arith.constant 5 : i32
        %shift_right_logical3A_228 = vector.broadcast %shift_right_logical3A_227 : i32 to vector<16xi32>
        %shift_right_logical3A_229 = arith.shrui %get3A_164, %shift_right_logical3A_228 : vector<16xi32>
        %and3A_230 = arith.constant 65535 : i32
        %and3A_231 = vector.broadcast %and3A_230 : i32 to vector<16xi32>
        %and3A_232 = arith.andi %shift_right_logical3A_229, %and3A_231 : vector<16xi32>
        %and3A_233 = arith.constant 24 : i32
        %and3A_234 = vector.broadcast %and3A_233 : i32 to vector<16xi32>
        %and3A_235 = arith.andi %get3A_164, %and3A_234 : vector<16xi32>
        %shift_left3A_236 = arith.shli %broadcast_in_dim3A_116, %and3A_235 : vector<16xi32>
        tpu.vector_store_idx %arg4[%and3A_232], %shift_left3A_236 {add = true} : memref<65536xi32, #tpu.memory_space<vmem>>[vector<16xi32>], vector<16xi32>,
        %shift_right_logical3A_237 = arith.constant 5 : i32
        %shift_right_logical3A_238 = vector.broadcast %shift_right_logical3A_237 : i32 to vector<16xi32>
        %shift_right_logical3A_239 = arith.shrui %get3A_169, %shift_right_logical3A_238 : vector<16xi32>
        %and3A_240 = arith.constant 65535 : i32
        %and3A_241 = vector.broadcast %and3A_240 : i32 to vector<16xi32>
        %and3A_242 = arith.andi %shift_right_logical3A_239, %and3A_241 : vector<16xi32>
        %and3A_243 = arith.constant 24 : i32
        %and3A_244 = vector.broadcast %and3A_243 : i32 to vector<16xi32>
        %and3A_245 = arith.andi %get3A_169, %and3A_244 : vector<16xi32>
        %shift_left3A_246 = arith.shli %broadcast_in_dim3A_116, %and3A_245 : vector<16xi32>
        tpu.vector_store_idx %arg4[%and3A_242], %shift_left3A_246 {add = true} : memref<65536xi32, #tpu.memory_space<vmem>>[vector<16xi32>], vector<16xi32>,
        %get3A_247 = arith.constant 1 : i32
        %get3A_248 = arith.index_cast %get3A_247 : i32 to index
        %get3A_249 = arith.index_cast %scan3A_130 : i32 to index
        %get3A_250 = arith.constant 128 : index
        %get3A_251 = tpu.vector_load %arg5[%get3A_248, %get3A_249, %get3A_250] {strides = array<i32>} : memref<2x32x512xi32, #tpu.memory_space<vmem>>, vector<16xi32>,
        %get3A_252 = arith.constant 1 : i32
        %get3A_253 = arith.index_cast %get3A_252 : i32 to index
        %get3A_254 = arith.index_cast %scan3A_130 : i32 to index
        %get3A_255 = arith.constant 144 : index
        %get3A_256 = tpu.vector_load %arg5[%get3A_253, %get3A_254, %get3A_255] {strides = array<i32>} : memref<2x32x512xi32, #tpu.memory_space<vmem>>, vector<16xi32>,
        %get3A_257 = arith.constant 1 : i32
        %get3A_258 = arith.index_cast %get3A_257 : i32 to index
        %get3A_259 = arith.index_cast %scan3A_130 : i32 to index
        %get3A_260 = arith.constant 160 : index
        %get3A_261 = tpu.vector_load %arg5[%get3A_258, %get3A_259, %get3A_260] {strides = array<i32>} : memref<2x32x512xi32, #tpu.memory_space<vmem>>, vector<16xi32>,
        %get3A_262 = arith.constant 1 : i32
        %get3A_263 = arith.index_cast %get3A_262 : i32 to index
        %get3A_264 = arith.index_cast %scan3A_130 : i32 to index
        %get3A_265 = arith.constant 176 : index
        %get3A_266 = tpu.vector_load %arg5[%get3A_263, %get3A_264, %get3A_265] {strides = array<i32>} : memref<2x32x512xi32, #tpu.memory_space<vmem>>, vector<16xi32>,
        %get3A_267 = arith.constant 1 : i32
        %get3A_268 = arith.index_cast %get3A_267 : i32 to index
        %get3A_269 = arith.index_cast %scan3A_130 : i32 to index
        %get3A_270 = arith.constant 192 : index
        %get3A_271 = tpu.vector_load %arg5[%get3A_268, %get3A_269, %get3A_270] {strides = array<i32>} : memref<2x32x512xi32, #tpu.memory_space<vmem>>, vector<16xi32>,
        %get3A_272 = arith.constant 1 : i32
        %get3A_273 = arith.index_cast %get3A_272 : i32 to index
        %get3A_274 = arith.index_cast %scan3A_130 : i32 to index
        %get3A_275 = arith.constant 208 : index
        %get3A_276 = tpu.vector_load %arg5[%get3A_273, %get3A_274, %get3A_275] {strides = array<i32>} : memref<2x32x512xi32, #tpu.memory_space<vmem>>, vector<16xi32>,
        %get3A_277 = arith.constant 1 : i32
        %get3A_278 = arith.index_cast %get3A_277 : i32 to index
        %get3A_279 = arith.index_cast %scan3A_130 : i32 to index
        %get3A_280 = arith.constant 224 : index
        %get3A_281 = tpu.vector_load %arg5[%get3A_278, %get3A_279, %get3A_280] {strides = array<i32>} : memref<2x32x512xi32, #tpu.memory_space<vmem>>, vector<16xi32>,
        %get3A_282 = arith.constant 1 : i32
        %get3A_283 = arith.index_cast %get3A_282 : i32 to index
        %get3A_284 = arith.index_cast %scan3A_130 : i32 to index
        %get3A_285 = arith.constant 240 : index
        %get3A_286 = tpu.vector_load %arg5[%get3A_283, %get3A_284, %get3A_285] {strides = array<i32>} : memref<2x32x512xi32, #tpu.memory_space<vmem>>, vector<16xi32>,
        %shift_right_logical3A_287 = arith.constant 5 : i32
        %shift_right_logical3A_288 = vector.broadcast %shift_right_logical3A_287 : i32 to vector<16xi32>
        %shift_right_logical3A_289 = arith.shrui %get3A_251, %shift_right_logical3A_288 : vector<16xi32>
        %and3A_290 = arith.constant 65535 : i32
        %and3A_291 = vector.broadcast %and3A_290 : i32 to vector<16xi32>
        %and3A_292 = arith.andi %shift_right_logical3A_289, %and3A_291 : vector<16xi32>
        %and3A_293 = arith.constant 24 : i32
        %and3A_294 = vector.broadcast %and3A_293 : i32 to vector<16xi32>
        %and3A_295 = arith.andi %get3A_251, %and3A_294 : vector<16xi32>
        %shift_left3A_296 = arith.shli %broadcast_in_dim3A_116, %and3A_295 : vector<16xi32>
        tpu.vector_store_idx %arg4[%and3A_292], %shift_left3A_296 {add = true} : memref<65536xi32, #tpu.memory_space<vmem>>[vector<16xi32>], vector<16xi32>,
        %shift_right_logical3A_297 = arith.constant 5 : i32
        %shift_right_logical3A_298 = vector.broadcast %shift_right_logical3A_297 : i32 to vector<16xi32>
        %shift_right_logical3A_299 = arith.shrui %get3A_256, %shift_right_logical3A_298 : vector<16xi32>
        %and3A_300 = arith.constant 65535 : i32
        %and3A_301 = vector.broadcast %and3A_300 : i32 to vector<16xi32>
        %and3A_302 = arith.andi %shift_right_logical3A_299, %and3A_301 : vector<16xi32>
        %and3A_303 = arith.constant 24 : i32
        %and3A_304 = vector.broadcast %and3A_303 : i32 to vector<16xi32>
        %and3A_305 = arith.andi %get3A_256, %and3A_304 : vector<16xi32>
        %shift_left3A_306 = arith.shli %broadcast_in_dim3A_116, %and3A_305 : vector<16xi32>
        tpu.vector_store_idx %arg4[%and3A_302], %shift_left3A_306 {add = true} : memref<65536xi32, #tpu.memory_space<vmem>>[vector<16xi32>], vector<16xi32>,
        %shift_right_logical3A_307 = arith.constant 5 : i32
        %shift_right_logical3A_308 = vector.broadcast %shift_right_logical3A_307 : i32 to vector<16xi32>
        %shift_right_logical3A_309 = arith.shrui %get3A_261, %shift_right_logical3A_308 : vector<16xi32>
        %and3A_310 = arith.constant 65535 : i32
        %and3A_311 = vector.broadcast %and3A_310 : i32 to vector<16xi32>
        %and3A_312 = arith.andi %shift_right_logical3A_309, %and3A_311 : vector<16xi32>
        %and3A_313 = arith.constant 24 : i32
        %and3A_314 = vector.broadcast %and3A_313 : i32 to vector<16xi32>
        %and3A_315 = arith.andi %get3A_261, %and3A_314 : vector<16xi32>
        %shift_left3A_316 = arith.shli %broadcast_in_dim3A_116, %and3A_315 : vector<16xi32>
        tpu.vector_store_idx %arg4[%and3A_312], %shift_left3A_316 {add = true} : memref<65536xi32, #tpu.memory_space<vmem>>[vector<16xi32>], vector<16xi32>,
        %shift_right_logical3A_317 = arith.constant 5 : i32
        %shift_right_logical3A_318 = vector.broadcast %shift_right_logical3A_317 : i32 to vector<16xi32>
        %shift_right_logical3A_319 = arith.shrui %get3A_266, %shift_right_logical3A_318 : vector<16xi32>
        %and3A_320 = arith.constant 65535 : i32
        %and3A_321 = vector.broadcast %and3A_320 : i32 to vector<16xi32>
        %and3A_322 = arith.andi %shift_right_logical3A_319, %and3A_321 : vector<16xi32>
        %and3A_323 = arith.constant 24 : i32
        %and3A_324 = vector.broadcast %and3A_323 : i32 to vector<16xi32>
        %and3A_325 = arith.andi %get3A_266, %and3A_324 : vector<16xi32>
        %shift_left3A_326 = arith.shli %broadcast_in_dim3A_116, %and3A_325 : vector<16xi32>
        tpu.vector_store_idx %arg4[%and3A_322], %shift_left3A_326 {add = true} : memref<65536xi32, #tpu.memory_space<vmem>>[vector<16xi32>], vector<16xi32>,
        %shift_right_logical3A_327 = arith.constant 5 : i32
        %shift_right_logical3A_328 = vector.broadcast %shift_right_logical3A_327 : i32 to vector<16xi32>
        %shift_right_logical3A_329 = arith.shrui %get3A_271, %shift_right_logical3A_328 : vector<16xi32>
        %and3A_330 = arith.constant 65535 : i32
        %and3A_331 = vector.broadcast %and3A_330 : i32 to vector<16xi32>
        %and3A_332 = arith.andi %shift_right_logical3A_329, %and3A_331 : vector<16xi32>
        %and3A_333 = arith.constant 24 : i32
        %and3A_334 = vector.broadcast %and3A_333 : i32 to vector<16xi32>
        %and3A_335 = arith.andi %get3A_271, %and3A_334 : vector<16xi32>
        %shift_left3A_336 = arith.shli %broadcast_in_dim3A_116, %and3A_335 : vector<16xi32>
        tpu.vector_store_idx %arg4[%and3A_332], %shift_left3A_336 {add = true} : memref<65536xi32, #tpu.memory_space<vmem>>[vector<16xi32>], vector<16xi32>,
        %shift_right_logical3A_337 = arith.constant 5 : i32
        %shift_right_logical3A_338 = vector.broadcast %shift_right_logical3A_337 : i32 to vector<16xi32>
        %shift_right_logical3A_339 = arith.shrui %get3A_276, %shift_right_logical3A_338 : vector<16xi32>
        %and3A_340 = arith.constant 65535 : i32
        %and3A_341 = vector.broadcast %and3A_340 : i32 to vector<16xi32>
        %and3A_342 = arith.andi %shift_right_logical3A_339, %and3A_341 : vector<16xi32>
        %and3A_343 = arith.constant 24 : i32
        %and3A_344 = vector.broadcast %and3A_343 : i32 to vector<16xi32>
        %and3A_345 = arith.andi %get3A_276, %and3A_344 : vector<16xi32>
        %shift_left3A_346 = arith.shli %broadcast_in_dim3A_116, %and3A_345 : vector<16xi32>
        tpu.vector_store_idx %arg4[%and3A_342], %shift_left3A_346 {add = true} : memref<65536xi32, #tpu.memory_space<vmem>>[vector<16xi32>], vector<16xi32>,
        %shift_right_logical3A_347 = arith.constant 5 : i32
        %shift_right_logical3A_348 = vector.broadcast %shift_right_logical3A_347 : i32 to vector<16xi32>
        %shift_right_logical3A_349 = arith.shrui %get3A_281, %shift_right_logical3A_348 : vector<16xi32>
        %and3A_350 = arith.constant 65535 : i32
        %and3A_351 = vector.broadcast %and3A_350 : i32 to vector<16xi32>
        %and3A_352 = arith.andi %shift_right_logical3A_349, %and3A_351 : vector<16xi32>
        %and3A_353 = arith.constant 24 : i32
        %and3A_354 = vector.broadcast %and3A_353 : i32 to vector<16xi32>
        %and3A_355 = arith.andi %get3A_281, %and3A_354 : vector<16xi32>
        %shift_left3A_356 = arith.shli %broadcast_in_dim3A_116, %and3A_355 : vector<16xi32>
        tpu.vector_store_idx %arg4[%and3A_352], %shift_left3A_356 {add = true} : memref<65536xi32, #tpu.memory_space<vmem>>[vector<16xi32>], vector<16xi32>,
        %shift_right_logical3A_357 = arith.constant 5 : i32
        %shift_right_logical3A_358 = vector.broadcast %shift_right_logical3A_357 : i32 to vector<16xi32>
        %shift_right_logical3A_359 = arith.shrui %get3A_286, %shift_right_logical3A_358 : vector<16xi32>
        %and3A_360 = arith.constant 65535 : i32
        %and3A_361 = vector.broadcast %and3A_360 : i32 to vector<16xi32>
        %and3A_362 = arith.andi %shift_right_logical3A_359, %and3A_361 : vector<16xi32>
        %and3A_363 = arith.constant 24 : i32
        %and3A_364 = vector.broadcast %and3A_363 : i32 to vector<16xi32>
        %and3A_365 = arith.andi %get3A_286, %and3A_364 : vector<16xi32>
        %shift_left3A_366 = arith.shli %broadcast_in_dim3A_116, %and3A_365 : vector<16xi32>
        tpu.vector_store_idx %arg4[%and3A_362], %shift_left3A_366 {add = true} : memref<65536xi32, #tpu.memory_space<vmem>>[vector<16xi32>], vector<16xi32>,
        %get3A_367 = arith.constant 1 : i32
        %get3A_368 = arith.index_cast %get3A_367 : i32 to index
        %get3A_369 = arith.index_cast %scan3A_130 : i32 to index
        %get3A_370 = arith.constant 256 : index
        %get3A_371 = tpu.vector_load %arg5[%get3A_368, %get3A_369, %get3A_370] {strides = array<i32>} : memref<2x32x512xi32, #tpu.memory_space<vmem>>, vector<16xi32>,
        %get3A_372 = arith.constant 1 : i32
        %get3A_373 = arith.index_cast %get3A_372 : i32 to index
        %get3A_374 = arith.index_cast %scan3A_130 : i32 to index
        %get3A_375 = arith.constant 272 : index
        %get3A_376 = tpu.vector_load %arg5[%get3A_373, %get3A_374, %get3A_375] {strides = array<i32>} : memref<2x32x512xi32, #tpu.memory_space<vmem>>, vector<16xi32>,
        %get3A_377 = arith.constant 1 : i32
        %get3A_378 = arith.index_cast %get3A_377 : i32 to index
        %get3A_379 = arith.index_cast %scan3A_130 : i32 to index
        %get3A_380 = arith.constant 288 : index
        %get3A_381 = tpu.vector_load %arg5[%get3A_378, %get3A_379, %get3A_380] {strides = array<i32>} : memref<2x32x512xi32, #tpu.memory_space<vmem>>, vector<16xi32>,
        %get3A_382 = arith.constant 1 : i32
        %get3A_383 = arith.index_cast %get3A_382 : i32 to index
        %get3A_384 = arith.index_cast %scan3A_130 : i32 to index
        %get3A_385 = arith.constant 304 : index
        %get3A_386 = tpu.vector_load %arg5[%get3A_383, %get3A_384, %get3A_385] {strides = array<i32>} : memref<2x32x512xi32, #tpu.memory_space<vmem>>, vector<16xi32>,
        %get3A_387 = arith.constant 1 : i32
        %get3A_388 = arith.index_cast %get3A_387 : i32 to index
        %get3A_389 = arith.index_cast %scan3A_130 : i32 to index
        %get3A_390 = arith.constant 320 : index
        %get3A_391 = tpu.vector_load %arg5[%get3A_388, %get3A_389, %get3A_390] {strides = array<i32>} : memref<2x32x512xi32, #tpu.memory_space<vmem>>, vector<16xi32>,
        %get3A_392 = arith.constant 1 : i32
        %get3A_393 = arith.index_cast %get3A_392 : i32 to index
        %get3A_394 = arith.index_cast %scan3A_130 : i32 to index
        %get3A_395 = arith.constant 336 : index
        %get3A_396 = tpu.vector_load %arg5[%get3A_393, %get3A_394, %get3A_395] {strides = array<i32>} : memref<2x32x512xi32, #tpu.memory_space<vmem>>, vector<16xi32>,
        %get3A_397 = arith.constant 1 : i32
        %get3A_398 = arith.index_cast %get3A_397 : i32 to index
        %get3A_399 = arith.index_cast %scan3A_130 : i32 to index
        %get3A_400 = arith.constant 352 : index
        %get3A_401 = tpu.vector_load %arg5[%get3A_398, %get3A_399, %get3A_400] {strides = array<i32>} : memref<2x32x512xi32, #tpu.memory_space<vmem>>, vector<16xi32>,
        %get3A_402 = arith.constant 1 : i32
        %get3A_403 = arith.index_cast %get3A_402 : i32 to index
        %get3A_404 = arith.index_cast %scan3A_130 : i32 to index
        %get3A_405 = arith.constant 368 : index
        %get3A_406 = tpu.vector_load %arg5[%get3A_403, %get3A_404, %get3A_405] {strides = array<i32>} : memref<2x32x512xi32, #tpu.memory_space<vmem>>, vector<16xi32>,
        %shift_right_logical3A_407 = arith.constant 5 : i32
        %shift_right_logical3A_408 = vector.broadcast %shift_right_logical3A_407 : i32 to vector<16xi32>
        %shift_right_logical3A_409 = arith.shrui %get3A_371, %shift_right_logical3A_408 : vector<16xi32>
        %and3A_410 = arith.constant 65535 : i32
        %and3A_411 = vector.broadcast %and3A_410 : i32 to vector<16xi32>
        %and3A_412 = arith.andi %shift_right_logical3A_409, %and3A_411 : vector<16xi32>
        %and3A_413 = arith.constant 24 : i32
        %and3A_414 = vector.broadcast %and3A_413 : i32 to vector<16xi32>
        %and3A_415 = arith.andi %get3A_371, %and3A_414 : vector<16xi32>
        %shift_left3A_416 = arith.shli %broadcast_in_dim3A_116, %and3A_415 : vector<16xi32>
        tpu.vector_store_idx %arg4[%and3A_412], %shift_left3A_416 {add = true} : memref<65536xi32, #tpu.memory_space<vmem>>[vector<16xi32>], vector<16xi32>,
        %shift_right_logical3A_417 = arith.constant 5 : i32
        %shift_right_logical3A_418 = vector.broadcast %shift_right_logical3A_417 : i32 to vector<16xi32>
        %shift_right_logical3A_419 = arith.shrui %get3A_376, %shift_right_logical3A_418 : vector<16xi32>
        %and3A_420 = arith.constant 65535 : i32
        %and3A_421 = vector.broadcast %and3A_420 : i32 to vector<16xi32>
        %and3A_422 = arith.andi %shift_right_logical3A_419, %and3A_421 : vector<16xi32>
        %and3A_423 = arith.constant 24 : i32
        %and3A_424 = vector.broadcast %and3A_423 : i32 to vector<16xi32>
        %and3A_425 = arith.andi %get3A_376, %and3A_424 : vector<16xi32>
        %shift_left3A_426 = arith.shli %broadcast_in_dim3A_116, %and3A_425 : vector<16xi32>
        tpu.vector_store_idx %arg4[%and3A_422], %shift_left3A_426 {add = true} : memref<65536xi32, #tpu.memory_space<vmem>>[vector<16xi32>], vector<16xi32>,
        %shift_right_logical3A_427 = arith.constant 5 : i32
        %shift_right_logical3A_428 = vector.broadcast %shift_right_logical3A_427 : i32 to vector<16xi32>
        %shift_right_logical3A_429 = arith.shrui %get3A_381, %shift_right_logical3A_428 : vector<16xi32>
        %and3A_430 = arith.constant 65535 : i32
        %and3A_431 = vector.broadcast %and3A_430 : i32 to vector<16xi32>
        %and3A_432 = arith.andi %shift_right_logical3A_429, %and3A_431 : vector<16xi32>
        %and3A_433 = arith.constant 24 : i32
        %and3A_434 = vector.broadcast %and3A_433 : i32 to vector<16xi32>
        %and3A_435 = arith.andi %get3A_381, %and3A_434 : vector<16xi32>
        %shift_left3A_436 = arith.shli %broadcast_in_dim3A_116, %and3A_435 : vector<16xi32>
        tpu.vector_store_idx %arg4[%and3A_432], %shift_left3A_436 {add = true} : memref<65536xi32, #tpu.memory_space<vmem>>[vector<16xi32>], vector<16xi32>,
        %shift_right_logical3A_437 = arith.constant 5 : i32
        %shift_right_logical3A_438 = vector.broadcast %shift_right_logical3A_437 : i32 to vector<16xi32>
        %shift_right_logical3A_439 = arith.shrui %get3A_386, %shift_right_logical3A_438 : vector<16xi32>
        %and3A_440 = arith.constant 65535 : i32
        %and3A_441 = vector.broadcast %and3A_440 : i32 to vector<16xi32>
        %and3A_442 = arith.andi %shift_right_logical3A_439, %and3A_441 : vector<16xi32>
        %and3A_443 = arith.constant 24 : i32
        %and3A_444 = vector.broadcast %and3A_443 : i32 to vector<16xi32>
        %and3A_445 = arith.andi %get3A_386, %and3A_444 : vector<16xi32>
        %shift_left3A_446 = arith.shli %broadcast_in_dim3A_116, %and3A_445 : vector<16xi32>
        tpu.vector_store_idx %arg4[%and3A_442], %shift_left3A_446 {add = true} : memref<65536xi32, #tpu.memory_space<vmem>>[vector<16xi32>], vector<16xi32>,
        %shift_right_logical3A_447 = arith.constant 5 : i32
        %shift_right_logical3A_448 = vector.broadcast %shift_right_logical3A_447 : i32 to vector<16xi32>
        %shift_right_logical3A_449 = arith.shrui %get3A_391, %shift_right_logical3A_448 : vector<16xi32>
        %and3A_450 = arith.constant 65535 : i32
        %and3A_451 = vector.broadcast %and3A_450 : i32 to vector<16xi32>
        %and3A_452 = arith.andi %shift_right_logical3A_449, %and3A_451 : vector<16xi32>
        %and3A_453 = arith.constant 24 : i32
        %and3A_454 = vector.broadcast %and3A_453 : i32 to vector<16xi32>
        %and3A_455 = arith.andi %get3A_391, %and3A_454 : vector<16xi32>
        %shift_left3A_456 = arith.shli %broadcast_in_dim3A_116, %and3A_455 : vector<16xi32>
        tpu.vector_store_idx %arg4[%and3A_452], %shift_left3A_456 {add = true} : memref<65536xi32, #tpu.memory_space<vmem>>[vector<16xi32>], vector<16xi32>,
        %shift_right_logical3A_457 = arith.constant 5 : i32
        %shift_right_logical3A_458 = vector.broadcast %shift_right_logical3A_457 : i32 to vector<16xi32>
        %shift_right_logical3A_459 = arith.shrui %get3A_396, %shift_right_logical3A_458 : vector<16xi32>
        %and3A_460 = arith.constant 65535 : i32
        %and3A_461 = vector.broadcast %and3A_460 : i32 to vector<16xi32>
        %and3A_462 = arith.andi %shift_right_logical3A_459, %and3A_461 : vector<16xi32>
        %and3A_463 = arith.constant 24 : i32
        %and3A_464 = vector.broadcast %and3A_463 : i32 to vector<16xi32>
        %and3A_465 = arith.andi %get3A_396, %and3A_464 : vector<16xi32>
        %shift_left3A_466 = arith.shli %broadcast_in_dim3A_116, %and3A_465 : vector<16xi32>
        tpu.vector_store_idx %arg4[%and3A_462], %shift_left3A_466 {add = true} : memref<65536xi32, #tpu.memory_space<vmem>>[vector<16xi32>], vector<16xi32>,
        %shift_right_logical3A_467 = arith.constant 5 : i32
        %shift_right_logical3A_468 = vector.broadcast %shift_right_logical3A_467 : i32 to vector<16xi32>
        %shift_right_logical3A_469 = arith.shrui %get3A_401, %shift_right_logical3A_468 : vector<16xi32>
        %and3A_470 = arith.constant 65535 : i32
        %and3A_471 = vector.broadcast %and3A_470 : i32 to vector<16xi32>
        %and3A_472 = arith.andi %shift_right_logical3A_469, %and3A_471 : vector<16xi32>
        %and3A_473 = arith.constant 24 : i32
        %and3A_474 = vector.broadcast %and3A_473 : i32 to vector<16xi32>
        %and3A_475 = arith.andi %get3A_401, %and3A_474 : vector<16xi32>
        %shift_left3A_476 = arith.shli %broadcast_in_dim3A_116, %and3A_475 : vector<16xi32>
        tpu.vector_store_idx %arg4[%and3A_472], %shift_left3A_476 {add = true} : memref<65536xi32, #tpu.memory_space<vmem>>[vector<16xi32>], vector<16xi32>,
        %shift_right_logical3A_477 = arith.constant 5 : i32
        %shift_right_logical3A_478 = vector.broadcast %shift_right_logical3A_477 : i32 to vector<16xi32>
        %shift_right_logical3A_479 = arith.shrui %get3A_406, %shift_right_logical3A_478 : vector<16xi32>
        %and3A_480 = arith.constant 65535 : i32
        %and3A_481 = vector.broadcast %and3A_480 : i32 to vector<16xi32>
        %and3A_482 = arith.andi %shift_right_logical3A_479, %and3A_481 : vector<16xi32>
        %and3A_483 = arith.constant 24 : i32
        %and3A_484 = vector.broadcast %and3A_483 : i32 to vector<16xi32>
        %and3A_485 = arith.andi %get3A_406, %and3A_484 : vector<16xi32>
        %shift_left3A_486 = arith.shli %broadcast_in_dim3A_116, %and3A_485 : vector<16xi32>
        tpu.vector_store_idx %arg4[%and3A_482], %shift_left3A_486 {add = true} : memref<65536xi32, #tpu.memory_space<vmem>>[vector<16xi32>], vector<16xi32>,
        %get3A_487 = arith.constant 1 : i32
        %get3A_488 = arith.index_cast %get3A_487 : i32 to index
        %get3A_489 = arith.index_cast %scan3A_130 : i32 to index
        %get3A_490 = arith.constant 384 : index
        %get3A_491 = tpu.vector_load %arg5[%get3A_488, %get3A_489, %get3A_490] {strides = array<i32>} : memref<2x32x512xi32, #tpu.memory_space<vmem>>, vector<16xi32>,
        %get3A_492 = arith.constant 1 : i32
        %get3A_493 = arith.index_cast %get3A_492 : i32 to index
        %get3A_494 = arith.index_cast %scan3A_130 : i32 to index
        %get3A_495 = arith.constant 400 : index
        %get3A_496 = tpu.vector_load %arg5[%get3A_493, %get3A_494, %get3A_495] {strides = array<i32>} : memref<2x32x512xi32, #tpu.memory_space<vmem>>, vector<16xi32>,
        %get3A_497 = arith.constant 1 : i32
        %get3A_498 = arith.index_cast %get3A_497 : i32 to index
        %get3A_499 = arith.index_cast %scan3A_130 : i32 to index
        %get3A_500 = arith.constant 416 : index
        %get3A_501 = tpu.vector_load %arg5[%get3A_498, %get3A_499, %get3A_500] {strides = array<i32>} : memref<2x32x512xi32, #tpu.memory_space<vmem>>, vector<16xi32>,
        %get3A_502 = arith.constant 1 : i32
        %get3A_503 = arith.index_cast %get3A_502 : i32 to index
        %get3A_504 = arith.index_cast %scan3A_130 : i32 to index
        %get3A_505 = arith.constant 432 : index
        %get3A_506 = tpu.vector_load %arg5[%get3A_503, %get3A_504, %get3A_505] {strides = array<i32>} : memref<2x32x512xi32, #tpu.memory_space<vmem>>, vector<16xi32>,
        %get3A_507 = arith.constant 1 : i32
        %get3A_508 = arith.index_cast %get3A_507 : i32 to index
        %get3A_509 = arith.index_cast %scan3A_130 : i32 to index
        %get3A_510 = arith.constant 448 : index
        %get3A_511 = tpu.vector_load %arg5[%get3A_508, %get3A_509, %get3A_510] {strides = array<i32>} : memref<2x32x512xi32, #tpu.memory_space<vmem>>, vector<16xi32>,
        %get3A_512 = arith.constant 1 : i32
        %get3A_513 = arith.index_cast %get3A_512 : i32 to index
        %get3A_514 = arith.index_cast %scan3A_130 : i32 to index
        %get3A_515 = arith.constant 464 : index
        %get3A_516 = tpu.vector_load %arg5[%get3A_513, %get3A_514, %get3A_515] {strides = array<i32>} : memref<2x32x512xi32, #tpu.memory_space<vmem>>, vector<16xi32>,
        %get3A_517 = arith.constant 1 : i32
        %get3A_518 = arith.index_cast %get3A_517 : i32 to index
        %get3A_519 = arith.index_cast %scan3A_130 : i32 to index
        %get3A_520 = arith.constant 480 : index
        %get3A_521 = tpu.vector_load %arg5[%get3A_518, %get3A_519, %get3A_520] {strides = array<i32>} : memref<2x32x512xi32, #tpu.memory_space<vmem>>, vector<16xi32>,
        %get3A_522 = arith.constant 1 : i32
        %get3A_523 = arith.index_cast %get3A_522 : i32 to index
        %get3A_524 = arith.index_cast %scan3A_130 : i32 to index
        %get3A_525 = arith.constant 496 : index
        %get3A_526 = tpu.vector_load %arg5[%get3A_523, %get3A_524, %get3A_525] {strides = array<i32>} : memref<2x32x512xi32, #tpu.memory_space<vmem>>, vector<16xi32>,
        %shift_right_logical3A_527 = arith.constant 5 : i32
        %shift_right_logical3A_528 = vector.broadcast %shift_right_logical3A_527 : i32 to vector<16xi32>
        %shift_right_logical3A_529 = arith.shrui %get3A_491, %shift_right_logical3A_528 : vector<16xi32>
        %and3A_530 = arith.constant 65535 : i32
        %and3A_531 = vector.broadcast %and3A_530 : i32 to vector<16xi32>
        %and3A_532 = arith.andi %shift_right_logical3A_529, %and3A_531 : vector<16xi32>
        %and3A_533 = arith.constant 24 : i32
        %and3A_534 = vector.broadcast %and3A_533 : i32 to vector<16xi32>
        %and3A_535 = arith.andi %get3A_491, %and3A_534 : vector<16xi32>
        %shift_left3A_536 = arith.shli %broadcast_in_dim3A_116, %and3A_535 : vector<16xi32>
        tpu.vector_store_idx %arg4[%and3A_532], %shift_left3A_536 {add = true} : memref<65536xi32, #tpu.memory_space<vmem>>[vector<16xi32>], vector<16xi32>,
        %shift_right_logical3A_537 = arith.constant 5 : i32
        %shift_right_logical3A_538 = vector.broadcast %shift_right_logical3A_537 : i32 to vector<16xi32>
        %shift_right_logical3A_539 = arith.shrui %get3A_496, %shift_right_logical3A_538 : vector<16xi32>
        %and3A_540 = arith.constant 65535 : i32
        %and3A_541 = vector.broadcast %and3A_540 : i32 to vector<16xi32>
        %and3A_542 = arith.andi %shift_right_logical3A_539, %and3A_541 : vector<16xi32>
        %and3A_543 = arith.constant 24 : i32
        %and3A_544 = vector.broadcast %and3A_543 : i32 to vector<16xi32>
        %and3A_545 = arith.andi %get3A_496, %and3A_544 : vector<16xi32>
        %shift_left3A_546 = arith.shli %broadcast_in_dim3A_116, %and3A_545 : vector<16xi32>
        tpu.vector_store_idx %arg4[%and3A_542], %shift_left3A_546 {add = true} : memref<65536xi32, #tpu.memory_space<vmem>>[vector<16xi32>], vector<16xi32>,
        %shift_right_logical3A_547 = arith.constant 5 : i32
        %shift_right_logical3A_548 = vector.broadcast %shift_right_logical3A_547 : i32 to vector<16xi32>
        %shift_right_logical3A_549 = arith.shrui %get3A_501, %shift_right_logical3A_548 : vector<16xi32>
        %and3A_550 = arith.constant 65535 : i32
        %and3A_551 = vector.broadcast %and3A_550 : i32 to vector<16xi32>
        %and3A_552 = arith.andi %shift_right_logical3A_549, %and3A_551 : vector<16xi32>
        %and3A_553 = arith.constant 24 : i32
        %and3A_554 = vector.broadcast %and3A_553 : i32 to vector<16xi32>
        %and3A_555 = arith.andi %get3A_501, %and3A_554 : vector<16xi32>
        %shift_left3A_556 = arith.shli %broadcast_in_dim3A_116, %and3A_555 : vector<16xi32>
        tpu.vector_store_idx %arg4[%and3A_552], %shift_left3A_556 {add = true} : memref<65536xi32, #tpu.memory_space<vmem>>[vector<16xi32>], vector<16xi32>,
        %shift_right_logical3A_557 = arith.constant 5 : i32
        %shift_right_logical3A_558 = vector.broadcast %shift_right_logical3A_557 : i32 to vector<16xi32>
        %shift_right_logical3A_559 = arith.shrui %get3A_506, %shift_right_logical3A_558 : vector<16xi32>
        %and3A_560 = arith.constant 65535 : i32
        %and3A_561 = vector.broadcast %and3A_560 : i32 to vector<16xi32>
        %and3A_562 = arith.andi %shift_right_logical3A_559, %and3A_561 : vector<16xi32>
        %and3A_563 = arith.constant 24 : i32
        %and3A_564 = vector.broadcast %and3A_563 : i32 to vector<16xi32>
        %and3A_565 = arith.andi %get3A_506, %and3A_564 : vector<16xi32>
        %shift_left3A_566 = arith.shli %broadcast_in_dim3A_116, %and3A_565 : vector<16xi32>
        tpu.vector_store_idx %arg4[%and3A_562], %shift_left3A_566 {add = true} : memref<65536xi32, #tpu.memory_space<vmem>>[vector<16xi32>], vector<16xi32>,
        %shift_right_logical3A_567 = arith.constant 5 : i32
        %shift_right_logical3A_568 = vector.broadcast %shift_right_logical3A_567 : i32 to vector<16xi32>
        %shift_right_logical3A_569 = arith.shrui %get3A_511, %shift_right_logical3A_568 : vector<16xi32>
        %and3A_570 = arith.constant 65535 : i32
        %and3A_571 = vector.broadcast %and3A_570 : i32 to vector<16xi32>
        %and3A_572 = arith.andi %shift_right_logical3A_569, %and3A_571 : vector<16xi32>
        %and3A_573 = arith.constant 24 : i32
        %and3A_574 = vector.broadcast %and3A_573 : i32 to vector<16xi32>
        %and3A_575 = arith.andi %get3A_511, %and3A_574 : vector<16xi32>
        %shift_left3A_576 = arith.shli %broadcast_in_dim3A_116, %and3A_575 : vector<16xi32>
        tpu.vector_store_idx %arg4[%and3A_572], %shift_left3A_576 {add = true} : memref<65536xi32, #tpu.memory_space<vmem>>[vector<16xi32>], vector<16xi32>,
        %shift_right_logical3A_577 = arith.constant 5 : i32
        %shift_right_logical3A_578 = vector.broadcast %shift_right_logical3A_577 : i32 to vector<16xi32>
        %shift_right_logical3A_579 = arith.shrui %get3A_516, %shift_right_logical3A_578 : vector<16xi32>
        %and3A_580 = arith.constant 65535 : i32
        %and3A_581 = vector.broadcast %and3A_580 : i32 to vector<16xi32>
        %and3A_582 = arith.andi %shift_right_logical3A_579, %and3A_581 : vector<16xi32>
        %and3A_583 = arith.constant 24 : i32
        %and3A_584 = vector.broadcast %and3A_583 : i32 to vector<16xi32>
        %and3A_585 = arith.andi %get3A_516, %and3A_584 : vector<16xi32>
        %shift_left3A_586 = arith.shli %broadcast_in_dim3A_116, %and3A_585 : vector<16xi32>
        tpu.vector_store_idx %arg4[%and3A_582], %shift_left3A_586 {add = true} : memref<65536xi32, #tpu.memory_space<vmem>>[vector<16xi32>], vector<16xi32>,
        %shift_right_logical3A_587 = arith.constant 5 : i32
        %shift_right_logical3A_588 = vector.broadcast %shift_right_logical3A_587 : i32 to vector<16xi32>
        %shift_right_logical3A_589 = arith.shrui %get3A_521, %shift_right_logical3A_588 : vector<16xi32>
        %and3A_590 = arith.constant 65535 : i32
        %and3A_591 = vector.broadcast %and3A_590 : i32 to vector<16xi32>
        %and3A_592 = arith.andi %shift_right_logical3A_589, %and3A_591 : vector<16xi32>
        %and3A_593 = arith.constant 24 : i32
        %and3A_594 = vector.broadcast %and3A_593 : i32 to vector<16xi32>
        %and3A_595 = arith.andi %get3A_521, %and3A_594 : vector<16xi32>
        %shift_left3A_596 = arith.shli %broadcast_in_dim3A_116, %and3A_595 : vector<16xi32>
        tpu.vector_store_idx %arg4[%and3A_592], %shift_left3A_596 {add = true} : memref<65536xi32, #tpu.memory_space<vmem>>[vector<16xi32>], vector<16xi32>,
        %shift_right_logical3A_597 = arith.constant 5 : i32
        %shift_right_logical3A_598 = vector.broadcast %shift_right_logical3A_597 : i32 to vector<16xi32>
        %shift_right_logical3A_599 = arith.shrui %get3A_526, %shift_right_logical3A_598 : vector<16xi32>
        %and3A_600 = arith.constant 65535 : i32
        %and3A_601 = vector.broadcast %and3A_600 : i32 to vector<16xi32>
        %and3A_602 = arith.andi %shift_right_logical3A_599, %and3A_601 : vector<16xi32>
        %and3A_603 = arith.constant 24 : i32
        %and3A_604 = vector.broadcast %and3A_603 : i32 to vector<16xi32>
        %and3A_605 = arith.andi %get3A_526, %and3A_604 : vector<16xi32>
        %shift_left3A_606 = arith.shli %broadcast_in_dim3A_116, %and3A_605 : vector<16xi32>
        tpu.vector_store_idx %arg4[%and3A_602], %shift_left3A_606 {add = true} : memref<65536xi32, #tpu.memory_space<vmem>>[vector<16xi32>], vector<16xi32>,
      }
      %scan3A_122 = arith.constant 32 : i32
      %add3A_123 = arith.constant 2 : i32
      %add3A_124 = arith.addi %add3A_96, %add3A_123 : i32
      %lt3A_125 = arith.constant 16 : i32
      %lt3A_126 = arith.cmpi slt, %add3A_124, %lt3A_125 : i32
      %convert_element_type3A_127 = arith.extui %lt3A_126 : i1 to i32
      %cond3A_128 = arith.constant 0 : i32
      %cond3A_129 = arith.cmpi ne, %convert_element_type3A_127, %cond3A_128 : i32
      scf.if %cond3A_129 {
        %add3A_130 = arith.constant 2 : i32
        %add3A_131 = arith.addi %add3A_96, %add3A_130 : i32
        %mul3A_132 = arith.constant 32 : i32
        %mul3A_133 = arith.muli %add3A_131, %mul3A_132 : i32
        %dma_start3A_134 = arith.constant 1 : i32
        %dma_start3A_135 = arith.constant 0 : i32
        %dma_start3A_136 = arith.constant 0 : i32
        %dma_start3A_137 = tpu.memref_slice %arg5[%dma_start3A_134, %dma_start3A_135, %dma_start3A_136] : memref<2x32x512xi32, #tpu.memory_space<vmem>> -> memref<1x32x512xi32, #tpu.memory_space<vmem>>
        %dma_start3A_138 = tpu.memref_squeeze %dma_start3A_137 : memref<1x32x512xi32, #tpu.memory_space<vmem>> -> memref<32x512xi32, #tpu.memory_space<vmem>>
        %dma_start3A_139 = arith.constant 0 : i32
        %dma_start3A_140 = tpu.memref_slice %arg2[%add3A_7, %mul3A_133, %dma_start3A_139] : memref<32x512x512xi32, #tpu.memory_space<hbm>> -> memref<1x32x512xi32, #tpu.memory_space<hbm>>
        %dma_start3A_141 = tpu.memref_squeeze %dma_start3A_140 : memref<1x32x512xi32, #tpu.memory_space<hbm>> -> memref<32x512xi32, #tpu.memory_space<hbm>>
        %dma_start3A_142 = arith.constant 0 : i32
        %dma_start3A_143 = arith.constant 0 : i32
        %dma_start3A_144 = tpu.memref_slice %arg5[%dma_start3A_134, %dma_start3A_142, %dma_start3A_143] : memref<2x32x512xi32, #tpu.memory_space<vmem>> -> memref<1x32x512xi32, #tpu.memory_space<vmem>>
        %dma_start3A_145 = tpu.memref_squeeze %dma_start3A_144 : memref<1x32x512xi32, #tpu.memory_space<vmem>> -> memref<32x512xi32, #tpu.memory_space<vmem>>
        %dma_start3A_146 = arith.constant 0 : i32
        %dma_start3A_147 = tpu.memref_slice %arg2[%add3A_7, %mul3A_133, %dma_start3A_146] : memref<32x512x512xi32, #tpu.memory_space<hbm>> -> memref<1x32x512xi32, #tpu.memory_space<hbm>>
        %dma_start3A_148 = tpu.memref_squeeze %dma_start3A_147 : memref<1x32x512xi32, #tpu.memory_space<hbm>> -> memref<32x512xi32, #tpu.memory_space<hbm>>
        tpu.enqueue_dma source(%dma_start3A_148 : memref<32x512xi32, #tpu.memory_space<hbm>>) target(%dma_start3A_145 : memref<32x512xi32, #tpu.memory_space<vmem>>) target_semaphore(%arg8 : memref<!tpu.dma_semaphore, #tpu.memory_space<semaphore_mem>>)
      } else {
      }
    }
    %scan3A_45 = arith.constant 8 : i32
    %broadcast_in_dim3A_46 = arith.constant 0 : i32
    %broadcast_in_dim3A_47 = vector.broadcast %broadcast_in_dim3A_46 : i32 to vector<16xi32>
    %scan3A_48 = arith.constant 0 : i32
    %scan3A_49 = arith.constant 1024 : i32
    %scan3A_50 = arith.addi %scan3A_48, %scan3A_49 : i32
    %scan3A_51 = arith.constant 1 : i32
    %scan3A_52 = scf.for %scan3A_59 = %scan3A_48 to %scan3A_50 step %scan3A_51 iter_args(%scan3A_60 = %broadcast_in_dim3A_47) -> (vector<16xi32>)  : i32 {
      %mul3A_61 = arith.constant 4 : i32
      %mul3A_62 = arith.muli %scan3A_59, %mul3A_61 : i32
      %add3A_63 = arith.constant 0 : i32
      %add3A_64 = arith.addi %mul3A_62, %add3A_63 : i32
      %mul3A_65 = arith.constant 16 : i32
      %mul3A_66 = arith.muli %add3A_64, %mul3A_65 : i32
      %mul3A_67 = arith.constant 4 : i32
      %mul3A_68 = arith.muli %scan3A_59, %mul3A_67 : i32
      %add3A_69 = arith.constant 1 : i32
      %add3A_70 = arith.addi %mul3A_68, %add3A_69 : i32
      %mul3A_71 = arith.constant 16 : i32
      %mul3A_72 = arith.muli %add3A_70, %mul3A_71 : i32
      %mul3A_73 = arith.constant 4 : i32
      %mul3A_74 = arith.muli %scan3A_59, %mul3A_73 : i32
      %add3A_75 = arith.constant 2 : i32
      %add3A_76 = arith.addi %mul3A_74, %add3A_75 : i32
      %mul3A_77 = arith.constant 16 : i32
      %mul3A_78 = arith.muli %add3A_76, %mul3A_77 : i32
      %mul3A_79 = arith.constant 4 : i32
      %mul3A_80 = arith.muli %scan3A_59, %mul3A_79 : i32
      %add3A_81 = arith.constant 3 : i32
      %add3A_82 = arith.addi %mul3A_80, %add3A_81 : i32
      %mul3A_83 = arith.constant 16 : i32
      %mul3A_84 = arith.muli %add3A_82, %mul3A_83 : i32
      %get3A = arith.index_cast %mul3A_66 : i32 to index
      %get3A_85 = tpu.vector_load %arg4[%get3A] {strides = array<i32>} : memref<65536xi32, #tpu.memory_space<vmem>>, vector<16xi32>,
      %get3A_86 = arith.index_cast %mul3A_72 : i32 to index
      %get3A_87 = tpu.vector_load %arg4[%get3A_86] {strides = array<i32>} : memref<65536xi32, #tpu.memory_space<vmem>>, vector<16xi32>,
      %get3A_88 = arith.index_cast %mul3A_78 : i32 to index
      %get3A_89 = tpu.vector_load %arg4[%get3A_88] {strides = array<i32>} : memref<65536xi32, #tpu.memory_space<vmem>>, vector<16xi32>,
      %get3A_90 = arith.index_cast %mul3A_84 : i32 to index
      %get3A_91 = tpu.vector_load %arg4[%get3A_90] {strides = array<i32>} : memref<65536xi32, #tpu.memory_space<vmem>>, vector<16xi32>,
      %swap3A_92 = arith.index_cast %mul3A_66 : i32 to index
      %swap3A_93 = tpu.vector_load %arg4[%swap3A_92] {strides = array<i32>} : memref<65536xi32, #tpu.memory_space<vmem>>, vector<16xi32>,
      tpu.vector_store %arg4[%swap3A_92], %broadcast_in_dim3A_1 {strides = array<i32>} : memref<65536xi32, #tpu.memory_space<vmem>>, vector<16xi32>,
      %shift_right_logical3A = arith.constant 4 : i32
      %shift_right_logical3A_94 = vector.broadcast %shift_right_logical3A : i32 to vector<16xi32>
      %shift_right_logical3A_95 = arith.shrui %get3A_85, %shift_right_logical3A_94 : vector<16xi32>
      %or3A = arith.ori %get3A_85, %shift_right_logical3A_95 : vector<16xi32>
      %shift_right_logical3A_96 = arith.constant 2 : i32
      %shift_right_logical3A_97 = vector.broadcast %shift_right_logical3A_96 : i32 to vector<16xi32>
      %shift_right_logical3A_98 = arith.shrui %or3A, %shift_right_logical3A_97 : vector<16xi32>
      %or3A_99 = arith.ori %or3A, %shift_right_logical3A_98 : vector<16xi32>
      %shift_right_logical3A_100 = arith.constant 1 : i32
      %shift_right_logical3A_101 = vector.broadcast %shift_right_logical3A_100 : i32 to vector<16xi32>
      %shift_right_logical3A_102 = arith.shrui %or3A_99, %shift_right_logical3A_101 : vector<16xi32>
      %or3A_103 = arith.ori %or3A_99, %shift_right_logical3A_102 : vector<16xi32>
      %and3A = arith.constant 16843009 : i32
      %and3A_104 = vector.broadcast %and3A : i32 to vector<16xi32>
      %and3A_105 = arith.andi %or3A_103, %and3A_104 : vector<16xi32>
      %mul3A_106 = arith.constant 16843009 : i32
      %mul3A_107 = vector.broadcast %mul3A_106 : i32 to vector<16xi32>
      %mul3A_108 = arith.muli %and3A_105, %mul3A_107 : vector<16xi32>
      %shift_right_logical3A_109 = arith.constant 24 : i32
      %shift_right_logical3A_110 = vector.broadcast %shift_right_logical3A_109 : i32 to vector<16xi32>
      %shift_right_logical3A_111 = arith.shrui %mul3A_108, %shift_right_logical3A_110 : vector<16xi32>
      %add3A_112 = arith.addi %scan3A_60, %shift_right_logical3A_111 : vector<16xi32>
      %swap3A_113 = arith.index_cast %mul3A_72 : i32 to index
      %swap3A_114 = tpu.vector_load %arg4[%swap3A_113] {strides = array<i32>} : memref<65536xi32, #tpu.memory_space<vmem>>, vector<16xi32>,
      tpu.vector_store %arg4[%swap3A_113], %broadcast_in_dim3A_1 {strides = array<i32>} : memref<65536xi32, #tpu.memory_space<vmem>>, vector<16xi32>,
      %shift_right_logical3A_115 = arith.constant 4 : i32
      %shift_right_logical3A_116 = vector.broadcast %shift_right_logical3A_115 : i32 to vector<16xi32>
      %shift_right_logical3A_117 = arith.shrui %get3A_87, %shift_right_logical3A_116 : vector<16xi32>
      %or3A_118 = arith.ori %get3A_87, %shift_right_logical3A_117 : vector<16xi32>
      %shift_right_logical3A_119 = arith.constant 2 : i32
      %shift_right_logical3A_120 = vector.broadcast %shift_right_logical3A_119 : i32 to vector<16xi32>
      %shift_right_logical3A_121 = arith.shrui %or3A_118, %shift_right_logical3A_120 : vector<16xi32>
      %or3A_122 = arith.ori %or3A_118, %shift_right_logical3A_121 : vector<16xi32>
      %shift_right_logical3A_123 = arith.constant 1 : i32
      %shift_right_logical3A_124 = vector.broadcast %shift_right_logical3A_123 : i32 to vector<16xi32>
      %shift_right_logical3A_125 = arith.shrui %or3A_122, %shift_right_logical3A_124 : vector<16xi32>
      %or3A_126 = arith.ori %or3A_122, %shift_right_logical3A_125 : vector<16xi32>
      %and3A_127 = arith.constant 16843009 : i32
      %and3A_128 = vector.broadcast %and3A_127 : i32 to vector<16xi32>
      %and3A_129 = arith.andi %or3A_126, %and3A_128 : vector<16xi32>
      %mul3A_130 = arith.constant 16843009 : i32
      %mul3A_131 = vector.broadcast %mul3A_130 : i32 to vector<16xi32>
      %mul3A_132 = arith.muli %and3A_129, %mul3A_131 : vector<16xi32>
      %shift_right_logical3A_133 = arith.constant 24 : i32
      %shift_right_logical3A_134 = vector.broadcast %shift_right_logical3A_133 : i32 to vector<16xi32>
      %shift_right_logical3A_135 = arith.shrui %mul3A_132, %shift_right_logical3A_134 : vector<16xi32>
      %add3A_136 = arith.addi %add3A_112, %shift_right_logical3A_135 : vector<16xi32>
      %swap3A_137 = arith.index_cast %mul3A_78 : i32 to index
      %swap3A_138 = tpu.vector_load %arg4[%swap3A_137] {strides = array<i32>} : memref<65536xi32, #tpu.memory_space<vmem>>, vector<16xi32>,
      tpu.vector_store %arg4[%swap3A_137], %broadcast_in_dim3A_1 {strides = array<i32>} : memref<65536xi32, #tpu.memory_space<vmem>>, vector<16xi32>,
      %shift_right_logical3A_139 = arith.constant 4 : i32
      %shift_right_logical3A_140 = vector.broadcast %shift_right_logical3A_139 : i32 to vector<16xi32>
      %shift_right_logical3A_141 = arith.shrui %get3A_89, %shift_right_logical3A_140 : vector<16xi32>
      %or3A_142 = arith.ori %get3A_89, %shift_right_logical3A_141 : vector<16xi32>
      %shift_right_logical3A_143 = arith.constant 2 : i32
      %shift_right_logical3A_144 = vector.broadcast %shift_right_logical3A_143 : i32 to vector<16xi32>
      %shift_right_logical3A_145 = arith.shrui %or3A_142, %shift_right_logical3A_144 : vector<16xi32>
      %or3A_146 = arith.ori %or3A_142, %shift_right_logical3A_145 : vector<16xi32>
      %shift_right_logical3A_147 = arith.constant 1 : i32
      %shift_right_logical3A_148 = vector.broadcast %shift_right_logical3A_147 : i32 to vector<16xi32>
      %shift_right_logical3A_149 = arith.shrui %or3A_146, %shift_right_logical3A_148 : vector<16xi32>
      %or3A_150 = arith.ori %or3A_146, %shift_right_logical3A_149 : vector<16xi32>
      %and3A_151 = arith.constant 16843009 : i32
      %and3A_152 = vector.broadcast %and3A_151 : i32 to vector<16xi32>
      %and3A_153 = arith.andi %or3A_150, %and3A_152 : vector<16xi32>
      %mul3A_154 = arith.constant 16843009 : i32
      %mul3A_155 = vector.broadcast %mul3A_154 : i32 to vector<16xi32>
      %mul3A_156 = arith.muli %and3A_153, %mul3A_155 : vector<16xi32>
      %shift_right_logical3A_157 = arith.constant 24 : i32
      %shift_right_logical3A_158 = vector.broadcast %shift_right_logical3A_157 : i32 to vector<16xi32>
      %shift_right_logical3A_159 = arith.shrui %mul3A_156, %shift_right_logical3A_158 : vector<16xi32>
      %add3A_160 = arith.addi %add3A_136, %shift_right_logical3A_159 : vector<16xi32>
      %swap3A_161 = arith.index_cast %mul3A_84 : i32 to index
      %swap3A_162 = tpu.vector_load %arg4[%swap3A_161] {strides = array<i32>} : memref<65536xi32, #tpu.memory_space<vmem>>, vector<16xi32>,
      tpu.vector_store %arg4[%swap3A_161], %broadcast_in_dim3A_1 {strides = array<i32>} : memref<65536xi32, #tpu.memory_space<vmem>>, vector<16xi32>,
      %shift_right_logical3A_163 = arith.constant 4 : i32
      %shift_right_logical3A_164 = vector.broadcast %shift_right_logical3A_163 : i32 to vector<16xi32>
      %shift_right_logical3A_165 = arith.shrui %get3A_91, %shift_right_logical3A_164 : vector<16xi32>
      %or3A_166 = arith.ori %get3A_91, %shift_right_logical3A_165 : vector<16xi32>
      %shift_right_logical3A_167 = arith.constant 2 : i32
      %shift_right_logical3A_168 = vector.broadcast %shift_right_logical3A_167 : i32 to vector<16xi32>
      %shift_right_logical3A_169 = arith.shrui %or3A_166, %shift_right_logical3A_168 : vector<16xi32>
      %or3A_170 = arith.ori %or3A_166, %shift_right_logical3A_169 : vector<16xi32>
      %shift_right_logical3A_171 = arith.constant 1 : i32
      %shift_right_logical3A_172 = vector.broadcast %shift_right_logical3A_171 : i32 to vector<16xi32>
      %shift_right_logical3A_173 = arith.shrui %or3A_170, %shift_right_logical3A_172 : vector<16xi32>
      %or3A_174 = arith.ori %or3A_170, %shift_right_logical3A_173 : vector<16xi32>
      %and3A_175 = arith.constant 16843009 : i32
      %and3A_176 = vector.broadcast %and3A_175 : i32 to vector<16xi32>
      %and3A_177 = arith.andi %or3A_174, %and3A_176 : vector<16xi32>
      %mul3A_178 = arith.constant 16843009 : i32
      %mul3A_179 = vector.broadcast %mul3A_178 : i32 to vector<16xi32>
      %mul3A_180 = arith.muli %and3A_177, %mul3A_179 : vector<16xi32>
      %shift_right_logical3A_181 = arith.constant 24 : i32
      %shift_right_logical3A_182 = vector.broadcast %shift_right_logical3A_181 : i32 to vector<16xi32>
      %shift_right_logical3A_183 = arith.shrui %mul3A_180, %shift_right_logical3A_182 : vector<16xi32>
      %add3A_184 = arith.addi %add3A_160, %shift_right_logical3A_183 : vector<16xi32>
      scf.yield %add3A_184 : vector<16xi32>
    }
    %scan3A_53 = arith.constant 1024 : i32
    %reduce_sum3A = arith.constant true
    %reduce_sum3A_54 = vector.broadcast %reduce_sum3A : i1 to vector<16xi1>
    %reduce_sum3A_55 = tpu.scan <sum>, %scan3A_52 masked %reduce_sum3A_54 : vector<16xi32>, vector<16xi1> -> vector<16xi32>
    %reduce_sum3A_56 = vector.extract %reduce_sum3A_55[15] : i32 from vector<16xi32>
    %broadcast_in_dim3A_57 = vector.broadcast %reduce_sum3A_56 : i32 to vector<16xi32>
    %swap3A = arith.constant 0 : index
    %swap3A_58 = tpu.vector_load %arg6[%swap3A] {strides = array<i32>} : memref<16xi32, #tpu.memory_space<vmem>>, vector<16xi32>,
    tpu.vector_store %arg6[%swap3A], %broadcast_in_dim3A_57 {strides = array<i32>} : memref<16xi32, #tpu.memory_space<vmem>>, vector<16xi32>,
    "tpu.region"() ({
      %run_scoped3A = tpu.sem_alloc : memref<!tpu.dma_semaphore, #tpu.memory_space<semaphore_mem>>
      %dma_start3A_59 = arith.constant 0 : i32
      %dma_start3A_60 = tpu.memref_slice %arg3[%add3A_7, %dma_start3A_59] : memref<32x16xi32, #tpu.memory_space<hbm>> -> memref<1x16xi32, #tpu.memory_space<hbm>>
      %dma_start3A_61 = tpu.memref_squeeze %dma_start3A_60 : memref<1x16xi32, #tpu.memory_space<hbm>> -> memref<16xi32, #tpu.memory_space<hbm>>
      %dma_start3A_62 = arith.constant 0 : i32
      %dma_start3A_63 = tpu.memref_slice %arg3[%add3A_7, %dma_start3A_62] : memref<32x16xi32, #tpu.memory_space<hbm>> -> memref<1x16xi32, #tpu.memory_space<hbm>>
      %dma_start3A_64 = tpu.memref_squeeze %dma_start3A_63 : memref<1x16xi32, #tpu.memory_space<hbm>> -> memref<16xi32, #tpu.memory_space<hbm>>
      tpu.enqueue_dma source(%arg6 : memref<16xi32, #tpu.memory_space<vmem>>) target(%dma_start3A_64 : memref<16xi32, #tpu.memory_space<hbm>>) target_semaphore(%run_scoped3A : memref<!tpu.dma_semaphore, #tpu.memory_space<semaphore_mem>>)
      %dma_wait3A = arith.constant 0 : i32
      %dma_wait3A_65 = tpu.memref_slice %arg3[%add3A_7, %dma_wait3A] : memref<32x16xi32, #tpu.memory_space<hbm>> -> memref<1x16xi32, #tpu.memory_space<hbm>>
      %dma_wait3A_66 = tpu.memref_squeeze %dma_wait3A_65 : memref<1x16xi32, #tpu.memory_space<hbm>> -> memref<16xi32, #tpu.memory_space<hbm>>
      %dma_wait3A_67 = arith.constant 0 : i32
      %dma_wait3A_68 = tpu.memref_slice %arg3[%add3A_7, %dma_wait3A_67] : memref<32x16xi32, #tpu.memory_space<hbm>> -> memref<1x16xi32, #tpu.memory_space<hbm>>
      %dma_wait3A_69 = tpu.memref_squeeze %dma_wait3A_68 : memref<1x16xi32, #tpu.memory_space<hbm>> -> memref<16xi32, #tpu.memory_space<hbm>>
      tpu.wait_dma2 semaphore(%run_scoped3A : memref<!tpu.dma_semaphore, #tpu.memory_space<semaphore_mem>>) src(%arg6 : memref<16xi32, #tpu.memory_space<vmem>>) dst(%dma_wait3A_69 : memref<16xi32, #tpu.memory_space<hbm>>)
      tpu.yield
    }) : () -> ()
    return
  }
}

#map = affine_map<(d0, d1) -> (0, 0, 0)>
#map1 = affine_map<(d0, d1) -> (0, 0)>
module attributes {stable_mosaic.version = 14 : i64} {
  func.func @_sc_count_body(%arg0: i32, %arg1: i32, %arg2: memref<32x512x512xi32, #tpu.memory_space<hbm>>, %arg3: memref<32x16xi32, #tpu.memory_space<hbm>>, %arg4: memref<65536xi32, #tpu.memory_space<vmem>>, %arg5: memref<2x32x512xi32, #tpu.memory_space<vmem>>, %arg6: memref<16xi32, #tpu.memory_space<vmem>>, %arg7: memref<!tpu.dma_semaphore, #tpu.memory_space<semaphore_mem>>, %arg8: memref<!tpu.dma_semaphore, #tpu.memory_space<semaphore_mem>>) attributes {dimension_semantics = [#tpu.dimension_semantics<core_parallel>, #tpu.dimension_semantics<subcore_parallel>], iteration_bounds = array<i64: 2, 16>, scalar_prefetch = 0 : i64, scratch_operands = 5 : i64, tpu.core_type = #tpu.core_type<sc_vector_subcore>, window_params = [{transform_indices = #map}, {transform_indices = #map1}]} {
    %mul3A = arith.constant 2 : i32
    %mul3A_0 = arith.muli %arg1, %mul3A : i32
    %add3A = arith.addi %mul3A_0, %arg0 : i32
    %broadcast_in_dim3A = arith.constant 0 : i32
    %broadcast_in_dim3A_1 = vector.broadcast %broadcast_in_dim3A : i32 to vector<16xi32>
    %parallel_loop3A = arith.constant 0 : i32
    %parallel_loop3A_2 = arith.constant 4096 : i32
    %parallel_loop3A_3 = arith.constant 1 : i32
    scf.for %parallel_loop3A_59 = %parallel_loop3A to %parallel_loop3A_2 step %parallel_loop3A_3  : i32 {
      %parallel_loop3A_60 = arith.constant 16 : i32
      %parallel_loop3A_61 = arith.muli %parallel_loop3A_59, %parallel_loop3A_60 : i32
      %parallel_loop3A_62 = arith.index_cast %parallel_loop3A_61 : i32 to index
      %parallel_loop3A_63 = tpu.vector_load %arg4[%parallel_loop3A_62] {strides = array<i32>} : memref<65536xi32, #tpu.memory_space<vmem>>, vector<16xi32>,
      tpu.vector_store %arg4[%parallel_loop3A_62], %broadcast_in_dim3A_1 {strides = array<i32>} : memref<65536xi32, #tpu.memory_space<vmem>>, vector<16xi32>,
    } {sc.loop_unroll_factor = 8 : i64, sc.parallel_access}
    %mul3A_4 = arith.constant 1 : i32
    %mul3A_5 = arith.muli %add3A, %mul3A_4 : i32
    %add3A_6 = arith.constant 0 : i32
    %add3A_7 = arith.addi %mul3A_5, %add3A_6 : i32
    %dma_start3A = arith.constant 0 : i32
    %dma_start3A_8 = arith.constant 0 : i32
    %dma_start3A_9 = arith.constant 0 : i32
    %dma_start3A_10 = tpu.memref_slice %arg5[%dma_start3A, %dma_start3A_8, %dma_start3A_9] : memref<2x32x512xi32, #tpu.memory_space<vmem>> -> memref<1x32x512xi32, #tpu.memory_space<vmem>>
    %dma_start3A_11 = tpu.memref_squeeze %dma_start3A_10 : memref<1x32x512xi32, #tpu.memory_space<vmem>> -> memref<32x512xi32, #tpu.memory_space<vmem>>
    %dma_start3A_12 = arith.constant 0 : i32
    %dma_start3A_13 = arith.constant 0 : i32
    %dma_start3A_14 = tpu.memref_slice %arg2[%add3A_7, %dma_start3A_12, %dma_start3A_13] : memref<32x512x512xi32, #tpu.memory_space<hbm>> -> memref<1x32x512xi32, #tpu.memory_space<hbm>>
    %dma_start3A_15 = tpu.memref_squeeze %dma_start3A_14 : memref<1x32x512xi32, #tpu.memory_space<hbm>> -> memref<32x512xi32, #tpu.memory_space<hbm>>
    %dma_start3A_16 = arith.constant 0 : i32
    %dma_start3A_17 = arith.constant 0 : i32
    %dma_start3A_18 = tpu.memref_slice %arg5[%dma_start3A, %dma_start3A_16, %dma_start3A_17] : memref<2x32x512xi32, #tpu.memory_space<vmem>> -> memref<1x32x512xi32, #tpu.memory_space<vmem>>
    %dma_start3A_19 = tpu.memref_squeeze %dma_start3A_18 : memref<1x32x512xi32, #tpu.memory_space<vmem>> -> memref<32x512xi32, #tpu.memory_space<vmem>>
    %dma_start3A_20 = arith.constant 0 : i32
    %dma_start3A_21 = arith.constant 0 : i32
    %dma_start3A_22 = tpu.memref_slice %arg2[%add3A_7, %dma_start3A_20, %dma_start3A_21] : memref<32x512x512xi32, #tpu.memory_space<hbm>> -> memref<1x32x512xi32, #tpu.memory_space<hbm>>
    %dma_start3A_23 = tpu.memref_squeeze %dma_start3A_22 : memref<1x32x512xi32, #tpu.memory_space<hbm>> -> memref<32x512xi32, #tpu.memory_space<hbm>>
    tpu.enqueue_dma source(%dma_start3A_23 : memref<32x512xi32, #tpu.memory_space<hbm>>) target(%dma_start3A_19 : memref<32x512xi32, #tpu.memory_space<vmem>>) target_semaphore(%arg7 : memref<!tpu.dma_semaphore, #tpu.memory_space<semaphore_mem>>)
    %dma_start3A_24 = arith.constant 1 : i32
    %dma_start3A_25 = arith.constant 0 : i32
    %dma_start3A_26 = arith.constant 0 : i32
    %dma_start3A_27 = tpu.memref_slice %arg5[%dma_start3A_24, %dma_start3A_25, %dma_start3A_26] : memref<2x32x512xi32, #tpu.memory_space<vmem>> -> memref<1x32x512xi32, #tpu.memory_space<vmem>>
    %dma_start3A_28 = tpu.memref_squeeze %dma_start3A_27 : memref<1x32x512xi32, #tpu.memory_space<vmem>> -> memref<32x512xi32, #tpu.memory_space<vmem>>
    %dma_start3A_29 = arith.constant 32 : i32
    %dma_start3A_30 = arith.constant 0 : i32
    %dma_start3A_31 = tpu.memref_slice %arg2[%add3A_7, %dma_start3A_29, %dma_start3A_30] : memref<32x512x512xi32, #tpu.memory_space<hbm>> -> memref<1x32x512xi32, #tpu.memory_space<hbm>>
    %dma_start3A_32 = tpu.memref_squeeze %dma_start3A_31 : memref<1x32x512xi32, #tpu.memory_space<hbm>> -> memref<32x512xi32, #tpu.memory_space<hbm>>
    %dma_start3A_33 = arith.constant 0 : i32
    %dma_start3A_34 = arith.constant 0 : i32
    %dma_start3A_35 = tpu.memref_slice %arg5[%dma_start3A_24, %dma_start3A_33, %dma_start3A_34] : memref<2x32x512xi32, #tpu.memory_space<vmem>> -> memref<1x32x512xi32, #tpu.memory_space<vmem>>
    %dma_start3A_36 = tpu.memref_squeeze %dma_start3A_35 : memref<1x32x512xi32, #tpu.memory_space<vmem>> -> memref<32x512xi32, #tpu.memory_space<vmem>>
    %dma_start3A_37 = arith.constant 32 : i32
    %dma_start3A_38 = arith.constant 0 : i32
    %dma_start3A_39 = tpu.memref_slice %arg2[%add3A_7, %dma_start3A_37, %dma_start3A_38] : memref<32x512x512xi32, #tpu.memory_space<hbm>> -> memref<1x32x512xi32, #tpu.memory_space<hbm>>
    %dma_start3A_40 = tpu.memref_squeeze %dma_start3A_39 : memref<1x32x512xi32, #tpu.memory_space<hbm>> -> memref<32x512xi32, #tpu.memory_space<hbm>>
    tpu.enqueue_dma source(%dma_start3A_40 : memref<32x512xi32, #tpu.memory_space<hbm>>) target(%dma_start3A_36 : memref<32x512xi32, #tpu.memory_space<vmem>>) target_semaphore(%arg8 : memref<!tpu.dma_semaphore, #tpu.memory_space<semaphore_mem>>)
    %scan3A = arith.constant 0 : i32
    %scan3A_41 = arith.constant 0 : i32
    %scan3A_42 = arith.constant 8 : i32
    %scan3A_43 = arith.addi %scan3A_41, %scan3A_42 : i32
    %scan3A_44 = arith.constant 1 : i32
    scf.for %scan3A_59 = %scan3A_41 to %scan3A_43 step %scan3A_44  : i32 {
      %mul3A_60 = arith.constant 2 : i32
      %mul3A_61 = arith.muli %scan3A_59, %mul3A_60 : i32
      %add3A_62 = arith.constant 0 : i32
      %add3A_63 = arith.addi %mul3A_61, %add3A_62 : i32
      %dma_wait3A = arith.constant 0 : i32
      %dma_wait3A_64 = arith.constant 0 : i32
      %dma_wait3A_65 = arith.constant 0 : i32
      %dma_wait3A_66 = arith.constant 0 : i32
      %dma_wait3A_67 = tpu.memref_slice %arg5[%dma_wait3A_64, %dma_wait3A_65, %dma_wait3A_66] : memref<2x32x512xi32, #tpu.memory_space<vmem>> -> memref<1x32x512xi32, #tpu.memory_space<vmem>>
      %dma_wait3A_68 = tpu.memref_squeeze %dma_wait3A_67 : memref<1x32x512xi32, #tpu.memory_space<vmem>> -> memref<32x512xi32, #tpu.memory_space<vmem>>
      %dma_wait3A_69 = arith.constant 0 : i32
      %dma_wait3A_70 = arith.constant 0 : i32
      %dma_wait3A_71 = tpu.memref_slice %arg2[%dma_wait3A, %dma_wait3A_69, %dma_wait3A_70] : memref<32x512x512xi32, #tpu.memory_space<hbm>> -> memref<1x32x512xi32, #tpu.memory_space<hbm>>
      %dma_wait3A_72 = tpu.memref_squeeze %dma_wait3A_71 : memref<1x32x512xi32, #tpu.memory_space<hbm>> -> memref<32x512xi32, #tpu.memory_space<hbm>>
      %dma_wait3A_73 = arith.constant 0 : i32
      %dma_wait3A_74 = arith.constant 0 : i32
      %dma_wait3A_75 = tpu.memref_slice %arg5[%dma_wait3A_64, %dma_wait3A_73, %dma_wait3A_74] : memref<2x32x512xi32, #tpu.memory_space<vmem>> -> memref<1x32x512xi32, #tpu.memory_space<vmem>>
      %dma_wait3A_76 = tpu.memref_squeeze %dma_wait3A_75 : memref<1x32x512xi32, #tpu.memory_space<vmem>> -> memref<32x512xi32, #tpu.memory_space<vmem>>
      %dma_wait3A_77 = arith.constant 0 : i32
      %dma_wait3A_78 = arith.constant 0 : i32
      %dma_wait3A_79 = tpu.memref_slice %arg2[%dma_wait3A, %dma_wait3A_77, %dma_wait3A_78] : memref<32x512x512xi32, #tpu.memory_space<hbm>> -> memref<1x32x512xi32, #tpu.memory_space<hbm>>
      %dma_wait3A_80 = tpu.memref_squeeze %dma_wait3A_79 : memref<1x32x512xi32, #tpu.memory_space<hbm>> -> memref<32x512xi32, #tpu.memory_space<hbm>>
      tpu.wait_dma2 semaphore(%arg7 : memref<!tpu.dma_semaphore, #tpu.memory_space<semaphore_mem>>) src(%dma_wait3A_80 : memref<32x512xi32, #tpu.memory_space<hbm>>) dst(%dma_wait3A_76 : memref<32x512xi32, #tpu.memory_space<vmem>>)
      %broadcast_in_dim3A_81 = arith.constant 1 : i32
      %broadcast_in_dim3A_82 = vector.broadcast %broadcast_in_dim3A_81 : i32 to vector<16xi32>
      %scan3A_83 = arith.constant 0 : i32
      %scan3A_84 = arith.constant 0 : i32
      %scan3A_85 = arith.constant 32 : i32
      %scan3A_86 = arith.addi %scan3A_84, %scan3A_85 : i32
      %scan3A_87 = arith.constant 1 : i32
      scf.for %scan3A_130 = %scan3A_84 to %scan3A_86 step %scan3A_87  : i32 {
        %get3A = arith.constant 0 : i32
        %get3A_131 = arith.index_cast %get3A : i32 to index
        %get3A_132 = arith.index_cast %scan3A_130 : i32 to index
        %get3A_133 = arith.constant 0 : index
        %get3A_134 = tpu.vector_load %arg5[%get3A_131, %get3A_132, %get3A_133] {strides = array<i32>} : memref<2x32x512xi32, #tpu.memory_space<vmem>>, vector<16xi32>,
        %get3A_135 = arith.constant 0 : i32
        %get3A_136 = arith.index_cast %get3A_135 : i32 to index
        %get3A_137 = arith.index_cast %scan3A_130 : i32 to index
        %get3A_138 = arith.constant 16 : index
        %get3A_139 = tpu.vector_load %arg5[%get3A_136, %get3A_137, %get3A_138] {strides = array<i32>} : memref<2x32x512xi32, #tpu.memory_space<vmem>>, vector<16xi32>,
        %get3A_140 = arith.constant 0 : i32
        %get3A_141 = arith.index_cast %get3A_140 : i32 to index
        %get3A_142 = arith.index_cast %scan3A_130 : i32 to index
        %get3A_143 = arith.constant 32 : index
        %get3A_144 = tpu.vector_load %arg5[%get3A_141, %get3A_142, %get3A_143] {strides = array<i32>} : memref<2x32x512xi32, #tpu.memory_space<vmem>>, vector<16xi32>,
        %get3A_145 = arith.constant 0 : i32
        %get3A_146 = arith.index_cast %get3A_145 : i32 to index
        %get3A_147 = arith.index_cast %scan3A_130 : i32 to index
        %get3A_148 = arith.constant 48 : index
        %get3A_149 = tpu.vector_load %arg5[%get3A_146, %get3A_147, %get3A_148] {strides = array<i32>} : memref<2x32x512xi32, #tpu.memory_space<vmem>>, vector<16xi32>,
        %get3A_150 = arith.constant 0 : i32
        %get3A_151 = arith.index_cast %get3A_150 : i32 to index
        %get3A_152 = arith.index_cast %scan3A_130 : i32 to index
        %get3A_153 = arith.constant 64 : index
        %get3A_154 = tpu.vector_load %arg5[%get3A_151, %get3A_152, %get3A_153] {strides = array<i32>} : memref<2x32x512xi32, #tpu.memory_space<vmem>>, vector<16xi32>,
        %get3A_155 = arith.constant 0 : i32
        %get3A_156 = arith.index_cast %get3A_155 : i32 to index
        %get3A_157 = arith.index_cast %scan3A_130 : i32 to index
        %get3A_158 = arith.constant 80 : index
        %get3A_159 = tpu.vector_load %arg5[%get3A_156, %get3A_157, %get3A_158] {strides = array<i32>} : memref<2x32x512xi32, #tpu.memory_space<vmem>>, vector<16xi32>,
        %get3A_160 = arith.constant 0 : i32
        %get3A_161 = arith.index_cast %get3A_160 : i32 to index
        %get3A_162 = arith.index_cast %scan3A_130 : i32 to index
        %get3A_163 = arith.constant 96 : index
        %get3A_164 = tpu.vector_load %arg5[%get3A_161, %get3A_162, %get3A_163] {strides = array<i32>} : memref<2x32x512xi32, #tpu.memory_space<vmem>>, vector<16xi32>,
        %get3A_165 = arith.constant 0 : i32
        %get3A_166 = arith.index_cast %get3A_165 : i32 to index
        %get3A_167 = arith.index_cast %scan3A_130 : i32 to index
        %get3A_168 = arith.constant 112 : index
        %get3A_169 = tpu.vector_load %arg5[%get3A_166, %get3A_167, %get3A_168] {strides = array<i32>} : memref<2x32x512xi32, #tpu.memory_space<vmem>>, vector<16xi32>,
        %shift_right_logical3A = arith.constant 5 : i32
        %shift_right_logical3A_170 = vector.broadcast %shift_right_logical3A : i32 to vector<16xi32>
        %shift_right_logical3A_171 = arith.shrui %get3A_134, %shift_right_logical3A_170 : vector<16xi32>
        %and3A = arith.constant 65535 : i32
        %and3A_172 = vector.broadcast %and3A : i32 to vector<16xi32>
        %and3A_173 = arith.andi %shift_right_logical3A_171, %and3A_172 : vector<16xi32>
        %and3A_174 = arith.constant 24 : i32
        %and3A_175 = vector.broadcast %and3A_174 : i32 to vector<16xi32>
        %and3A_176 = arith.andi %get3A_134, %and3A_175 : vector<16xi32>
        %shift_left3A = arith.shli %broadcast_in_dim3A_82, %and3A_176 : vector<16xi32>
        tpu.vector_store_idx %arg4[%and3A_173], %shift_left3A {add = true} : memref<65536xi32, #tpu.memory_space<vmem>>[vector<16xi32>], vector<16xi32>,
        %shift_right_logical3A_177 = arith.constant 5 : i32
        %shift_right_logical3A_178 = vector.broadcast %shift_right_logical3A_177 : i32 to vector<16xi32>
        %shift_right_logical3A_179 = arith.shrui %get3A_139, %shift_right_logical3A_178 : vector<16xi32>
        %and3A_180 = arith.constant 65535 : i32
        %and3A_181 = vector.broadcast %and3A_180 : i32 to vector<16xi32>
        %and3A_182 = arith.andi %shift_right_logical3A_179, %and3A_181 : vector<16xi32>
        %and3A_183 = arith.constant 24 : i32
        %and3A_184 = vector.broadcast %and3A_183 : i32 to vector<16xi32>
        %and3A_185 = arith.andi %get3A_139, %and3A_184 : vector<16xi32>
        %shift_left3A_186 = arith.shli %broadcast_in_dim3A_82, %and3A_185 : vector<16xi32>
        tpu.vector_store_idx %arg4[%and3A_182], %shift_left3A_186 {add = true} : memref<65536xi32, #tpu.memory_space<vmem>>[vector<16xi32>], vector<16xi32>,
        %shift_right_logical3A_187 = arith.constant 5 : i32
        %shift_right_logical3A_188 = vector.broadcast %shift_right_logical3A_187 : i32 to vector<16xi32>
        %shift_right_logical3A_189 = arith.shrui %get3A_144, %shift_right_logical3A_188 : vector<16xi32>
        %and3A_190 = arith.constant 65535 : i32
        %and3A_191 = vector.broadcast %and3A_190 : i32 to vector<16xi32>
        %and3A_192 = arith.andi %shift_right_logical3A_189, %and3A_191 : vector<16xi32>
        %and3A_193 = arith.constant 24 : i32
        %and3A_194 = vector.broadcast %and3A_193 : i32 to vector<16xi32>
        %and3A_195 = arith.andi %get3A_144, %and3A_194 : vector<16xi32>
        %shift_left3A_196 = arith.shli %broadcast_in_dim3A_82, %and3A_195 : vector<16xi32>
        tpu.vector_store_idx %arg4[%and3A_192], %shift_left3A_196 {add = true} : memref<65536xi32, #tpu.memory_space<vmem>>[vector<16xi32>], vector<16xi32>,
        %shift_right_logical3A_197 = arith.constant 5 : i32
        %shift_right_logical3A_198 = vector.broadcast %shift_right_logical3A_197 : i32 to vector<16xi32>
        %shift_right_logical3A_199 = arith.shrui %get3A_149, %shift_right_logical3A_198 : vector<16xi32>
        %and3A_200 = arith.constant 65535 : i32
        %and3A_201 = vector.broadcast %and3A_200 : i32 to vector<16xi32>
        %and3A_202 = arith.andi %shift_right_logical3A_199, %and3A_201 : vector<16xi32>
        %and3A_203 = arith.constant 24 : i32
        %and3A_204 = vector.broadcast %and3A_203 : i32 to vector<16xi32>
        %and3A_205 = arith.andi %get3A_149, %and3A_204 : vector<16xi32>
        %shift_left3A_206 = arith.shli %broadcast_in_dim3A_82, %and3A_205 : vector<16xi32>
        tpu.vector_store_idx %arg4[%and3A_202], %shift_left3A_206 {add = true} : memref<65536xi32, #tpu.memory_space<vmem>>[vector<16xi32>], vector<16xi32>,
        %shift_right_logical3A_207 = arith.constant 5 : i32
        %shift_right_logical3A_208 = vector.broadcast %shift_right_logical3A_207 : i32 to vector<16xi32>
        %shift_right_logical3A_209 = arith.shrui %get3A_154, %shift_right_logical3A_208 : vector<16xi32>
        %and3A_210 = arith.constant 65535 : i32
        %and3A_211 = vector.broadcast %and3A_210 : i32 to vector<16xi32>
        %and3A_212 = arith.andi %shift_right_logical3A_209, %and3A_211 : vector<16xi32>
        %and3A_213 = arith.constant 24 : i32
        %and3A_214 = vector.broadcast %and3A_213 : i32 to vector<16xi32>
        %and3A_215 = arith.andi %get3A_154, %and3A_214 : vector<16xi32>
        %shift_left3A_216 = arith.shli %broadcast_in_dim3A_82, %and3A_215 : vector<16xi32>
        tpu.vector_store_idx %arg4[%and3A_212], %shift_left3A_216 {add = true} : memref<65536xi32, #tpu.memory_space<vmem>>[vector<16xi32>], vector<16xi32>,
        %shift_right_logical3A_217 = arith.constant 5 : i32
        %shift_right_logical3A_218 = vector.broadcast %shift_right_logical3A_217 : i32 to vector<16xi32>
        %shift_right_logical3A_219 = arith.shrui %get3A_159, %shift_right_logical3A_218 : vector<16xi32>
        %and3A_220 = arith.constant 65535 : i32
        %and3A_221 = vector.broadcast %and3A_220 : i32 to vector<16xi32>
        %and3A_222 = arith.andi %shift_right_logical3A_219, %and3A_221 : vector<16xi32>
        %and3A_223 = arith.constant 24 : i32
        %and3A_224 = vector.broadcast %and3A_223 : i32 to vector<16xi32>
        %and3A_225 = arith.andi %get3A_159, %and3A_224 : vector<16xi32>
        %shift_left3A_226 = arith.shli %broadcast_in_dim3A_82, %and3A_225 : vector<16xi32>
        tpu.vector_store_idx %arg4[%and3A_222], %shift_left3A_226 {add = true} : memref<65536xi32, #tpu.memory_space<vmem>>[vector<16xi32>], vector<16xi32>,
        %shift_right_logical3A_227 = arith.constant 5 : i32
        %shift_right_logical3A_228 = vector.broadcast %shift_right_logical3A_227 : i32 to vector<16xi32>
        %shift_right_logical3A_229 = arith.shrui %get3A_164, %shift_right_logical3A_228 : vector<16xi32>
        %and3A_230 = arith.constant 65535 : i32
        %and3A_231 = vector.broadcast %and3A_230 : i32 to vector<16xi32>
        %and3A_232 = arith.andi %shift_right_logical3A_229, %and3A_231 : vector<16xi32>
        %and3A_233 = arith.constant 24 : i32
        %and3A_234 = vector.broadcast %and3A_233 : i32 to vector<16xi32>
        %and3A_235 = arith.andi %get3A_164, %and3A_234 : vector<16xi32>
        %shift_left3A_236 = arith.shli %broadcast_in_dim3A_82, %and3A_235 : vector<16xi32>
        tpu.vector_store_idx %arg4[%and3A_232], %shift_left3A_236 {add = true} : memref<65536xi32, #tpu.memory_space<vmem>>[vector<16xi32>], vector<16xi32>,
        %shift_right_logical3A_237 = arith.constant 5 : i32
        %shift_right_logical3A_238 = vector.broadcast %shift_right_logical3A_237 : i32 to vector<16xi32>
        %shift_right_logical3A_239 = arith.shrui %get3A_169, %shift_right_logical3A_238 : vector<16xi32>
        %and3A_240 = arith.constant 65535 : i32
        %and3A_241 = vector.broadcast %and3A_240 : i32 to vector<16xi32>
        %and3A_242 = arith.andi %shift_right_logical3A_239, %and3A_241 : vector<16xi32>
        %and3A_243 = arith.constant 24 : i32
        %and3A_244 = vector.broadcast %and3A_243 : i32 to vector<16xi32>
        %and3A_245 = arith.andi %get3A_169, %and3A_244 : vector<16xi32>
        %shift_left3A_246 = arith.shli %broadcast_in_dim3A_82, %and3A_245 : vector<16xi32>
        tpu.vector_store_idx %arg4[%and3A_242], %shift_left3A_246 {add = true} : memref<65536xi32, #tpu.memory_space<vmem>>[vector<16xi32>], vector<16xi32>,
        %get3A_247 = arith.constant 0 : i32
        %get3A_248 = arith.index_cast %get3A_247 : i32 to index
        %get3A_249 = arith.index_cast %scan3A_130 : i32 to index
        %get3A_250 = arith.constant 128 : index
        %get3A_251 = tpu.vector_load %arg5[%get3A_248, %get3A_249, %get3A_250] {strides = array<i32>} : memref<2x32x512xi32, #tpu.memory_space<vmem>>, vector<16xi32>,
        %get3A_252 = arith.constant 0 : i32
        %get3A_253 = arith.index_cast %get3A_252 : i32 to index
        %get3A_254 = arith.index_cast %scan3A_130 : i32 to index
        %get3A_255 = arith.constant 144 : index
        %get3A_256 = tpu.vector_load %arg5[%get3A_253, %get3A_254, %get3A_255] {strides = array<i32>} : memref<2x32x512xi32, #tpu.memory_space<vmem>>, vector<16xi32>,
        %get3A_257 = arith.constant 0 : i32
        %get3A_258 = arith.index_cast %get3A_257 : i32 to index
        %get3A_259 = arith.index_cast %scan3A_130 : i32 to index
        %get3A_260 = arith.constant 160 : index
        %get3A_261 = tpu.vector_load %arg5[%get3A_258, %get3A_259, %get3A_260] {strides = array<i32>} : memref<2x32x512xi32, #tpu.memory_space<vmem>>, vector<16xi32>,
        %get3A_262 = arith.constant 0 : i32
        %get3A_263 = arith.index_cast %get3A_262 : i32 to index
        %get3A_264 = arith.index_cast %scan3A_130 : i32 to index
        %get3A_265 = arith.constant 176 : index
        %get3A_266 = tpu.vector_load %arg5[%get3A_263, %get3A_264, %get3A_265] {strides = array<i32>} : memref<2x32x512xi32, #tpu.memory_space<vmem>>, vector<16xi32>,
        %get3A_267 = arith.constant 0 : i32
        %get3A_268 = arith.index_cast %get3A_267 : i32 to index
        %get3A_269 = arith.index_cast %scan3A_130 : i32 to index
        %get3A_270 = arith.constant 192 : index
        %get3A_271 = tpu.vector_load %arg5[%get3A_268, %get3A_269, %get3A_270] {strides = array<i32>} : memref<2x32x512xi32, #tpu.memory_space<vmem>>, vector<16xi32>,
        %get3A_272 = arith.constant 0 : i32
        %get3A_273 = arith.index_cast %get3A_272 : i32 to index
        %get3A_274 = arith.index_cast %scan3A_130 : i32 to index
        %get3A_275 = arith.constant 208 : index
        %get3A_276 = tpu.vector_load %arg5[%get3A_273, %get3A_274, %get3A_275] {strides = array<i32>} : memref<2x32x512xi32, #tpu.memory_space<vmem>>, vector<16xi32>,
        %get3A_277 = arith.constant 0 : i32
        %get3A_278 = arith.index_cast %get3A_277 : i32 to index
        %get3A_279 = arith.index_cast %scan3A_130 : i32 to index
        %get3A_280 = arith.constant 224 : index
        %get3A_281 = tpu.vector_load %arg5[%get3A_278, %get3A_279, %get3A_280] {strides = array<i32>} : memref<2x32x512xi32, #tpu.memory_space<vmem>>, vector<16xi32>,
        %get3A_282 = arith.constant 0 : i32
        %get3A_283 = arith.index_cast %get3A_282 : i32 to index
        %get3A_284 = arith.index_cast %scan3A_130 : i32 to index
        %get3A_285 = arith.constant 240 : index
        %get3A_286 = tpu.vector_load %arg5[%get3A_283, %get3A_284, %get3A_285] {strides = array<i32>} : memref<2x32x512xi32, #tpu.memory_space<vmem>>, vector<16xi32>,
        %shift_right_logical3A_287 = arith.constant 5 : i32
        %shift_right_logical3A_288 = vector.broadcast %shift_right_logical3A_287 : i32 to vector<16xi32>
        %shift_right_logical3A_289 = arith.shrui %get3A_251, %shift_right_logical3A_288 : vector<16xi32>
        %and3A_290 = arith.constant 65535 : i32
        %and3A_291 = vector.broadcast %and3A_290 : i32 to vector<16xi32>
        %and3A_292 = arith.andi %shift_right_logical3A_289, %and3A_291 : vector<16xi32>
        %and3A_293 = arith.constant 24 : i32
        %and3A_294 = vector.broadcast %and3A_293 : i32 to vector<16xi32>
        %and3A_295 = arith.andi %get3A_251, %and3A_294 : vector<16xi32>
        %shift_left3A_296 = arith.shli %broadcast_in_dim3A_82, %and3A_295 : vector<16xi32>
        tpu.vector_store_idx %arg4[%and3A_292], %shift_left3A_296 {add = true} : memref<65536xi32, #tpu.memory_space<vmem>>[vector<16xi32>], vector<16xi32>,
        %shift_right_logical3A_297 = arith.constant 5 : i32
        %shift_right_logical3A_298 = vector.broadcast %shift_right_logical3A_297 : i32 to vector<16xi32>
        %shift_right_logical3A_299 = arith.shrui %get3A_256, %shift_right_logical3A_298 : vector<16xi32>
        %and3A_300 = arith.constant 65535 : i32
        %and3A_301 = vector.broadcast %and3A_300 : i32 to vector<16xi32>
        %and3A_302 = arith.andi %shift_right_logical3A_299, %and3A_301 : vector<16xi32>
        %and3A_303 = arith.constant 24 : i32
        %and3A_304 = vector.broadcast %and3A_303 : i32 to vector<16xi32>
        %and3A_305 = arith.andi %get3A_256, %and3A_304 : vector<16xi32>
        %shift_left3A_306 = arith.shli %broadcast_in_dim3A_82, %and3A_305 : vector<16xi32>
        tpu.vector_store_idx %arg4[%and3A_302], %shift_left3A_306 {add = true} : memref<65536xi32, #tpu.memory_space<vmem>>[vector<16xi32>], vector<16xi32>,
        %shift_right_logical3A_307 = arith.constant 5 : i32
        %shift_right_logical3A_308 = vector.broadcast %shift_right_logical3A_307 : i32 to vector<16xi32>
        %shift_right_logical3A_309 = arith.shrui %get3A_261, %shift_right_logical3A_308 : vector<16xi32>
        %and3A_310 = arith.constant 65535 : i32
        %and3A_311 = vector.broadcast %and3A_310 : i32 to vector<16xi32>
        %and3A_312 = arith.andi %shift_right_logical3A_309, %and3A_311 : vector<16xi32>
        %and3A_313 = arith.constant 24 : i32
        %and3A_314 = vector.broadcast %and3A_313 : i32 to vector<16xi32>
        %and3A_315 = arith.andi %get3A_261, %and3A_314 : vector<16xi32>
        %shift_left3A_316 = arith.shli %broadcast_in_dim3A_82, %and3A_315 : vector<16xi32>
        tpu.vector_store_idx %arg4[%and3A_312], %shift_left3A_316 {add = true} : memref<65536xi32, #tpu.memory_space<vmem>>[vector<16xi32>], vector<16xi32>,
        %shift_right_logical3A_317 = arith.constant 5 : i32
        %shift_right_logical3A_318 = vector.broadcast %shift_right_logical3A_317 : i32 to vector<16xi32>
        %shift_right_logical3A_319 = arith.shrui %get3A_266, %shift_right_logical3A_318 : vector<16xi32>
        %and3A_320 = arith.constant 65535 : i32
        %and3A_321 = vector.broadcast %and3A_320 : i32 to vector<16xi32>
        %and3A_322 = arith.andi %shift_right_logical3A_319, %and3A_321 : vector<16xi32>
        %and3A_323 = arith.constant 24 : i32
        %and3A_324 = vector.broadcast %and3A_323 : i32 to vector<16xi32>
        %and3A_325 = arith.andi %get3A_266, %and3A_324 : vector<16xi32>
        %shift_left3A_326 = arith.shli %broadcast_in_dim3A_82, %and3A_325 : vector<16xi32>
        tpu.vector_store_idx %arg4[%and3A_322], %shift_left3A_326 {add = true} : memref<65536xi32, #tpu.memory_space<vmem>>[vector<16xi32>], vector<16xi32>,
        %shift_right_logical3A_327 = arith.constant 5 : i32
        %shift_right_logical3A_328 = vector.broadcast %shift_right_logical3A_327 : i32 to vector<16xi32>
        %shift_right_logical3A_329 = arith.shrui %get3A_271, %shift_right_logical3A_328 : vector<16xi32>
        %and3A_330 = arith.constant 65535 : i32
        %and3A_331 = vector.broadcast %and3A_330 : i32 to vector<16xi32>
        %and3A_332 = arith.andi %shift_right_logical3A_329, %and3A_331 : vector<16xi32>
        %and3A_333 = arith.constant 24 : i32
        %and3A_334 = vector.broadcast %and3A_333 : i32 to vector<16xi32>
        %and3A_335 = arith.andi %get3A_271, %and3A_334 : vector<16xi32>
        %shift_left3A_336 = arith.shli %broadcast_in_dim3A_82, %and3A_335 : vector<16xi32>
        tpu.vector_store_idx %arg4[%and3A_332], %shift_left3A_336 {add = true} : memref<65536xi32, #tpu.memory_space<vmem>>[vector<16xi32>], vector<16xi32>,
        %shift_right_logical3A_337 = arith.constant 5 : i32
        %shift_right_logical3A_338 = vector.broadcast %shift_right_logical3A_337 : i32 to vector<16xi32>
        %shift_right_logical3A_339 = arith.shrui %get3A_276, %shift_right_logical3A_338 : vector<16xi32>
        %and3A_340 = arith.constant 65535 : i32
        %and3A_341 = vector.broadcast %and3A_340 : i32 to vector<16xi32>
        %and3A_342 = arith.andi %shift_right_logical3A_339, %and3A_341 : vector<16xi32>
        %and3A_343 = arith.constant 24 : i32
        %and3A_344 = vector.broadcast %and3A_343 : i32 to vector<16xi32>
        %and3A_345 = arith.andi %get3A_276, %and3A_344 : vector<16xi32>
        %shift_left3A_346 = arith.shli %broadcast_in_dim3A_82, %and3A_345 : vector<16xi32>
        tpu.vector_store_idx %arg4[%and3A_342], %shift_left3A_346 {add = true} : memref<65536xi32, #tpu.memory_space<vmem>>[vector<16xi32>], vector<16xi32>,
        %shift_right_logical3A_347 = arith.constant 5 : i32
        %shift_right_logical3A_348 = vector.broadcast %shift_right_logical3A_347 : i32 to vector<16xi32>
        %shift_right_logical3A_349 = arith.shrui %get3A_281, %shift_right_logical3A_348 : vector<16xi32>
        %and3A_350 = arith.constant 65535 : i32
        %and3A_351 = vector.broadcast %and3A_350 : i32 to vector<16xi32>
        %and3A_352 = arith.andi %shift_right_logical3A_349, %and3A_351 : vector<16xi32>
        %and3A_353 = arith.constant 24 : i32
        %and3A_354 = vector.broadcast %and3A_353 : i32 to vector<16xi32>
        %and3A_355 = arith.andi %get3A_281, %and3A_354 : vector<16xi32>
        %shift_left3A_356 = arith.shli %broadcast_in_dim3A_82, %and3A_355 : vector<16xi32>
        tpu.vector_store_idx %arg4[%and3A_352], %shift_left3A_356 {add = true} : memref<65536xi32, #tpu.memory_space<vmem>>[vector<16xi32>], vector<16xi32>,
        %shift_right_logical3A_357 = arith.constant 5 : i32
        %shift_right_logical3A_358 = vector.broadcast %shift_right_logical3A_357 : i32 to vector<16xi32>
        %shift_right_logical3A_359 = arith.shrui %get3A_286, %shift_right_logical3A_358 : vector<16xi32>
        %and3A_360 = arith.constant 65535 : i32
        %and3A_361 = vector.broadcast %and3A_360 : i32 to vector<16xi32>
        %and3A_362 = arith.andi %shift_right_logical3A_359, %and3A_361 : vector<16xi32>
        %and3A_363 = arith.constant 24 : i32
        %and3A_364 = vector.broadcast %and3A_363 : i32 to vector<16xi32>
        %and3A_365 = arith.andi %get3A_286, %and3A_364 : vector<16xi32>
        %shift_left3A_366 = arith.shli %broadcast_in_dim3A_82, %and3A_365 : vector<16xi32>
        tpu.vector_store_idx %arg4[%and3A_362], %shift_left3A_366 {add = true} : memref<65536xi32, #tpu.memory_space<vmem>>[vector<16xi32>], vector<16xi32>,
        %get3A_367 = arith.constant 0 : i32
        %get3A_368 = arith.index_cast %get3A_367 : i32 to index
        %get3A_369 = arith.index_cast %scan3A_130 : i32 to index
        %get3A_370 = arith.constant 256 : index
        %get3A_371 = tpu.vector_load %arg5[%get3A_368, %get3A_369, %get3A_370] {strides = array<i32>} : memref<2x32x512xi32, #tpu.memory_space<vmem>>, vector<16xi32>,
        %get3A_372 = arith.constant 0 : i32
        %get3A_373 = arith.index_cast %get3A_372 : i32 to index
        %get3A_374 = arith.index_cast %scan3A_130 : i32 to index
        %get3A_375 = arith.constant 272 : index
        %get3A_376 = tpu.vector_load %arg5[%get3A_373, %get3A_374, %get3A_375] {strides = array<i32>} : memref<2x32x512xi32, #tpu.memory_space<vmem>>, vector<16xi32>,
        %get3A_377 = arith.constant 0 : i32
        %get3A_378 = arith.index_cast %get3A_377 : i32 to index
        %get3A_379 = arith.index_cast %scan3A_130 : i32 to index
        %get3A_380 = arith.constant 288 : index
        %get3A_381 = tpu.vector_load %arg5[%get3A_378, %get3A_379, %get3A_380] {strides = array<i32>} : memref<2x32x512xi32, #tpu.memory_space<vmem>>, vector<16xi32>,
        %get3A_382 = arith.constant 0 : i32
        %get3A_383 = arith.index_cast %get3A_382 : i32 to index
        %get3A_384 = arith.index_cast %scan3A_130 : i32 to index
        %get3A_385 = arith.constant 304 : index
        %get3A_386 = tpu.vector_load %arg5[%get3A_383, %get3A_384, %get3A_385] {strides = array<i32>} : memref<2x32x512xi32, #tpu.memory_space<vmem>>, vector<16xi32>,
        %get3A_387 = arith.constant 0 : i32
        %get3A_388 = arith.index_cast %get3A_387 : i32 to index
        %get3A_389 = arith.index_cast %scan3A_130 : i32 to index
        %get3A_390 = arith.constant 320 : index
        %get3A_391 = tpu.vector_load %arg5[%get3A_388, %get3A_389, %get3A_390] {strides = array<i32>} : memref<2x32x512xi32, #tpu.memory_space<vmem>>, vector<16xi32>,
        %get3A_392 = arith.constant 0 : i32
        %get3A_393 = arith.index_cast %get3A_392 : i32 to index
        %get3A_394 = arith.index_cast %scan3A_130 : i32 to index
        %get3A_395 = arith.constant 336 : index
        %get3A_396 = tpu.vector_load %arg5[%get3A_393, %get3A_394, %get3A_395] {strides = array<i32>} : memref<2x32x512xi32, #tpu.memory_space<vmem>>, vector<16xi32>,
        %get3A_397 = arith.constant 0 : i32
        %get3A_398 = arith.index_cast %get3A_397 : i32 to index
        %get3A_399 = arith.index_cast %scan3A_130 : i32 to index
        %get3A_400 = arith.constant 352 : index
        %get3A_401 = tpu.vector_load %arg5[%get3A_398, %get3A_399, %get3A_400] {strides = array<i32>} : memref<2x32x512xi32, #tpu.memory_space<vmem>>, vector<16xi32>,
        %get3A_402 = arith.constant 0 : i32
        %get3A_403 = arith.index_cast %get3A_402 : i32 to index
        %get3A_404 = arith.index_cast %scan3A_130 : i32 to index
        %get3A_405 = arith.constant 368 : index
        %get3A_406 = tpu.vector_load %arg5[%get3A_403, %get3A_404, %get3A_405] {strides = array<i32>} : memref<2x32x512xi32, #tpu.memory_space<vmem>>, vector<16xi32>,
        %shift_right_logical3A_407 = arith.constant 5 : i32
        %shift_right_logical3A_408 = vector.broadcast %shift_right_logical3A_407 : i32 to vector<16xi32>
        %shift_right_logical3A_409 = arith.shrui %get3A_371, %shift_right_logical3A_408 : vector<16xi32>
        %and3A_410 = arith.constant 65535 : i32
        %and3A_411 = vector.broadcast %and3A_410 : i32 to vector<16xi32>
        %and3A_412 = arith.andi %shift_right_logical3A_409, %and3A_411 : vector<16xi32>
        %and3A_413 = arith.constant 24 : i32
        %and3A_414 = vector.broadcast %and3A_413 : i32 to vector<16xi32>
        %and3A_415 = arith.andi %get3A_371, %and3A_414 : vector<16xi32>
        %shift_left3A_416 = arith.shli %broadcast_in_dim3A_82, %and3A_415 : vector<16xi32>
        tpu.vector_store_idx %arg4[%and3A_412], %shift_left3A_416 {add = true} : memref<65536xi32, #tpu.memory_space<vmem>>[vector<16xi32>], vector<16xi32>,
        %shift_right_logical3A_417 = arith.constant 5 : i32
        %shift_right_logical3A_418 = vector.broadcast %shift_right_logical3A_417 : i32 to vector<16xi32>
        %shift_right_logical3A_419 = arith.shrui %get3A_376, %shift_right_logical3A_418 : vector<16xi32>
        %and3A_420 = arith.constant 65535 : i32
        %and3A_421 = vector.broadcast %and3A_420 : i32 to vector<16xi32>
        %and3A_422 = arith.andi %shift_right_logical3A_419, %and3A_421 : vector<16xi32>
        %and3A_423 = arith.constant 24 : i32
        %and3A_424 = vector.broadcast %and3A_423 : i32 to vector<16xi32>
        %and3A_425 = arith.andi %get3A_376, %and3A_424 : vector<16xi32>
        %shift_left3A_426 = arith.shli %broadcast_in_dim3A_82, %and3A_425 : vector<16xi32>
        tpu.vector_store_idx %arg4[%and3A_422], %shift_left3A_426 {add = true} : memref<65536xi32, #tpu.memory_space<vmem>>[vector<16xi32>], vector<16xi32>,
        %shift_right_logical3A_427 = arith.constant 5 : i32
        %shift_right_logical3A_428 = vector.broadcast %shift_right_logical3A_427 : i32 to vector<16xi32>
        %shift_right_logical3A_429 = arith.shrui %get3A_381, %shift_right_logical3A_428 : vector<16xi32>
        %and3A_430 = arith.constant 65535 : i32
        %and3A_431 = vector.broadcast %and3A_430 : i32 to vector<16xi32>
        %and3A_432 = arith.andi %shift_right_logical3A_429, %and3A_431 : vector<16xi32>
        %and3A_433 = arith.constant 24 : i32
        %and3A_434 = vector.broadcast %and3A_433 : i32 to vector<16xi32>
        %and3A_435 = arith.andi %get3A_381, %and3A_434 : vector<16xi32>
        %shift_left3A_436 = arith.shli %broadcast_in_dim3A_82, %and3A_435 : vector<16xi32>
        tpu.vector_store_idx %arg4[%and3A_432], %shift_left3A_436 {add = true} : memref<65536xi32, #tpu.memory_space<vmem>>[vector<16xi32>], vector<16xi32>,
        %shift_right_logical3A_437 = arith.constant 5 : i32
        %shift_right_logical3A_438 = vector.broadcast %shift_right_logical3A_437 : i32 to vector<16xi32>
        %shift_right_logical3A_439 = arith.shrui %get3A_386, %shift_right_logical3A_438 : vector<16xi32>
        %and3A_440 = arith.constant 65535 : i32
        %and3A_441 = vector.broadcast %and3A_440 : i32 to vector<16xi32>
        %and3A_442 = arith.andi %shift_right_logical3A_439, %and3A_441 : vector<16xi32>
        %and3A_443 = arith.constant 24 : i32
        %and3A_444 = vector.broadcast %and3A_443 : i32 to vector<16xi32>
        %and3A_445 = arith.andi %get3A_386, %and3A_444 : vector<16xi32>
        %shift_left3A_446 = arith.shli %broadcast_in_dim3A_82, %and3A_445 : vector<16xi32>
        tpu.vector_store_idx %arg4[%and3A_442], %shift_left3A_446 {add = true} : memref<65536xi32, #tpu.memory_space<vmem>>[vector<16xi32>], vector<16xi32>,
        %shift_right_logical3A_447 = arith.constant 5 : i32
        %shift_right_logical3A_448 = vector.broadcast %shift_right_logical3A_447 : i32 to vector<16xi32>
        %shift_right_logical3A_449 = arith.shrui %get3A_391, %shift_right_logical3A_448 : vector<16xi32>
        %and3A_450 = arith.constant 65535 : i32
        %and3A_451 = vector.broadcast %and3A_450 : i32 to vector<16xi32>
        %and3A_452 = arith.andi %shift_right_logical3A_449, %and3A_451 : vector<16xi32>
        %and3A_453 = arith.constant 24 : i32
        %and3A_454 = vector.broadcast %and3A_453 : i32 to vector<16xi32>
        %and3A_455 = arith.andi %get3A_391, %and3A_454 : vector<16xi32>
        %shift_left3A_456 = arith.shli %broadcast_in_dim3A_82, %and3A_455 : vector<16xi32>
        tpu.vector_store_idx %arg4[%and3A_452], %shift_left3A_456 {add = true} : memref<65536xi32, #tpu.memory_space<vmem>>[vector<16xi32>], vector<16xi32>,
        %shift_right_logical3A_457 = arith.constant 5 : i32
        %shift_right_logical3A_458 = vector.broadcast %shift_right_logical3A_457 : i32 to vector<16xi32>
        %shift_right_logical3A_459 = arith.shrui %get3A_396, %shift_right_logical3A_458 : vector<16xi32>
        %and3A_460 = arith.constant 65535 : i32
        %and3A_461 = vector.broadcast %and3A_460 : i32 to vector<16xi32>
        %and3A_462 = arith.andi %shift_right_logical3A_459, %and3A_461 : vector<16xi32>
        %and3A_463 = arith.constant 24 : i32
        %and3A_464 = vector.broadcast %and3A_463 : i32 to vector<16xi32>
        %and3A_465 = arith.andi %get3A_396, %and3A_464 : vector<16xi32>
        %shift_left3A_466 = arith.shli %broadcast_in_dim3A_82, %and3A_465 : vector<16xi32>
        tpu.vector_store_idx %arg4[%and3A_462], %shift_left3A_466 {add = true} : memref<65536xi32, #tpu.memory_space<vmem>>[vector<16xi32>], vector<16xi32>,
        %shift_right_logical3A_467 = arith.constant 5 : i32
        %shift_right_logical3A_468 = vector.broadcast %shift_right_logical3A_467 : i32 to vector<16xi32>
        %shift_right_logical3A_469 = arith.shrui %get3A_401, %shift_right_logical3A_468 : vector<16xi32>
        %and3A_470 = arith.constant 65535 : i32
        %and3A_471 = vector.broadcast %and3A_470 : i32 to vector<16xi32>
        %and3A_472 = arith.andi %shift_right_logical3A_469, %and3A_471 : vector<16xi32>
        %and3A_473 = arith.constant 24 : i32
        %and3A_474 = vector.broadcast %and3A_473 : i32 to vector<16xi32>
        %and3A_475 = arith.andi %get3A_401, %and3A_474 : vector<16xi32>
        %shift_left3A_476 = arith.shli %broadcast_in_dim3A_82, %and3A_475 : vector<16xi32>
        tpu.vector_store_idx %arg4[%and3A_472], %shift_left3A_476 {add = true} : memref<65536xi32, #tpu.memory_space<vmem>>[vector<16xi32>], vector<16xi32>,
        %shift_right_logical3A_477 = arith.constant 5 : i32
        %shift_right_logical3A_478 = vector.broadcast %shift_right_logical3A_477 : i32 to vector<16xi32>
        %shift_right_logical3A_479 = arith.shrui %get3A_406, %shift_right_logical3A_478 : vector<16xi32>
        %and3A_480 = arith.constant 65535 : i32
        %and3A_481 = vector.broadcast %and3A_480 : i32 to vector<16xi32>
        %and3A_482 = arith.andi %shift_right_logical3A_479, %and3A_481 : vector<16xi32>
        %and3A_483 = arith.constant 24 : i32
        %and3A_484 = vector.broadcast %and3A_483 : i32 to vector<16xi32>
        %and3A_485 = arith.andi %get3A_406, %and3A_484 : vector<16xi32>
        %shift_left3A_486 = arith.shli %broadcast_in_dim3A_82, %and3A_485 : vector<16xi32>
        tpu.vector_store_idx %arg4[%and3A_482], %shift_left3A_486 {add = true} : memref<65536xi32, #tpu.memory_space<vmem>>[vector<16xi32>], vector<16xi32>,
        %get3A_487 = arith.constant 0 : i32
        %get3A_488 = arith.index_cast %get3A_487 : i32 to index
        %get3A_489 = arith.index_cast %scan3A_130 : i32 to index
        %get3A_490 = arith.constant 384 : index
        %get3A_491 = tpu.vector_load %arg5[%get3A_488, %get3A_489, %get3A_490] {strides = array<i32>} : memref<2x32x512xi32, #tpu.memory_space<vmem>>, vector<16xi32>,
        %get3A_492 = arith.constant 0 : i32
        %get3A_493 = arith.index_cast %get3A_492 : i32 to index
        %get3A_494 = arith.index_cast %scan3A_130 : i32 to index
        %get3A_495 = arith.constant 400 : index
        %get3A_496 = tpu.vector_load %arg5[%get3A_493, %get3A_494, %get3A_495] {strides = array<i32>} : memref<2x32x512xi32, #tpu.memory_space<vmem>>, vector<16xi32>,
        %get3A_497 = arith.constant 0 : i32
        %get3A_498 = arith.index_cast %get3A_497 : i32 to index
        %get3A_499 = arith.index_cast %scan3A_130 : i32 to index
        %get3A_500 = arith.constant 416 : index
        %get3A_501 = tpu.vector_load %arg5[%get3A_498, %get3A_499, %get3A_500] {strides = array<i32>} : memref<2x32x512xi32, #tpu.memory_space<vmem>>, vector<16xi32>,
        %get3A_502 = arith.constant 0 : i32
        %get3A_503 = arith.index_cast %get3A_502 : i32 to index
        %get3A_504 = arith.index_cast %scan3A_130 : i32 to index
        %get3A_505 = arith.constant 432 : index
        %get3A_506 = tpu.vector_load %arg5[%get3A_503, %get3A_504, %get3A_505] {strides = array<i32>} : memref<2x32x512xi32, #tpu.memory_space<vmem>>, vector<16xi32>,
        %get3A_507 = arith.constant 0 : i32
        %get3A_508 = arith.index_cast %get3A_507 : i32 to index
        %get3A_509 = arith.index_cast %scan3A_130 : i32 to index
        %get3A_510 = arith.constant 448 : index
        %get3A_511 = tpu.vector_load %arg5[%get3A_508, %get3A_509, %get3A_510] {strides = array<i32>} : memref<2x32x512xi32, #tpu.memory_space<vmem>>, vector<16xi32>,
        %get3A_512 = arith.constant 0 : i32
        %get3A_513 = arith.index_cast %get3A_512 : i32 to index
        %get3A_514 = arith.index_cast %scan3A_130 : i32 to index
        %get3A_515 = arith.constant 464 : index
        %get3A_516 = tpu.vector_load %arg5[%get3A_513, %get3A_514, %get3A_515] {strides = array<i32>} : memref<2x32x512xi32, #tpu.memory_space<vmem>>, vector<16xi32>,
        %get3A_517 = arith.constant 0 : i32
        %get3A_518 = arith.index_cast %get3A_517 : i32 to index
        %get3A_519 = arith.index_cast %scan3A_130 : i32 to index
        %get3A_520 = arith.constant 480 : index
        %get3A_521 = tpu.vector_load %arg5[%get3A_518, %get3A_519, %get3A_520] {strides = array<i32>} : memref<2x32x512xi32, #tpu.memory_space<vmem>>, vector<16xi32>,
        %get3A_522 = arith.constant 0 : i32
        %get3A_523 = arith.index_cast %get3A_522 : i32 to index
        %get3A_524 = arith.index_cast %scan3A_130 : i32 to index
        %get3A_525 = arith.constant 496 : index
        %get3A_526 = tpu.vector_load %arg5[%get3A_523, %get3A_524, %get3A_525] {strides = array<i32>} : memref<2x32x512xi32, #tpu.memory_space<vmem>>, vector<16xi32>,
        %shift_right_logical3A_527 = arith.constant 5 : i32
        %shift_right_logical3A_528 = vector.broadcast %shift_right_logical3A_527 : i32 to vector<16xi32>
        %shift_right_logical3A_529 = arith.shrui %get3A_491, %shift_right_logical3A_528 : vector<16xi32>
        %and3A_530 = arith.constant 65535 : i32
        %and3A_531 = vector.broadcast %and3A_530 : i32 to vector<16xi32>
        %and3A_532 = arith.andi %shift_right_logical3A_529, %and3A_531 : vector<16xi32>
        %and3A_533 = arith.constant 24 : i32
        %and3A_534 = vector.broadcast %and3A_533 : i32 to vector<16xi32>
        %and3A_535 = arith.andi %get3A_491, %and3A_534 : vector<16xi32>
        %shift_left3A_536 = arith.shli %broadcast_in_dim3A_82, %and3A_535 : vector<16xi32>
        tpu.vector_store_idx %arg4[%and3A_532], %shift_left3A_536 {add = true} : memref<65536xi32, #tpu.memory_space<vmem>>[vector<16xi32>], vector<16xi32>,
        %shift_right_logical3A_537 = arith.constant 5 : i32
        %shift_right_logical3A_538 = vector.broadcast %shift_right_logical3A_537 : i32 to vector<16xi32>
        %shift_right_logical3A_539 = arith.shrui %get3A_496, %shift_right_logical3A_538 : vector<16xi32>
        %and3A_540 = arith.constant 65535 : i32
        %and3A_541 = vector.broadcast %and3A_540 : i32 to vector<16xi32>
        %and3A_542 = arith.andi %shift_right_logical3A_539, %and3A_541 : vector<16xi32>
        %and3A_543 = arith.constant 24 : i32
        %and3A_544 = vector.broadcast %and3A_543 : i32 to vector<16xi32>
        %and3A_545 = arith.andi %get3A_496, %and3A_544 : vector<16xi32>
        %shift_left3A_546 = arith.shli %broadcast_in_dim3A_82, %and3A_545 : vector<16xi32>
        tpu.vector_store_idx %arg4[%and3A_542], %shift_left3A_546 {add = true} : memref<65536xi32, #tpu.memory_space<vmem>>[vector<16xi32>], vector<16xi32>,
        %shift_right_logical3A_547 = arith.constant 5 : i32
        %shift_right_logical3A_548 = vector.broadcast %shift_right_logical3A_547 : i32 to vector<16xi32>
        %shift_right_logical3A_549 = arith.shrui %get3A_501, %shift_right_logical3A_548 : vector<16xi32>
        %and3A_550 = arith.constant 65535 : i32
        %and3A_551 = vector.broadcast %and3A_550 : i32 to vector<16xi32>
        %and3A_552 = arith.andi %shift_right_logical3A_549, %and3A_551 : vector<16xi32>
        %and3A_553 = arith.constant 24 : i32
        %and3A_554 = vector.broadcast %and3A_553 : i32 to vector<16xi32>
        %and3A_555 = arith.andi %get3A_501, %and3A_554 : vector<16xi32>
        %shift_left3A_556 = arith.shli %broadcast_in_dim3A_82, %and3A_555 : vector<16xi32>
        tpu.vector_store_idx %arg4[%and3A_552], %shift_left3A_556 {add = true} : memref<65536xi32, #tpu.memory_space<vmem>>[vector<16xi32>], vector<16xi32>,
        %shift_right_logical3A_557 = arith.constant 5 : i32
        %shift_right_logical3A_558 = vector.broadcast %shift_right_logical3A_557 : i32 to vector<16xi32>
        %shift_right_logical3A_559 = arith.shrui %get3A_506, %shift_right_logical3A_558 : vector<16xi32>
        %and3A_560 = arith.constant 65535 : i32
        %and3A_561 = vector.broadcast %and3A_560 : i32 to vector<16xi32>
        %and3A_562 = arith.andi %shift_right_logical3A_559, %and3A_561 : vector<16xi32>
        %and3A_563 = arith.constant 24 : i32
        %and3A_564 = vector.broadcast %and3A_563 : i32 to vector<16xi32>
        %and3A_565 = arith.andi %get3A_506, %and3A_564 : vector<16xi32>
        %shift_left3A_566 = arith.shli %broadcast_in_dim3A_82, %and3A_565 : vector<16xi32>
        tpu.vector_store_idx %arg4[%and3A_562], %shift_left3A_566 {add = true} : memref<65536xi32, #tpu.memory_space<vmem>>[vector<16xi32>], vector<16xi32>,
        %shift_right_logical3A_567 = arith.constant 5 : i32
        %shift_right_logical3A_568 = vector.broadcast %shift_right_logical3A_567 : i32 to vector<16xi32>
        %shift_right_logical3A_569 = arith.shrui %get3A_511, %shift_right_logical3A_568 : vector<16xi32>
        %and3A_570 = arith.constant 65535 : i32
        %and3A_571 = vector.broadcast %and3A_570 : i32 to vector<16xi32>
        %and3A_572 = arith.andi %shift_right_logical3A_569, %and3A_571 : vector<16xi32>
        %and3A_573 = arith.constant 24 : i32
        %and3A_574 = vector.broadcast %and3A_573 : i32 to vector<16xi32>
        %and3A_575 = arith.andi %get3A_511, %and3A_574 : vector<16xi32>
        %shift_left3A_576 = arith.shli %broadcast_in_dim3A_82, %and3A_575 : vector<16xi32>
        tpu.vector_store_idx %arg4[%and3A_572], %shift_left3A_576 {add = true} : memref<65536xi32, #tpu.memory_space<vmem>>[vector<16xi32>], vector<16xi32>,
        %shift_right_logical3A_577 = arith.constant 5 : i32
        %shift_right_logical3A_578 = vector.broadcast %shift_right_logical3A_577 : i32 to vector<16xi32>
        %shift_right_logical3A_579 = arith.shrui %get3A_516, %shift_right_logical3A_578 : vector<16xi32>
        %and3A_580 = arith.constant 65535 : i32
        %and3A_581 = vector.broadcast %and3A_580 : i32 to vector<16xi32>
        %and3A_582 = arith.andi %shift_right_logical3A_579, %and3A_581 : vector<16xi32>
        %and3A_583 = arith.constant 24 : i32
        %and3A_584 = vector.broadcast %and3A_583 : i32 to vector<16xi32>
        %and3A_585 = arith.andi %get3A_516, %and3A_584 : vector<16xi32>
        %shift_left3A_586 = arith.shli %broadcast_in_dim3A_82, %and3A_585 : vector<16xi32>
        tpu.vector_store_idx %arg4[%and3A_582], %shift_left3A_586 {add = true} : memref<65536xi32, #tpu.memory_space<vmem>>[vector<16xi32>], vector<16xi32>,
        %shift_right_logical3A_587 = arith.constant 5 : i32
        %shift_right_logical3A_588 = vector.broadcast %shift_right_logical3A_587 : i32 to vector<16xi32>
        %shift_right_logical3A_589 = arith.shrui %get3A_521, %shift_right_logical3A_588 : vector<16xi32>
        %and3A_590 = arith.constant 65535 : i32
        %and3A_591 = vector.broadcast %and3A_590 : i32 to vector<16xi32>
        %and3A_592 = arith.andi %shift_right_logical3A_589, %and3A_591 : vector<16xi32>
        %and3A_593 = arith.constant 24 : i32
        %and3A_594 = vector.broadcast %and3A_593 : i32 to vector<16xi32>
        %and3A_595 = arith.andi %get3A_521, %and3A_594 : vector<16xi32>
        %shift_left3A_596 = arith.shli %broadcast_in_dim3A_82, %and3A_595 : vector<16xi32>
        tpu.vector_store_idx %arg4[%and3A_592], %shift_left3A_596 {add = true} : memref<65536xi32, #tpu.memory_space<vmem>>[vector<16xi32>], vector<16xi32>,
        %shift_right_logical3A_597 = arith.constant 5 : i32
        %shift_right_logical3A_598 = vector.broadcast %shift_right_logical3A_597 : i32 to vector<16xi32>
        %shift_right_logical3A_599 = arith.shrui %get3A_526, %shift_right_logical3A_598 : vector<16xi32>
        %and3A_600 = arith.constant 65535 : i32
        %and3A_601 = vector.broadcast %and3A_600 : i32 to vector<16xi32>
        %and3A_602 = arith.andi %shift_right_logical3A_599, %and3A_601 : vector<16xi32>
        %and3A_603 = arith.constant 24 : i32
        %and3A_604 = vector.broadcast %and3A_603 : i32 to vector<16xi32>
        %and3A_605 = arith.andi %get3A_526, %and3A_604 : vector<16xi32>
        %shift_left3A_606 = arith.shli %broadcast_in_dim3A_82, %and3A_605 : vector<16xi32>
        tpu.vector_store_idx %arg4[%and3A_602], %shift_left3A_606 {add = true} : memref<65536xi32, #tpu.memory_space<vmem>>[vector<16xi32>], vector<16xi32>,
      }
      %scan3A_88 = arith.constant 32 : i32
      %add3A_89 = arith.constant 2 : i32
      %add3A_90 = arith.addi %add3A_63, %add3A_89 : i32
      %lt3A = arith.constant 16 : i32
      %lt3A_91 = arith.cmpi slt, %add3A_90, %lt3A : i32
      %convert_element_type3A = arith.extui %lt3A_91 : i1 to i32
      %cond3A = arith.constant 0 : i32
      %cond3A_92 = arith.cmpi ne, %convert_element_type3A, %cond3A : i32
      scf.if %cond3A_92 {
        %add3A_130 = arith.constant 2 : i32
        %add3A_131 = arith.addi %add3A_63, %add3A_130 : i32
        %mul3A_132 = arith.constant 32 : i32
        %mul3A_133 = arith.muli %add3A_131, %mul3A_132 : i32
        %dma_start3A_134 = arith.constant 0 : i32
        %dma_start3A_135 = arith.constant 0 : i32
        %dma_start3A_136 = arith.constant 0 : i32
        %dma_start3A_137 = tpu.memref_slice %arg5[%dma_start3A_134, %dma_start3A_135, %dma_start3A_136] : memref<2x32x512xi32, #tpu.memory_space<vmem>> -> memref<1x32x512xi32, #tpu.memory_space<vmem>>
        %dma_start3A_138 = tpu.memref_squeeze %dma_start3A_137 : memref<1x32x512xi32, #tpu.memory_space<vmem>> -> memref<32x512xi32, #tpu.memory_space<vmem>>
        %dma_start3A_139 = arith.constant 0 : i32
        %dma_start3A_140 = tpu.memref_slice %arg2[%add3A_7, %mul3A_133, %dma_start3A_139] : memref<32x512x512xi32, #tpu.memory_space<hbm>> -> memref<1x32x512xi32, #tpu.memory_space<hbm>>
        %dma_start3A_141 = tpu.memref_squeeze %dma_start3A_140 : memref<1x32x512xi32, #tpu.memory_space<hbm>> -> memref<32x512xi32, #tpu.memory_space<hbm>>
        %dma_start3A_142 = arith.constant 0 : i32
        %dma_start3A_143 = arith.constant 0 : i32
        %dma_start3A_144 = tpu.memref_slice %arg5[%dma_start3A_134, %dma_start3A_142, %dma_start3A_143] : memref<2x32x512xi32, #tpu.memory_space<vmem>> -> memref<1x32x512xi32, #tpu.memory_space<vmem>>
        %dma_start3A_145 = tpu.memref_squeeze %dma_start3A_144 : memref<1x32x512xi32, #tpu.memory_space<vmem>> -> memref<32x512xi32, #tpu.memory_space<vmem>>
        %dma_start3A_146 = arith.constant 0 : i32
        %dma_start3A_147 = tpu.memref_slice %arg2[%add3A_7, %mul3A_133, %dma_start3A_146] : memref<32x512x512xi32, #tpu.memory_space<hbm>> -> memref<1x32x512xi32, #tpu.memory_space<hbm>>
        %dma_start3A_148 = tpu.memref_squeeze %dma_start3A_147 : memref<1x32x512xi32, #tpu.memory_space<hbm>> -> memref<32x512xi32, #tpu.memory_space<hbm>>
        tpu.enqueue_dma source(%dma_start3A_148 : memref<32x512xi32, #tpu.memory_space<hbm>>) target(%dma_start3A_145 : memref<32x512xi32, #tpu.memory_space<vmem>>) target_semaphore(%arg7 : memref<!tpu.dma_semaphore, #tpu.memory_space<semaphore_mem>>)
      } else {
      }
      %mul3A_93 = arith.constant 2 : i32
      %mul3A_94 = arith.muli %scan3A_59, %mul3A_93 : i32
      %add3A_95 = arith.constant 1 : i32
      %add3A_96 = arith.addi %mul3A_94, %add3A_95 : i32
      %dma_wait3A_97 = arith.constant 0 : i32
      %dma_wait3A_98 = arith.constant 1 : i32
      %dma_wait3A_99 = arith.constant 0 : i32
      %dma_wait3A_100 = arith.constant 0 : i32
      %dma_wait3A_101 = tpu.memref_slice %arg5[%dma_wait3A_98, %dma_wait3A_99, %dma_wait3A_100] : memref<2x32x512xi32, #tpu.memory_space<vmem>> -> memref<1x32x512xi32, #tpu.memory_space<vmem>>
      %dma_wait3A_102 = tpu.memref_squeeze %dma_wait3A_101 : memref<1x32x512xi32, #tpu.memory_space<vmem>> -> memref<32x512xi32, #tpu.memory_space<vmem>>
      %dma_wait3A_103 = arith.constant 0 : i32
      %dma_wait3A_104 = arith.constant 0 : i32
      %dma_wait3A_105 = tpu.memref_slice %arg2[%dma_wait3A_97, %dma_wait3A_103, %dma_wait3A_104] : memref<32x512x512xi32, #tpu.memory_space<hbm>> -> memref<1x32x512xi32, #tpu.memory_space<hbm>>
      %dma_wait3A_106 = tpu.memref_squeeze %dma_wait3A_105 : memref<1x32x512xi32, #tpu.memory_space<hbm>> -> memref<32x512xi32, #tpu.memory_space<hbm>>
      %dma_wait3A_107 = arith.constant 0 : i32
      %dma_wait3A_108 = arith.constant 0 : i32
      %dma_wait3A_109 = tpu.memref_slice %arg5[%dma_wait3A_98, %dma_wait3A_107, %dma_wait3A_108] : memref<2x32x512xi32, #tpu.memory_space<vmem>> -> memref<1x32x512xi32, #tpu.memory_space<vmem>>
      %dma_wait3A_110 = tpu.memref_squeeze %dma_wait3A_109 : memref<1x32x512xi32, #tpu.memory_space<vmem>> -> memref<32x512xi32, #tpu.memory_space<vmem>>
      %dma_wait3A_111 = arith.constant 0 : i32
      %dma_wait3A_112 = arith.constant 0 : i32
      %dma_wait3A_113 = tpu.memref_slice %arg2[%dma_wait3A_97, %dma_wait3A_111, %dma_wait3A_112] : memref<32x512x512xi32, #tpu.memory_space<hbm>> -> memref<1x32x512xi32, #tpu.memory_space<hbm>>
      %dma_wait3A_114 = tpu.memref_squeeze %dma_wait3A_113 : memref<1x32x512xi32, #tpu.memory_space<hbm>> -> memref<32x512xi32, #tpu.memory_space<hbm>>
      tpu.wait_dma2 semaphore(%arg8 : memref<!tpu.dma_semaphore, #tpu.memory_space<semaphore_mem>>) src(%dma_wait3A_114 : memref<32x512xi32, #tpu.memory_space<hbm>>) dst(%dma_wait3A_110 : memref<32x512xi32, #tpu.memory_space<vmem>>)
      %broadcast_in_dim3A_115 = arith.constant 1 : i32
      %broadcast_in_dim3A_116 = vector.broadcast %broadcast_in_dim3A_115 : i32 to vector<16xi32>
      %scan3A_117 = arith.constant 0 : i32
      %scan3A_118 = arith.constant 0 : i32
      %scan3A_119 = arith.constant 32 : i32
      %scan3A_120 = arith.addi %scan3A_118, %scan3A_119 : i32
      %scan3A_121 = arith.constant 1 : i32
      scf.for %scan3A_130 = %scan3A_118 to %scan3A_120 step %scan3A_121  : i32 {
        %get3A = arith.constant 1 : i32
        %get3A_131 = arith.index_cast %get3A : i32 to index
        %get3A_132 = arith.index_cast %scan3A_130 : i32 to index
        %get3A_133 = arith.constant 0 : index
        %get3A_134 = tpu.vector_load %arg5[%get3A_131, %get3A_132, %get3A_133] {strides = array<i32>} : memref<2x32x512xi32, #tpu.memory_space<vmem>>, vector<16xi32>,
        %get3A_135 = arith.constant 1 : i32
        %get3A_136 = arith.index_cast %get3A_135 : i32 to index
        %get3A_137 = arith.index_cast %scan3A_130 : i32 to index
        %get3A_138 = arith.constant 16 : index
        %get3A_139 = tpu.vector_load %arg5[%get3A_136, %get3A_137, %get3A_138] {strides = array<i32>} : memref<2x32x512xi32, #tpu.memory_space<vmem>>, vector<16xi32>,
        %get3A_140 = arith.constant 1 : i32
        %get3A_141 = arith.index_cast %get3A_140 : i32 to index
        %get3A_142 = arith.index_cast %scan3A_130 : i32 to index
        %get3A_143 = arith.constant 32 : index
        %get3A_144 = tpu.vector_load %arg5[%get3A_141, %get3A_142, %get3A_143] {strides = array<i32>} : memref<2x32x512xi32, #tpu.memory_space<vmem>>, vector<16xi32>,
        %get3A_145 = arith.constant 1 : i32
        %get3A_146 = arith.index_cast %get3A_145 : i32 to index
        %get3A_147 = arith.index_cast %scan3A_130 : i32 to index
        %get3A_148 = arith.constant 48 : index
        %get3A_149 = tpu.vector_load %arg5[%get3A_146, %get3A_147, %get3A_148] {strides = array<i32>} : memref<2x32x512xi32, #tpu.memory_space<vmem>>, vector<16xi32>,
        %get3A_150 = arith.constant 1 : i32
        %get3A_151 = arith.index_cast %get3A_150 : i32 to index
        %get3A_152 = arith.index_cast %scan3A_130 : i32 to index
        %get3A_153 = arith.constant 64 : index
        %get3A_154 = tpu.vector_load %arg5[%get3A_151, %get3A_152, %get3A_153] {strides = array<i32>} : memref<2x32x512xi32, #tpu.memory_space<vmem>>, vector<16xi32>,
        %get3A_155 = arith.constant 1 : i32
        %get3A_156 = arith.index_cast %get3A_155 : i32 to index
        %get3A_157 = arith.index_cast %scan3A_130 : i32 to index
        %get3A_158 = arith.constant 80 : index
        %get3A_159 = tpu.vector_load %arg5[%get3A_156, %get3A_157, %get3A_158] {strides = array<i32>} : memref<2x32x512xi32, #tpu.memory_space<vmem>>, vector<16xi32>,
        %get3A_160 = arith.constant 1 : i32
        %get3A_161 = arith.index_cast %get3A_160 : i32 to index
        %get3A_162 = arith.index_cast %scan3A_130 : i32 to index
        %get3A_163 = arith.constant 96 : index
        %get3A_164 = tpu.vector_load %arg5[%get3A_161, %get3A_162, %get3A_163] {strides = array<i32>} : memref<2x32x512xi32, #tpu.memory_space<vmem>>, vector<16xi32>,
        %get3A_165 = arith.constant 1 : i32
        %get3A_166 = arith.index_cast %get3A_165 : i32 to index
        %get3A_167 = arith.index_cast %scan3A_130 : i32 to index
        %get3A_168 = arith.constant 112 : index
        %get3A_169 = tpu.vector_load %arg5[%get3A_166, %get3A_167, %get3A_168] {strides = array<i32>} : memref<2x32x512xi32, #tpu.memory_space<vmem>>, vector<16xi32>,
        %shift_right_logical3A = arith.constant 5 : i32
        %shift_right_logical3A_170 = vector.broadcast %shift_right_logical3A : i32 to vector<16xi32>
        %shift_right_logical3A_171 = arith.shrui %get3A_134, %shift_right_logical3A_170 : vector<16xi32>
        %and3A = arith.constant 65535 : i32
        %and3A_172 = vector.broadcast %and3A : i32 to vector<16xi32>
        %and3A_173 = arith.andi %shift_right_logical3A_171, %and3A_172 : vector<16xi32>
        %and3A_174 = arith.constant 24 : i32
        %and3A_175 = vector.broadcast %and3A_174 : i32 to vector<16xi32>
        %and3A_176 = arith.andi %get3A_134, %and3A_175 : vector<16xi32>
        %shift_left3A = arith.shli %broadcast_in_dim3A_116, %and3A_176 : vector<16xi32>
        tpu.vector_store_idx %arg4[%and3A_173], %shift_left3A {add = true} : memref<65536xi32, #tpu.memory_space<vmem>>[vector<16xi32>], vector<16xi32>,
        %shift_right_logical3A_177 = arith.constant 5 : i32
        %shift_right_logical3A_178 = vector.broadcast %shift_right_logical3A_177 : i32 to vector<16xi32>
        %shift_right_logical3A_179 = arith.shrui %get3A_139, %shift_right_logical3A_178 : vector<16xi32>
        %and3A_180 = arith.constant 65535 : i32
        %and3A_181 = vector.broadcast %and3A_180 : i32 to vector<16xi32>
        %and3A_182 = arith.andi %shift_right_logical3A_179, %and3A_181 : vector<16xi32>
        %and3A_183 = arith.constant 24 : i32
        %and3A_184 = vector.broadcast %and3A_183 : i32 to vector<16xi32>
        %and3A_185 = arith.andi %get3A_139, %and3A_184 : vector<16xi32>
        %shift_left3A_186 = arith.shli %broadcast_in_dim3A_116, %and3A_185 : vector<16xi32>
        tpu.vector_store_idx %arg4[%and3A_182], %shift_left3A_186 {add = true} : memref<65536xi32, #tpu.memory_space<vmem>>[vector<16xi32>], vector<16xi32>,
        %shift_right_logical3A_187 = arith.constant 5 : i32
        %shift_right_logical3A_188 = vector.broadcast %shift_right_logical3A_187 : i32 to vector<16xi32>
        %shift_right_logical3A_189 = arith.shrui %get3A_144, %shift_right_logical3A_188 : vector<16xi32>
        %and3A_190 = arith.constant 65535 : i32
        %and3A_191 = vector.broadcast %and3A_190 : i32 to vector<16xi32>
        %and3A_192 = arith.andi %shift_right_logical3A_189, %and3A_191 : vector<16xi32>
        %and3A_193 = arith.constant 24 : i32
        %and3A_194 = vector.broadcast %and3A_193 : i32 to vector<16xi32>
        %and3A_195 = arith.andi %get3A_144, %and3A_194 : vector<16xi32>
        %shift_left3A_196 = arith.shli %broadcast_in_dim3A_116, %and3A_195 : vector<16xi32>
        tpu.vector_store_idx %arg4[%and3A_192], %shift_left3A_196 {add = true} : memref<65536xi32, #tpu.memory_space<vmem>>[vector<16xi32>], vector<16xi32>,
        %shift_right_logical3A_197 = arith.constant 5 : i32
        %shift_right_logical3A_198 = vector.broadcast %shift_right_logical3A_197 : i32 to vector<16xi32>
        %shift_right_logical3A_199 = arith.shrui %get3A_149, %shift_right_logical3A_198 : vector<16xi32>
        %and3A_200 = arith.constant 65535 : i32
        %and3A_201 = vector.broadcast %and3A_200 : i32 to vector<16xi32>
        %and3A_202 = arith.andi %shift_right_logical3A_199, %and3A_201 : vector<16xi32>
        %and3A_203 = arith.constant 24 : i32
        %and3A_204 = vector.broadcast %and3A_203 : i32 to vector<16xi32>
        %and3A_205 = arith.andi %get3A_149, %and3A_204 : vector<16xi32>
        %shift_left3A_206 = arith.shli %broadcast_in_dim3A_116, %and3A_205 : vector<16xi32>
        tpu.vector_store_idx %arg4[%and3A_202], %shift_left3A_206 {add = true} : memref<65536xi32, #tpu.memory_space<vmem>>[vector<16xi32>], vector<16xi32>,
        %shift_right_logical3A_207 = arith.constant 5 : i32
        %shift_right_logical3A_208 = vector.broadcast %shift_right_logical3A_207 : i32 to vector<16xi32>
        %shift_right_logical3A_209 = arith.shrui %get3A_154, %shift_right_logical3A_208 : vector<16xi32>
        %and3A_210 = arith.constant 65535 : i32
        %and3A_211 = vector.broadcast %and3A_210 : i32 to vector<16xi32>
        %and3A_212 = arith.andi %shift_right_logical3A_209, %and3A_211 : vector<16xi32>
        %and3A_213 = arith.constant 24 : i32
        %and3A_214 = vector.broadcast %and3A_213 : i32 to vector<16xi32>
        %and3A_215 = arith.andi %get3A_154, %and3A_214 : vector<16xi32>
        %shift_left3A_216 = arith.shli %broadcast_in_dim3A_116, %and3A_215 : vector<16xi32>
        tpu.vector_store_idx %arg4[%and3A_212], %shift_left3A_216 {add = true} : memref<65536xi32, #tpu.memory_space<vmem>>[vector<16xi32>], vector<16xi32>,
        %shift_right_logical3A_217 = arith.constant 5 : i32
        %shift_right_logical3A_218 = vector.broadcast %shift_right_logical3A_217 : i32 to vector<16xi32>
        %shift_right_logical3A_219 = arith.shrui %get3A_159, %shift_right_logical3A_218 : vector<16xi32>
        %and3A_220 = arith.constant 65535 : i32
        %and3A_221 = vector.broadcast %and3A_220 : i32 to vector<16xi32>
        %and3A_222 = arith.andi %shift_right_logical3A_219, %and3A_221 : vector<16xi32>
        %and3A_223 = arith.constant 24 : i32
        %and3A_224 = vector.broadcast %and3A_223 : i32 to vector<16xi32>
        %and3A_225 = arith.andi %get3A_159, %and3A_224 : vector<16xi32>
        %shift_left3A_226 = arith.shli %broadcast_in_dim3A_116, %and3A_225 : vector<16xi32>
        tpu.vector_store_idx %arg4[%and3A_222], %shift_left3A_226 {add = true} : memref<65536xi32, #tpu.memory_space<vmem>>[vector<16xi32>], vector<16xi32>,
        %shift_right_logical3A_227 = arith.constant 5 : i32
        %shift_right_logical3A_228 = vector.broadcast %shift_right_logical3A_227 : i32 to vector<16xi32>
        %shift_right_logical3A_229 = arith.shrui %get3A_164, %shift_right_logical3A_228 : vector<16xi32>
        %and3A_230 = arith.constant 65535 : i32
        %and3A_231 = vector.broadcast %and3A_230 : i32 to vector<16xi32>
        %and3A_232 = arith.andi %shift_right_logical3A_229, %and3A_231 : vector<16xi32>
        %and3A_233 = arith.constant 24 : i32
        %and3A_234 = vector.broadcast %and3A_233 : i32 to vector<16xi32>
        %and3A_235 = arith.andi %get3A_164, %and3A_234 : vector<16xi32>
        %shift_left3A_236 = arith.shli %broadcast_in_dim3A_116, %and3A_235 : vector<16xi32>
        tpu.vector_store_idx %arg4[%and3A_232], %shift_left3A_236 {add = true} : memref<65536xi32, #tpu.memory_space<vmem>>[vector<16xi32>], vector<16xi32>,
        %shift_right_logical3A_237 = arith.constant 5 : i32
        %shift_right_logical3A_238 = vector.broadcast %shift_right_logical3A_237 : i32 to vector<16xi32>
        %shift_right_logical3A_239 = arith.shrui %get3A_169, %shift_right_logical3A_238 : vector<16xi32>
        %and3A_240 = arith.constant 65535 : i32
        %and3A_241 = vector.broadcast %and3A_240 : i32 to vector<16xi32>
        %and3A_242 = arith.andi %shift_right_logical3A_239, %and3A_241 : vector<16xi32>
        %and3A_243 = arith.constant 24 : i32
        %and3A_244 = vector.broadcast %and3A_243 : i32 to vector<16xi32>
        %and3A_245 = arith.andi %get3A_169, %and3A_244 : vector<16xi32>
        %shift_left3A_246 = arith.shli %broadcast_in_dim3A_116, %and3A_245 : vector<16xi32>
        tpu.vector_store_idx %arg4[%and3A_242], %shift_left3A_246 {add = true} : memref<65536xi32, #tpu.memory_space<vmem>>[vector<16xi32>], vector<16xi32>,
        %get3A_247 = arith.constant 1 : i32
        %get3A_248 = arith.index_cast %get3A_247 : i32 to index
        %get3A_249 = arith.index_cast %scan3A_130 : i32 to index
        %get3A_250 = arith.constant 128 : index
        %get3A_251 = tpu.vector_load %arg5[%get3A_248, %get3A_249, %get3A_250] {strides = array<i32>} : memref<2x32x512xi32, #tpu.memory_space<vmem>>, vector<16xi32>,
        %get3A_252 = arith.constant 1 : i32
        %get3A_253 = arith.index_cast %get3A_252 : i32 to index
        %get3A_254 = arith.index_cast %scan3A_130 : i32 to index
        %get3A_255 = arith.constant 144 : index
        %get3A_256 = tpu.vector_load %arg5[%get3A_253, %get3A_254, %get3A_255] {strides = array<i32>} : memref<2x32x512xi32, #tpu.memory_space<vmem>>, vector<16xi32>,
        %get3A_257 = arith.constant 1 : i32
        %get3A_258 = arith.index_cast %get3A_257 : i32 to index
        %get3A_259 = arith.index_cast %scan3A_130 : i32 to index
        %get3A_260 = arith.constant 160 : index
        %get3A_261 = tpu.vector_load %arg5[%get3A_258, %get3A_259, %get3A_260] {strides = array<i32>} : memref<2x32x512xi32, #tpu.memory_space<vmem>>, vector<16xi32>,
        %get3A_262 = arith.constant 1 : i32
        %get3A_263 = arith.index_cast %get3A_262 : i32 to index
        %get3A_264 = arith.index_cast %scan3A_130 : i32 to index
        %get3A_265 = arith.constant 176 : index
        %get3A_266 = tpu.vector_load %arg5[%get3A_263, %get3A_264, %get3A_265] {strides = array<i32>} : memref<2x32x512xi32, #tpu.memory_space<vmem>>, vector<16xi32>,
        %get3A_267 = arith.constant 1 : i32
        %get3A_268 = arith.index_cast %get3A_267 : i32 to index
        %get3A_269 = arith.index_cast %scan3A_130 : i32 to index
        %get3A_270 = arith.constant 192 : index
        %get3A_271 = tpu.vector_load %arg5[%get3A_268, %get3A_269, %get3A_270] {strides = array<i32>} : memref<2x32x512xi32, #tpu.memory_space<vmem>>, vector<16xi32>,
        %get3A_272 = arith.constant 1 : i32
        %get3A_273 = arith.index_cast %get3A_272 : i32 to index
        %get3A_274 = arith.index_cast %scan3A_130 : i32 to index
        %get3A_275 = arith.constant 208 : index
        %get3A_276 = tpu.vector_load %arg5[%get3A_273, %get3A_274, %get3A_275] {strides = array<i32>} : memref<2x32x512xi32, #tpu.memory_space<vmem>>, vector<16xi32>,
        %get3A_277 = arith.constant 1 : i32
        %get3A_278 = arith.index_cast %get3A_277 : i32 to index
        %get3A_279 = arith.index_cast %scan3A_130 : i32 to index
        %get3A_280 = arith.constant 224 : index
        %get3A_281 = tpu.vector_load %arg5[%get3A_278, %get3A_279, %get3A_280] {strides = array<i32>} : memref<2x32x512xi32, #tpu.memory_space<vmem>>, vector<16xi32>,
        %get3A_282 = arith.constant 1 : i32
        %get3A_283 = arith.index_cast %get3A_282 : i32 to index
        %get3A_284 = arith.index_cast %scan3A_130 : i32 to index
        %get3A_285 = arith.constant 240 : index
        %get3A_286 = tpu.vector_load %arg5[%get3A_283, %get3A_284, %get3A_285] {strides = array<i32>} : memref<2x32x512xi32, #tpu.memory_space<vmem>>, vector<16xi32>,
        %shift_right_logical3A_287 = arith.constant 5 : i32
        %shift_right_logical3A_288 = vector.broadcast %shift_right_logical3A_287 : i32 to vector<16xi32>
        %shift_right_logical3A_289 = arith.shrui %get3A_251, %shift_right_logical3A_288 : vector<16xi32>
        %and3A_290 = arith.constant 65535 : i32
        %and3A_291 = vector.broadcast %and3A_290 : i32 to vector<16xi32>
        %and3A_292 = arith.andi %shift_right_logical3A_289, %and3A_291 : vector<16xi32>
        %and3A_293 = arith.constant 24 : i32
        %and3A_294 = vector.broadcast %and3A_293 : i32 to vector<16xi32>
        %and3A_295 = arith.andi %get3A_251, %and3A_294 : vector<16xi32>
        %shift_left3A_296 = arith.shli %broadcast_in_dim3A_116, %and3A_295 : vector<16xi32>
        tpu.vector_store_idx %arg4[%and3A_292], %shift_left3A_296 {add = true} : memref<65536xi32, #tpu.memory_space<vmem>>[vector<16xi32>], vector<16xi32>,
        %shift_right_logical3A_297 = arith.constant 5 : i32
        %shift_right_logical3A_298 = vector.broadcast %shift_right_logical3A_297 : i32 to vector<16xi32>
        %shift_right_logical3A_299 = arith.shrui %get3A_256, %shift_right_logical3A_298 : vector<16xi32>
        %and3A_300 = arith.constant 65535 : i32
        %and3A_301 = vector.broadcast %and3A_300 : i32 to vector<16xi32>
        %and3A_302 = arith.andi %shift_right_logical3A_299, %and3A_301 : vector<16xi32>
        %and3A_303 = arith.constant 24 : i32
        %and3A_304 = vector.broadcast %and3A_303 : i32 to vector<16xi32>
        %and3A_305 = arith.andi %get3A_256, %and3A_304 : vector<16xi32>
        %shift_left3A_306 = arith.shli %broadcast_in_dim3A_116, %and3A_305 : vector<16xi32>
        tpu.vector_store_idx %arg4[%and3A_302], %shift_left3A_306 {add = true} : memref<65536xi32, #tpu.memory_space<vmem>>[vector<16xi32>], vector<16xi32>,
        %shift_right_logical3A_307 = arith.constant 5 : i32
        %shift_right_logical3A_308 = vector.broadcast %shift_right_logical3A_307 : i32 to vector<16xi32>
        %shift_right_logical3A_309 = arith.shrui %get3A_261, %shift_right_logical3A_308 : vector<16xi32>
        %and3A_310 = arith.constant 65535 : i32
        %and3A_311 = vector.broadcast %and3A_310 : i32 to vector<16xi32>
        %and3A_312 = arith.andi %shift_right_logical3A_309, %and3A_311 : vector<16xi32>
        %and3A_313 = arith.constant 24 : i32
        %and3A_314 = vector.broadcast %and3A_313 : i32 to vector<16xi32>
        %and3A_315 = arith.andi %get3A_261, %and3A_314 : vector<16xi32>
        %shift_left3A_316 = arith.shli %broadcast_in_dim3A_116, %and3A_315 : vector<16xi32>
        tpu.vector_store_idx %arg4[%and3A_312], %shift_left3A_316 {add = true} : memref<65536xi32, #tpu.memory_space<vmem>>[vector<16xi32>], vector<16xi32>,
        %shift_right_logical3A_317 = arith.constant 5 : i32
        %shift_right_logical3A_318 = vector.broadcast %shift_right_logical3A_317 : i32 to vector<16xi32>
        %shift_right_logical3A_319 = arith.shrui %get3A_266, %shift_right_logical3A_318 : vector<16xi32>
        %and3A_320 = arith.constant 65535 : i32
        %and3A_321 = vector.broadcast %and3A_320 : i32 to vector<16xi32>
        %and3A_322 = arith.andi %shift_right_logical3A_319, %and3A_321 : vector<16xi32>
        %and3A_323 = arith.constant 24 : i32
        %and3A_324 = vector.broadcast %and3A_323 : i32 to vector<16xi32>
        %and3A_325 = arith.andi %get3A_266, %and3A_324 : vector<16xi32>
        %shift_left3A_326 = arith.shli %broadcast_in_dim3A_116, %and3A_325 : vector<16xi32>
        tpu.vector_store_idx %arg4[%and3A_322], %shift_left3A_326 {add = true} : memref<65536xi32, #tpu.memory_space<vmem>>[vector<16xi32>], vector<16xi32>,
        %shift_right_logical3A_327 = arith.constant 5 : i32
        %shift_right_logical3A_328 = vector.broadcast %shift_right_logical3A_327 : i32 to vector<16xi32>
        %shift_right_logical3A_329 = arith.shrui %get3A_271, %shift_right_logical3A_328 : vector<16xi32>
        %and3A_330 = arith.constant 65535 : i32
        %and3A_331 = vector.broadcast %and3A_330 : i32 to vector<16xi32>
        %and3A_332 = arith.andi %shift_right_logical3A_329, %and3A_331 : vector<16xi32>
        %and3A_333 = arith.constant 24 : i32
        %and3A_334 = vector.broadcast %and3A_333 : i32 to vector<16xi32>
        %and3A_335 = arith.andi %get3A_271, %and3A_334 : vector<16xi32>
        %shift_left3A_336 = arith.shli %broadcast_in_dim3A_116, %and3A_335 : vector<16xi32>
        tpu.vector_store_idx %arg4[%and3A_332], %shift_left3A_336 {add = true} : memref<65536xi32, #tpu.memory_space<vmem>>[vector<16xi32>], vector<16xi32>,
        %shift_right_logical3A_337 = arith.constant 5 : i32
        %shift_right_logical3A_338 = vector.broadcast %shift_right_logical3A_337 : i32 to vector<16xi32>
        %shift_right_logical3A_339 = arith.shrui %get3A_276, %shift_right_logical3A_338 : vector<16xi32>
        %and3A_340 = arith.constant 65535 : i32
        %and3A_341 = vector.broadcast %and3A_340 : i32 to vector<16xi32>
        %and3A_342 = arith.andi %shift_right_logical3A_339, %and3A_341 : vector<16xi32>
        %and3A_343 = arith.constant 24 : i32
        %and3A_344 = vector.broadcast %and3A_343 : i32 to vector<16xi32>
        %and3A_345 = arith.andi %get3A_276, %and3A_344 : vector<16xi32>
        %shift_left3A_346 = arith.shli %broadcast_in_dim3A_116, %and3A_345 : vector<16xi32>
        tpu.vector_store_idx %arg4[%and3A_342], %shift_left3A_346 {add = true} : memref<65536xi32, #tpu.memory_space<vmem>>[vector<16xi32>], vector<16xi32>,
        %shift_right_logical3A_347 = arith.constant 5 : i32
        %shift_right_logical3A_348 = vector.broadcast %shift_right_logical3A_347 : i32 to vector<16xi32>
        %shift_right_logical3A_349 = arith.shrui %get3A_281, %shift_right_logical3A_348 : vector<16xi32>
        %and3A_350 = arith.constant 65535 : i32
        %and3A_351 = vector.broadcast %and3A_350 : i32 to vector<16xi32>
        %and3A_352 = arith.andi %shift_right_logical3A_349, %and3A_351 : vector<16xi32>
        %and3A_353 = arith.constant 24 : i32
        %and3A_354 = vector.broadcast %and3A_353 : i32 to vector<16xi32>
        %and3A_355 = arith.andi %get3A_281, %and3A_354 : vector<16xi32>
        %shift_left3A_356 = arith.shli %broadcast_in_dim3A_116, %and3A_355 : vector<16xi32>
        tpu.vector_store_idx %arg4[%and3A_352], %shift_left3A_356 {add = true} : memref<65536xi32, #tpu.memory_space<vmem>>[vector<16xi32>], vector<16xi32>,
        %shift_right_logical3A_357 = arith.constant 5 : i32
        %shift_right_logical3A_358 = vector.broadcast %shift_right_logical3A_357 : i32 to vector<16xi32>
        %shift_right_logical3A_359 = arith.shrui %get3A_286, %shift_right_logical3A_358 : vector<16xi32>
        %and3A_360 = arith.constant 65535 : i32
        %and3A_361 = vector.broadcast %and3A_360 : i32 to vector<16xi32>
        %and3A_362 = arith.andi %shift_right_logical3A_359, %and3A_361 : vector<16xi32>
        %and3A_363 = arith.constant 24 : i32
        %and3A_364 = vector.broadcast %and3A_363 : i32 to vector<16xi32>
        %and3A_365 = arith.andi %get3A_286, %and3A_364 : vector<16xi32>
        %shift_left3A_366 = arith.shli %broadcast_in_dim3A_116, %and3A_365 : vector<16xi32>
        tpu.vector_store_idx %arg4[%and3A_362], %shift_left3A_366 {add = true} : memref<65536xi32, #tpu.memory_space<vmem>>[vector<16xi32>], vector<16xi32>,
        %get3A_367 = arith.constant 1 : i32
        %get3A_368 = arith.index_cast %get3A_367 : i32 to index
        %get3A_369 = arith.index_cast %scan3A_130 : i32 to index
        %get3A_370 = arith.constant 256 : index
        %get3A_371 = tpu.vector_load %arg5[%get3A_368, %get3A_369, %get3A_370] {strides = array<i32>} : memref<2x32x512xi32, #tpu.memory_space<vmem>>, vector<16xi32>,
        %get3A_372 = arith.constant 1 : i32
        %get3A_373 = arith.index_cast %get3A_372 : i32 to index
        %get3A_374 = arith.index_cast %scan3A_130 : i32 to index
        %get3A_375 = arith.constant 272 : index
        %get3A_376 = tpu.vector_load %arg5[%get3A_373, %get3A_374, %get3A_375] {strides = array<i32>} : memref<2x32x512xi32, #tpu.memory_space<vmem>>, vector<16xi32>,
        %get3A_377 = arith.constant 1 : i32
        %get3A_378 = arith.index_cast %get3A_377 : i32 to index
        %get3A_379 = arith.index_cast %scan3A_130 : i32 to index
        %get3A_380 = arith.constant 288 : index
        %get3A_381 = tpu.vector_load %arg5[%get3A_378, %get3A_379, %get3A_380] {strides = array<i32>} : memref<2x32x512xi32, #tpu.memory_space<vmem>>, vector<16xi32>,
        %get3A_382 = arith.constant 1 : i32
        %get3A_383 = arith.index_cast %get3A_382 : i32 to index
        %get3A_384 = arith.index_cast %scan3A_130 : i32 to index
        %get3A_385 = arith.constant 304 : index
        %get3A_386 = tpu.vector_load %arg5[%get3A_383, %get3A_384, %get3A_385] {strides = array<i32>} : memref<2x32x512xi32, #tpu.memory_space<vmem>>, vector<16xi32>,
        %get3A_387 = arith.constant 1 : i32
        %get3A_388 = arith.index_cast %get3A_387 : i32 to index
        %get3A_389 = arith.index_cast %scan3A_130 : i32 to index
        %get3A_390 = arith.constant 320 : index
        %get3A_391 = tpu.vector_load %arg5[%get3A_388, %get3A_389, %get3A_390] {strides = array<i32>} : memref<2x32x512xi32, #tpu.memory_space<vmem>>, vector<16xi32>,
        %get3A_392 = arith.constant 1 : i32
        %get3A_393 = arith.index_cast %get3A_392 : i32 to index
        %get3A_394 = arith.index_cast %scan3A_130 : i32 to index
        %get3A_395 = arith.constant 336 : index
        %get3A_396 = tpu.vector_load %arg5[%get3A_393, %get3A_394, %get3A_395] {strides = array<i32>} : memref<2x32x512xi32, #tpu.memory_space<vmem>>, vector<16xi32>,
        %get3A_397 = arith.constant 1 : i32
        %get3A_398 = arith.index_cast %get3A_397 : i32 to index
        %get3A_399 = arith.index_cast %scan3A_130 : i32 to index
        %get3A_400 = arith.constant 352 : index
        %get3A_401 = tpu.vector_load %arg5[%get3A_398, %get3A_399, %get3A_400] {strides = array<i32>} : memref<2x32x512xi32, #tpu.memory_space<vmem>>, vector<16xi32>,
        %get3A_402 = arith.constant 1 : i32
        %get3A_403 = arith.index_cast %get3A_402 : i32 to index
        %get3A_404 = arith.index_cast %scan3A_130 : i32 to index
        %get3A_405 = arith.constant 368 : index
        %get3A_406 = tpu.vector_load %arg5[%get3A_403, %get3A_404, %get3A_405] {strides = array<i32>} : memref<2x32x512xi32, #tpu.memory_space<vmem>>, vector<16xi32>,
        %shift_right_logical3A_407 = arith.constant 5 : i32
        %shift_right_logical3A_408 = vector.broadcast %shift_right_logical3A_407 : i32 to vector<16xi32>
        %shift_right_logical3A_409 = arith.shrui %get3A_371, %shift_right_logical3A_408 : vector<16xi32>
        %and3A_410 = arith.constant 65535 : i32
        %and3A_411 = vector.broadcast %and3A_410 : i32 to vector<16xi32>
        %and3A_412 = arith.andi %shift_right_logical3A_409, %and3A_411 : vector<16xi32>
        %and3A_413 = arith.constant 24 : i32
        %and3A_414 = vector.broadcast %and3A_413 : i32 to vector<16xi32>
        %and3A_415 = arith.andi %get3A_371, %and3A_414 : vector<16xi32>
        %shift_left3A_416 = arith.shli %broadcast_in_dim3A_116, %and3A_415 : vector<16xi32>
        tpu.vector_store_idx %arg4[%and3A_412], %shift_left3A_416 {add = true} : memref<65536xi32, #tpu.memory_space<vmem>>[vector<16xi32>], vector<16xi32>,
        %shift_right_logical3A_417 = arith.constant 5 : i32
        %shift_right_logical3A_418 = vector.broadcast %shift_right_logical3A_417 : i32 to vector<16xi32>
        %shift_right_logical3A_419 = arith.shrui %get3A_376, %shift_right_logical3A_418 : vector<16xi32>
        %and3A_420 = arith.constant 65535 : i32
        %and3A_421 = vector.broadcast %and3A_420 : i32 to vector<16xi32>
        %and3A_422 = arith.andi %shift_right_logical3A_419, %and3A_421 : vector<16xi32>
        %and3A_423 = arith.constant 24 : i32
        %and3A_424 = vector.broadcast %and3A_423 : i32 to vector<16xi32>
        %and3A_425 = arith.andi %get3A_376, %and3A_424 : vector<16xi32>
        %shift_left3A_426 = arith.shli %broadcast_in_dim3A_116, %and3A_425 : vector<16xi32>
        tpu.vector_store_idx %arg4[%and3A_422], %shift_left3A_426 {add = true} : memref<65536xi32, #tpu.memory_space<vmem>>[vector<16xi32>], vector<16xi32>,
        %shift_right_logical3A_427 = arith.constant 5 : i32
        %shift_right_logical3A_428 = vector.broadcast %shift_right_logical3A_427 : i32 to vector<16xi32>
        %shift_right_logical3A_429 = arith.shrui %get3A_381, %shift_right_logical3A_428 : vector<16xi32>
        %and3A_430 = arith.constant 65535 : i32
        %and3A_431 = vector.broadcast %and3A_430 : i32 to vector<16xi32>
        %and3A_432 = arith.andi %shift_right_logical3A_429, %and3A_431 : vector<16xi32>
        %and3A_433 = arith.constant 24 : i32
        %and3A_434 = vector.broadcast %and3A_433 : i32 to vector<16xi32>
        %and3A_435 = arith.andi %get3A_381, %and3A_434 : vector<16xi32>
        %shift_left3A_436 = arith.shli %broadcast_in_dim3A_116, %and3A_435 : vector<16xi32>
        tpu.vector_store_idx %arg4[%and3A_432], %shift_left3A_436 {add = true} : memref<65536xi32, #tpu.memory_space<vmem>>[vector<16xi32>], vector<16xi32>,
        %shift_right_logical3A_437 = arith.constant 5 : i32
        %shift_right_logical3A_438 = vector.broadcast %shift_right_logical3A_437 : i32 to vector<16xi32>
        %shift_right_logical3A_439 = arith.shrui %get3A_386, %shift_right_logical3A_438 : vector<16xi32>
        %and3A_440 = arith.constant 65535 : i32
        %and3A_441 = vector.broadcast %and3A_440 : i32 to vector<16xi32>
        %and3A_442 = arith.andi %shift_right_logical3A_439, %and3A_441 : vector<16xi32>
        %and3A_443 = arith.constant 24 : i32
        %and3A_444 = vector.broadcast %and3A_443 : i32 to vector<16xi32>
        %and3A_445 = arith.andi %get3A_386, %and3A_444 : vector<16xi32>
        %shift_left3A_446 = arith.shli %broadcast_in_dim3A_116, %and3A_445 : vector<16xi32>
        tpu.vector_store_idx %arg4[%and3A_442], %shift_left3A_446 {add = true} : memref<65536xi32, #tpu.memory_space<vmem>>[vector<16xi32>], vector<16xi32>,
        %shift_right_logical3A_447 = arith.constant 5 : i32
        %shift_right_logical3A_448 = vector.broadcast %shift_right_logical3A_447 : i32 to vector<16xi32>
        %shift_right_logical3A_449 = arith.shrui %get3A_391, %shift_right_logical3A_448 : vector<16xi32>
        %and3A_450 = arith.constant 65535 : i32
        %and3A_451 = vector.broadcast %and3A_450 : i32 to vector<16xi32>
        %and3A_452 = arith.andi %shift_right_logical3A_449, %and3A_451 : vector<16xi32>
        %and3A_453 = arith.constant 24 : i32
        %and3A_454 = vector.broadcast %and3A_453 : i32 to vector<16xi32>
        %and3A_455 = arith.andi %get3A_391, %and3A_454 : vector<16xi32>
        %shift_left3A_456 = arith.shli %broadcast_in_dim3A_116, %and3A_455 : vector<16xi32>
        tpu.vector_store_idx %arg4[%and3A_452], %shift_left3A_456 {add = true} : memref<65536xi32, #tpu.memory_space<vmem>>[vector<16xi32>], vector<16xi32>,
        %shift_right_logical3A_457 = arith.constant 5 : i32
        %shift_right_logical3A_458 = vector.broadcast %shift_right_logical3A_457 : i32 to vector<16xi32>
        %shift_right_logical3A_459 = arith.shrui %get3A_396, %shift_right_logical3A_458 : vector<16xi32>
        %and3A_460 = arith.constant 65535 : i32
        %and3A_461 = vector.broadcast %and3A_460 : i32 to vector<16xi32>
        %and3A_462 = arith.andi %shift_right_logical3A_459, %and3A_461 : vector<16xi32>
        %and3A_463 = arith.constant 24 : i32
        %and3A_464 = vector.broadcast %and3A_463 : i32 to vector<16xi32>
        %and3A_465 = arith.andi %get3A_396, %and3A_464 : vector<16xi32>
        %shift_left3A_466 = arith.shli %broadcast_in_dim3A_116, %and3A_465 : vector<16xi32>
        tpu.vector_store_idx %arg4[%and3A_462], %shift_left3A_466 {add = true} : memref<65536xi32, #tpu.memory_space<vmem>>[vector<16xi32>], vector<16xi32>,
        %shift_right_logical3A_467 = arith.constant 5 : i32
        %shift_right_logical3A_468 = vector.broadcast %shift_right_logical3A_467 : i32 to vector<16xi32>
        %shift_right_logical3A_469 = arith.shrui %get3A_401, %shift_right_logical3A_468 : vector<16xi32>
        %and3A_470 = arith.constant 65535 : i32
        %and3A_471 = vector.broadcast %and3A_470 : i32 to vector<16xi32>
        %and3A_472 = arith.andi %shift_right_logical3A_469, %and3A_471 : vector<16xi32>
        %and3A_473 = arith.constant 24 : i32
        %and3A_474 = vector.broadcast %and3A_473 : i32 to vector<16xi32>
        %and3A_475 = arith.andi %get3A_401, %and3A_474 : vector<16xi32>
        %shift_left3A_476 = arith.shli %broadcast_in_dim3A_116, %and3A_475 : vector<16xi32>
        tpu.vector_store_idx %arg4[%and3A_472], %shift_left3A_476 {add = true} : memref<65536xi32, #tpu.memory_space<vmem>>[vector<16xi32>], vector<16xi32>,
        %shift_right_logical3A_477 = arith.constant 5 : i32
        %shift_right_logical3A_478 = vector.broadcast %shift_right_logical3A_477 : i32 to vector<16xi32>
        %shift_right_logical3A_479 = arith.shrui %get3A_406, %shift_right_logical3A_478 : vector<16xi32>
        %and3A_480 = arith.constant 65535 : i32
        %and3A_481 = vector.broadcast %and3A_480 : i32 to vector<16xi32>
        %and3A_482 = arith.andi %shift_right_logical3A_479, %and3A_481 : vector<16xi32>
        %and3A_483 = arith.constant 24 : i32
        %and3A_484 = vector.broadcast %and3A_483 : i32 to vector<16xi32>
        %and3A_485 = arith.andi %get3A_406, %and3A_484 : vector<16xi32>
        %shift_left3A_486 = arith.shli %broadcast_in_dim3A_116, %and3A_485 : vector<16xi32>
        tpu.vector_store_idx %arg4[%and3A_482], %shift_left3A_486 {add = true} : memref<65536xi32, #tpu.memory_space<vmem>>[vector<16xi32>], vector<16xi32>,
        %get3A_487 = arith.constant 1 : i32
        %get3A_488 = arith.index_cast %get3A_487 : i32 to index
        %get3A_489 = arith.index_cast %scan3A_130 : i32 to index
        %get3A_490 = arith.constant 384 : index
        %get3A_491 = tpu.vector_load %arg5[%get3A_488, %get3A_489, %get3A_490] {strides = array<i32>} : memref<2x32x512xi32, #tpu.memory_space<vmem>>, vector<16xi32>,
        %get3A_492 = arith.constant 1 : i32
        %get3A_493 = arith.index_cast %get3A_492 : i32 to index
        %get3A_494 = arith.index_cast %scan3A_130 : i32 to index
        %get3A_495 = arith.constant 400 : index
        %get3A_496 = tpu.vector_load %arg5[%get3A_493, %get3A_494, %get3A_495] {strides = array<i32>} : memref<2x32x512xi32, #tpu.memory_space<vmem>>, vector<16xi32>,
        %get3A_497 = arith.constant 1 : i32
        %get3A_498 = arith.index_cast %get3A_497 : i32 to index
        %get3A_499 = arith.index_cast %scan3A_130 : i32 to index
        %get3A_500 = arith.constant 416 : index
        %get3A_501 = tpu.vector_load %arg5[%get3A_498, %get3A_499, %get3A_500] {strides = array<i32>} : memref<2x32x512xi32, #tpu.memory_space<vmem>>, vector<16xi32>,
        %get3A_502 = arith.constant 1 : i32
        %get3A_503 = arith.index_cast %get3A_502 : i32 to index
        %get3A_504 = arith.index_cast %scan3A_130 : i32 to index
        %get3A_505 = arith.constant 432 : index
        %get3A_506 = tpu.vector_load %arg5[%get3A_503, %get3A_504, %get3A_505] {strides = array<i32>} : memref<2x32x512xi32, #tpu.memory_space<vmem>>, vector<16xi32>,
        %get3A_507 = arith.constant 1 : i32
        %get3A_508 = arith.index_cast %get3A_507 : i32 to index
        %get3A_509 = arith.index_cast %scan3A_130 : i32 to index
        %get3A_510 = arith.constant 448 : index
        %get3A_511 = tpu.vector_load %arg5[%get3A_508, %get3A_509, %get3A_510] {strides = array<i32>} : memref<2x32x512xi32, #tpu.memory_space<vmem>>, vector<16xi32>,
        %get3A_512 = arith.constant 1 : i32
        %get3A_513 = arith.index_cast %get3A_512 : i32 to index
        %get3A_514 = arith.index_cast %scan3A_130 : i32 to index
        %get3A_515 = arith.constant 464 : index
        %get3A_516 = tpu.vector_load %arg5[%get3A_513, %get3A_514, %get3A_515] {strides = array<i32>} : memref<2x32x512xi32, #tpu.memory_space<vmem>>, vector<16xi32>,
        %get3A_517 = arith.constant 1 : i32
        %get3A_518 = arith.index_cast %get3A_517 : i32 to index
        %get3A_519 = arith.index_cast %scan3A_130 : i32 to index
        %get3A_520 = arith.constant 480 : index
        %get3A_521 = tpu.vector_load %arg5[%get3A_518, %get3A_519, %get3A_520] {strides = array<i32>} : memref<2x32x512xi32, #tpu.memory_space<vmem>>, vector<16xi32>,
        %get3A_522 = arith.constant 1 : i32
        %get3A_523 = arith.index_cast %get3A_522 : i32 to index
        %get3A_524 = arith.index_cast %scan3A_130 : i32 to index
        %get3A_525 = arith.constant 496 : index
        %get3A_526 = tpu.vector_load %arg5[%get3A_523, %get3A_524, %get3A_525] {strides = array<i32>} : memref<2x32x512xi32, #tpu.memory_space<vmem>>, vector<16xi32>,
        %shift_right_logical3A_527 = arith.constant 5 : i32
        %shift_right_logical3A_528 = vector.broadcast %shift_right_logical3A_527 : i32 to vector<16xi32>
        %shift_right_logical3A_529 = arith.shrui %get3A_491, %shift_right_logical3A_528 : vector<16xi32>
        %and3A_530 = arith.constant 65535 : i32
        %and3A_531 = vector.broadcast %and3A_530 : i32 to vector<16xi32>
        %and3A_532 = arith.andi %shift_right_logical3A_529, %and3A_531 : vector<16xi32>
        %and3A_533 = arith.constant 24 : i32
        %and3A_534 = vector.broadcast %and3A_533 : i32 to vector<16xi32>
        %and3A_535 = arith.andi %get3A_491, %and3A_534 : vector<16xi32>
        %shift_left3A_536 = arith.shli %broadcast_in_dim3A_116, %and3A_535 : vector<16xi32>
        tpu.vector_store_idx %arg4[%and3A_532], %shift_left3A_536 {add = true} : memref<65536xi32, #tpu.memory_space<vmem>>[vector<16xi32>], vector<16xi32>,
        %shift_right_logical3A_537 = arith.constant 5 : i32
        %shift_right_logical3A_538 = vector.broadcast %shift_right_logical3A_537 : i32 to vector<16xi32>
        %shift_right_logical3A_539 = arith.shrui %get3A_496, %shift_right_logical3A_538 : vector<16xi32>
        %and3A_540 = arith.constant 65535 : i32
        %and3A_541 = vector.broadcast %and3A_540 : i32 to vector<16xi32>
        %and3A_542 = arith.andi %shift_right_logical3A_539, %and3A_541 : vector<16xi32>
        %and3A_543 = arith.constant 24 : i32
        %and3A_544 = vector.broadcast %and3A_543 : i32 to vector<16xi32>
        %and3A_545 = arith.andi %get3A_496, %and3A_544 : vector<16xi32>
        %shift_left3A_546 = arith.shli %broadcast_in_dim3A_116, %and3A_545 : vector<16xi32>
        tpu.vector_store_idx %arg4[%and3A_542], %shift_left3A_546 {add = true} : memref<65536xi32, #tpu.memory_space<vmem>>[vector<16xi32>], vector<16xi32>,
        %shift_right_logical3A_547 = arith.constant 5 : i32
        %shift_right_logical3A_548 = vector.broadcast %shift_right_logical3A_547 : i32 to vector<16xi32>
        %shift_right_logical3A_549 = arith.shrui %get3A_501, %shift_right_logical3A_548 : vector<16xi32>
        %and3A_550 = arith.constant 65535 : i32
        %and3A_551 = vector.broadcast %and3A_550 : i32 to vector<16xi32>
        %and3A_552 = arith.andi %shift_right_logical3A_549, %and3A_551 : vector<16xi32>
        %and3A_553 = arith.constant 24 : i32
        %and3A_554 = vector.broadcast %and3A_553 : i32 to vector<16xi32>
        %and3A_555 = arith.andi %get3A_501, %and3A_554 : vector<16xi32>
        %shift_left3A_556 = arith.shli %broadcast_in_dim3A_116, %and3A_555 : vector<16xi32>
        tpu.vector_store_idx %arg4[%and3A_552], %shift_left3A_556 {add = true} : memref<65536xi32, #tpu.memory_space<vmem>>[vector<16xi32>], vector<16xi32>,
        %shift_right_logical3A_557 = arith.constant 5 : i32
        %shift_right_logical3A_558 = vector.broadcast %shift_right_logical3A_557 : i32 to vector<16xi32>
        %shift_right_logical3A_559 = arith.shrui %get3A_506, %shift_right_logical3A_558 : vector<16xi32>
        %and3A_560 = arith.constant 65535 : i32
        %and3A_561 = vector.broadcast %and3A_560 : i32 to vector<16xi32>
        %and3A_562 = arith.andi %shift_right_logical3A_559, %and3A_561 : vector<16xi32>
        %and3A_563 = arith.constant 24 : i32
        %and3A_564 = vector.broadcast %and3A_563 : i32 to vector<16xi32>
        %and3A_565 = arith.andi %get3A_506, %and3A_564 : vector<16xi32>
        %shift_left3A_566 = arith.shli %broadcast_in_dim3A_116, %and3A_565 : vector<16xi32>
        tpu.vector_store_idx %arg4[%and3A_562], %shift_left3A_566 {add = true} : memref<65536xi32, #tpu.memory_space<vmem>>[vector<16xi32>], vector<16xi32>,
        %shift_right_logical3A_567 = arith.constant 5 : i32
        %shift_right_logical3A_568 = vector.broadcast %shift_right_logical3A_567 : i32 to vector<16xi32>
        %shift_right_logical3A_569 = arith.shrui %get3A_511, %shift_right_logical3A_568 : vector<16xi32>
        %and3A_570 = arith.constant 65535 : i32
        %and3A_571 = vector.broadcast %and3A_570 : i32 to vector<16xi32>
        %and3A_572 = arith.andi %shift_right_logical3A_569, %and3A_571 : vector<16xi32>
        %and3A_573 = arith.constant 24 : i32
        %and3A_574 = vector.broadcast %and3A_573 : i32 to vector<16xi32>
        %and3A_575 = arith.andi %get3A_511, %and3A_574 : vector<16xi32>
        %shift_left3A_576 = arith.shli %broadcast_in_dim3A_116, %and3A_575 : vector<16xi32>
        tpu.vector_store_idx %arg4[%and3A_572], %shift_left3A_576 {add = true} : memref<65536xi32, #tpu.memory_space<vmem>>[vector<16xi32>], vector<16xi32>,
        %shift_right_logical3A_577 = arith.constant 5 : i32
        %shift_right_logical3A_578 = vector.broadcast %shift_right_logical3A_577 : i32 to vector<16xi32>
        %shift_right_logical3A_579 = arith.shrui %get3A_516, %shift_right_logical3A_578 : vector<16xi32>
        %and3A_580 = arith.constant 65535 : i32
        %and3A_581 = vector.broadcast %and3A_580 : i32 to vector<16xi32>
        %and3A_582 = arith.andi %shift_right_logical3A_579, %and3A_581 : vector<16xi32>
        %and3A_583 = arith.constant 24 : i32
        %and3A_584 = vector.broadcast %and3A_583 : i32 to vector<16xi32>
        %and3A_585 = arith.andi %get3A_516, %and3A_584 : vector<16xi32>
        %shift_left3A_586 = arith.shli %broadcast_in_dim3A_116, %and3A_585 : vector<16xi32>
        tpu.vector_store_idx %arg4[%and3A_582], %shift_left3A_586 {add = true} : memref<65536xi32, #tpu.memory_space<vmem>>[vector<16xi32>], vector<16xi32>,
        %shift_right_logical3A_587 = arith.constant 5 : i32
        %shift_right_logical3A_588 = vector.broadcast %shift_right_logical3A_587 : i32 to vector<16xi32>
        %shift_right_logical3A_589 = arith.shrui %get3A_521, %shift_right_logical3A_588 : vector<16xi32>
        %and3A_590 = arith.constant 65535 : i32
        %and3A_591 = vector.broadcast %and3A_590 : i32 to vector<16xi32>
        %and3A_592 = arith.andi %shift_right_logical3A_589, %and3A_591 : vector<16xi32>
        %and3A_593 = arith.constant 24 : i32
        %and3A_594 = vector.broadcast %and3A_593 : i32 to vector<16xi32>
        %and3A_595 = arith.andi %get3A_521, %and3A_594 : vector<16xi32>
        %shift_left3A_596 = arith.shli %broadcast_in_dim3A_116, %and3A_595 : vector<16xi32>
        tpu.vector_store_idx %arg4[%and3A_592], %shift_left3A_596 {add = true} : memref<65536xi32, #tpu.memory_space<vmem>>[vector<16xi32>], vector<16xi32>,
        %shift_right_logical3A_597 = arith.constant 5 : i32
        %shift_right_logical3A_598 = vector.broadcast %shift_right_logical3A_597 : i32 to vector<16xi32>
        %shift_right_logical3A_599 = arith.shrui %get3A_526, %shift_right_logical3A_598 : vector<16xi32>
        %and3A_600 = arith.constant 65535 : i32
        %and3A_601 = vector.broadcast %and3A_600 : i32 to vector<16xi32>
        %and3A_602 = arith.andi %shift_right_logical3A_599, %and3A_601 : vector<16xi32>
        %and3A_603 = arith.constant 24 : i32
        %and3A_604 = vector.broadcast %and3A_603 : i32 to vector<16xi32>
        %and3A_605 = arith.andi %get3A_526, %and3A_604 : vector<16xi32>
        %shift_left3A_606 = arith.shli %broadcast_in_dim3A_116, %and3A_605 : vector<16xi32>
        tpu.vector_store_idx %arg4[%and3A_602], %shift_left3A_606 {add = true} : memref<65536xi32, #tpu.memory_space<vmem>>[vector<16xi32>], vector<16xi32>,
      }
      %scan3A_122 = arith.constant 32 : i32
      %add3A_123 = arith.constant 2 : i32
      %add3A_124 = arith.addi %add3A_96, %add3A_123 : i32
      %lt3A_125 = arith.constant 16 : i32
      %lt3A_126 = arith.cmpi slt, %add3A_124, %lt3A_125 : i32
      %convert_element_type3A_127 = arith.extui %lt3A_126 : i1 to i32
      %cond3A_128 = arith.constant 0 : i32
      %cond3A_129 = arith.cmpi ne, %convert_element_type3A_127, %cond3A_128 : i32
      scf.if %cond3A_129 {
        %add3A_130 = arith.constant 2 : i32
        %add3A_131 = arith.addi %add3A_96, %add3A_130 : i32
        %mul3A_132 = arith.constant 32 : i32
        %mul3A_133 = arith.muli %add3A_131, %mul3A_132 : i32
        %dma_start3A_134 = arith.constant 1 : i32
        %dma_start3A_135 = arith.constant 0 : i32
        %dma_start3A_136 = arith.constant 0 : i32
        %dma_start3A_137 = tpu.memref_slice %arg5[%dma_start3A_134, %dma_start3A_135, %dma_start3A_136] : memref<2x32x512xi32, #tpu.memory_space<vmem>> -> memref<1x32x512xi32, #tpu.memory_space<vmem>>
        %dma_start3A_138 = tpu.memref_squeeze %dma_start3A_137 : memref<1x32x512xi32, #tpu.memory_space<vmem>> -> memref<32x512xi32, #tpu.memory_space<vmem>>
        %dma_start3A_139 = arith.constant 0 : i32
        %dma_start3A_140 = tpu.memref_slice %arg2[%add3A_7, %mul3A_133, %dma_start3A_139] : memref<32x512x512xi32, #tpu.memory_space<hbm>> -> memref<1x32x512xi32, #tpu.memory_space<hbm>>
        %dma_start3A_141 = tpu.memref_squeeze %dma_start3A_140 : memref<1x32x512xi32, #tpu.memory_space<hbm>> -> memref<32x512xi32, #tpu.memory_space<hbm>>
        %dma_start3A_142 = arith.constant 0 : i32
        %dma_start3A_143 = arith.constant 0 : i32
        %dma_start3A_144 = tpu.memref_slice %arg5[%dma_start3A_134, %dma_start3A_142, %dma_start3A_143] : memref<2x32x512xi32, #tpu.memory_space<vmem>> -> memref<1x32x512xi32, #tpu.memory_space<vmem>>
        %dma_start3A_145 = tpu.memref_squeeze %dma_start3A_144 : memref<1x32x512xi32, #tpu.memory_space<vmem>> -> memref<32x512xi32, #tpu.memory_space<vmem>>
        %dma_start3A_146 = arith.constant 0 : i32
        %dma_start3A_147 = tpu.memref_slice %arg2[%add3A_7, %mul3A_133, %dma_start3A_146] : memref<32x512x512xi32, #tpu.memory_space<hbm>> -> memref<1x32x512xi32, #tpu.memory_space<hbm>>
        %dma_start3A_148 = tpu.memref_squeeze %dma_start3A_147 : memref<1x32x512xi32, #tpu.memory_space<hbm>> -> memref<32x512xi32, #tpu.memory_space<hbm>>
        tpu.enqueue_dma source(%dma_start3A_148 : memref<32x512xi32, #tpu.memory_space<hbm>>) target(%dma_start3A_145 : memref<32x512xi32, #tpu.memory_space<vmem>>) target_semaphore(%arg8 : memref<!tpu.dma_semaphore, #tpu.memory_space<semaphore_mem>>)
      } else {
      }
    }
    %scan3A_45 = arith.constant 8 : i32
    %broadcast_in_dim3A_46 = arith.constant 0 : i32
    %broadcast_in_dim3A_47 = vector.broadcast %broadcast_in_dim3A_46 : i32 to vector<16xi32>
    %scan3A_48 = arith.constant 0 : i32
    %scan3A_49 = arith.constant 1024 : i32
    %scan3A_50 = arith.addi %scan3A_48, %scan3A_49 : i32
    %scan3A_51 = arith.constant 1 : i32
    %scan3A_52 = scf.for %scan3A_59 = %scan3A_48 to %scan3A_50 step %scan3A_51 iter_args(%scan3A_60 = %broadcast_in_dim3A_47) -> (vector<16xi32>)  : i32 {
      %mul3A_61 = arith.constant 4 : i32
      %mul3A_62 = arith.muli %scan3A_59, %mul3A_61 : i32
      %add3A_63 = arith.constant 0 : i32
      %add3A_64 = arith.addi %mul3A_62, %add3A_63 : i32
      %mul3A_65 = arith.constant 16 : i32
      %mul3A_66 = arith.muli %add3A_64, %mul3A_65 : i32
      %mul3A_67 = arith.constant 4 : i32
      %mul3A_68 = arith.muli %scan3A_59, %mul3A_67 : i32
      %add3A_69 = arith.constant 1 : i32
      %add3A_70 = arith.addi %mul3A_68, %add3A_69 : i32
      %mul3A_71 = arith.constant 16 : i32
      %mul3A_72 = arith.muli %add3A_70, %mul3A_71 : i32
      %mul3A_73 = arith.constant 4 : i32
      %mul3A_74 = arith.muli %scan3A_59, %mul3A_73 : i32
      %add3A_75 = arith.constant 2 : i32
      %add3A_76 = arith.addi %mul3A_74, %add3A_75 : i32
      %mul3A_77 = arith.constant 16 : i32
      %mul3A_78 = arith.muli %add3A_76, %mul3A_77 : i32
      %mul3A_79 = arith.constant 4 : i32
      %mul3A_80 = arith.muli %scan3A_59, %mul3A_79 : i32
      %add3A_81 = arith.constant 3 : i32
      %add3A_82 = arith.addi %mul3A_80, %add3A_81 : i32
      %mul3A_83 = arith.constant 16 : i32
      %mul3A_84 = arith.muli %add3A_82, %mul3A_83 : i32
      %get3A = arith.index_cast %mul3A_66 : i32 to index
      %get3A_85 = tpu.vector_load %arg4[%get3A] {strides = array<i32>} : memref<65536xi32, #tpu.memory_space<vmem>>, vector<16xi32>,
      %get3A_86 = arith.index_cast %mul3A_72 : i32 to index
      %get3A_87 = tpu.vector_load %arg4[%get3A_86] {strides = array<i32>} : memref<65536xi32, #tpu.memory_space<vmem>>, vector<16xi32>,
      %get3A_88 = arith.index_cast %mul3A_78 : i32 to index
      %get3A_89 = tpu.vector_load %arg4[%get3A_88] {strides = array<i32>} : memref<65536xi32, #tpu.memory_space<vmem>>, vector<16xi32>,
      %get3A_90 = arith.index_cast %mul3A_84 : i32 to index
      %get3A_91 = tpu.vector_load %arg4[%get3A_90] {strides = array<i32>} : memref<65536xi32, #tpu.memory_space<vmem>>, vector<16xi32>,
      %swap3A_92 = arith.index_cast %mul3A_66 : i32 to index
      %swap3A_93 = tpu.vector_load %arg4[%swap3A_92] {strides = array<i32>} : memref<65536xi32, #tpu.memory_space<vmem>>, vector<16xi32>,
      tpu.vector_store %arg4[%swap3A_92], %broadcast_in_dim3A_1 {strides = array<i32>} : memref<65536xi32, #tpu.memory_space<vmem>>, vector<16xi32>,
      %shift_right_logical3A = arith.constant 4 : i32
      %shift_right_logical3A_94 = vector.broadcast %shift_right_logical3A : i32 to vector<16xi32>
      %shift_right_logical3A_95 = arith.shrui %get3A_85, %shift_right_logical3A_94 : vector<16xi32>
      %or3A = arith.ori %get3A_85, %shift_right_logical3A_95 : vector<16xi32>
      %shift_right_logical3A_96 = arith.constant 2 : i32
      %shift_right_logical3A_97 = vector.broadcast %shift_right_logical3A_96 : i32 to vector<16xi32>
      %shift_right_logical3A_98 = arith.shrui %or3A, %shift_right_logical3A_97 : vector<16xi32>
      %or3A_99 = arith.ori %or3A, %shift_right_logical3A_98 : vector<16xi32>
      %shift_right_logical3A_100 = arith.constant 1 : i32
      %shift_right_logical3A_101 = vector.broadcast %shift_right_logical3A_100 : i32 to vector<16xi32>
      %shift_right_logical3A_102 = arith.shrui %or3A_99, %shift_right_logical3A_101 : vector<16xi32>
      %or3A_103 = arith.ori %or3A_99, %shift_right_logical3A_102 : vector<16xi32>
      %and3A = arith.constant 16843009 : i32
      %and3A_104 = vector.broadcast %and3A : i32 to vector<16xi32>
      %and3A_105 = arith.andi %or3A_103, %and3A_104 : vector<16xi32>
      %mul3A_106 = arith.constant 16843009 : i32
      %mul3A_107 = vector.broadcast %mul3A_106 : i32 to vector<16xi32>
      %mul3A_108 = arith.muli %and3A_105, %mul3A_107 : vector<16xi32>
      %shift_right_logical3A_109 = arith.constant 24 : i32
      %shift_right_logical3A_110 = vector.broadcast %shift_right_logical3A_109 : i32 to vector<16xi32>
      %shift_right_logical3A_111 = arith.shrui %mul3A_108, %shift_right_logical3A_110 : vector<16xi32>
      %add3A_112 = arith.addi %scan3A_60, %shift_right_logical3A_111 : vector<16xi32>
      %swap3A_113 = arith.index_cast %mul3A_72 : i32 to index
      %swap3A_114 = tpu.vector_load %arg4[%swap3A_113] {strides = array<i32>} : memref<65536xi32, #tpu.memory_space<vmem>>, vector<16xi32>,
      tpu.vector_store %arg4[%swap3A_113], %broadcast_in_dim3A_1 {strides = array<i32>} : memref<65536xi32, #tpu.memory_space<vmem>>, vector<16xi32>,
      %shift_right_logical3A_115 = arith.constant 4 : i32
      %shift_right_logical3A_116 = vector.broadcast %shift_right_logical3A_115 : i32 to vector<16xi32>
      %shift_right_logical3A_117 = arith.shrui %get3A_87, %shift_right_logical3A_116 : vector<16xi32>
      %or3A_118 = arith.ori %get3A_87, %shift_right_logical3A_117 : vector<16xi32>
      %shift_right_logical3A_119 = arith.constant 2 : i32
      %shift_right_logical3A_120 = vector.broadcast %shift_right_logical3A_119 : i32 to vector<16xi32>
      %shift_right_logical3A_121 = arith.shrui %or3A_118, %shift_right_logical3A_120 : vector<16xi32>
      %or3A_122 = arith.ori %or3A_118, %shift_right_logical3A_121 : vector<16xi32>
      %shift_right_logical3A_123 = arith.constant 1 : i32
      %shift_right_logical3A_124 = vector.broadcast %shift_right_logical3A_123 : i32 to vector<16xi32>
      %shift_right_logical3A_125 = arith.shrui %or3A_122, %shift_right_logical3A_124 : vector<16xi32>
      %or3A_126 = arith.ori %or3A_122, %shift_right_logical3A_125 : vector<16xi32>
      %and3A_127 = arith.constant 16843009 : i32
      %and3A_128 = vector.broadcast %and3A_127 : i32 to vector<16xi32>
      %and3A_129 = arith.andi %or3A_126, %and3A_128 : vector<16xi32>
      %mul3A_130 = arith.constant 16843009 : i32
      %mul3A_131 = vector.broadcast %mul3A_130 : i32 to vector<16xi32>
      %mul3A_132 = arith.muli %and3A_129, %mul3A_131 : vector<16xi32>
      %shift_right_logical3A_133 = arith.constant 24 : i32
      %shift_right_logical3A_134 = vector.broadcast %shift_right_logical3A_133 : i32 to vector<16xi32>
      %shift_right_logical3A_135 = arith.shrui %mul3A_132, %shift_right_logical3A_134 : vector<16xi32>
      %add3A_136 = arith.addi %add3A_112, %shift_right_logical3A_135 : vector<16xi32>
      %swap3A_137 = arith.index_cast %mul3A_78 : i32 to index
      %swap3A_138 = tpu.vector_load %arg4[%swap3A_137] {strides = array<i32>} : memref<65536xi32, #tpu.memory_space<vmem>>, vector<16xi32>,
      tpu.vector_store %arg4[%swap3A_137], %broadcast_in_dim3A_1 {strides = array<i32>} : memref<65536xi32, #tpu.memory_space<vmem>>, vector<16xi32>,
      %shift_right_logical3A_139 = arith.constant 4 : i32
      %shift_right_logical3A_140 = vector.broadcast %shift_right_logical3A_139 : i32 to vector<16xi32>
      %shift_right_logical3A_141 = arith.shrui %get3A_89, %shift_right_logical3A_140 : vector<16xi32>
      %or3A_142 = arith.ori %get3A_89, %shift_right_logical3A_141 : vector<16xi32>
      %shift_right_logical3A_143 = arith.constant 2 : i32
      %shift_right_logical3A_144 = vector.broadcast %shift_right_logical3A_143 : i32 to vector<16xi32>
      %shift_right_logical3A_145 = arith.shrui %or3A_142, %shift_right_logical3A_144 : vector<16xi32>
      %or3A_146 = arith.ori %or3A_142, %shift_right_logical3A_145 : vector<16xi32>
      %shift_right_logical3A_147 = arith.constant 1 : i32
      %shift_right_logical3A_148 = vector.broadcast %shift_right_logical3A_147 : i32 to vector<16xi32>
      %shift_right_logical3A_149 = arith.shrui %or3A_146, %shift_right_logical3A_148 : vector<16xi32>
      %or3A_150 = arith.ori %or3A_146, %shift_right_logical3A_149 : vector<16xi32>
      %and3A_151 = arith.constant 16843009 : i32
      %and3A_152 = vector.broadcast %and3A_151 : i32 to vector<16xi32>
      %and3A_153 = arith.andi %or3A_150, %and3A_152 : vector<16xi32>
      %mul3A_154 = arith.constant 16843009 : i32
      %mul3A_155 = vector.broadcast %mul3A_154 : i32 to vector<16xi32>
      %mul3A_156 = arith.muli %and3A_153, %mul3A_155 : vector<16xi32>
      %shift_right_logical3A_157 = arith.constant 24 : i32
      %shift_right_logical3A_158 = vector.broadcast %shift_right_logical3A_157 : i32 to vector<16xi32>
      %shift_right_logical3A_159 = arith.shrui %mul3A_156, %shift_right_logical3A_158 : vector<16xi32>
      %add3A_160 = arith.addi %add3A_136, %shift_right_logical3A_159 : vector<16xi32>
      %swap3A_161 = arith.index_cast %mul3A_84 : i32 to index
      %swap3A_162 = tpu.vector_load %arg4[%swap3A_161] {strides = array<i32>} : memref<65536xi32, #tpu.memory_space<vmem>>, vector<16xi32>,
      tpu.vector_store %arg4[%swap3A_161], %broadcast_in_dim3A_1 {strides = array<i32>} : memref<65536xi32, #tpu.memory_space<vmem>>, vector<16xi32>,
      %shift_right_logical3A_163 = arith.constant 4 : i32
      %shift_right_logical3A_164 = vector.broadcast %shift_right_logical3A_163 : i32 to vector<16xi32>
      %shift_right_logical3A_165 = arith.shrui %get3A_91, %shift_right_logical3A_164 : vector<16xi32>
      %or3A_166 = arith.ori %get3A_91, %shift_right_logical3A_165 : vector<16xi32>
      %shift_right_logical3A_167 = arith.constant 2 : i32
      %shift_right_logical3A_168 = vector.broadcast %shift_right_logical3A_167 : i32 to vector<16xi32>
      %shift_right_logical3A_169 = arith.shrui %or3A_166, %shift_right_logical3A_168 : vector<16xi32>
      %or3A_170 = arith.ori %or3A_166, %shift_right_logical3A_169 : vector<16xi32>
      %shift_right_logical3A_171 = arith.constant 1 : i32
      %shift_right_logical3A_172 = vector.broadcast %shift_right_logical3A_171 : i32 to vector<16xi32>
      %shift_right_logical3A_173 = arith.shrui %or3A_170, %shift_right_logical3A_172 : vector<16xi32>
      %or3A_174 = arith.ori %or3A_170, %shift_right_logical3A_173 : vector<16xi32>
      %and3A_175 = arith.constant 16843009 : i32
      %and3A_176 = vector.broadcast %and3A_175 : i32 to vector<16xi32>
      %and3A_177 = arith.andi %or3A_174, %and3A_176 : vector<16xi32>
      %mul3A_178 = arith.constant 16843009 : i32
      %mul3A_179 = vector.broadcast %mul3A_178 : i32 to vector<16xi32>
      %mul3A_180 = arith.muli %and3A_177, %mul3A_179 : vector<16xi32>
      %shift_right_logical3A_181 = arith.constant 24 : i32
      %shift_right_logical3A_182 = vector.broadcast %shift_right_logical3A_181 : i32 to vector<16xi32>
      %shift_right_logical3A_183 = arith.shrui %mul3A_180, %shift_right_logical3A_182 : vector<16xi32>
      %add3A_184 = arith.addi %add3A_160, %shift_right_logical3A_183 : vector<16xi32>
      scf.yield %add3A_184 : vector<16xi32>
    }
    %scan3A_53 = arith.constant 1024 : i32
    %reduce_sum3A = arith.constant true
    %reduce_sum3A_54 = vector.broadcast %reduce_sum3A : i1 to vector<16xi1>
    %reduce_sum3A_55 = tpu.scan <sum>, %scan3A_52 masked %reduce_sum3A_54 : vector<16xi32>, vector<16xi1> -> vector<16xi32>
    %reduce_sum3A_56 = vector.extract %reduce_sum3A_55[15] : i32 from vector<16xi32>
    %broadcast_in_dim3A_57 = vector.broadcast %reduce_sum3A_56 : i32 to vector<16xi32>
    %swap3A = arith.constant 0 : index
    %swap3A_58 = tpu.vector_load %arg6[%swap3A] {strides = array<i32>} : memref<16xi32, #tpu.memory_space<vmem>>, vector<16xi32>,
    tpu.vector_store %arg6[%swap3A], %broadcast_in_dim3A_57 {strides = array<i32>} : memref<16xi32, #tpu.memory_space<vmem>>, vector<16xi32>,
    "tpu.region"() ({
      %run_scoped3A = tpu.sem_alloc : memref<!tpu.dma_semaphore, #tpu.memory_space<semaphore_mem>>
      %dma_start3A_59 = arith.constant 0 : i32
      %dma_start3A_60 = tpu.memref_slice %arg3[%add3A_7, %dma_start3A_59] : memref<32x16xi32, #tpu.memory_space<hbm>> -> memref<1x16xi32, #tpu.memory_space<hbm>>
      %dma_start3A_61 = tpu.memref_squeeze %dma_start3A_60 : memref<1x16xi32, #tpu.memory_space<hbm>> -> memref<16xi32, #tpu.memory_space<hbm>>
      %dma_start3A_62 = arith.constant 0 : i32
      %dma_start3A_63 = tpu.memref_slice %arg3[%add3A_7, %dma_start3A_62] : memref<32x16xi32, #tpu.memory_space<hbm>> -> memref<1x16xi32, #tpu.memory_space<hbm>>
      %dma_start3A_64 = tpu.memref_squeeze %dma_start3A_63 : memref<1x16xi32, #tpu.memory_space<hbm>> -> memref<16xi32, #tpu.memory_space<hbm>>
      tpu.enqueue_dma source(%arg6 : memref<16xi32, #tpu.memory_space<vmem>>) target(%dma_start3A_64 : memref<16xi32, #tpu.memory_space<hbm>>) target_semaphore(%run_scoped3A : memref<!tpu.dma_semaphore, #tpu.memory_space<semaphore_mem>>)
      %dma_wait3A = arith.constant 0 : i32
      %dma_wait3A_65 = tpu.memref_slice %arg3[%add3A_7, %dma_wait3A] : memref<32x16xi32, #tpu.memory_space<hbm>> -> memref<1x16xi32, #tpu.memory_space<hbm>>
      %dma_wait3A_66 = tpu.memref_squeeze %dma_wait3A_65 : memref<1x16xi32, #tpu.memory_space<hbm>> -> memref<16xi32, #tpu.memory_space<hbm>>
      %dma_wait3A_67 = arith.constant 0 : i32
      %dma_wait3A_68 = tpu.memref_slice %arg3[%add3A_7, %dma_wait3A_67] : memref<32x16xi32, #tpu.memory_space<hbm>> -> memref<1x16xi32, #tpu.memory_space<hbm>>
      %dma_wait3A_69 = tpu.memref_squeeze %dma_wait3A_68 : memref<1x16xi32, #tpu.memory_space<hbm>> -> memref<16xi32, #tpu.memory_space<hbm>>
      tpu.wait_dma2 semaphore(%run_scoped3A : memref<!tpu.dma_semaphore, #tpu.memory_space<semaphore_mem>>) src(%arg6 : memref<16xi32, #tpu.memory_space<vmem>>) dst(%dma_wait3A_69 : memref<16xi32, #tpu.memory_space<hbm>>)
      tpu.yield
    }) : () -> ()
    return
  }
}

module attributes {stable_mosaic.version = 14 : i64} {
  func.func @_tc_pass_kernel(%arg0: i32, %arg1: memref<1x3x512x512xf32, #tpu.memory_space<vmem>>, %arg2: memref<1x512x512xi32, #tpu.memory_space<vmem>>, %arg3: memref<1x1x128xf32, #tpu.memory_space<vmem>>) attributes {dimension_semantics = [#tpu.dimension_semantics<arbitrary>], iteration_bounds = array<i64: 32>, scalar_prefetch = 0 : i64, scratch_operands = 0 : i64, tpu.core_type = #tpu.core_type<tc>, window_params = [{transform_indices = @transform_0, window_bounds = array<i64: 1, 3, 512, 512>}, {transform_indices = @transform_1, window_bounds = array<i64: 1, 512, 512>}, {transform_indices = @transform_2, window_bounds = array<i64: 1, 1, 128>}]} {
    %get3A = arith.constant 0 : index
    %get3A_0 = arith.constant 0 : index
    %get3A_1 = arith.constant 0 : index
    %get3A_2 = arith.constant 0 : index
    %get3A_3 = vector.load %arg1[%get3A, %get3A_0, %get3A_1, %get3A_2] : memref<1x3x512x512xf32, #tpu.memory_space<vmem>>, vector<1x3x512x512xf32>
    %get3A_4 = vector.shape_cast %get3A_3 : vector<1x3x512x512xf32> to vector<3x512x512xf32>
    %add3A = arith.constant 0.000000e+00 : f32
    %add3A_5 = vector.broadcast %add3A : f32 to vector<3x512x512xf32>
    %add3A_6 = arith.addf %get3A_4, %add3A_5 : vector<3x512x512xf32>
    %bitcast_convert_type3A = tpu.bitcast %add3A_6 : vector<3x512x512xf32> -> vector<3x512x512xi32>
    %slice3A = vector.extract_strided_slice %bitcast_convert_type3A {offsets = [0, 0, 0], sizes = [1, 512, 512], strides = [1, 1, 1]} : vector<3x512x512xi32> to vector<1x512x512xi32>
    %squeeze3A = vector.shape_cast %slice3A : vector<1x512x512xi32> to vector<512x512xi32>
    %mul3A = arith.constant -862048943 : i32
    %mul3A_7 = vector.broadcast %mul3A : i32 to vector<512x512xi32>
    %mul3A_8 = arith.muli %squeeze3A, %mul3A_7 : vector<512x512xi32>
    %slice3A_9 = vector.extract_strided_slice %bitcast_convert_type3A {offsets = [1, 0, 0], sizes = [1, 512, 512], strides = [1, 1, 1]} : vector<3x512x512xi32> to vector<1x512x512xi32>
    %squeeze3A_10 = vector.shape_cast %slice3A_9 : vector<1x512x512xi32> to vector<512x512xi32>
    %mul3A_11 = arith.constant 461845907 : i32
    %mul3A_12 = vector.broadcast %mul3A_11 : i32 to vector<512x512xi32>
    %mul3A_13 = arith.muli %squeeze3A_10, %mul3A_12 : vector<512x512xi32>
    %add3A_14 = arith.addi %mul3A_8, %mul3A_13 : vector<512x512xi32>
    %slice3A_15 = vector.extract_strided_slice %bitcast_convert_type3A {offsets = [2, 0, 0], sizes = [1, 512, 512], strides = [1, 1, 1]} : vector<3x512x512xi32> to vector<1x512x512xi32>
    %squeeze3A_16 = vector.shape_cast %slice3A_15 : vector<1x512x512xi32> to vector<512x512xi32>
    %mul3A_17 = arith.constant -2048144789 : i32
    %mul3A_18 = vector.broadcast %mul3A_17 : i32 to vector<512x512xi32>
    %mul3A_19 = arith.muli %squeeze3A_16, %mul3A_18 : vector<512x512xi32>
    %add3A_20 = arith.addi %add3A_14, %mul3A_19 : vector<512x512xi32>
    %shift_right_logical3A = arith.constant 16 : i32
    %shift_right_logical3A_21 = vector.broadcast %shift_right_logical3A : i32 to vector<512x512xi32>
    %shift_right_logical3A_22 = arith.shrui %add3A_20, %shift_right_logical3A_21 : vector<512x512xi32>
    %xor3A = arith.xori %add3A_20, %shift_right_logical3A_22 : vector<512x512xi32>
    %mul3A_23 = arith.constant 2146121005 : i32
    %mul3A_24 = vector.broadcast %mul3A_23 : i32 to vector<512x512xi32>
    %mul3A_25 = arith.muli %xor3A, %mul3A_24 : vector<512x512xi32>
    %shift_right_logical3A_26 = arith.constant 15 : i32
    %shift_right_logical3A_27 = vector.broadcast %shift_right_logical3A_26 : i32 to vector<512x512xi32>
    %shift_right_logical3A_28 = arith.shrui %mul3A_25, %shift_right_logical3A_27 : vector<512x512xi32>
    %xor3A_29 = arith.xori %mul3A_25, %shift_right_logical3A_28 : vector<512x512xi32>
    %mul3A_30 = arith.constant -2073254261 : i32
    %mul3A_31 = vector.broadcast %mul3A_30 : i32 to vector<512x512xi32>
    %mul3A_32 = arith.muli %xor3A_29, %mul3A_31 : vector<512x512xi32>
    %shift_right_logical3A_33 = arith.constant 16 : i32
    %shift_right_logical3A_34 = vector.broadcast %shift_right_logical3A_33 : i32 to vector<512x512xi32>
    %shift_right_logical3A_35 = arith.shrui %mul3A_32, %shift_right_logical3A_34 : vector<512x512xi32>
    %xor3A_36 = arith.xori %mul3A_32, %shift_right_logical3A_35 : vector<512x512xi32>
    %bitcast_convert_type3A_37 = tpu.bitcast %xor3A_36 : vector<512x512xi32> -> vector<512x512xi32>
    %swap3A = arith.constant 0 : index
    %swap3A_38 = arith.constant 0 : index
    %swap3A_39 = arith.constant 0 : index
    %swap3A_40 = vector.load %arg2[%swap3A, %swap3A_38, %swap3A_39] : memref<1x512x512xi32, #tpu.memory_space<vmem>>, vector<1x512x512xi32>
    %swap3A_41 = vector.shape_cast %swap3A_40 : vector<1x512x512xi32> to vector<512x512xi32>
    %swap3A_42 = vector.shape_cast %bitcast_convert_type3A_37 : vector<512x512xi32> to vector<1x512x512xi32>
    tpu.vector_store %arg2[%swap3A, %swap3A_38, %swap3A_39], %swap3A_42 {strides = array<i32>} : memref<1x512x512xi32, #tpu.memory_space<vmem>>, vector<1x512x512xi32>,
    %slice3A_43 = vector.extract_strided_slice %add3A_6 {offsets = [0, 0, 0], sizes = [1, 512, 512], strides = [1, 1, 1]} : vector<3x512x512xf32> to vector<1x512x512xf32>
    %squeeze3A_44 = vector.shape_cast %slice3A_43 : vector<1x512x512xf32> to vector<512x512xf32>
    %reduce_sum3A = vector.shape_cast %squeeze3A_44 : vector<512x512xf32> to vector<1x512x512xf32>
    %reduce_sum3A_45 = arith.constant dense<0.000000e+00> : vector<1xf32>
    %reduce_sum3A_46 = vector.multi_reduction <add>, %reduce_sum3A, %reduce_sum3A_45 [1, 2] : vector<1x512x512xf32> to vector<1xf32>
    %reduce_sum3A_47 = vector.shape_cast %reduce_sum3A_46 : vector<1xf32> to vector<1x1x1xf32>
    %reduce_sum3A_48 = vector.extract %reduce_sum3A_47[0, 0, 0] : f32 from vector<1x1x1xf32>
    %slice3A_49 = vector.extract_strided_slice %add3A_6 {offsets = [0, 0, 0], sizes = [1, 512, 512], strides = [1, 1, 1]} : vector<3x512x512xf32> to vector<1x512x512xf32>
    %squeeze3A_50 = vector.shape_cast %slice3A_49 : vector<1x512x512xf32> to vector<512x512xf32>
    %slice3A_51 = vector.extract_strided_slice %add3A_6 {offsets = [0, 0, 0], sizes = [1, 512, 512], strides = [1, 1, 1]} : vector<3x512x512xf32> to vector<1x512x512xf32>
    %squeeze3A_52 = vector.shape_cast %slice3A_51 : vector<1x512x512xf32> to vector<512x512xf32>
    %mul3A_53 = arith.mulf %squeeze3A_50, %squeeze3A_52 : vector<512x512xf32>
    %reduce_sum3A_54 = vector.shape_cast %mul3A_53 : vector<512x512xf32> to vector<1x512x512xf32>
    %reduce_sum3A_55 = arith.constant dense<0.000000e+00> : vector<1xf32>
    %reduce_sum3A_56 = vector.multi_reduction <add>, %reduce_sum3A_54, %reduce_sum3A_55 [1, 2] : vector<1x512x512xf32> to vector<1xf32>
    %reduce_sum3A_57 = vector.shape_cast %reduce_sum3A_56 : vector<1xf32> to vector<1x1x1xf32>
    %reduce_sum3A_58 = vector.extract %reduce_sum3A_57[0, 0, 0] : f32 from vector<1x1x1xf32>
    %mul3A_59 = arith.mulf %reduce_sum3A_48, %reduce_sum3A_48 : f32
    %div3A = arith.constant 2.621440e+05 : f32
    %div3A_60 = arith.divf %mul3A_59, %div3A : f32
    %sub3A = arith.subf %reduce_sum3A_58, %div3A_60 : f32
    %sub3A_61 = arith.constant 2.621440e+05 : f32
    %sub3A_62 = arith.constant 1.000000e+00 : f32
    %sub3A_63 = arith.subf %sub3A_61, %sub3A_62 : f32
    %div3A_64 = arith.divf %sub3A, %sub3A_63 : f32
    %add3A_65 = arith.constant 0.000000e+00 : f32
    %add3A_66 = arith.addf %add3A_65, %div3A_64 : f32
    %add3A_67 = arith.constant 0.000000e+00 : f32
    %add3A_68 = arith.addf %add3A_67, %reduce_sum3A_48 : f32
    %slice3A_69 = vector.extract_strided_slice %add3A_6 {offsets = [1, 0, 0], sizes = [1, 512, 512], strides = [1, 1, 1]} : vector<3x512x512xf32> to vector<1x512x512xf32>
    %squeeze3A_70 = vector.shape_cast %slice3A_69 : vector<1x512x512xf32> to vector<512x512xf32>
    %reduce_sum3A_71 = vector.shape_cast %squeeze3A_70 : vector<512x512xf32> to vector<1x512x512xf32>
    %reduce_sum3A_72 = arith.constant dense<0.000000e+00> : vector<1xf32>
    %reduce_sum3A_73 = vector.multi_reduction <add>, %reduce_sum3A_71, %reduce_sum3A_72 [1, 2] : vector<1x512x512xf32> to vector<1xf32>
    %reduce_sum3A_74 = vector.shape_cast %reduce_sum3A_73 : vector<1xf32> to vector<1x1x1xf32>
    %reduce_sum3A_75 = vector.extract %reduce_sum3A_74[0, 0, 0] : f32 from vector<1x1x1xf32>
    %slice3A_76 = vector.extract_strided_slice %add3A_6 {offsets = [1, 0, 0], sizes = [1, 512, 512], strides = [1, 1, 1]} : vector<3x512x512xf32> to vector<1x512x512xf32>
    %squeeze3A_77 = vector.shape_cast %slice3A_76 : vector<1x512x512xf32> to vector<512x512xf32>
    %slice3A_78 = vector.extract_strided_slice %add3A_6 {offsets = [1, 0, 0], sizes = [1, 512, 512], strides = [1, 1, 1]} : vector<3x512x512xf32> to vector<1x512x512xf32>
    %squeeze3A_79 = vector.shape_cast %slice3A_78 : vector<1x512x512xf32> to vector<512x512xf32>
    %mul3A_80 = arith.mulf %squeeze3A_77, %squeeze3A_79 : vector<512x512xf32>
    %reduce_sum3A_81 = vector.shape_cast %mul3A_80 : vector<512x512xf32> to vector<1x512x512xf32>
    %reduce_sum3A_82 = arith.constant dense<0.000000e+00> : vector<1xf32>
    %reduce_sum3A_83 = vector.multi_reduction <add>, %reduce_sum3A_81, %reduce_sum3A_82 [1, 2] : vector<1x512x512xf32> to vector<1xf32>
    %reduce_sum3A_84 = vector.shape_cast %reduce_sum3A_83 : vector<1xf32> to vector<1x1x1xf32>
    %reduce_sum3A_85 = vector.extract %reduce_sum3A_84[0, 0, 0] : f32 from vector<1x1x1xf32>
    %mul3A_86 = arith.mulf %reduce_sum3A_75, %reduce_sum3A_75 : f32
    %div3A_87 = arith.constant 2.621440e+05 : f32
    %div3A_88 = arith.divf %mul3A_86, %div3A_87 : f32
    %sub3A_89 = arith.subf %reduce_sum3A_85, %div3A_88 : f32
    %sub3A_90 = arith.constant 2.621440e+05 : f32
    %sub3A_91 = arith.constant 1.000000e+00 : f32
    %sub3A_92 = arith.subf %sub3A_90, %sub3A_91 : f32
    %div3A_93 = arith.divf %sub3A_89, %sub3A_92 : f32
    %add3A_94 = arith.addf %add3A_66, %div3A_93 : f32
    %add3A_95 = arith.addf %add3A_68, %reduce_sum3A_75 : f32
    %slice3A_96 = vector.extract_strided_slice %add3A_6 {offsets = [2, 0, 0], sizes = [1, 512, 512], strides = [1, 1, 1]} : vector<3x512x512xf32> to vector<1x512x512xf32>
    %squeeze3A_97 = vector.shape_cast %slice3A_96 : vector<1x512x512xf32> to vector<512x512xf32>
    %reduce_sum3A_98 = vector.shape_cast %squeeze3A_97 : vector<512x512xf32> to vector<1x512x512xf32>
    %reduce_sum3A_99 = arith.constant dense<0.000000e+00> : vector<1xf32>
    %reduce_sum3A_100 = vector.multi_reduction <add>, %reduce_sum3A_98, %reduce_sum3A_99 [1, 2] : vector<1x512x512xf32> to vector<1xf32>
    %reduce_sum3A_101 = vector.shape_cast %reduce_sum3A_100 : vector<1xf32> to vector<1x1x1xf32>
    %reduce_sum3A_102 = vector.extract %reduce_sum3A_101[0, 0, 0] : f32 from vector<1x1x1xf32>
    %slice3A_103 = vector.extract_strided_slice %add3A_6 {offsets = [2, 0, 0], sizes = [1, 512, 512], strides = [1, 1, 1]} : vector<3x512x512xf32> to vector<1x512x512xf32>
    %squeeze3A_104 = vector.shape_cast %slice3A_103 : vector<1x512x512xf32> to vector<512x512xf32>
    %slice3A_105 = vector.extract_strided_slice %add3A_6 {offsets = [2, 0, 0], sizes = [1, 512, 512], strides = [1, 1, 1]} : vector<3x512x512xf32> to vector<1x512x512xf32>
    %squeeze3A_106 = vector.shape_cast %slice3A_105 : vector<1x512x512xf32> to vector<512x512xf32>
    %mul3A_107 = arith.mulf %squeeze3A_104, %squeeze3A_106 : vector<512x512xf32>
    %reduce_sum3A_108 = vector.shape_cast %mul3A_107 : vector<512x512xf32> to vector<1x512x512xf32>
    %reduce_sum3A_109 = arith.constant dense<0.000000e+00> : vector<1xf32>
    %reduce_sum3A_110 = vector.multi_reduction <add>, %reduce_sum3A_108, %reduce_sum3A_109 [1, 2] : vector<1x512x512xf32> to vector<1xf32>
    %reduce_sum3A_111 = vector.shape_cast %reduce_sum3A_110 : vector<1xf32> to vector<1x1x1xf32>
    %reduce_sum3A_112 = vector.extract %reduce_sum3A_111[0, 0, 0] : f32 from vector<1x1x1xf32>
    %mul3A_113 = arith.mulf %reduce_sum3A_102, %reduce_sum3A_102 : f32
    %div3A_114 = arith.constant 2.621440e+05 : f32
    %div3A_115 = arith.divf %mul3A_113, %div3A_114 : f32
    %sub3A_116 = arith.subf %reduce_sum3A_112, %div3A_115 : f32
    %sub3A_117 = arith.constant 2.621440e+05 : f32
    %sub3A_118 = arith.constant 1.000000e+00 : f32
    %sub3A_119 = arith.subf %sub3A_117, %sub3A_118 : f32
    %div3A_120 = arith.divf %sub3A_116, %sub3A_119 : f32
    %add3A_121 = arith.addf %add3A_94, %div3A_120 : f32
    %add3A_122 = arith.addf %add3A_95, %reduce_sum3A_102 : f32
    %div3A_123 = arith.constant 3.000000e+00 : f32
    %div3A_124 = arith.divf %add3A_121, %div3A_123 : f32
    %mul3A_125 = arith.constant 3.000000e+00 : f32
    %mul3A_126 = arith.constant 2.621440e+05 : f32
    %mul3A_127 = arith.mulf %mul3A_125, %mul3A_126 : f32
    %div3A_128 = arith.divf %add3A_122, %mul3A_127 : f32
    %iota3A = tpu.iota {dimensions = array<i32: 1>} : vector<1x128xi32>
    %iota3A_129 = vector.shape_cast %iota3A : vector<1x128xi32> to vector<128xi32>
    %eq3A = arith.constant 0 : i32
    %eq3A_130 = vector.broadcast %eq3A : i32 to vector<128xi32>
    %eq3A_131 = arith.cmpi eq, %iota3A_129, %eq3A_130 : vector<128xi32>
    %eq3A_132 = arith.constant 1 : i32
    %eq3A_133 = vector.broadcast %eq3A_132 : i32 to vector<128xi32>
    %eq3A_134 = arith.cmpi eq, %iota3A_129, %eq3A_133 : vector<128xi32>
    %jit3A = arith.constant 0.000000e+00 : f32
    %broadcast_in_dim3A = vector.broadcast %div3A_128 : f32 to vector<128xf32>
    %broadcast_in_dim3A_135 = vector.broadcast %jit3A : f32 to vector<128xf32>
    %select_n3A = arith.select %eq3A_134, %broadcast_in_dim3A, %broadcast_in_dim3A_135 : vector<128xi1>, vector<128xf32>
    %broadcast_in_dim3A_136 = vector.broadcast %div3A_124 : f32 to vector<128xf32>
    %select_n3A_137 = arith.select %eq3A_131, %broadcast_in_dim3A_136, %select_n3A : vector<128xi1>, vector<128xf32>
    %swap3A_138 = arith.constant 0 : index
    %swap3A_139 = arith.constant 0 : index
    %swap3A_140 = arith.constant 0 : index
    %swap3A_141 = vector.load %arg3[%swap3A_138, %swap3A_139, %swap3A_140] : memref<1x1x128xf32, #tpu.memory_space<vmem>>, vector<1x1x128xf32>
    %swap3A_142 = vector.shape_cast %swap3A_141 : vector<1x1x128xf32> to vector<128xf32>
    %swap3A_143 = vector.shape_cast %select_n3A_137 : vector<128xf32> to vector<1x1x128xf32>
    tpu.vector_store %arg3[%swap3A_138, %swap3A_139, %swap3A_140], %swap3A_143 {strides = array<i32>} : memref<1x1x128xf32, #tpu.memory_space<vmem>>, vector<1x1x128xf32>,
    return
  }
  func.func @transform_0(%arg0: i32) -> (i32, i32, i32, i32) {
    %add3A = arith.constant 32 : i32
    %add3A_0 = arith.addi %add3A, %arg0 : i32
    %c0_i32 = arith.constant 0 : i32
    %c0_i32_1 = arith.constant 0 : i32
    %c0_i32_2 = arith.constant 0 : i32
    %c0_i32_3 = arith.constant 0 : i32
    return %add3A_0, %c0_i32, %c0_i32_1, %c0_i32_2 : i32, i32, i32, i32
  }
  func.func @transform_1(%arg0: i32) -> (i32, i32, i32) {
    %c0_i32 = arith.constant 0 : i32
    %c0_i32_0 = arith.constant 0 : i32
    %c0_i32_1 = arith.constant 0 : i32
    return %arg0, %c0_i32, %c0_i32_0 : i32, i32, i32
  }
  func.func @transform_2(%arg0: i32) -> (i32, i32, i32) {
    %c0_i32 = arith.constant 0 : i32
    %c0_i32_0 = arith.constant 0 : i32
    %c0_i32_1 = arith.constant 0 : i32
    return %arg0, %c0_i32, %c0_i32_0 : i32, i32, i32
  }
}

module attributes {stable_mosaic.version = 14 : i64} {
  func.func @_tc_pass_kernel(%arg0: i32, %arg1: memref<1x3x512x512xf32, #tpu.memory_space<vmem>>, %arg2: memref<1x512x512xi32, #tpu.memory_space<vmem>>, %arg3: memref<1x1x128xf32, #tpu.memory_space<vmem>>) attributes {dimension_semantics = [#tpu.dimension_semantics<arbitrary>], iteration_bounds = array<i64: 32>, scalar_prefetch = 0 : i64, scratch_operands = 0 : i64, tpu.core_type = #tpu.core_type<tc>, window_params = [{transform_indices = @transform_0, window_bounds = array<i64: 1, 3, 512, 512>}, {transform_indices = @transform_1, window_bounds = array<i64: 1, 512, 512>}, {transform_indices = @transform_2, window_bounds = array<i64: 1, 1, 128>}]} {
    %get3A = arith.constant 0 : index
    %get3A_0 = arith.constant 0 : index
    %get3A_1 = arith.constant 0 : index
    %get3A_2 = arith.constant 0 : index
    %get3A_3 = vector.load %arg1[%get3A, %get3A_0, %get3A_1, %get3A_2] : memref<1x3x512x512xf32, #tpu.memory_space<vmem>>, vector<1x3x512x512xf32>
    %get3A_4 = vector.shape_cast %get3A_3 : vector<1x3x512x512xf32> to vector<3x512x512xf32>
    %add3A = arith.constant 0.000000e+00 : f32
    %add3A_5 = vector.broadcast %add3A : f32 to vector<3x512x512xf32>
    %add3A_6 = arith.addf %get3A_4, %add3A_5 : vector<3x512x512xf32>
    %bitcast_convert_type3A = tpu.bitcast %add3A_6 : vector<3x512x512xf32> -> vector<3x512x512xi32>
    %slice3A = vector.extract_strided_slice %bitcast_convert_type3A {offsets = [0, 0, 0], sizes = [1, 512, 512], strides = [1, 1, 1]} : vector<3x512x512xi32> to vector<1x512x512xi32>
    %squeeze3A = vector.shape_cast %slice3A : vector<1x512x512xi32> to vector<512x512xi32>
    %mul3A = arith.constant -862048943 : i32
    %mul3A_7 = vector.broadcast %mul3A : i32 to vector<512x512xi32>
    %mul3A_8 = arith.muli %squeeze3A, %mul3A_7 : vector<512x512xi32>
    %slice3A_9 = vector.extract_strided_slice %bitcast_convert_type3A {offsets = [1, 0, 0], sizes = [1, 512, 512], strides = [1, 1, 1]} : vector<3x512x512xi32> to vector<1x512x512xi32>
    %squeeze3A_10 = vector.shape_cast %slice3A_9 : vector<1x512x512xi32> to vector<512x512xi32>
    %mul3A_11 = arith.constant 461845907 : i32
    %mul3A_12 = vector.broadcast %mul3A_11 : i32 to vector<512x512xi32>
    %mul3A_13 = arith.muli %squeeze3A_10, %mul3A_12 : vector<512x512xi32>
    %add3A_14 = arith.addi %mul3A_8, %mul3A_13 : vector<512x512xi32>
    %slice3A_15 = vector.extract_strided_slice %bitcast_convert_type3A {offsets = [2, 0, 0], sizes = [1, 512, 512], strides = [1, 1, 1]} : vector<3x512x512xi32> to vector<1x512x512xi32>
    %squeeze3A_16 = vector.shape_cast %slice3A_15 : vector<1x512x512xi32> to vector<512x512xi32>
    %mul3A_17 = arith.constant -2048144789 : i32
    %mul3A_18 = vector.broadcast %mul3A_17 : i32 to vector<512x512xi32>
    %mul3A_19 = arith.muli %squeeze3A_16, %mul3A_18 : vector<512x512xi32>
    %add3A_20 = arith.addi %add3A_14, %mul3A_19 : vector<512x512xi32>
    %shift_right_logical3A = arith.constant 16 : i32
    %shift_right_logical3A_21 = vector.broadcast %shift_right_logical3A : i32 to vector<512x512xi32>
    %shift_right_logical3A_22 = arith.shrui %add3A_20, %shift_right_logical3A_21 : vector<512x512xi32>
    %xor3A = arith.xori %add3A_20, %shift_right_logical3A_22 : vector<512x512xi32>
    %mul3A_23 = arith.constant 2146121005 : i32
    %mul3A_24 = vector.broadcast %mul3A_23 : i32 to vector<512x512xi32>
    %mul3A_25 = arith.muli %xor3A, %mul3A_24 : vector<512x512xi32>
    %shift_right_logical3A_26 = arith.constant 15 : i32
    %shift_right_logical3A_27 = vector.broadcast %shift_right_logical3A_26 : i32 to vector<512x512xi32>
    %shift_right_logical3A_28 = arith.shrui %mul3A_25, %shift_right_logical3A_27 : vector<512x512xi32>
    %xor3A_29 = arith.xori %mul3A_25, %shift_right_logical3A_28 : vector<512x512xi32>
    %mul3A_30 = arith.constant -2073254261 : i32
    %mul3A_31 = vector.broadcast %mul3A_30 : i32 to vector<512x512xi32>
    %mul3A_32 = arith.muli %xor3A_29, %mul3A_31 : vector<512x512xi32>
    %shift_right_logical3A_33 = arith.constant 16 : i32
    %shift_right_logical3A_34 = vector.broadcast %shift_right_logical3A_33 : i32 to vector<512x512xi32>
    %shift_right_logical3A_35 = arith.shrui %mul3A_32, %shift_right_logical3A_34 : vector<512x512xi32>
    %xor3A_36 = arith.xori %mul3A_32, %shift_right_logical3A_35 : vector<512x512xi32>
    %bitcast_convert_type3A_37 = tpu.bitcast %xor3A_36 : vector<512x512xi32> -> vector<512x512xi32>
    %swap3A = arith.constant 0 : index
    %swap3A_38 = arith.constant 0 : index
    %swap3A_39 = arith.constant 0 : index
    %swap3A_40 = vector.load %arg2[%swap3A, %swap3A_38, %swap3A_39] : memref<1x512x512xi32, #tpu.memory_space<vmem>>, vector<1x512x512xi32>
    %swap3A_41 = vector.shape_cast %swap3A_40 : vector<1x512x512xi32> to vector<512x512xi32>
    %swap3A_42 = vector.shape_cast %bitcast_convert_type3A_37 : vector<512x512xi32> to vector<1x512x512xi32>
    tpu.vector_store %arg2[%swap3A, %swap3A_38, %swap3A_39], %swap3A_42 {strides = array<i32>} : memref<1x512x512xi32, #tpu.memory_space<vmem>>, vector<1x512x512xi32>,
    %slice3A_43 = vector.extract_strided_slice %add3A_6 {offsets = [0, 0, 0], sizes = [1, 512, 512], strides = [1, 1, 1]} : vector<3x512x512xf32> to vector<1x512x512xf32>
    %squeeze3A_44 = vector.shape_cast %slice3A_43 : vector<1x512x512xf32> to vector<512x512xf32>
    %reduce_sum3A = vector.shape_cast %squeeze3A_44 : vector<512x512xf32> to vector<1x512x512xf32>
    %reduce_sum3A_45 = arith.constant dense<0.000000e+00> : vector<1xf32>
    %reduce_sum3A_46 = vector.multi_reduction <add>, %reduce_sum3A, %reduce_sum3A_45 [1, 2] : vector<1x512x512xf32> to vector<1xf32>
    %reduce_sum3A_47 = vector.shape_cast %reduce_sum3A_46 : vector<1xf32> to vector<1x1x1xf32>
    %reduce_sum3A_48 = vector.extract %reduce_sum3A_47[0, 0, 0] : f32 from vector<1x1x1xf32>
    %slice3A_49 = vector.extract_strided_slice %add3A_6 {offsets = [0, 0, 0], sizes = [1, 512, 512], strides = [1, 1, 1]} : vector<3x512x512xf32> to vector<1x512x512xf32>
    %squeeze3A_50 = vector.shape_cast %slice3A_49 : vector<1x512x512xf32> to vector<512x512xf32>
    %slice3A_51 = vector.extract_strided_slice %add3A_6 {offsets = [0, 0, 0], sizes = [1, 512, 512], strides = [1, 1, 1]} : vector<3x512x512xf32> to vector<1x512x512xf32>
    %squeeze3A_52 = vector.shape_cast %slice3A_51 : vector<1x512x512xf32> to vector<512x512xf32>
    %mul3A_53 = arith.mulf %squeeze3A_50, %squeeze3A_52 : vector<512x512xf32>
    %reduce_sum3A_54 = vector.shape_cast %mul3A_53 : vector<512x512xf32> to vector<1x512x512xf32>
    %reduce_sum3A_55 = arith.constant dense<0.000000e+00> : vector<1xf32>
    %reduce_sum3A_56 = vector.multi_reduction <add>, %reduce_sum3A_54, %reduce_sum3A_55 [1, 2] : vector<1x512x512xf32> to vector<1xf32>
    %reduce_sum3A_57 = vector.shape_cast %reduce_sum3A_56 : vector<1xf32> to vector<1x1x1xf32>
    %reduce_sum3A_58 = vector.extract %reduce_sum3A_57[0, 0, 0] : f32 from vector<1x1x1xf32>
    %mul3A_59 = arith.mulf %reduce_sum3A_48, %reduce_sum3A_48 : f32
    %div3A = arith.constant 2.621440e+05 : f32
    %div3A_60 = arith.divf %mul3A_59, %div3A : f32
    %sub3A = arith.subf %reduce_sum3A_58, %div3A_60 : f32
    %sub3A_61 = arith.constant 2.621440e+05 : f32
    %sub3A_62 = arith.constant 1.000000e+00 : f32
    %sub3A_63 = arith.subf %sub3A_61, %sub3A_62 : f32
    %div3A_64 = arith.divf %sub3A, %sub3A_63 : f32
    %add3A_65 = arith.constant 0.000000e+00 : f32
    %add3A_66 = arith.addf %add3A_65, %div3A_64 : f32
    %add3A_67 = arith.constant 0.000000e+00 : f32
    %add3A_68 = arith.addf %add3A_67, %reduce_sum3A_48 : f32
    %slice3A_69 = vector.extract_strided_slice %add3A_6 {offsets = [1, 0, 0], sizes = [1, 512, 512], strides = [1, 1, 1]} : vector<3x512x512xf32> to vector<1x512x512xf32>
    %squeeze3A_70 = vector.shape_cast %slice3A_69 : vector<1x512x512xf32> to vector<512x512xf32>
    %reduce_sum3A_71 = vector.shape_cast %squeeze3A_70 : vector<512x512xf32> to vector<1x512x512xf32>
    %reduce_sum3A_72 = arith.constant dense<0.000000e+00> : vector<1xf32>
    %reduce_sum3A_73 = vector.multi_reduction <add>, %reduce_sum3A_71, %reduce_sum3A_72 [1, 2] : vector<1x512x512xf32> to vector<1xf32>
    %reduce_sum3A_74 = vector.shape_cast %reduce_sum3A_73 : vector<1xf32> to vector<1x1x1xf32>
    %reduce_sum3A_75 = vector.extract %reduce_sum3A_74[0, 0, 0] : f32 from vector<1x1x1xf32>
    %slice3A_76 = vector.extract_strided_slice %add3A_6 {offsets = [1, 0, 0], sizes = [1, 512, 512], strides = [1, 1, 1]} : vector<3x512x512xf32> to vector<1x512x512xf32>
    %squeeze3A_77 = vector.shape_cast %slice3A_76 : vector<1x512x512xf32> to vector<512x512xf32>
    %slice3A_78 = vector.extract_strided_slice %add3A_6 {offsets = [1, 0, 0], sizes = [1, 512, 512], strides = [1, 1, 1]} : vector<3x512x512xf32> to vector<1x512x512xf32>
    %squeeze3A_79 = vector.shape_cast %slice3A_78 : vector<1x512x512xf32> to vector<512x512xf32>
    %mul3A_80 = arith.mulf %squeeze3A_77, %squeeze3A_79 : vector<512x512xf32>
    %reduce_sum3A_81 = vector.shape_cast %mul3A_80 : vector<512x512xf32> to vector<1x512x512xf32>
    %reduce_sum3A_82 = arith.constant dense<0.000000e+00> : vector<1xf32>
    %reduce_sum3A_83 = vector.multi_reduction <add>, %reduce_sum3A_81, %reduce_sum3A_82 [1, 2] : vector<1x512x512xf32> to vector<1xf32>
    %reduce_sum3A_84 = vector.shape_cast %reduce_sum3A_83 : vector<1xf32> to vector<1x1x1xf32>
    %reduce_sum3A_85 = vector.extract %reduce_sum3A_84[0, 0, 0] : f32 from vector<1x1x1xf32>
    %mul3A_86 = arith.mulf %reduce_sum3A_75, %reduce_sum3A_75 : f32
    %div3A_87 = arith.constant 2.621440e+05 : f32
    %div3A_88 = arith.divf %mul3A_86, %div3A_87 : f32
    %sub3A_89 = arith.subf %reduce_sum3A_85, %div3A_88 : f32
    %sub3A_90 = arith.constant 2.621440e+05 : f32
    %sub3A_91 = arith.constant 1.000000e+00 : f32
    %sub3A_92 = arith.subf %sub3A_90, %sub3A_91 : f32
    %div3A_93 = arith.divf %sub3A_89, %sub3A_92 : f32
    %add3A_94 = arith.addf %add3A_66, %div3A_93 : f32
    %add3A_95 = arith.addf %add3A_68, %reduce_sum3A_75 : f32
    %slice3A_96 = vector.extract_strided_slice %add3A_6 {offsets = [2, 0, 0], sizes = [1, 512, 512], strides = [1, 1, 1]} : vector<3x512x512xf32> to vector<1x512x512xf32>
    %squeeze3A_97 = vector.shape_cast %slice3A_96 : vector<1x512x512xf32> to vector<512x512xf32>
    %reduce_sum3A_98 = vector.shape_cast %squeeze3A_97 : vector<512x512xf32> to vector<1x512x512xf32>
    %reduce_sum3A_99 = arith.constant dense<0.000000e+00> : vector<1xf32>
    %reduce_sum3A_100 = vector.multi_reduction <add>, %reduce_sum3A_98, %reduce_sum3A_99 [1, 2] : vector<1x512x512xf32> to vector<1xf32>
    %reduce_sum3A_101 = vector.shape_cast %reduce_sum3A_100 : vector<1xf32> to vector<1x1x1xf32>
    %reduce_sum3A_102 = vector.extract %reduce_sum3A_101[0, 0, 0] : f32 from vector<1x1x1xf32>
    %slice3A_103 = vector.extract_strided_slice %add3A_6 {offsets = [2, 0, 0], sizes = [1, 512, 512], strides = [1, 1, 1]} : vector<3x512x512xf32> to vector<1x512x512xf32>
    %squeeze3A_104 = vector.shape_cast %slice3A_103 : vector<1x512x512xf32> to vector<512x512xf32>
    %slice3A_105 = vector.extract_strided_slice %add3A_6 {offsets = [2, 0, 0], sizes = [1, 512, 512], strides = [1, 1, 1]} : vector<3x512x512xf32> to vector<1x512x512xf32>
    %squeeze3A_106 = vector.shape_cast %slice3A_105 : vector<1x512x512xf32> to vector<512x512xf32>
    %mul3A_107 = arith.mulf %squeeze3A_104, %squeeze3A_106 : vector<512x512xf32>
    %reduce_sum3A_108 = vector.shape_cast %mul3A_107 : vector<512x512xf32> to vector<1x512x512xf32>
    %reduce_sum3A_109 = arith.constant dense<0.000000e+00> : vector<1xf32>
    %reduce_sum3A_110 = vector.multi_reduction <add>, %reduce_sum3A_108, %reduce_sum3A_109 [1, 2] : vector<1x512x512xf32> to vector<1xf32>
    %reduce_sum3A_111 = vector.shape_cast %reduce_sum3A_110 : vector<1xf32> to vector<1x1x1xf32>
    %reduce_sum3A_112 = vector.extract %reduce_sum3A_111[0, 0, 0] : f32 from vector<1x1x1xf32>
    %mul3A_113 = arith.mulf %reduce_sum3A_102, %reduce_sum3A_102 : f32
    %div3A_114 = arith.constant 2.621440e+05 : f32
    %div3A_115 = arith.divf %mul3A_113, %div3A_114 : f32
    %sub3A_116 = arith.subf %reduce_sum3A_112, %div3A_115 : f32
    %sub3A_117 = arith.constant 2.621440e+05 : f32
    %sub3A_118 = arith.constant 1.000000e+00 : f32
    %sub3A_119 = arith.subf %sub3A_117, %sub3A_118 : f32
    %div3A_120 = arith.divf %sub3A_116, %sub3A_119 : f32
    %add3A_121 = arith.addf %add3A_94, %div3A_120 : f32
    %add3A_122 = arith.addf %add3A_95, %reduce_sum3A_102 : f32
    %div3A_123 = arith.constant 3.000000e+00 : f32
    %div3A_124 = arith.divf %add3A_121, %div3A_123 : f32
    %mul3A_125 = arith.constant 3.000000e+00 : f32
    %mul3A_126 = arith.constant 2.621440e+05 : f32
    %mul3A_127 = arith.mulf %mul3A_125, %mul3A_126 : f32
    %div3A_128 = arith.divf %add3A_122, %mul3A_127 : f32
    %iota3A = tpu.iota {dimensions = array<i32: 1>} : vector<1x128xi32>
    %iota3A_129 = vector.shape_cast %iota3A : vector<1x128xi32> to vector<128xi32>
    %eq3A = arith.constant 0 : i32
    %eq3A_130 = vector.broadcast %eq3A : i32 to vector<128xi32>
    %eq3A_131 = arith.cmpi eq, %iota3A_129, %eq3A_130 : vector<128xi32>
    %eq3A_132 = arith.constant 1 : i32
    %eq3A_133 = vector.broadcast %eq3A_132 : i32 to vector<128xi32>
    %eq3A_134 = arith.cmpi eq, %iota3A_129, %eq3A_133 : vector<128xi32>
    %jit3A = arith.constant 0.000000e+00 : f32
    %broadcast_in_dim3A = vector.broadcast %div3A_128 : f32 to vector<128xf32>
    %broadcast_in_dim3A_135 = vector.broadcast %jit3A : f32 to vector<128xf32>
    %select_n3A = arith.select %eq3A_134, %broadcast_in_dim3A, %broadcast_in_dim3A_135 : vector<128xi1>, vector<128xf32>
    %broadcast_in_dim3A_136 = vector.broadcast %div3A_124 : f32 to vector<128xf32>
    %select_n3A_137 = arith.select %eq3A_131, %broadcast_in_dim3A_136, %select_n3A : vector<128xi1>, vector<128xf32>
    %swap3A_138 = arith.constant 0 : index
    %swap3A_139 = arith.constant 0 : index
    %swap3A_140 = arith.constant 0 : index
    %swap3A_141 = vector.load %arg3[%swap3A_138, %swap3A_139, %swap3A_140] : memref<1x1x128xf32, #tpu.memory_space<vmem>>, vector<1x1x128xf32>
    %swap3A_142 = vector.shape_cast %swap3A_141 : vector<1x1x128xf32> to vector<128xf32>
    %swap3A_143 = vector.shape_cast %select_n3A_137 : vector<128xf32> to vector<1x1x128xf32>
    tpu.vector_store %arg3[%swap3A_138, %swap3A_139, %swap3A_140], %swap3A_143 {strides = array<i32>} : memref<1x1x128xf32, #tpu.memory_space<vmem>>, vector<1x1x128xf32>,
    return
  }
  func.func @transform_0(%arg0: i32) -> (i32, i32, i32, i32) {
    %add3A = arith.constant 0 : i32
    %add3A_0 = arith.addi %add3A, %arg0 : i32
    %c0_i32 = arith.constant 0 : i32
    %c0_i32_1 = arith.constant 0 : i32
    %c0_i32_2 = arith.constant 0 : i32
    %c0_i32_3 = arith.constant 0 : i32
    return %add3A_0, %c0_i32, %c0_i32_1, %c0_i32_2 : i32, i32, i32, i32
  }
  func.func @transform_1(%arg0: i32) -> (i32, i32, i32) {
    %c0_i32 = arith.constant 0 : i32
    %c0_i32_0 = arith.constant 0 : i32
    %c0_i32_1 = arith.constant 0 : i32
    return %arg0, %c0_i32, %c0_i32_0 : i32, i32, i32
  }
  func.func @transform_2(%arg0: i32) -> (i32, i32, i32) {
    %c0_i32 = arith.constant 0 : i32
    %c0_i32_0 = arith.constant 0 : i32
    %c0_i32_1 = arith.constant 0 : i32
    return %arg0, %c0_i32, %c0_i32_0 : i32, i32, i32
  }
}

module attributes {stable_mosaic.version = 14 : i64} {
  func.func @_estimate_kernel(%arg0: memref<8x128xi32, #tpu.memory_space<vmem>>, %arg1: memref<8x128xi32, #tpu.memory_space<vmem>>) attributes {dimension_semantics = [], scalar_prefetch = 0 : i64, scratch_operands = 0 : i64, tpu.core_type = #tpu.core_type<tc>} {
    %get3A = arith.constant 0 : index
    %get3A_0 = arith.constant 0 : index
    %get3A_1 = vector.load %arg0[%get3A, %get3A_0] : memref<8x128xi32, #tpu.memory_space<vmem>>, vector<8x128xi32>
    %convert_element_type3A = arith.sitofp %get3A_1 : vector<8x128xi32> to vector<8x128xf32>
    %div3A = arith.constant 2.621440e+05 : f32
    %div3A_2 = vector.broadcast %div3A : f32 to vector<8x128xf32>
    %div3A_3 = arith.divf %convert_element_type3A, %div3A_2 : vector<8x128xf32>
    %min3A = arith.constant 0.999989986 : f32
    %min3A_4 = vector.broadcast %min3A : f32 to vector<8x128xf32>
    %min3A_5 = arith.minimumf %div3A_3, %min3A_4 : vector<8x128xf32>
    %neg3A = arith.constant 0.000000e+00 : f32
    %neg3A_6 = arith.constant 2.621440e+05 : f32
    %neg3A_7 = arith.subf %neg3A, %neg3A_6 : f32
    %neg3A_8 = arith.constant 0.000000e+00 : f32
    %neg3A_9 = vector.broadcast %neg3A_8 : f32 to vector<8x128xf32>
    %neg3A_10 = arith.subf %neg3A_9, %min3A_5 : vector<8x128xf32>
    %log1p3A = math.log1p %neg3A_10 : vector<8x128xf32>
    %mul3A = vector.broadcast %neg3A_7 : f32 to vector<8x128xf32>
    %mul3A_11 = arith.mulf %mul3A, %log1p3A : vector<8x128xf32>
    %round3A = math.roundeven %mul3A_11 : vector<8x128xf32>
    %jit3A = arith.constant 1.000000e+00 : f32
    %jit3A_12 = arith.constant 2.621440e+05 : f32
    %max3A = vector.broadcast %jit3A : f32 to vector<8x128xf32>
    %max3A_13 = arith.maximumf %max3A, %round3A : vector<8x128xf32>
    %min3A_14 = vector.broadcast %jit3A_12 : f32 to vector<8x128xf32>
    %min3A_15 = arith.minimumf %min3A_14, %max3A_13 : vector<8x128xf32>
    %convert_element_type3A_16 = arith.fptosi %min3A_15 : vector<8x128xf32> to vector<8x128xi32>
    %swap3A = arith.constant 0 : index
    %swap3A_17 = arith.constant 0 : index
    %swap3A_18 = vector.load %arg1[%swap3A, %swap3A_17] : memref<8x128xi32, #tpu.memory_space<vmem>>, vector<8x128xi32>
    tpu.vector_store %arg1[%swap3A, %swap3A_17], %convert_element_type3A_16 {strides = array<i32>} : memref<8x128xi32, #tpu.memory_space<vmem>>, vector<8x128xi32>,
    return
  }
}

</mosaic_0001>

<sc_bundles>
// kernel: kernel.10.cloned.1.call-start
scs
__scs_entry_jumppad:
0x0: {  	(pc) =	sbr.rel $0x88, $3  }
0x1: {  	(tag) =	ssettag $0x0;
	lr =	simm.s32 $0x1  }
0x2: {  	[smem:$0x3FA0] =	sst lr;
	_ =	strace $0xD0000000  }
0x3: {  	_ = 	snop  }
0x4: {  	_ = 	snop  }
0x5: {  	_ = 	snop  }
0x6: {  	_ = 	snop  }
0x7: {  	_ = 	snop  }
__scs_overlays_trampoline_lowered:
0x8: {  	[smem:$0x3FAF] =	sst s0  }
0x9: {  	[smem:$0x3FB0] =	sst s1  }
0xa: {  	[smem:$0x3FB1] =	sst s2  }
0xb: {  	[smem:$0x3FB2] =	sst s3  }
0xc: {  	[smem:$0x3FB3] =	sst s4  }
0xd: {  	[smem:$0x3FB4] =	sst s5  }
0xe: {  	[smem:$0x3FB5] =	sst s6  }
0xf: {  	[smem:$0x3FB6] =	sst s7  }
0x10: {  	[smem:$0x3FB7] =	sst s8  }
0x11: {  	[smem:$0x3FB8] =	sst s9;
	s0 =	simm.s32 @!p0 $0x0  }
0x12: {  	s1 =	sld [smem:$0x3F9E];
	s0 =	simm.s32 @p0 $0x1  }
0x13: {  	[smem:$0x3FB9] =	sst s0;
	s0 =	simm.s32 @!p1 $0x0  }
0x14: {  	s2 =	sld [smem:$0x3F9D];
	s0 =	simm.s32 @p1 $0x1  }
0x15: {  	[smem:$0x3FBA] =	sst s0;
	s0 =	simm.s32 @!p2 $0x0  }
0x16: {  	s3 =	sld [smem:$0x3FDB];
	s0 =	simm.s32 @p2 $0x1  }
0x17: {  	s4 =	simm.s32 $0x1BF5;
	[smem:$0x3FBC] =	sst s0  }
0x18: {  	s0 =	sld [smem:$0x3F9F];
	_ =	swait.ge [sflag:s4], $0x0  }
0x19: {  	s7 =	sld [smem:$0x3FA0]  }
0x1a: {  	s8 =	sadd.s32 $0xFFFFE003, lr  }
0x1b: {  	s9 =	sadd.s32 $0xFFFFFEF7, lr;
	s5 =	simm.s32 $0xFFFFFFFF;
	p2 =	slt.u32 s8, $0xFFFFF086  }
0x1c: {  	p1 =	slt.u32 s9, $0xF7A;
	s5 =	simm.s32 @!p2 $0x0  }
0x1d: {  	s5 =	simm.s32 @p1 $0x1;
	p0 =	seq.s32 s7, s2  }
0x1e: {  	s7 =	smul.u32 @!p0 $0xF7A, s2;
	p2 =	seq.s32 @!p0 s5, $0x0  }
0x1f: {  	s9 =	smul.u32 $0xF7A, s1;
	s8 =	simm.s32 @!p0 $0x1BF5;
	p2 =	por !p2, p0  }
0x20: {  	[sflag:s8] =	ssyncset.s32 @!p0 $0xFFFFF086;
	s6 =	sadd.s32 @!p0 s3, s7;
	s7 =	simm.s32 @!p0 $0x108  }
0x21: {  	s3 =	sadd.s32 s3, s9;
	s6 =	sadd.s32 @!p0 $0x88, s6;
	s7 =	simm.s32 @p2 $0x1082  }
0x22: {  	[simem:s7], [sflag:s8] =	dma.local @!p0 [hbm:s6], $0xF7A  }
0x23: {  	s9 =	sor.u32 $0xD0000000, s2;
	s6 =	simm.s32 $0x108;
	_ =	swait.ge @!p0 [sflag:s8], $0x0  }
0x24: {  	s3 =	sadd.s32 $0x88, s3;
	s6 =	simm.s32 @!p1 $0x1082;
	[sflag:s4] =	ssyncset.s32 $0xFFFFF086  }
0x25: {  	[simem:s6], [sflag:s4] =	dma.local [hbm:s3], $0xF7A  }
0x26: {  	[smem:$0x3FA0] =	sst s1;
	(tag) =	ssettag s2;
	_ =	strace s9  }
0x27: {  	s1 =	sld [smem:$0x3FB0]  }
0x28: {  	s2 =	sld [smem:$0x3FB1]  }
0x29: {  	s4 =	sld [smem:$0x3FB3]  }
0x2a: {  	p0 =	seq.s32 s5, $0x0;
	s5 =	sld [smem:$0x3FB4]  }
0x2b: {  	s6 =	sld [smem:$0x3FB5]  }
0x2c: {  	s7 =	sld [smem:$0x3FB6]  }
0x2d: {  	s3 =	simm.s32 $0x108;
	s8 =	sld [smem:$0x3FB7]  }
0x2e: {  	s3 =	simm.s32 @!p0 $0x1082;
	s9 =	sld [smem:$0x3FB8]  }
0x2f: {  	lr =	sadd.s32 s0, s3;
	s0 =	sld [smem:$0x3FAF]  }
0x30: {  	s3 =	sld [smem:$0x3FB2]  }
0x31: {  	[smem:$0x3FBB] =	sst s10  }
0x32: {  	s10 =	sld [smem:$0x3FB9];
	_ =	sdelay $0x3  }
0x33: {  	p0 =	seq.s32 s10, $0x1;
	s10 =	sld [smem:$0x3FBB];
	_ =	sdelay $0x3  }
0x34: {  	[smem:$0x3FBB] =	sst s10  }
0x35: {  	s10 =	sld [smem:$0x3FBA];
	_ =	sdelay $0x3  }
0x36: {  	p1 =	seq.s32 s10, $0x1;
	s10 =	sld [smem:$0x3FBB];
	_ =	sdelay $0x3  }
0x37: {  	[smem:$0x3FBB] =	sst s10  }
0x38: {  	s10 =	sld [smem:$0x3FBC]  }
0x39: {  	_ = 	snop;
	(pc) =	sbr.ind lr, $3  }
0x3a: {  	_ = 	snop  }
0x3b: {  	_ = 	snop  }
0x3c: {  	p2 =	seq.s32 s10, $0x1;
	s10 =	sld [smem:$0x3FBB]  }
0x3d: {  	_ =	shalt  }
0x3e: {  	_ =	shalt  }
0x3f: {  	_ =	shalt  }
0x40: {  	_ =	shalt  }
0x41: {  	_ =	shalt  }
0x42: {  	_ =	shalt  }
0x43: {  	_ =	shalt  }
0x44: {  	_ =	shalt  }
0x45: {  	_ =	shalt  }
0x46: {  	_ =	shalt  }
0x47: {  	_ =	shalt  }
0x48: {  	_ =	shalt  }
0x49: {  	_ =	shalt  }
0x4a: {  	_ =	shalt  }
0x4b: {  	_ =	shalt  }
0x4c: {  	_ =	shalt  }
0x4d: {  	_ =	shalt  }
0x4e: {  	_ =	shalt  }
0x4f: {  	_ =	shalt  }
0x50: {  	_ =	shalt  }
0x51: {  	_ =	shalt  }
0x52: {  	_ =	shalt  }
0x53: {  	_ =	shalt  }
0x54: {  	_ =	shalt  }
0x55: {  	_ =	shalt  }
0x56: {  	_ =	shalt  }
0x57: {  	_ =	shalt  }
0x58: {  	_ =	shalt  }
0x59: {  	_ =	shalt  }
0x5a: {  	_ =	shalt  }
0x5b: {  	_ =	shalt  }
0x5c: {  	_ =	shalt  }
0x5d: {  	_ =	shalt  }
0x5e: {  	_ =	shalt  }
0x5f: {  	_ =	shalt  }
0x60: {  	_ =	shalt  }
0x61: {  	_ =	shalt  }
0x62: {  	_ =	shalt  }
0x63: {  	_ =	shalt  }
0x64: {  	_ =	shalt  }
0x65: {  	_ =	shalt  }
0x66: {  	_ =	shalt  }
0x67: {  	_ =	shalt  }
0x68: {  	_ =	shalt  }
0x69: {  	_ =	shalt  }
0x6a: {  	_ =	shalt  }
0x6b: {  	_ =	shalt  }
0x6c: {  	_ =	shalt  }
0x6d: {  	_ =	shalt  }
0x6e: {  	_ =	shalt  }
0x6f: {  	_ =	shalt  }
0x70: {  	_ =	shalt  }
0x71: {  	_ =	shalt  }
0x72: {  	_ =	shalt  }
0x73: {  	_ =	shalt  }
0x74: {  	_ =	shalt  }
0x75: {  	_ =	shalt  }
0x76: {  	_ =	shalt  }
0x77: {  	_ =	shalt  }
0x78: {  	_ =	shalt  }
0x79: {  	_ =	shalt  }
0x7a: {  	_ =	shalt  }
0x7b: {  	_ =	shalt  }
0x7c: {  	_ =	shalt  }
0x7d: {  	_ =	shalt  }
0x7e: {  	_ =	shalt  }
0x7f: {  	_ =	shalt  }
0x80: {  	_ =	shalt  }
0x81: {  	_ =	shalt  }
0x82: {  	_ =	shalt  }
0x83: {  	_ =	shalt  }
0x84: {  	_ =	shalt  }
0x85: {  	_ =	shalt  }
0x86: {  	_ =	shalt  }
0x87: {  	_ =	shalt  }
.Lfunc_end0:
.L_simem_size_0:
called_computation.1_lowered:
.L_overlay_start_0:
0x88: {  	s2 =	sld [smem:$0x3FD9]  }
0x89: {  	s3 =	sld [smem:$0x3FFE];
	_ =	sdelay $0x1  }
0x8a: {  	s1 =	srdreg.scid  }
0x8b: {  	s0 =	sand.u32 $0x1, s1  }
0x8c: {  	s16 =	sshll.u32 s0, $0xA;
	s2 =	sadd.s32 s3, s2  }
0x8d: {  	s2 =	sadd.s32 s2, s16  }
0x8e: {  	[smem:$0x3FC7] =	sst s2  }
0x8f: {  	_ = 	snop  }
0x90: {  	(tm) =	ssettm $0x1  }
0x91: {  	s17 =	sld [smem:$0x3FFB];
	_ =	sdelay $0x3  }
0x92: {  	_ =	strace s17  }
0x93: {  	s2 =	sld [smem:$0x3FFC];
	_ =	sdelay $0x3  }
0x94: {  	_ =	strace s2  }
0x95: {  	s2 =	sld [smem:$0x3FFD];
	_ =	sdelay $0x3  }
0x96: {  	_ =	strace s2  }
0x97: {  	_ =	strace $0x8FFFFFFF  }
0x98: {  	s18 =	sld [smem:$0x3FDB];
	_ =	sdelay $0x1  }
0x99: {  	s19 =	simm.s32 $_scs_section_size  }
0x9a: {  	s4 =	simm.s32 $_size__tile_overlayer_lowered;
	s5 =	simm.s32 $_tile_overlayer_lowered  }
0x9b: {  	s22 =	simm.s32 $0x1BFF;
	s21 =	sshll.u32 s5, $0x1;
	s2 =	sadd.s32 s19, s18  }
0x9c: {  	s6 =	simm.s32 $0x0;
	s20 =	sshll.u32 s4, $0x1;
	s4 =	sadd.s32 s21, s2  }
0x9d: {  	[timem:s6], [sflag:s22] =	dma.local [hbm:s4], s20  }
0x9e: {  	_ =	swait.ge [sflag:s22], s20  }
0x9f: {  	s3 =	ssub.s32 $0x0, s20;
	[sflag:s22] =	ssyncset.done $0x0  }
0xa0: {  	[sflag:s22] =	ssyncadd.s32 s3;
	_ =	sdelay $0x1  }
0xa1: {  	s23 =	simm.s32 $0x1B8B  }
0xa2: {  	_ =	swait.ge [sflag:s23], $0x1  }
0xa3: {  	[sflag:s23] =	ssyncset.done $0x0  }
0xa4: {  	s25 =	simm.s32 $0x1B8E;
	s24 =	sld [smem:$0x3FFE];
	[sflag:s23] =	ssyncadd.s32 $0xFFFFFFFF  }
0xa5: {  	s26 =	simm.s32 $execute0_lowered;
	[smem:$0x3FD2] =	sst s25  }
0xa6: {  	s4 =	sshll.u32 s26, $0x1;
	_ =	strace $0x80000046;
	[dreg:$0x1] =	wrdreg $0xFFFFFFFF  }
0xa7: {  	s28 =	simm.s32 $_size_execute0_lowered;
	s2 =	sadd.s32 s2, s4;
	[dreg:$0x0] =	wrdreg $0x0  }
0xa8: {  	s4 =	sshll.u32 s28, $0x1;
	[dreg:$0x2] =	wrdreg s2  }
0xa9: {  	[dreg:$0x3] =	wrdreg s4  }
0xaa: {  	[dreg:$0x4] =	wrdreg $0xC0  }
0xab: {  	_ =	task [dreg:s6], $0x5FFFF  }
0xac: {  	[dreg:$0x1] =	wrdreg $0xFFFFFFFF  }
0xad: {  	[dreg:$0x0] =	wrdreg $0x60  }
0xae: {  	[dreg:$0x2] =	wrdreg s24  }
0xaf: {  	[dreg:$0x3] =	wrdreg $0xA  }
0xb0: {  	_ =	task.clear_ibuf [dreg:s6], $0x4FFFF;
	_ =	strace $0x90000046  }
0xb1: {  	s29 =	simm.s32 $0xA;
	_ =	strace $0x80000048  }
0xb2: {  	_ =	swait.ge [sflag:s29], $0x1  }
0xb3: {  	[sflag:s29] =	ssyncadd.s32 $0xFFFFFFFF  }
0xb4: {  	_ =	strace $0x90000048  }
0xb5: {  	_ =	sfence  }
0xb6: {  	s30 =	sld [smem:$0x0];
	_ =	sdelay $0x2  }
0xb7: {  	s31 =	sshll.u32 s1, $0xD;
	s1 =	sshrl.u32 s1, $0x2  }
0xb8: {  	s3 =	sand.u32 $0x4000, s31;
	s1 =	sadd.s32 s1, s30  }
0xb9: {  	s0 =	sor.u32 s3, s0;
	s1 =	sshll.u32 s1, $0x11  }
0xba: {  	s0 =	sor.u32 s1, s0  }
0xbb: {  	s0 =	sadd.s32 $0x8F2B, s0  }
0xbc: {  	[sflag:s0] =	ssyncadd.remote.s32 $0x1  }
0xbd: {  	_ =	sfence.sel $0xFFFF  }
0xbe: {  	[dreg:$0x0] =	wrdreg $0xFFFFFFFF;
	(pc) =	sbr.abs _section_cstart, $3  }
0xbf: {  	[dreg:$0x1] =	wrdreg $0xFFFFFFFF  }
0xc0: {  	_ =	task.clear_ibuf [dreg:s6], $0x2FFFF;
	_ =	strace $0x9FFFFFFF  }
0xc1: {  	(tm) =	ssettm $0x7FFFFFFF  }
tec
execute0_lowered:
.L_overlay_start_1:
0x0: {  	(tag) =	ssettag $0x1  }
0x1: {  	s2 =	rddreg [dreg:$0x0]  }
0x2: {  	s0 =	rddreg [dreg:$0x1];
	s4 =	srdreg.scid  }
0x3: {  	s1 =	stileid.u32;
	s3 =	simm.s32 $0x0;
	s11 =	simm.s32 $0x14000  }
0x4: {  	s12 =	simm.s32 $0x1;
	s13 =	simm.s32 $0x2;
	s14 =	simm.s32 $0x18000  }
0x5: {  	s15 =	simm.s32 $0x3;
	s4 =	sand.u32 $0x1, s4;
	s5 =	sshll.u32 s1, $0x1  }
0x6: {  	s16 =	simm.s32 $0x0;
	[smem:$0x7FF] =	sst s3;
	s5 =	sor.u32 s4, s5  }
0x7: {  	_ =	strace $0x80000047;
	s4 =	ssub.s32 $0x2, s4;
	s6 =	sshll.u32 s5, $0x4  }
0x8: {  	s31 =	sshrl.u32 s4, $0x1;
	s7 =	sshll.u32 s5, $0xF;
	s10 =	sshll.u32 s5, $0x12  }
0x9: {  	s8 =	sadd.s32 s6, s2;
	s9 =	ssub.s32 s4, s31;
	s4 =	sadd.s32 s2, s7  }
0xa: {  	s6 =	sor.u32 $0x8000, s10;
	s7 =	sor.u32 $0xC000, s10;
	s10 =	simm.s32 $0x10000  }
0xb: {  	v0 =	vimm.s32 $0x0;
	v1 =	vimm.s32 $0x1;
	s5 =	sadd.s32 $0x800, s4;
	s8 =	sadd.s32 $0x100000, s8;
	s9 =	smax.u32 s9, $0x1  }
.LBB2_1:
0xc: {  	s17 =	simm.s32 $0x40  }
0xd: {  	[tilespmem:s17+$0xFFFFFFC0] =	vst v0  }
0xe: {  	[tilespmem:s17+$0x30] =	vst v0  }
0xf: {  	[tilespmem:s17+$0x20] =	vst v0  }
0x10: {  	[tilespmem:s17+$0x10] =	vst v0  }
0x11: {  	[tilespmem:s17+$0x0] =	vst v0  }
0x12: {  	[tilespmem:s17+$0xFFFFFFF0] =	vst v0  }
0x13: {  	s18 =	simm.s32 $0x0;
	[tilespmem:s17+$0xFFFFFFE0] =	vst v0  }
.LBB2_2:
0x14: {  	s18 =	sadd.s32 $0x8, s18;
	[tilespmem:s17+$0xFFFFFFD0] =	vst v0;
	s17 =	sadd.s32 $0x80, s17  }
0x15: {  	[tilespmem:s17+$0xFFFFFFC0] =	vst v0;
	p0 =	slt.u32 s18, $0xFF8  }
0x16: {  	[tilespmem:s17+$0x30] =	vst v0  }
.Ltmp0:
0x17: {  	[tilespmem:s17+$0x20] =	vst v0;
	(pc) =	sbr.rel @p0 .LBB2_2-.Ltmp0, $4  }
0x18: {  	[tilespmem:s17+$0x10] =	vst v0  }
0x19: {  	[tilespmem:s17+$0x0] =	vst v0  }
0x1a: {  	[tilespmem:s17+$0xFFFFFFF0] =	vst v0  }
0x1b: {  	[tilespmem:s17+$0xFFFFFFE0] =	vst v0  }
0x1c: {  	[tilespmem:s17+$0xFFFFFFD0] =	vst v0;
	s17 =	simm.s32 $0x0  }
0x1d: {  	[tilespmem:s10], [sflag:$0x1] =	stream.linear.gather [hbm4b:s4+s17], $0x4000, $0x38;
	[tilespmem:$0x18080] =	vst v63  }
0x1e: {  	s18 =	simm.s32 $0x0  }
0x1f: {  	[tilespmem:s11], [sflag:$0x2] =	stream.linear.gather [hbm4b:s5+s17], $0x4000, $0x38;
	[tilespmem:$0x18080] =	vst v63  }
.LBB2_4:
0x20: {  	_ =	swait.ge [sflag:s12], $0x4000  }
0x21: {  	s19 =	sand.u32 $0x3000, s17;
	s20 =	sand.u32 $0x380, s17;
	[sflag:s12] =	ssyncset.done $0x0  }
0x22: {  	s19 =	sor.u32 s20, s19;
	[sflag:s12] =	ssyncadd.s32 $0xFFFFC000  }
0x23: {  	v2 =	vld [tilespmem:s19+$0x10000]  }
0x24: {  	v3 =	vld [tilespmem:s19+$0x10010]  }
0x25: {  	v4 =	vld [tilespmem:s19+$0x10020]  }
0x26: {  	v5 =	vld [tilespmem:s19+$0x10030]  }
0x27: {  	v6 =	vld [tilespmem:s19+$0x10040]  }
0x28: {  	v7 =	vld [tilespmem:s19+$0x10050];
	v8 =	vshrl.u32 v2, $0x5  }
0x29: {  	v9 =	vld [tilespmem:s19+$0x10060];
	v2 =	vand.u32 $0x18, v2;
	v10 =	vshrl.u32 v3, $0x5;
	v8 =	vand.u32 $0xFFFF, v8  }
0x2a: {  	v11 =	vld [tilespmem:s19+$0x10070];
	v3 =	vand.u32 $0x18, v3;
	v12 =	vshrl.u32 v4, $0x5;
	v10 =	vand.u32 $0xFFFF, v10  }
0x2b: {  	v4 =	vand.u32 $0x18, v4;
	v13 =	vshrl.u32 v5, $0x5;
	v12 =	vand.u32 $0xFFFF, v12  }
0x2c: {  	v5 =	vand.u32 $0x18, v5;
	v14 =	vshrl.u32 v6, $0x5;
	v13 =	vand.u32 $0xFFFF, v13  }
0x2d: {  	v15 =	vshrl.u32 v7, $0x5;
	v2 =	vshll.u32 v1, v2;
	v14 =	vand.u32 $0xFFFF, v14  }
0x2e: {  	v19 =	vshrl.u32 v9, $0x5;
	[tilespmem:v8+s3+$0x0] =	vst.idx.add.s32.msk $0xffff, v2;
	v2 =	vshll.u32 v1, v3;
	v3 =	vand.u32 $0xFFFF, v15  }
0x2f: {  	v20 =	vshrl.u32 v11, $0x5;
	[tilespmem:v10+s3+$0x0] =	vst.idx.add.s32.msk $0xffff, v2;
	v2 =	vshll.u32 v1, v4;
	v4 =	vand.u32 $0xFFFF, v19  }
0x30: {  	v6 =	vand.u32 $0x18, v6;
	[tilespmem:v12+s3+$0x0] =	vst.idx.add.s32.msk $0xffff, v2;
	v2 =	vshll.u32 v1, v5;
	v5 =	vand.u32 $0xFFFF, v20  }
0x31: {  	v21 =	vand.u32 $0x18, v7;
	[tilespmem:v13+s3+$0x0] =	vst.idx.add.s32.msk $0xffff, v2;
	v2 =	vshll.u32 v1, v6  }
0x32: {  	v22 =	vand.u32 $0x18, v9;
	[tilespmem:v14+s3+$0x0] =	vst.idx.add.s32.msk $0xffff, v2;
	v2 =	vshll.u32 v1, v21  }
0x33: {  	v23 =	vand.u32 $0x18, v11;
	[tilespmem:v3+s3+$0x0] =	vst.idx.add.s32.msk $0xffff, v2;
	v2 =	vshll.u32 v1, v22  }
0x34: {  	[tilespmem:v4+s3+$0x0] =	vst.idx.add.s32.msk $0xffff, v2;
	v2 =	vshll.u32 v1, v23  }
0x35: {  	[tilespmem:v5+s3+$0x0] =	vst.idx.add.s32.msk $0xffff, v2  }
0x36: {  	v2 =	vld [tilespmem:s19+$0x10400]  }
0x37: {  	v3 =	vld [tilespmem:s19+$0x10410]  }
0x38: {  	v4 =	vld [tilespmem:s19+$0x10420]  }
0x39: {  	v5 =	vld [tilespmem:s19+$0x10430]  }
0x3a: {  	v24 =	vld [tilespmem:s19+$0x10440]  }
0x3b: {  	v25 =	vld [tilespmem:s19+$0x10450];
	v26 =	vshrl.u32 v2, $0x5  }
0x3c: {  	v27 =	vld [tilespmem:s19+$0x10460];
	v2 =	vand.u32 $0x18, v2;
	v28 =	vshrl.u32 v3, $0x5;
	v8 =	vand.u32 $0xFFFF, v26  }
0x3d: {  	v29 =	vld [tilespmem:s19+$0x10470];
	v3 =	vand.u32 $0x18, v3;
	v30 =	vshrl.u32 v4, $0x5;
	v10 =	vand.u32 $0xFFFF, v28  }
0x3e: {  	v4 =	vand.u32 $0x18, v4;
	v31 =	vshrl.u32 v5, $0x5;
	v12 =	vand.u32 $0xFFFF, v30  }
0x3f: {  	v5 =	vand.u32 $0x18, v5;
	v32 =	vshrl.u32 v24, $0x5;
	v13 =	vand.u32 $0xFFFF, v31  }
0x40: {  	v33 =	vshrl.u32 v25, $0x5;
	v2 =	vshll.u32 v1, v2;
	v14 =	vand.u32 $0xFFFF, v32  }
0x41: {  	v34 =	vshrl.u32 v27, $0x5;
	[tilespmem:v8+s3+$0x0] =	vst.idx.add.s32.msk $0xffff, v2;
	v2 =	vshll.u32 v1, v3;
	v3 =	vand.u32 $0xFFFF, v33  }
0x42: {  	v35 =	vshrl.u32 v29, $0x5;
	[tilespmem:v10+s3+$0x0] =	vst.idx.add.s32.msk $0xffff, v2;
	v2 =	vshll.u32 v1, v4;
	v4 =	vand.u32 $0xFFFF, v34  }
0x43: {  	v6 =	vand.u32 $0x18, v24;
	[tilespmem:v12+s3+$0x0] =	vst.idx.add.s32.msk $0xffff, v2;
	v2 =	vshll.u32 v1, v5;
	v5 =	vand.u32 $0xFFFF, v35  }
0x44: {  	v36 =	vand.u32 $0x18, v25;
	[tilespmem:v13+s3+$0x0] =	vst.idx.add.s32.msk $0xffff, v2;
	v2 =	vshll.u32 v1, v6  }
0x45: {  	v37 =	vand.u32 $0x18, v27;
	[tilespmem:v14+s3+$0x0] =	vst.idx.add.s32.msk $0xffff, v2;
	v2 =	vshll.u32 v1, v36  }
0x46: {  	v38 =	vand.u32 $0x18, v29;
	[tilespmem:v3+s3+$0x0] =	vst.idx.add.s32.msk $0xffff, v2;
	v2 =	vshll.u32 v1, v37  }
0x47: {  	[tilespmem:v4+s3+$0x0] =	vst.idx.add.s32.msk $0xffff, v2;
	v2 =	vshll.u32 v1, v38  }
0x48: {  	[tilespmem:v5+s3+$0x0] =	vst.idx.add.s32.msk $0xffff, v2  }
0x49: {  	v2 =	vld [tilespmem:s19+$0x10800]  }
0x4a: {  	v3 =	vld [tilespmem:s19+$0x10810]  }
0x4b: {  	v4 =	vld [tilespmem:s19+$0x10820]  }
0x4c: {  	v5 =	vld [tilespmem:s19+$0x10830]  }
0x4d: {  	v39 =	vld [tilespmem:s19+$0x10840]  }
0x4e: {  	v40 =	vld [tilespmem:s19+$0x10850];
	v41 =	vshrl.u32 v2, $0x5  }
0x4f: {  	v42 =	vld [tilespmem:s19+$0x10860];
	v2 =	vand.u32 $0x18, v2;
	v43 =	vshrl.u32 v3, $0x5;
	v8 =	vand.u32 $0xFFFF, v41  }
0x50: {  	v44 =	vld [tilespmem:s19+$0x10870];
	v3 =	vand.u32 $0x18, v3;
	v45 =	vshrl.u32 v4, $0x5;
	v10 =	vand.u32 $0xFFFF, v43  }
0x51: {  	v4 =	vand.u32 $0x18, v4;
	v46 =	vshrl.u32 v5, $0x5;
	v12 =	vand.u32 $0xFFFF, v45  }
0x52: {  	v5 =	vand.u32 $0x18, v5;
	v47 =	vshrl.u32 v39, $0x5;
	v13 =	vand.u32 $0xFFFF, v46  }
0x53: {  	v48 =	vshrl.u32 v40, $0x5;
	v2 =	vshll.u32 v1, v2;
	v14 =	vand.u32 $0xFFFF, v47  }
0x54: {  	v49 =	vshrl.u32 v42, $0x5;
	[tilespmem:v8+s3+$0x0] =	vst.idx.add.s32.msk $0xffff, v2;
	v2 =	vshll.u32 v1, v3;
	v3 =	vand.u32 $0xFFFF, v48  }
0x55: {  	v50 =	vshrl.u32 v44, $0x5;
	[tilespmem:v10+s3+$0x0] =	vst.idx.add.s32.msk $0xffff, v2;
	v2 =	vshll.u32 v1, v4;
	v4 =	vand.u32 $0xFFFF, v49  }
0x56: {  	v51 =	vand.u32 $0xFFFF, v50;
	[tilespmem:v12+s3+$0x0] =	vst.idx.add.s32.msk $0xffff, v2;
	v2 =	vshll.u32 v1, v5;
	v5 =	vand.u32 $0x18, v39  }
0x57: {  	[tilespmem:v13+s3+$0x0] =	vst.idx.add.s32.msk $0xffff, v2;
	v2 =	vshll.u32 v1, v5;
	v5 =	vand.u32 $0x18, v40  }
0x58: {  	[tilespmem:v14+s3+$0x0] =	vst.idx.add.s32.msk $0xffff, v2;
	v2 =	vshll.u32 v1, v5;
	v5 =	vand.u32 $0x18, v42  }
0x59: {  	v52 =	vand.u32 $0x18, v44;
	[tilespmem:v3+s3+$0x0] =	vst.idx.add.s32.msk $0xffff, v2;
	v2 =	vshll.u32 v1, v5  }
0x5a: {  	[tilespmem:v4+s3+$0x0] =	vst.idx.add.s32.msk $0xffff, v2;
	v2 =	vshll.u32 v1, v52  }
0x5b: {  	[tilespmem:v51+s3+$0x0] =	vst.idx.add.s32.msk $0xffff, v2  }
0x5c: {  	v2 =	vld [tilespmem:s19+$0x10C00]  }
0x5d: {  	v3 =	vld [tilespmem:s19+$0x10C10]  }
0x5e: {  	v4 =	vld [tilespmem:s19+$0x10C20]  }
0x5f: {  	v5 =	vld [tilespmem:s19+$0x10C30]  }
0x60: {  	v6 =	vld [tilespmem:s19+$0x10C40]  }
0x61: {  	v53 =	vld [tilespmem:s19+$0x10C50];
	v54 =	vshrl.u32 v2, $0x5  }
0x62: {  	v56 =	vshrl.u32 v3, $0x5;
	v8 =	vand.u32 $0xFFFF, v54  }
0x63: {  	v57 =	vshrl.u32 v4, $0x5;
	v10 =	vand.u32 $0xFFFF, v56  }
0x64: {  	v55 =	vld [tilespmem:s19+$0x10C60];
	v2 =	vand.u32 $0x18, v2;
	v58 =	vshrl.u32 v5, $0x5;
	v11 =	vand.u32 $0xFFFF, v57  }
0x65: {  	v3 =	vand.u32 $0x18, v3;
	v59 =	vshrl.u32 v6, $0x5;
	v12 =	vand.u32 $0xFFFF, v58  }
0x66: {  	v14 =	vld [tilespmem:s19+$0x10C70];
	v60 =	vshrl.u32 v53, $0x5;
	v2 =	vshll.u32 v1, v2;
	v13 =	vand.u32 $0xFFFF, v59  }
0x67: {  	v4 =	vand.u32 $0x18, v4;
	[tilespmem:v8+s3+$0x0] =	vst.idx.add.s32.msk $0xffff, v2;
	v2 =	vshll.u32 v1, v3;
	v3 =	vand.u32 $0xFFFF, v60  }
0x68: {  	v5 =	vand.u32 $0x18, v5;
	[tilespmem:v10+s3+$0x0] =	vst.idx.add.s32.msk $0xffff, v2;
	v2 =	vshll.u32 v1, v4  }
0x69: {  	v61 =	vshrl.u32 v55, $0x5;
	v6 =	vand.u32 $0x18, v6;
	[tilespmem:v11+s3+$0x0] =	vst.idx.add.s32.msk $0xffff, v2;
	v2 =	vshll.u32 v1, v5  }
0x6a: {  	v4 =	vand.u32 $0xFFFF, v61;
	v5 =	vand.u32 $0x18, v53;
	[tilespmem:v12+s3+$0x0] =	vst.idx.add.s32.msk $0xffff, v2;
	v2 =	vshll.u32 v1, v6  }
0x6b: {  	v62 =	vshrl.u32 v14, $0x5;
	[tilespmem:v13+s3+$0x0] =	vst.idx.add.s32.msk $0xffff, v2;
	v2 =	vshll.u32 v1, v5  }
0x6c: {  	[tilespmem:v3+s3+$0x0] =	vst.idx.add.s32.msk $0xffff, v2;
	v2 =	vand.u32 $0xFFFF, v62  }
0x6d: {  	v5 =	vand.u32 $0x18, v55  }
0x6e: {  	s21 =	simm.s32 $0x200;
	s19 =	simm.s32 $0x80;
	v63 =	vand.u32 $0x18, v14;
	v3 =	vshll.u32 v1, v5  }
0x6f: {  	s20 =	simm.s32 $0x400;
	s21 =	sand.u32 $0x3000, s21;
	s22 =	sand.u32 $0x380, s19;
	[tilespmem:v4+s3+$0x0] =	vst.idx.add.s32.msk $0xffff, v3;
	v3 =	vshll.u32 v1, v63  }
.LBB2_5:
0x70: {  	p0 =	sne.s32 s20, $0x3E00  }
0x71: {  	s22 =	sor.u32 s22, s21;
	[tilespmem:v2+s3+$0x0] =	vst.idx.add.s32.msk $0xffff, v3;
	s21 =	smov.u32 s20;
	s20 =	sadd.s32 $0x200, s20  }
0x72: {  	v2 =	vld [tilespmem:s22+$0x10000]  }
0x73: {  	v3 =	vld [tilespmem:s22+$0x10010]  }
0x74: {  	v4 =	vld [tilespmem:s22+$0x10020]  }
0x75: {  	v5 =	vld [tilespmem:s22+$0x10030]  }
0x76: {  	v6 =	vld [tilespmem:s22+$0x10040]  }
0x77: {  	v7 =	vld [tilespmem:s22+$0x10050];
	v8 =	vshrl.u32 v2, $0x5;
	v2 =	vand.u32 $0x18, v2  }
0x78: {  	v9 =	vld [tilespmem:s22+$0x10060];
	v8 =	vand.u32 $0xFFFF, v8;
	v10 =	vshrl.u32 v3, $0x5;
	v3 =	vand.u32 $0x18, v3  }
0x79: {  	v11 =	vld [tilespmem:s22+$0x10070];
	v10 =	vand.u32 $0xFFFF, v10;
	v12 =	vshrl.u32 v4, $0x5;
	v4 =	vand.u32 $0x18, v4  }
0x7a: {  	v12 =	vand.u32 $0xFFFF, v12;
	v13 =	vshrl.u32 v5, $0x5;
	v5 =	vand.u32 $0x18, v5  }
0x7b: {  	v13 =	vand.u32 $0xFFFF, v13;
	v14 =	vshrl.u32 v6, $0x5;
	v6 =	vand.u32 $0x18, v6  }
0x7c: {  	v2 =	vshll.u32 v1, v2;
	v14 =	vand.u32 $0xFFFF, v14;
	v15 =	vshrl.u32 v7, $0x5  }
0x7d: {  	[tilespmem:v8+s3+$0x0] =	vst.idx.add.s32.msk $0xffff, v2;
	v2 =	vshll.u32 v1, v3;
	v3 =	vand.u32 $0xFFFF, v15;
	v8 =	vshrl.u32 v9, $0x5  }
0x7e: {  	[tilespmem:v10+s3+$0x0] =	vst.idx.add.s32.msk $0xffff, v2;
	v2 =	vshll.u32 v1, v4;
	v4 =	vand.u32 $0xFFFF, v8;
	v8 =	vshrl.u32 v11, $0x5  }
0x7f: {  	[tilespmem:v12+s3+$0x0] =	vst.idx.add.s32.msk $0xffff, v2;
	v2 =	vshll.u32 v1, v5;
	v5 =	vand.u32 $0x18, v11;
	v8 =	vand.u32 $0xFFFF, v8  }
0x80: {  	[tilespmem:v13+s3+$0x0] =	vst.idx.add.s32.msk $0xffff, v2;
	v2 =	vshll.u32 v1, v6;
	v6 =	vand.u32 $0x18, v7  }
0x81: {  	[tilespmem:v14+s3+$0x0] =	vst.idx.add.s32.msk $0xffff, v2;
	v2 =	vshll.u32 v1, v6;
	v6 =	vand.u32 $0x18, v9  }
0x82: {  	[tilespmem:v3+s3+$0x0] =	vst.idx.add.s32.msk $0xffff, v2;
	v2 =	vshll.u32 v1, v6  }
0x83: {  	[tilespmem:v4+s3+$0x0] =	vst.idx.add.s32.msk $0xffff, v2;
	v2 =	vshll.u32 v1, v5  }
0x84: {  	[tilespmem:v8+s3+$0x0] =	vst.idx.add.s32.msk $0xffff, v2  }
0x85: {  	v2 =	vld [tilespmem:s22+$0x10400]  }
0x86: {  	v3 =	vld [tilespmem:s22+$0x10410]  }
0x87: {  	v4 =	vld [tilespmem:s22+$0x10420]  }
0x88: {  	v5 =	vld [tilespmem:s22+$0x10430]  }
0x89: {  	v6 =	vld [tilespmem:s22+$0x10440]  }
0x8a: {  	v7 =	vld [tilespmem:s22+$0x10450];
	v8 =	vshrl.u32 v2, $0x5;
	v2 =	vand.u32 $0x18, v2  }
0x8b: {  	v9 =	vld [tilespmem:s22+$0x10460];
	v8 =	vand.u32 $0xFFFF, v8;
	v10 =	vshrl.u32 v3, $0x5;
	v3 =	vand.u32 $0x18, v3  }
0x8c: {  	v11 =	vld [tilespmem:s22+$0x10470];
	v10 =	vand.u32 $0xFFFF, v10;
	v12 =	vshrl.u32 v4, $0x5;
	v4 =	vand.u32 $0x18, v4  }
0x8d: {  	v12 =	vand.u32 $0xFFFF, v12;
	v13 =	vshrl.u32 v5, $0x5;
	v5 =	vand.u32 $0x18, v5  }
0x8e: {  	v13 =	vand.u32 $0xFFFF, v13;
	v14 =	vshrl.u32 v6, $0x5;
	v6 =	vand.u32 $0x18, v6  }
0x8f: {  	v2 =	vshll.u32 v1, v2;
	v14 =	vand.u32 $0xFFFF, v14;
	v15 =	vshrl.u32 v7, $0x5  }
0x90: {  	[tilespmem:v8+s3+$0x0] =	vst.idx.add.s32.msk $0xffff, v2;
	v2 =	vshll.u32 v1, v3;
	v3 =	vand.u32 $0xFFFF, v15;
	v8 =	vshrl.u32 v9, $0x5  }
0x91: {  	[tilespmem:v10+s3+$0x0] =	vst.idx.add.s32.msk $0xffff, v2;
	v2 =	vshll.u32 v1, v4;
	v4 =	vand.u32 $0xFFFF, v8;
	v8 =	vshrl.u32 v11, $0x5  }
0x92: {  	[tilespmem:v12+s3+$0x0] =	vst.idx.add.s32.msk $0xffff, v2;
	v2 =	vshll.u32 v1, v5;
	v5 =	vand.u32 $0x18, v11;
	v8 =	vand.u32 $0xFFFF, v8  }
0x93: {  	[tilespmem:v13+s3+$0x0] =	vst.idx.add.s32.msk $0xffff, v2;
	v2 =	vshll.u32 v1, v6;
	v6 =	vand.u32 $0x18, v7  }
0x94: {  	[tilespmem:v14+s3+$0x0] =	vst.idx.add.s32.msk $0xffff, v2;
	v2 =	vshll.u32 v1, v6;
	v6 =	vand.u32 $0x18, v9  }
0x95: {  	[tilespmem:v3+s3+$0x0] =	vst.idx.add.s32.msk $0xffff, v2;
	v2 =	vshll.u32 v1, v6  }
0x96: {  	[tilespmem:v4+s3+$0x0] =	vst.idx.add.s32.msk $0xffff, v2;
	v2 =	vshll.u32 v1, v5  }
0x97: {  	[tilespmem:v8+s3+$0x0] =	vst.idx.add.s32.msk $0xffff, v2  }
0x98: {  	v2 =	vld [tilespmem:s22+$0x10800]  }
0x99: {  	v3 =	vld [tilespmem:s22+$0x10810]  }
0x9a: {  	v4 =	vld [tilespmem:s22+$0x10820]  }
0x9b: {  	v5 =	vld [tilespmem:s22+$0x10830]  }
0x9c: {  	v6 =	vld [tilespmem:s22+$0x10840]  }
0x9d: {  	v7 =	vld [tilespmem:s22+$0x10850];
	v8 =	vshrl.u32 v2, $0x5;
	v2 =	vand.u32 $0x18, v2  }
0x9e: {  	v9 =	vld [tilespmem:s22+$0x10860];
	v8 =	vand.u32 $0xFFFF, v8;
	v10 =	vshrl.u32 v3, $0x5;
	v3 =	vand.u32 $0x18, v3  }
0x9f: {  	v11 =	vld [tilespmem:s22+$0x10870];
	v10 =	vand.u32 $0xFFFF, v10;
	v12 =	vshrl.u32 v4, $0x5;
	v4 =	vand.u32 $0x18, v4  }
0xa0: {  	v12 =	vand.u32 $0xFFFF, v12;
	v13 =	vshrl.u32 v5, $0x5;
	v5 =	vand.u32 $0x18, v5  }
0xa1: {  	v13 =	vand.u32 $0xFFFF, v13;
	v14 =	vshrl.u32 v6, $0x5  }
0xa2: {  	v2 =	vshll.u32 v1, v2;
	v14 =	vand.u32 $0xFFFF, v14;
	v15 =	vshrl.u32 v7, $0x5  }
0xa3: {  	[tilespmem:v8+s3+$0x0] =	vst.idx.add.s32.msk $0xffff, v2;
	v2 =	vshll.u32 v1, v3;
	v3 =	vand.u32 $0xFFFF, v15;
	v8 =	vshrl.u32 v9, $0x5  }
0xa4: {  	[tilespmem:v10+s3+$0x0] =	vst.idx.add.s32.msk $0xffff, v2;
	v2 =	vshll.u32 v1, v4;
	v4 =	vand.u32 $0xFFFF, v8;
	v8 =	vshrl.u32 v11, $0x5  }
0xa5: {  	[tilespmem:v12+s3+$0x0] =	vst.idx.add.s32.msk $0xffff, v2;
	v2 =	vshll.u32 v1, v5;
	v5 =	vand.u32 $0x18, v6;
	v6 =	vand.u32 $0xFFFF, v8  }
0xa6: {  	[tilespmem:v13+s3+$0x0] =	vst.idx.add.s32.msk $0xffff, v2;
	v2 =	vshll.u32 v1, v5;
	v5 =	vand.u32 $0x18, v7;
	v7 =	vand.u32 $0x18, v11  }
0xa7: {  	[tilespmem:v14+s3+$0x0] =	vst.idx.add.s32.msk $0xffff, v2;
	v2 =	vshll.u32 v1, v5;
	v5 =	vand.u32 $0x18, v9  }
0xa8: {  	[tilespmem:v3+s3+$0x0] =	vst.idx.add.s32.msk $0xffff, v2;
	v2 =	vshll.u32 v1, v5  }
0xa9: {  	[tilespmem:v4+s3+$0x0] =	vst.idx.add.s32.msk $0xffff, v2;
	v2 =	vshll.u32 v1, v7  }
0xaa: {  	[tilespmem:v6+s3+$0x0] =	vst.idx.add.s32.msk $0xffff, v2  }
0xab: {  	v2 =	vld [tilespmem:s22+$0x10C00]  }
0xac: {  	v3 =	vld [tilespmem:s22+$0x10C10]  }
0xad: {  	v4 =	vld [tilespmem:s22+$0x10C20]  }
0xae: {  	v5 =	vld [tilespmem:s22+$0x10C30]  }
0xaf: {  	v6 =	vld [tilespmem:s22+$0x10C40]  }
0xb0: {  	v7 =	vld [tilespmem:s22+$0x10C50];
	v8 =	vshrl.u32 v2, $0x5;
	v2 =	vand.u32 $0x18, v2  }
0xb1: {  	v9 =	vld [tilespmem:s22+$0x10C60];
	v8 =	vand.u32 $0xFFFF, v8;
	v10 =	vshrl.u32 v3, $0x5;
	v3 =	vand.u32 $0x18, v3  }
0xb2: {  	v11 =	vld [tilespmem:s22+$0x10C70];
	v10 =	vand.u32 $0xFFFF, v10;
	v12 =	vshrl.u32 v4, $0x5;
	v4 =	vand.u32 $0x18, v4  }
0xb3: {  	v12 =	vand.u32 $0xFFFF, v12;
	v13 =	vshrl.u32 v5, $0x5;
	v5 =	vand.u32 $0x18, v5  }
0xb4: {  	v13 =	vand.u32 $0xFFFF, v13;
	v14 =	vshrl.u32 v6, $0x5;
	v6 =	vand.u32 $0x18, v6  }
0xb5: {  	v2 =	vshll.u32 v1, v2;
	v14 =	vand.u32 $0xFFFF, v14;
	v15 =	vshrl.u32 v7, $0x5  }
0xb6: {  	[tilespmem:v8+s3+$0x0] =	vst.idx.add.s32.msk $0xffff, v2;
	v2 =	vshll.u32 v1, v3;
	v3 =	vand.u32 $0xFFFF, v15;
	v8 =	vshrl.u32 v9, $0x5  }
0xb7: {  	[tilespmem:v10+s3+$0x0] =	vst.idx.add.s32.msk $0xffff, v2;
	v2 =	vshll.u32 v1, v4;
	v4 =	vand.u32 $0xFFFF, v8;
	v8 =	vshrl.u32 v11, $0x5  }
.Ltmp1:
0xb8: {  	v5 =	vshll.u32 v1, v5;
	v10 =	vand.u32 $0x18, v11;
	[tilespmem:v12+s3+$0x0] =	vst.idx.add.s32.msk $0xffff, v2;
	v2 =	vand.u32 $0xFFFF, v8;
	(pc) =	sbr.rel @p0 .LBB2_5-.Ltmp1, $4  }
0xb9: {  	[tilespmem:v13+s3+$0x0] =	vst.idx.add.s32.msk $0xffff, v5;
	v5 =	vshll.u32 v1, v6;
	v6 =	vand.u32 $0x18, v7  }
0xba: {  	[tilespmem:v14+s3+$0x0] =	vst.idx.add.s32.msk $0xffff, v5;
	v5 =	vshll.u32 v1, v6;
	v6 =	vand.u32 $0x18, v9  }
0xbb: {  	s19 =	sadd.s32 $0x80, s19;
	[tilespmem:v3+s3+$0x0] =	vst.idx.add.s32.msk $0xffff, v5;
	v3 =	vshll.u32 v1, v6  }
0xbc: {  	s21 =	sand.u32 $0x3000, s21;
	s22 =	sand.u32 $0x380, s19;
	[tilespmem:v4+s3+$0x0] =	vst.idx.add.s32.msk $0xffff, v3;
	v3 =	vshll.u32 v1, v10  }
0xbd: {  	_ =	sdelay $0x3  }
0xbe: {  	s19 =	sor.u32 s22, s21;
	[tilespmem:v2+s3+$0x0] =	vst.idx.add.s32.msk $0xffff, v3  }
0xbf: {  	v2 =	vld [tilespmem:s19+$0x10000]  }
0xc0: {  	v3 =	vld [tilespmem:s19+$0x10010]  }
0xc1: {  	v4 =	vld [tilespmem:s19+$0x10020]  }
0xc2: {  	v5 =	vld [tilespmem:s19+$0x10030]  }
0xc3: {  	v6 =	vld [tilespmem:s19+$0x10040]  }
0xc4: {  	v7 =	vld [tilespmem:s19+$0x10050];
	v8 =	vshrl.u32 v2, $0x5  }
0xc5: {  	v9 =	vld [tilespmem:s19+$0x10060];
	v2 =	vand.u32 $0x18, v2;
	v10 =	vshrl.u32 v3, $0x5;
	v8 =	vand.u32 $0xFFFF, v8  }
0xc6: {  	v11 =	vld [tilespmem:s19+$0x10070];
	v3 =	vand.u32 $0x18, v3;
	v12 =	vshrl.u32 v4, $0x5;
	v10 =	vand.u32 $0xFFFF, v10  }
0xc7: {  	v4 =	vand.u32 $0x18, v4;
	v13 =	vshrl.u32 v5, $0x5;
	v12 =	vand.u32 $0xFFFF, v12  }
0xc8: {  	v5 =	vand.u32 $0x18, v5;
	v14 =	vshrl.u32 v6, $0x5;
	v13 =	vand.u32 $0xFFFF, v13  }
0xc9: {  	v15 =	vshrl.u32 v7, $0x5;
	v2 =	vshll.u32 v1, v2;
	v14 =	vand.u32 $0xFFFF, v14  }
0xca: {  	v21 =	vshrl.u32 v9, $0x5;
	[tilespmem:v8+s3+$0x0] =	vst.idx.add.s32.msk $0xffff, v2;
	v2 =	vshll.u32 v1, v3;
	v3 =	vand.u32 $0xFFFF, v15  }
0xcb: {  	v22 =	vshrl.u32 v11, $0x5;
	[tilespmem:v10+s3+$0x0] =	vst.idx.add.s32.msk $0xffff, v2;
	v2 =	vshll.u32 v1, v4;
	v4 =	vand.u32 $0xFFFF, v21  }
0xcc: {  	v6 =	vand.u32 $0x18, v6;
	[tilespmem:v12+s3+$0x0] =	vst.idx.add.s32.msk $0xffff, v2;
	v2 =	vshll.u32 v1, v5;
	v5 =	vand.u32 $0xFFFF, v22  }
0xcd: {  	v23 =	vand.u32 $0x18, v7;
	[tilespmem:v13+s3+$0x0] =	vst.idx.add.s32.msk $0xffff, v2;
	v2 =	vshll.u32 v1, v6  }
0xce: {  	v24 =	vand.u32 $0x18, v9;
	[tilespmem:v14+s3+$0x0] =	vst.idx.add.s32.msk $0xffff, v2;
	v2 =	vshll.u32 v1, v23  }
0xcf: {  	v25 =	vand.u32 $0x18, v11;
	[tilespmem:v3+s3+$0x0] =	vst.idx.add.s32.msk $0xffff, v2;
	v2 =	vshll.u32 v1, v24  }
0xd0: {  	[tilespmem:v4+s3+$0x0] =	vst.idx.add.s32.msk $0xffff, v2;
	v2 =	vshll.u32 v1, v25  }
0xd1: {  	[tilespmem:v5+s3+$0x0] =	vst.idx.add.s32.msk $0xffff, v2  }
0xd2: {  	v2 =	vld [tilespmem:s19+$0x10400]  }
0xd3: {  	v3 =	vld [tilespmem:s19+$0x10410]  }
0xd4: {  	v4 =	vld [tilespmem:s19+$0x10420]  }
0xd5: {  	v5 =	vld [tilespmem:s19+$0x10430]  }
0xd6: {  	v26 =	vld [tilespmem:s19+$0x10440]  }
0xd7: {  	v27 =	vld [tilespmem:s19+$0x10450];
	v28 =	vshrl.u32 v2, $0x5  }
0xd8: {  	v29 =	vld [tilespmem:s19+$0x10460];
	v2 =	vand.u32 $0x18, v2;
	v30 =	vshrl.u32 v3, $0x5;
	v8 =	vand.u32 $0xFFFF, v28  }
0xd9: {  	v31 =	vld [tilespmem:s19+$0x10470];
	v3 =	vand.u32 $0x18, v3;
	v32 =	vshrl.u32 v4, $0x5;
	v10 =	vand.u32 $0xFFFF, v30  }
0xda: {  	v4 =	vand.u32 $0x18, v4;
	v33 =	vshrl.u32 v5, $0x5;
	v12 =	vand.u32 $0xFFFF, v32  }
0xdb: {  	v5 =	vand.u32 $0x18, v5;
	v34 =	vshrl.u32 v26, $0x5;
	v13 =	vand.u32 $0xFFFF, v33  }
0xdc: {  	v35 =	vshrl.u32 v27, $0x5;
	v2 =	vshll.u32 v1, v2;
	v14 =	vand.u32 $0xFFFF, v34  }
0xdd: {  	v36 =	vshrl.u32 v29, $0x5;
	[tilespmem:v8+s3+$0x0] =	vst.idx.add.s32.msk $0xffff, v2;
	v2 =	vshll.u32 v1, v3;
	v3 =	vand.u32 $0xFFFF, v35  }
0xde: {  	v37 =	vshrl.u32 v31, $0x5;
	[tilespmem:v10+s3+$0x0] =	vst.idx.add.s32.msk $0xffff, v2;
	v2 =	vshll.u32 v1, v4;
	v4 =	vand.u32 $0xFFFF, v36  }
0xdf: {  	v6 =	vand.u32 $0x18, v26;
	[tilespmem:v12+s3+$0x0] =	vst.idx.add.s32.msk $0xffff, v2;
	v2 =	vshll.u32 v1, v5;
	v5 =	vand.u32 $0xFFFF, v37  }
0xe0: {  	v38 =	vand.u32 $0x18, v27;
	[tilespmem:v13+s3+$0x0] =	vst.idx.add.s32.msk $0xffff, v2;
	v2 =	vshll.u32 v1, v6  }
0xe1: {  	v39 =	vand.u32 $0x18, v29;
	[tilespmem:v14+s3+$0x0] =	vst.idx.add.s32.msk $0xffff, v2;
	v2 =	vshll.u32 v1, v38  }
0xe2: {  	v40 =	vand.u32 $0x18, v31;
	[tilespmem:v3+s3+$0x0] =	vst.idx.add.s32.msk $0xffff, v2;
	v2 =	vshll.u32 v1, v39  }
0xe3: {  	[tilespmem:v4+s3+$0x0] =	vst.idx.add.s32.msk $0xffff, v2;
	v2 =	vshll.u32 v1, v40  }
0xe4: {  	[tilespmem:v5+s3+$0x0] =	vst.idx.add.s32.msk $0xffff, v2  }
0xe5: {  	v2 =	vld [tilespmem:s19+$0x10800]  }
0xe6: {  	v3 =	vld [tilespmem:s19+$0x10810]  }
0xe7: {  	v4 =	vld [tilespmem:s19+$0x10820]  }
0xe8: {  	v5 =	vld [tilespmem:s19+$0x10830]  }
0xe9: {  	v41 =	vld [tilespmem:s19+$0x10840]  }
0xea: {  	v42 =	vld [tilespmem:s19+$0x10850];
	v43 =	vshrl.u32 v2, $0x5  }
0xeb: {  	v44 =	vld [tilespmem:s19+$0x10860];
	v2 =	vand.u32 $0x18, v2;
	v45 =	vshrl.u32 v3, $0x5;
	v8 =	vand.u32 $0xFFFF, v43  }
0xec: {  	v46 =	vld [tilespmem:s19+$0x10870];
	v3 =	vand.u32 $0x18, v3;
	v47 =	vshrl.u32 v4, $0x5;
	v10 =	vand.u32 $0xFFFF, v45  }
0xed: {  	v4 =	vand.u32 $0x18, v4;
	v48 =	vshrl.u32 v5, $0x5;
	v12 =	vand.u32 $0xFFFF, v47  }
0xee: {  	v5 =	vand.u32 $0x18, v5;
	v49 =	vshrl.u32 v41, $0x5;
	v13 =	vand.u32 $0xFFFF, v48  }
0xef: {  	v50 =	vshrl.u32 v42, $0x5;
	v2 =	vshll.u32 v1, v2;
	v14 =	vand.u32 $0xFFFF, v49  }
0xf0: {  	v51 =	vshrl.u32 v44, $0x5;
	[tilespmem:v8+s3+$0x0] =	vst.idx.add.s32.msk $0xffff, v2;
	v2 =	vshll.u32 v1, v3;
	v3 =	vand.u32 $0xFFFF, v50  }
0xf1: {  	v52 =	vshrl.u32 v46, $0x5;
	[tilespmem:v10+s3+$0x0] =	vst.idx.add.s32.msk $0xffff, v2;
	v2 =	vshll.u32 v1, v4;
	v4 =	vand.u32 $0xFFFF, v51  }
0xf2: {  	v53 =	vand.u32 $0xFFFF, v52;
	[tilespmem:v12+s3+$0x0] =	vst.idx.add.s32.msk $0xffff, v2;
	v2 =	vshll.u32 v1, v5;
	v5 =	vand.u32 $0x18, v41  }
0xf3: {  	[tilespmem:v13+s3+$0x0] =	vst.idx.add.s32.msk $0xffff, v2;
	v2 =	vshll.u32 v1, v5;
	v5 =	vand.u32 $0x18, v42  }
0xf4: {  	[tilespmem:v14+s3+$0x0] =	vst.idx.add.s32.msk $0xffff, v2;
	v2 =	vshll.u32 v1, v5;
	v5 =	vand.u32 $0x18, v44  }
0xf5: {  	v54 =	vand.u32 $0x18, v46;
	[tilespmem:v3+s3+$0x0] =	vst.idx.add.s32.msk $0xffff, v2;
	v2 =	vshll.u32 v1, v5  }
0xf6: {  	[tilespmem:v4+s3+$0x0] =	vst.idx.add.s32.msk $0xffff, v2;
	v2 =	vshll.u32 v1, v54  }
0xf7: {  	[tilespmem:v53+s3+$0x0] =	vst.idx.add.s32.msk $0xffff, v2  }
0xf8: {  	v2 =	vld [tilespmem:s19+$0x10C00]  }
0xf9: {  	v3 =	vld [tilespmem:s19+$0x10C10]  }
0xfa: {  	v4 =	vld [tilespmem:s19+$0x10C20]  }
0xfb: {  	v5 =	vld [tilespmem:s19+$0x10C30]  }
0xfc: {  	v6 =	vld [tilespmem:s19+$0x10C40]  }
0xfd: {  	v55 =	vld [tilespmem:s19+$0x10C50];
	v56 =	vshrl.u32 v2, $0x5  }
0xfe: {  	v57 =	vld [tilespmem:s19+$0x10C60];
	v2 =	vand.u32 $0x18, v2;
	v58 =	vshrl.u32 v3, $0x5;
	v8 =	vand.u32 $0xFFFF, v56  }
0xff: {  	v59 =	vld [tilespmem:s19+$0x10C70];
	v3 =	vand.u32 $0x18, v3;
	v60 =	vshrl.u32 v4, $0x5;
	v10 =	vand.u32 $0xFFFF, v58  }
0x100: {  	v4 =	vand.u32 $0x18, v4;
	v61 =	vshrl.u32 v5, $0x5;
	v12 =	vand.u32 $0xFFFF, v60  }
0x101: {  	v5 =	vand.u32 $0x18, v5;
	v62 =	vshrl.u32 v6, $0x5;
	v13 =	vand.u32 $0xFFFF, v61  }
0x102: {  	v63 =	vshrl.u32 v55, $0x5;
	v2 =	vshll.u32 v1, v2;
	v14 =	vand.u32 $0xFFFF, v62  }
0x103: {  	v17 =	vshrl.u32 v57, $0x5;
	[tilespmem:v8+s3+$0x0] =	vst.idx.add.s32.msk $0xffff, v2;
	v2 =	vshll.u32 v1, v3;
	v3 =	vand.u32 $0xFFFF, v63  }
0x104: {  	v18 =	vshrl.u32 v59, $0x5;
	[tilespmem:v10+s3+$0x0] =	vst.idx.add.s32.msk $0xffff, v2;
	v2 =	vshll.u32 v1, v4;
	v4 =	vand.u32 $0xFFFF, v17  }
0x105: {  	v6 =	vand.u32 $0x18, v6;
	[tilespmem:v12+s3+$0x0] =	vst.idx.add.s32.msk $0xffff, v2;
	v2 =	vshll.u32 v1, v5;
	v5 =	vand.u32 $0xFFFF, v18  }
0x106: {  	v19 =	vand.u32 $0x18, v55;
	[tilespmem:v13+s3+$0x0] =	vst.idx.add.s32.msk $0xffff, v2;
	v2 =	vshll.u32 v1, v6  }
0x107: {  	p0 =	seq.s32 s18, $0x7;
	s19 =	sshll.u32 s18, $0xF;
	v20 =	vand.u32 $0x18, v57;
	[tilespmem:v14+s3+$0x0] =	vst.idx.add.s32.msk $0xffff, v2;
	v2 =	vshll.u32 v1, v19  }
0x108: {  	s20 =	sadd.s32 @!p0 s19, s6;
	v21 =	vand.u32 $0x18, v59;
	[tilespmem:v3+s3+$0x0] =	vst.idx.add.s32.msk $0xffff, v2;
	v2 =	vshll.u32 v1, v20  }
0x109: {  	s20 =	sshrl.u32 @!p0 s20, $0x3;
	[tilespmem:v4+s3+$0x0] =	vst.idx.add.s32.msk $0xffff, v2;
	v2 =	vshll.u32 v1, v21  }
0x10a: {  	s21 =	simm.s32 @!p0 $0x0;
	s22 =	simm.s32 @!p0 $0x10000;
	s20 =	sadd.s32 @!p0 s2, s20;
	[tilespmem:v5+s3+$0x0] =	vst.idx.add.s32.msk $0xffff, v2  }
0x10b: {  	[tilespmem:s22], [sflag:$0x1] =	stream.linear.gather @!p0 [hbm4b:s20+s21], $0x4000, $0x38;
	[tilespmem:$0x18080] =	vst v63  }
0x10c: {  	s20 =	simm.s32 $0x0;
	_ =	swait.ge [sflag:s13], $0x4000  }
0x10d: {  	s30 =	sand.u32 $0x3000, s20;
	s31 =	sand.u32 $0x380, s20;
	[sflag:s13] =	ssyncset.done $0x0  }
0x10e: {  	s22 =	sor.u32 s31, s30;
	[sflag:s13] =	ssyncadd.s32 $0xFFFFC000  }
0x10f: {  	v2 =	vld [tilespmem:s22+$0x14000]  }
0x110: {  	v3 =	vld [tilespmem:s22+$0x14010]  }
0x111: {  	v4 =	vld [tilespmem:s22+$0x14020]  }
0x112: {  	v5 =	vld [tilespmem:s22+$0x14030]  }
0x113: {  	v22 =	vld [tilespmem:s22+$0x14040]  }
0x114: {  	v23 =	vld [tilespmem:s22+$0x14050];
	v24 =	vshrl.u32 v2, $0x5  }
0x115: {  	v25 =	vld [tilespmem:s22+$0x14060];
	v2 =	vand.u32 $0x18, v2;
	v26 =	vshrl.u32 v3, $0x5;
	v8 =	vand.u32 $0xFFFF, v24  }
0x116: {  	v27 =	vld [tilespmem:s22+$0x14070];
	v3 =	vand.u32 $0x18, v3;
	v28 =	vshrl.u32 v4, $0x5;
	v10 =	vand.u32 $0xFFFF, v26  }
0x117: {  	v4 =	vand.u32 $0x18, v4;
	v29 =	vshrl.u32 v5, $0x5;
	v12 =	vand.u32 $0xFFFF, v28  }
0x118: {  	v5 =	vand.u32 $0x18, v5;
	v30 =	vshrl.u32 v22, $0x5;
	v13 =	vand.u32 $0xFFFF, v29  }
0x119: {  	v31 =	vshrl.u32 v23, $0x5;
	v2 =	vshll.u32 v1, v2;
	v14 =	vand.u32 $0xFFFF, v30  }
0x11a: {  	v32 =	vshrl.u32 v25, $0x5;
	[tilespmem:v8+s3+$0x0] =	vst.idx.add.s32.msk $0xffff, v2;
	v2 =	vshll.u32 v1, v3;
	v3 =	vand.u32 $0xFFFF, v31  }
0x11b: {  	v33 =	vshrl.u32 v27, $0x5;
	[tilespmem:v10+s3+$0x0] =	vst.idx.add.s32.msk $0xffff, v2;
	v2 =	vshll.u32 v1, v4;
	v4 =	vand.u32 $0xFFFF, v32  }
0x11c: {  	v6 =	vand.u32 $0x18, v22;
	[tilespmem:v12+s3+$0x0] =	vst.idx.add.s32.msk $0xffff, v2;
	v2 =	vshll.u32 v1, v5;
	v5 =	vand.u32 $0xFFFF, v33  }
0x11d: {  	v34 =	vand.u32 $0x18, v23;
	[tilespmem:v13+s3+$0x0] =	vst.idx.add.s32.msk $0xffff, v2;
	v2 =	vshll.u32 v1, v6  }
0x11e: {  	v35 =	vand.u32 $0x18, v25;
	[tilespmem:v14+s3+$0x0] =	vst.idx.add.s32.msk $0xffff, v2;
	v2 =	vshll.u32 v1, v34  }
0x11f: {  	v36 =	vand.u32 $0x18, v27;
	[tilespmem:v3+s3+$0x0] =	vst.idx.add.s32.msk $0xffff, v2;
	v2 =	vshll.u32 v1, v35  }
0x120: {  	[tilespmem:v4+s3+$0x0] =	vst.idx.add.s32.msk $0xffff, v2;
	v2 =	vshll.u32 v1, v36  }
0x121: {  	[tilespmem:v5+s3+$0x0] =	vst.idx.add.s32.msk $0xffff, v2  }
0x122: {  	v2 =	vld [tilespmem:s22+$0x14400]  }
0x123: {  	v3 =	vld [tilespmem:s22+$0x14410]  }
0x124: {  	v4 =	vld [tilespmem:s22+$0x14420]  }
0x125: {  	v5 =	vld [tilespmem:s22+$0x14430]  }
0x126: {  	v37 =	vld [tilespmem:s22+$0x14440]  }
0x127: {  	v38 =	vld [tilespmem:s22+$0x14450];
	v39 =	vshrl.u32 v2, $0x5  }
0x128: {  	v40 =	vld [tilespmem:s22+$0x14460];
	v2 =	vand.u32 $0x18, v2;
	v41 =	vshrl.u32 v3, $0x5;
	v8 =	vand.u32 $0xFFFF, v39  }
0x129: {  	v42 =	vld [tilespmem:s22+$0x14470];
	v3 =	vand.u32 $0x18, v3;
	v43 =	vshrl.u32 v4, $0x5;
	v10 =	vand.u32 $0xFFFF, v41  }
0x12a: {  	v4 =	vand.u32 $0x18, v4;
	v44 =	vshrl.u32 v5, $0x5;
	v12 =	vand.u32 $0xFFFF, v43  }
0x12b: {  	v5 =	vand.u32 $0x18, v5;
	v45 =	vshrl.u32 v37, $0x5;
	v13 =	vand.u32 $0xFFFF, v44  }
0x12c: {  	v46 =	vshrl.u32 v38, $0x5;
	v2 =	vshll.u32 v1, v2;
	v14 =	vand.u32 $0xFFFF, v45  }
0x12d: {  	v47 =	vshrl.u32 v40, $0x5;
	[tilespmem:v8+s3+$0x0] =	vst.idx.add.s32.msk $0xffff, v2;
	v2 =	vshll.u32 v1, v3;
	v3 =	vand.u32 $0xFFFF, v46  }
0x12e: {  	v48 =	vshrl.u32 v42, $0x5;
	[tilespmem:v10+s3+$0x0] =	vst.idx.add.s32.msk $0xffff, v2;
	v2 =	vshll.u32 v1, v4;
	v4 =	vand.u32 $0xFFFF, v47  }
0x12f: {  	v6 =	vand.u32 $0x18, v37;
	[tilespmem:v12+s3+$0x0] =	vst.idx.add.s32.msk $0xffff, v2;
	v2 =	vshll.u32 v1, v5;
	v5 =	vand.u32 $0xFFFF, v48  }
0x130: {  	v49 =	vand.u32 $0x18, v38;
	[tilespmem:v13+s3+$0x0] =	vst.idx.add.s32.msk $0xffff, v2;
	v2 =	vshll.u32 v1, v6  }
0x131: {  	v50 =	vand.u32 $0x18, v40;
	[tilespmem:v14+s3+$0x0] =	vst.idx.add.s32.msk $0xffff, v2;
	v2 =	vshll.u32 v1, v49  }
0x132: {  	v51 =	vand.u32 $0x18, v42;
	[tilespmem:v3+s3+$0x0] =	vst.idx.add.s32.msk $0xffff, v2;
	v2 =	vshll.u32 v1, v50  }
0x133: {  	[tilespmem:v4+s3+$0x0] =	vst.idx.add.s32.msk $0xffff, v2;
	v2 =	vshll.u32 v1, v51  }
0x134: {  	[tilespmem:v5+s3+$0x0] =	vst.idx.add.s32.msk $0xffff, v2  }
0x135: {  	v2 =	vld [tilespmem:s22+$0x14800]  }
0x136: {  	v3 =	vld [tilespmem:s22+$0x14810]  }
0x137: {  	v4 =	vld [tilespmem:s22+$0x14820]  }
0x138: {  	v5 =	vld [tilespmem:s22+$0x14830]  }
0x139: {  	v52 =	vld [tilespmem:s22+$0x14840]  }
0x13a: {  	v53 =	vld [tilespmem:s22+$0x14850];
	v54 =	vshrl.u32 v2, $0x5  }
0x13b: {  	v56 =	vshrl.u32 v3, $0x5;
	v8 =	vand.u32 $0xFFFF, v54  }
0x13c: {  	v57 =	vshrl.u32 v4, $0x5;
	v10 =	vand.u32 $0xFFFF, v56  }
0x13d: {  	v55 =	vld [tilespmem:s22+$0x14860];
	v2 =	vand.u32 $0x18, v2;
	v58 =	vshrl.u32 v5, $0x5;
	v11 =	vand.u32 $0xFFFF, v57  }
0x13e: {  	v3 =	vand.u32 $0x18, v3;
	v59 =	vshrl.u32 v52, $0x5;
	v12 =	vand.u32 $0xFFFF, v58  }
0x13f: {  	v14 =	vld [tilespmem:s22+$0x14870];
	v60 =	vshrl.u32 v53, $0x5;
	v2 =	vshll.u32 v1, v2;
	v13 =	vand.u32 $0xFFFF, v59  }
0x140: {  	v4 =	vand.u32 $0x18, v4;
	[tilespmem:v8+s3+$0x0] =	vst.idx.add.s32.msk $0xffff, v2;
	v2 =	vshll.u32 v1, v3;
	v3 =	vand.u32 $0xFFFF, v60  }
0x141: {  	v5 =	vand.u32 $0x18, v5;
	[tilespmem:v10+s3+$0x0] =	vst.idx.add.s32.msk $0xffff, v2;
	v2 =	vshll.u32 v1, v4  }
0x142: {  	v61 =	vshrl.u32 v55, $0x5;
	v6 =	vand.u32 $0x18, v52;
	[tilespmem:v11+s3+$0x0] =	vst.idx.add.s32.msk $0xffff, v2;
	v2 =	vshll.u32 v1, v5  }
0x143: {  	v4 =	vand.u32 $0xFFFF, v61;
	v5 =	vand.u32 $0x18, v53;
	[tilespmem:v12+s3+$0x0] =	vst.idx.add.s32.msk $0xffff, v2;
	v2 =	vshll.u32 v1, v6  }
0x144: {  	v62 =	vshrl.u32 v14, $0x5;
	[tilespmem:v13+s3+$0x0] =	vst.idx.add.s32.msk $0xffff, v2;
	v2 =	vshll.u32 v1, v5  }
0x145: {  	[tilespmem:v3+s3+$0x0] =	vst.idx.add.s32.msk $0xffff, v2;
	v2 =	vand.u32 $0xFFFF, v62  }
0x146: {  	v5 =	vand.u32 $0x18, v55  }
0x147: {  	s21 =	sor.u32 s30, s20;
	v63 =	vand.u32 $0x18, v14;
	v3 =	vshll.u32 v1, v5  }
0x148: {  	s21 =	sor.u32 $0x4C00, s21;
	s22 =	simm.s32 $0x200;
	[tilespmem:v4+s3+$0x0] =	vst.idx.add.s32.msk $0xffff, v3;
	v3 =	vshll.u32 v1, v63  }
.LBB2_7:
0x149: {  	p1 =	sne.s32 s22, $0x3E00  }
0x14a: {  	[tilespmem:v2+s3+$0x0] =	vst.idx.add.s32.msk $0xffff, v3;
	s20 =	sadd.s32 $0x80, s20;
	s23 =	smov.u32 s22;
	s22 =	sadd.s32 $0x200, s22  }
0x14b: {  	s24 =	sand.u32 $0x3000, s23;
	s23 =	sand.u32 $0x380, s20;
	v2 =	vld [tilespmem:s21+$0x10030]  }
0x14c: {  	s23 =	sor.u32 s23, s24;
	s24 =	sor.u32 s24, s20;
	v3 =	vld [tilespmem:s21+$0x10010]  }
0x14d: {  	s24 =	sor.u32 $0x4C00, s24;
	v4 =	vld [tilespmem:s21+$0x10000]  }
0x14e: {  	v5 =	vld [tilespmem:s21+$0x10020]  }
0x14f: {  	v6 =	vld [tilespmem:s21+$0x10040]  }
0x150: {  	v7 =	vld [tilespmem:s21+$0x10050];
	v8 =	vshrl.u32 v2, $0x5;
	v2 =	vand.u32 $0x18, v2  }
0x151: {  	v9 =	vld [tilespmem:s21+$0x10060];
	v10 =	vshrl.u32 v3, $0x5;
	v3 =	vand.u32 $0x18, v3  }
0x152: {  	v11 =	vld [tilespmem:s21+$0x10070];
	v12 =	vshrl.u32 v4, $0x5;
	v4 =	vand.u32 $0x18, v4;
	s21 =	smov.u32 s24  }
0x153: {  	v12 =	vand.u32 $0xFFFF, v12;
	v13 =	vshrl.u32 v5, $0x5;
	v5 =	vand.u32 $0x18, v5  }
0x154: {  	v10 =	vand.u32 $0xFFFF, v10;
	v14 =	vshrl.u32 v6, $0x5;
	v6 =	vand.u32 $0x18, v6  }
0x155: {  	v13 =	vand.u32 $0xFFFF, v13;
	v15 =	vshrl.u32 v7, $0x5  }
0x156: {  	v8 =	vand.u32 $0xFFFF, v8;
	v16 =	vshrl.u32 v9, $0x5;
	v9 =	vand.u32 $0x18, v9  }
0x157: {  	v4 =	vshll.u32 v1, v4;
	v14 =	vand.u32 $0xFFFF, v14;
	v17 =	vand.u32 $0x18, v11  }
0x158: {  	v3 =	vshll.u32 v1, v3;
	[tilespmem:v12+s3+$0x0] =	vst.idx.add.s32.msk $0xffff, v4;
	v4 =	vand.u32 $0xFFFF, v15  }
0x159: {  	[tilespmem:v10+s3+$0x0] =	vst.idx.add.s32.msk $0xffff, v3;
	v3 =	vshll.u32 v1, v5;
	v5 =	vand.u32 $0xFFFF, v16;
	v10 =	vshrl.u32 v11, $0x5  }
0x15a: {  	v2 =	vshll.u32 v1, v2;
	[tilespmem:v13+s3+$0x0] =	vst.idx.add.s32.msk $0xffff, v3;
	v3 =	vand.u32 $0xFFFF, v10  }
0x15b: {  	[tilespmem:v8+s3+$0x0] =	vst.idx.add.s32.msk $0xffff, v2;
	v2 =	vshll.u32 v1, v6;
	v6 =	vand.u32 $0x18, v7  }
0x15c: {  	[tilespmem:v14+s3+$0x0] =	vst.idx.add.s32.msk $0xffff, v2;
	v2 =	vshll.u32 v1, v6  }
0x15d: {  	[tilespmem:v4+s3+$0x0] =	vst.idx.add.s32.msk $0xffff, v2;
	v2 =	vshll.u32 v1, v9  }
0x15e: {  	[tilespmem:v5+s3+$0x0] =	vst.idx.add.s32.msk $0xffff, v2;
	v2 =	vshll.u32 v1, v17  }
0x15f: {  	[tilespmem:v3+s3+$0x0] =	vst.idx.add.s32.msk $0xffff, v2  }
0x160: {  	v2 =	vld [tilespmem:s23+$0x14000]  }
0x161: {  	v3 =	vld [tilespmem:s23+$0x14010]  }
0x162: {  	v4 =	vld [tilespmem:s23+$0x14020]  }
0x163: {  	v5 =	vld [tilespmem:s23+$0x14030]  }
0x164: {  	v6 =	vld [tilespmem:s23+$0x14040]  }
0x165: {  	v7 =	vld [tilespmem:s23+$0x14050];
	v8 =	vshrl.u32 v2, $0x5;
	v2 =	vand.u32 $0x18, v2  }
0x166: {  	v9 =	vld [tilespmem:s23+$0x14060];
	v8 =	vand.u32 $0xFFFF, v8;
	v10 =	vshrl.u32 v3, $0x5;
	v3 =	vand.u32 $0x18, v3  }
0x167: {  	v11 =	vld [tilespmem:s23+$0x14070];
	v10 =	vand.u32 $0xFFFF, v10;
	v12 =	vshrl.u32 v4, $0x5;
	v4 =	vand.u32 $0x18, v4  }
0x168: {  	v12 =	vand.u32 $0xFFFF, v12;
	v13 =	vshrl.u32 v5, $0x5;
	v5 =	vand.u32 $0x18, v5  }
0x169: {  	v13 =	vand.u32 $0xFFFF, v13;
	v14 =	vshrl.u32 v6, $0x5;
	v6 =	vand.u32 $0x18, v6  }
0x16a: {  	v2 =	vshll.u32 v1, v2;
	v14 =	vand.u32 $0xFFFF, v14;
	v15 =	vshrl.u32 v7, $0x5  }
0x16b: {  	[tilespmem:v8+s3+$0x0] =	vst.idx.add.s32.msk $0xffff, v2;
	v2 =	vshll.u32 v1, v3;
	v3 =	vand.u32 $0xFFFF, v15;
	v8 =	vshrl.u32 v9, $0x5  }
0x16c: {  	[tilespmem:v10+s3+$0x0] =	vst.idx.add.s32.msk $0xffff, v2;
	v2 =	vshll.u32 v1, v4;
	v4 =	vand.u32 $0xFFFF, v8;
	v8 =	vshrl.u32 v11, $0x5  }
0x16d: {  	[tilespmem:v12+s3+$0x0] =	vst.idx.add.s32.msk $0xffff, v2;
	v2 =	vshll.u32 v1, v5;
	v5 =	vand.u32 $0x18, v9;
	v8 =	vand.u32 $0xFFFF, v8  }
0x16e: {  	[tilespmem:v13+s3+$0x0] =	vst.idx.add.s32.msk $0xffff, v2;
	v2 =	vshll.u32 v1, v6;
	v6 =	vand.u32 $0x18, v7;
	v7 =	vand.u32 $0x18, v11  }
0x16f: {  	[tilespmem:v14+s3+$0x0] =	vst.idx.add.s32.msk $0xffff, v2;
	v2 =	vshll.u32 v1, v6  }
0x170: {  	[tilespmem:v3+s3+$0x0] =	vst.idx.add.s32.msk $0xffff, v2;
	v2 =	vshll.u32 v1, v5  }
0x171: {  	[tilespmem:v4+s3+$0x0] =	vst.idx.add.s32.msk $0xffff, v2;
	v2 =	vshll.u32 v1, v7  }
0x172: {  	[tilespmem:v8+s3+$0x0] =	vst.idx.add.s32.msk $0xffff, v2  }
0x173: {  	v2 =	vld [tilespmem:s23+$0x14400]  }
0x174: {  	v3 =	vld [tilespmem:s23+$0x14410]  }
0x175: {  	v4 =	vld [tilespmem:s23+$0x14420]  }
0x176: {  	v5 =	vld [tilespmem:s23+$0x14430]  }
0x177: {  	v6 =	vld [tilespmem:s23+$0x14440]  }
0x178: {  	v7 =	vld [tilespmem:s23+$0x14450];
	v8 =	vshrl.u32 v2, $0x5;
	v2 =	vand.u32 $0x18, v2  }
0x179: {  	v9 =	vld [tilespmem:s23+$0x14460];
	v8 =	vand.u32 $0xFFFF, v8;
	v10 =	vshrl.u32 v3, $0x5;
	v3 =	vand.u32 $0x18, v3  }
0x17a: {  	v11 =	vld [tilespmem:s23+$0x14470];
	v10 =	vand.u32 $0xFFFF, v10;
	v12 =	vshrl.u32 v4, $0x5;
	v4 =	vand.u32 $0x18, v4  }
0x17b: {  	v12 =	vand.u32 $0xFFFF, v12;
	v13 =	vshrl.u32 v5, $0x5;
	v5 =	vand.u32 $0x18, v5  }
0x17c: {  	v13 =	vand.u32 $0xFFFF, v13;
	v14 =	vshrl.u32 v6, $0x5;
	v6 =	vand.u32 $0x18, v6  }
0x17d: {  	v2 =	vshll.u32 v1, v2;
	v14 =	vand.u32 $0xFFFF, v14;
	v15 =	vshrl.u32 v7, $0x5  }
0x17e: {  	[tilespmem:v8+s3+$0x0] =	vst.idx.add.s32.msk $0xffff, v2;
	v2 =	vshll.u32 v1, v3;
	v3 =	vand.u32 $0xFFFF, v15;
	v8 =	vshrl.u32 v9, $0x5  }
0x17f: {  	[tilespmem:v10+s3+$0x0] =	vst.idx.add.s32.msk $0xffff, v2;
	v2 =	vshll.u32 v1, v4;
	v4 =	vand.u32 $0xFFFF, v8;
	v8 =	vshrl.u32 v11, $0x5  }
0x180: {  	[tilespmem:v12+s3+$0x0] =	vst.idx.add.s32.msk $0xffff, v2;
	v2 =	vshll.u32 v1, v5;
	v5 =	vand.u32 $0x18, v11;
	v8 =	vand.u32 $0xFFFF, v8  }
0x181: {  	[tilespmem:v13+s3+$0x0] =	vst.idx.add.s32.msk $0xffff, v2;
	v2 =	vshll.u32 v1, v6;
	v6 =	vand.u32 $0x18, v7  }
0x182: {  	[tilespmem:v14+s3+$0x0] =	vst.idx.add.s32.msk $0xffff, v2;
	v2 =	vshll.u32 v1, v6;
	v6 =	vand.u32 $0x18, v9  }
0x183: {  	[tilespmem:v3+s3+$0x0] =	vst.idx.add.s32.msk $0xffff, v2;
	v2 =	vshll.u32 v1, v6  }
0x184: {  	[tilespmem:v4+s3+$0x0] =	vst.idx.add.s32.msk $0xffff, v2;
	v2 =	vshll.u32 v1, v5  }
0x185: {  	[tilespmem:v8+s3+$0x0] =	vst.idx.add.s32.msk $0xffff, v2  }
0x186: {  	v2 =	vld [tilespmem:s23+$0x14800]  }
0x187: {  	v3 =	vld [tilespmem:s23+$0x14810]  }
0x188: {  	v4 =	vld [tilespmem:s23+$0x14820]  }
0x189: {  	v5 =	vld [tilespmem:s23+$0x14830]  }
0x18a: {  	v6 =	vld [tilespmem:s23+$0x14840]  }
0x18b: {  	v7 =	vld [tilespmem:s23+$0x14850];
	v8 =	vshrl.u32 v2, $0x5;
	v2 =	vand.u32 $0x18, v2  }
0x18c: {  	v9 =	vld [tilespmem:s23+$0x14860];
	v8 =	vand.u32 $0xFFFF, v8;
	v10 =	vshrl.u32 v3, $0x5;
	v3 =	vand.u32 $0x18, v3  }
0x18d: {  	v11 =	vld [tilespmem:s23+$0x14870];
	v10 =	vand.u32 $0xFFFF, v10;
	v12 =	vshrl.u32 v4, $0x5;
	v4 =	vand.u32 $0x18, v4  }
0x18e: {  	v12 =	vand.u32 $0xFFFF, v12;
	v13 =	vshrl.u32 v5, $0x5;
	v5 =	vand.u32 $0x18, v5  }
0x18f: {  	v13 =	vand.u32 $0xFFFF, v13;
	v14 =	vshrl.u32 v6, $0x5;
	v6 =	vand.u32 $0x18, v6  }
0x190: {  	v2 =	vshll.u32 v1, v2;
	v14 =	vand.u32 $0xFFFF, v14;
	v15 =	vshrl.u32 v7, $0x5  }
0x191: {  	[tilespmem:v8+s3+$0x0] =	vst.idx.add.s32.msk $0xffff, v2;
	v2 =	vshll.u32 v1, v3;
	v3 =	vand.u32 $0xFFFF, v15;
	v8 =	vshrl.u32 v9, $0x5  }
0x192: {  	[tilespmem:v10+s3+$0x0] =	vst.idx.add.s32.msk $0xffff, v2;
	v2 =	vshll.u32 v1, v4;
	v4 =	vand.u32 $0xFFFF, v8;
	v8 =	vshrl.u32 v11, $0x5  }
.Ltmp2:
0x193: {  	v5 =	vshll.u32 v1, v5;
	v10 =	vand.u32 $0x18, v11;
	[tilespmem:v12+s3+$0x0] =	vst.idx.add.s32.msk $0xffff, v2;
	v2 =	vand.u32 $0xFFFF, v8;
	(pc) =	sbr.rel @p1 .LBB2_7-.Ltmp2, $4  }
0x194: {  	[tilespmem:v13+s3+$0x0] =	vst.idx.add.s32.msk $0xffff, v5;
	v5 =	vshll.u32 v1, v6;
	v6 =	vand.u32 $0x18, v7  }
0x195: {  	[tilespmem:v14+s3+$0x0] =	vst.idx.add.s32.msk $0xffff, v5;
	v5 =	vshll.u32 v1, v6;
	v6 =	vand.u32 $0x18, v9  }
0x196: {  	[tilespmem:v3+s3+$0x0] =	vst.idx.add.s32.msk $0xffff, v5;
	v3 =	vshll.u32 v1, v6  }
0x197: {  	[tilespmem:v4+s3+$0x0] =	vst.idx.add.s32.msk $0xffff, v3;
	v3 =	vshll.u32 v1, v10  }
0x198: {  	_ =	sdelay $0x3  }
0x199: {  	[tilespmem:v2+s3+$0x0] =	vst.idx.add.s32.msk $0xffff, v3  }
0x19a: {  	v2 =	vld [tilespmem:s21+$0x10030]  }
0x19b: {  	v3 =	vld [tilespmem:s21+$0x10000]  }
0x19c: {  	v4 =	vld [tilespmem:s21+$0x10010]  }
0x19d: {  	v5 =	vld [tilespmem:s21+$0x10020];
	_ =	sdelay $0x1  }
0x19e: {  	v6 =	vld [tilespmem:s21+$0x10040]  }
0x19f: {  	v7 =	vld [tilespmem:s21+$0x10050];
	v8 =	vshrl.u32 v3, $0x5  }
0x1a0: {  	v10 =	vld [tilespmem:s21+$0x10060];
	v9 =	vshrl.u32 v2, $0x5;
	v11 =	vshrl.u32 v4, $0x5;
	v8 =	vand.u32 $0xFFFF, v8  }
0x1a1: {  	v12 =	vld [tilespmem:s21+$0x10070];
	v2 =	vand.u32 $0x18, v2;
	v13 =	vshrl.u32 v5, $0x5;
	v11 =	vand.u32 $0xFFFF, v11  }
0x1a2: {  	v4 =	vand.u32 $0x18, v4;
	v3 =	vand.u32 $0x18, v3;
	v13 =	vand.u32 $0xFFFF, v13  }
0x1a3: {  	v5 =	vand.u32 $0x18, v5;
	v14 =	vshrl.u32 v6, $0x5;
	v9 =	vand.u32 $0xFFFF, v9  }
0x1a4: {  	v15 =	vshrl.u32 v7, $0x5;
	v3 =	vshll.u32 v1, v3;
	v14 =	vand.u32 $0xFFFF, v14  }
0x1a5: {  	v16 =	vshrl.u32 v10, $0x5;
	v58 =	vand.u32 $0xFFFF, v15;
	[tilespmem:v8+s3+$0x0] =	vst.idx.add.s32.msk $0xffff, v3;
	v3 =	vshll.u32 v1, v4  }
0x1a6: {  	v60 =	vshrl.u32 v12, $0x5;
	v59 =	vand.u32 $0xFFFF, v16;
	[tilespmem:v11+s3+$0x0] =	vst.idx.add.s32.msk $0xffff, v3;
	v3 =	vshll.u32 v1, v5  }
0x1a7: {  	v6 =	vand.u32 $0x18, v6;
	v2 =	vshll.u32 v1, v2;
	[tilespmem:v13+s3+$0x0] =	vst.idx.add.s32.msk $0xffff, v3;
	v3 =	vand.u32 $0xFFFF, v60  }
.Ltmp3:
0x1a8: {  	v61 =	vand.u32 $0x18, v7;
	[tilespmem:v9+s3+$0x0] =	vst.idx.add.s32.msk $0xffff, v2;
	v2 =	vshll.u32 v1, v6;
	(pc) =	sbr.rel @p0 .LBB2_9-.Ltmp3, $4  }
0x1a9: {  	v62 =	vand.u32 $0x18, v10;
	[tilespmem:v14+s3+$0x0] =	vst.idx.add.s32.msk $0xffff, v2;
	v2 =	vshll.u32 v1, v61  }
0x1aa: {  	v63 =	vand.u32 $0x18, v12;
	[tilespmem:v58+s3+$0x0] =	vst.idx.add.s32.msk $0xffff, v2;
	v2 =	vshll.u32 v1, v62  }
0x1ab: {  	[tilespmem:v59+s3+$0x0] =	vst.idx.add.s32.msk $0xffff, v2;
	v2 =	vshll.u32 v1, v63  }
0x1ac: {  	[tilespmem:v3+s3+$0x0] =	vst.idx.add.s32.msk $0xffff, v2  }
.Ltmp4:
0x1ad: {  	(pc) =	sbr.rel .LBB2_4-.Ltmp4, $4  }
0x1ae: {  	s19 =	sadd.s32 s19, s7  }
0x1af: {  	s19 =	sshrl.u32 s19, $0x3  }
0x1b0: {  	s18 =	sadd.s32 $0x1, s18;
	s19 =	sadd.s32 s2, s19  }
0x1b1: {  	[tilespmem:s11], [sflag:$0x2] =	stream.linear.gather [hbm4b:s19+s3], $0x4000, $0x38;
	[tilespmem:$0x18080] =	vst v63  }
.LBB2_9:
0x1b2: {  	s17 =	simm.s32 $0x0  }
0x1b3: {  	v2 =	vld [tilespmem:s17+$0x20]  }
0x1b4: {  	v4 =	vld [tilespmem:s17+$0x0];
	_ =	sdelay $0x1  }
0x1b5: {  	v5 =	vld [tilespmem:s17+$0x10];
	_ =	sdelay $0x1  }
0x1b6: {  	v7 =	vld [tilespmem:s17+$0x30];
	[tilespmem:s17+$0x20] =	vst v0;
	v6 =	vshrl.u32 v2, $0x4  }
0x1b7: {  	[tilespmem:s17+$0x10] =	vst v0;
	v2 =	vor.u32 v2, v6;
	v6 =	vshrl.u32 v4, $0x4  }
0x1b8: {  	[tilespmem:s17+$0x0] =	vst v0;
	v8 =	vshrl.u32 v2, $0x2;
	v4 =	vor.u32 v4, v6  }
0x1b9: {  	s18 =	simm.s32 $0x40;
	[tilespmem:s17+$0x30] =	vst v0;
	v6 =	vshrl.u32 v5, $0x4;
	v2 =	vor.u32 v2, v8;
	v8 =	vshrl.u32 v4, $0x2  }
0x1ba: {  	v12 =	vld [tilespmem:s18+$0x0];
	v5 =	vor.u32 v5, v6;
	v6 =	vshrl.u32 v2, $0x1;
	v4 =	vor.u32 v4, v8  }
0x1bb: {  	v10 =	vld [tilespmem:s18+$0x20];
	v8 =	vshrl.u32 v7, $0x4;
	v2 =	vor.u32 v2, v6;
	v6 =	vshrl.u32 v5, $0x2  }
0x1bc: {  	v9 =	vshrl.u32 v4, $0x1;
	v5 =	vor.u32 v5, v6;
	v6 =	vor.u32 v7, v8;
	v7 =	vld [tilespmem:s18+$0x10]  }
0x1bd: {  	v4 =	vor.u32 v4, v9;
	v11 =	vshrl.u32 v6, $0x2  }
0x1be: {  	v8 =	vshrl.u32 v5, $0x1;
	v4 =	vand.u32 $0x1010101, v4;
	v6 =	vor.u32 v6, v11  }
0x1bf: {  	v5 =	vor.u32 v5, v8;
	v11 =	vshrl.u32 v12, $0x4;
	v8 =	vshrl.u32 v6, $0x1  }
0x1c0: {  	v5 =	vand.u32 $0x1010101, v5;
	v6 =	vor.u32 v6, v8;
	v8 =	vshrl.u32 v10, $0x4  }
0x1c1: {  	v5 =	vmul.u32 $0x1010101, v5;
	v9 =	vshrl.u32 v7, $0x4;
	v8 =	vor.u32 v10, v8  }
0x1c2: {  	v10 =	vmul.u32 $0x1010101, v4;
	v4 =	vor.u32 v7, v9;
	v7 =	vshrl.u32 v8, $0x2  }
0x1c3: {  	v2 =	vand.u32 $0x1010101, v2;
	v9 =	vor.u32 v12, v11;
	v7 =	vor.u32 v8, v7  }
0x1c4: {  	v8 =	vshrl.u32 v5, $0x18;
	v5 =	vshrl.u32 v9, $0x2;
	v11 =	vshrl.u32 v7, $0x1  }
0x1c5: {  	v2 =	vmul.u32 $0x1010101, v2;
	v5 =	vor.u32 v9, v5;
	v9 =	vor.u32 v7, v11;
	v7 =	vld [tilespmem:s18+$0x30]  }
0x1c6: {  	v3 =	vimm.s32 $0x0;
	[tilespmem:s18+$0x20] =	vst v0;
	v6 =	vand.u32 $0x1010101, v6  }
0x1c7: {  	[tilespmem:s18+$0x0] =	vst v0;
	v2 =	vshrl.u32 v2, $0x18;
	v6 =	vmul.u32 $0x1010101, v6;
	v10 =	vshrl.u32 v10, $0x18  }
0x1c8: {  	[tilespmem:s18+$0x10] =	vst v0;
	v10 =	vadd.s32 v3, v10;
	v11 =	vshrl.u32 v5, $0x1;
	v9 =	vand.u32 $0x1010101, v9  }
0x1c9: {  	s17 =	simm.s32 $0x200;
	[tilespmem:s18+$0x30] =	vst v0;
	v8 =	vadd.s32 v8, v10;
	v5 =	vor.u32 v5, v11;
	v3 =	vmul.u32 $0x1010101, v9  }
.LBB2_10:
0x1ca: {  	s18 =	sshra.s32 s17, $0x2;
	p0 =	sne.s32 s17, $0x3FF00;
	s17 =	sadd.s32 $0x100, s17;
	v9 =	vshrl.u32 v4, $0x2;
	v10 =	vshrl.u32 v7, $0x4;
	v2 =	vadd.s32 v2, v8  }
0x1cb: {  	v6 =	vshrl.u32 v6, $0x18;
	v8 =	vld [tilespmem:s18+$0x20];
	v4 =	vor.u32 v4, v9;
	v7 =	vor.u32 v7, v10  }
0x1cc: {  	v12 =	vadd.s32 v6, v2;
	v9 =	vld [tilespmem:s18+$0x10];
	[tilespmem:s18+$0x20] =	vst v0;
	v10 =	vshrl.u32 v4, $0x1;
	v11 =	vshrl.u32 v7, $0x2  }
0x1cd: {  	v6 =	vld [tilespmem:s18+$0x0];
	[tilespmem:s18+$0x10] =	vst v0;
	v2 =	vor.u32 v4, v10;
	v4 =	vor.u32 v7, v11  }
0x1ce: {  	[tilespmem:s18+$0x0] =	vst v0;
	v2 =	vand.u32 $0x1010101, v2;
	v7 =	vshrl.u32 v4, $0x1  }
0x1cf: {  	v10 =	vmul.u32 $0x1010101, v2;
	v2 =	vshrl.u32 v3, $0x18;
	v3 =	vor.u32 v4, v7  }
0x1d0: {  	v5 =	vand.u32 $0x1010101, v5;
	v4 =	vshrl.u32 v8, $0x4;
	v3 =	vand.u32 $0x1010101, v3  }
0x1d1: {  	v5 =	vmul.u32 $0x1010101, v5;
	v7 =	vshrl.u32 v9, $0x4;
	v8 =	vor.u32 v8, v4  }
0x1d2: {  	v11 =	vshrl.u32 v6, $0x4;
	v4 =	vor.u32 v9, v7;
	v9 =	vshrl.u32 v8, $0x2  }
.Ltmp5:
0x1d3: {  	v7 =	vld [tilespmem:s18+$0x30];
	v6 =	vor.u32 v6, v11;
	v8 =	vor.u32 v8, v9;
	v9 =	vshrl.u32 v10, $0x18;
	(pc) =	sbr.rel @p0 .LBB2_10-.Ltmp5, $4  }
0x1d4: {  	v5 =	vshrl.u32 v5, $0x18;
	v10 =	vshrl.u32 v6, $0x2;
	v11 =	vshrl.u32 v8, $0x1;
	[tilespmem:s18+$0x30] =	vst v0  }
0x1d5: {  	v10 =	vor.u32 v6, v10;
	v8 =	vor.u32 v8, v11;
	v6 =	vmul.u32 $0x1010101, v3  }
0x1d6: {  	v11 =	vadd.s32 v12, v5;
	v3 =	vshrl.u32 v10, $0x1;
	v8 =	vand.u32 $0x1010101, v8  }
0x1d7: {  	v5 =	vor.u32 v10, v3;
	v3 =	vmul.u32 $0x1010101, v8;
	v8 =	vadd.s32 v9, v11  }
0x1d8: {  	v9 =	vshrl.u32 v4, $0x2;
	v10 =	vshrl.u32 v7, $0x4  }
0x1d9: {  	v4 =	vor.u32 v4, v9;
	v7 =	vor.u32 v7, v10  }
0x1da: {  	v2 =	vadd.s32 v2, v8;
	v60 =	vshrl.u32 v4, $0x1;
	v61 =	vshrl.u32 v7, $0x2  }
0x1db: {  	v5 =	vand.u32 $0x1010101, v5;
	v4 =	vor.u32 v4, v60;
	v7 =	vor.u32 v7, v61  }
0x1dc: {  	v5 =	vmul.u32 $0x1010101, v5;
	v4 =	vand.u32 $0x1010101, v4;
	v62 =	vshrl.u32 v7, $0x1  }
0x1dd: {  	v6 =	vshrl.u32 v6, $0x18;
	v4 =	vmul.u32 $0x1010101, v4;
	v7 =	vor.u32 v7, v62  }
0x1de: {  	v2 =	vadd.s32 v6, v2;
	v5 =	vshrl.u32 v5, $0x18;
	v63 =	vand.u32 $0x1010101, v7  }
0x1df: {  	v2 =	vadd.s32 v2, v5;
	v4 =	vshrl.u32 v4, $0x18;
	v6 =	vmul.u32 $0x1010101, v63  }
0x1e0: {  	v3 =	vshrl.u32 v3, $0x18;
	v2 =	vadd.s32 v4, v2  }
0x1e1: {  	v2 =	vadd.s32 v3, v2;
	v3 =	vshrl.u32 v6, $0x18  }
0x1e2: {  	v2 =	vadd.s32 v3, v2  }
0x1e3: {  	(xrf0) =	vadd.scan.msk.s32 $0xffff, v2;
	_ =	sdelay $0x5  }
0x1e4: {  	v2, _, _ =	vpop (xrf0)  }
0x1e5: {  	s16 =	sadd.s32 $0x1, s16;
	v2 =	vbroadcast v2, $0xF  }
0x1e6: {  	p0 =	sne.s32 s16, s9  }
.Ltmp6:
0x1e7: {  	[tilespmem:$0x18000] =	vst v2;
	(pc) =	sbr.rel @p0 .LBB2_1-.Ltmp6, $4  }
0x1e8: {  	[hbm4b:s8+s3] =	stream.linear.scatter [tilespmem:s14], [sflag:$0x3], $0x80, $0x38;
	[tilespmem:$0x18080] =	vst v63  }
0x1e9: {  	_ =	swait.ge [sflag:s15], $0x80  }
0x1ea: {  	[sflag:s15] =	ssyncset.done $0x0  }
0x1eb: {  	[sflag:s15] =	ssyncadd.s32 $0xFFFFFF80  }
0x1ec: {  	_ =	sfence.sel $0x180000  }
0x1ed: {  	[bflag:$0x0] =	sbarrier.arrive $0xFFFF  }
0x1ee: {  	p0 =	sne.s32 s1, $0x0;
	_ =	strace $0x90000047  }
0x1ef: {  	s0 =	sadd.s32 @!p0 $0x100000, s0;
	[bflag:$0x2] =	sbarrier.arrive $0xFFFF  }
0x1f0: {  	[sflag:s0] =	ssyncadd.tile.s32 @!p0 $0x1;
	_ =	shalt  }
.Lfunc_end2:
_tile_overlayer_lowered:
.L_overlay_start_2:
0x1f1: {  	(tag) =	ssettag $0x2  }
0x1f2: {  	s0 =	rddreg [dreg:$0x0];
	s2 =	stileid.u32  }
0x1f3: {  	s1 =	rddreg [dreg:$0x1];
	p0 =	sne.s32 s2, $0x0  }
0x1f4: {  	s3 =	rddreg [dreg:$0x2];
	[bflag:$0x3] =	sbarrier.arrive $0xFFFF;
	s2 =	simm.s32 @!p0 $0x1C03  }
0x1f5: {  	[timem:s3], [sflag:s2] =	dma.local @!p0 [hbm:s0], s1  }
0x1f6: {  	s0 =	simm.s32 @!p0 $0x3  }
0x1f7: {  	_ =	swait.ge @!p0 [sflag:s0], s1  }
0x1f8: {  	s1 =	ssub.s32 @!p0 $0x0, s1;
	[sflag:s0] =	ssyncset.done @!p0 $0x0  }
0x1f9: {  	[sflag:s0] =	ssyncadd.s32 @!p0 s1  }
0x1fa: {  	[bflag:$0x3] =	sbarrier.arrive $0xFFFF  }
0x1fb: {  	_ =	shalt  }

// kernel: kernel.7.cloned.1.call-start
scs
__scs_entry_jumppad:
0x0: {  	(pc) =	sbr.rel $0x88, $3  }
0x1: {  	(tag) =	ssettag $0x0;
	lr =	simm.s32 $0x1  }
0x2: {  	[smem:$0x3FA0] =	sst lr;
	_ =	strace $0xD0000000  }
0x3: {  	_ = 	snop  }
0x4: {  	_ = 	snop  }
0x5: {  	_ = 	snop  }
0x6: {  	_ = 	snop  }
0x7: {  	_ = 	snop  }
__scs_overlays_trampoline_lowered:
0x8: {  	[smem:$0x3FAF] =	sst s0  }
0x9: {  	[smem:$0x3FB0] =	sst s1  }
0xa: {  	[smem:$0x3FB1] =	sst s2  }
0xb: {  	[smem:$0x3FB2] =	sst s3  }
0xc: {  	[smem:$0x3FB3] =	sst s4  }
0xd: {  	[smem:$0x3FB4] =	sst s5  }
0xe: {  	[smem:$0x3FB5] =	sst s6  }
0xf: {  	[smem:$0x3FB6] =	sst s7  }
0x10: {  	[smem:$0x3FB7] =	sst s8  }
0x11: {  	[smem:$0x3FB8] =	sst s9;
	s0 =	simm.s32 @!p0 $0x0  }
0x12: {  	s1 =	sld [smem:$0x3F9E];
	s0 =	simm.s32 @p0 $0x1  }
0x13: {  	[smem:$0x3FB9] =	sst s0;
	s0 =	simm.s32 @!p1 $0x0  }
0x14: {  	s2 =	sld [smem:$0x3F9D];
	s0 =	simm.s32 @p1 $0x1  }
0x15: {  	[smem:$0x3FBA] =	sst s0;
	s0 =	simm.s32 @!p2 $0x0  }
0x16: {  	s3 =	sld [smem:$0x3FDB];
	s0 =	simm.s32 @p2 $0x1  }
0x17: {  	s4 =	simm.s32 $0x1BF5;
	[smem:$0x3FBC] =	sst s0  }
0x18: {  	s0 =	sld [smem:$0x3F9F];
	_ =	swait.ge [sflag:s4], $0x0  }
0x19: {  	s7 =	sld [smem:$0x3FA0]  }
0x1a: {  	s8 =	sadd.s32 $0xFFFFE003, lr  }
0x1b: {  	s9 =	sadd.s32 $0xFFFFFEF7, lr;
	s5 =	simm.s32 $0xFFFFFFFF;
	p2 =	slt.u32 s8, $0xFFFFF086  }
0x1c: {  	p1 =	slt.u32 s9, $0xF7A;
	s5 =	simm.s32 @!p2 $0x0  }
0x1d: {  	s5 =	simm.s32 @p1 $0x1;
	p0 =	seq.s32 s7, s2  }
0x1e: {  	s7 =	smul.u32 @!p0 $0xF7A, s2;
	p2 =	seq.s32 @!p0 s5, $0x0  }
0x1f: {  	s9 =	smul.u32 $0xF7A, s1;
	s8 =	simm.s32 @!p0 $0x1BF5;
	p2 =	por !p2, p0  }
0x20: {  	[sflag:s8] =	ssyncset.s32 @!p0 $0xFFFFF086;
	s6 =	sadd.s32 @!p0 s3, s7;
	s7 =	simm.s32 @!p0 $0x108  }
0x21: {  	s3 =	sadd.s32 s3, s9;
	s6 =	sadd.s32 @!p0 $0x88, s6;
	s7 =	simm.s32 @p2 $0x1082  }
0x22: {  	[simem:s7], [sflag:s8] =	dma.local @!p0 [hbm:s6], $0xF7A  }
0x23: {  	s9 =	sor.u32 $0xD0000000, s2;
	s6 =	simm.s32 $0x108;
	_ =	swait.ge @!p0 [sflag:s8], $0x0  }
0x24: {  	s3 =	sadd.s32 $0x88, s3;
	s6 =	simm.s32 @!p1 $0x1082;
	[sflag:s4] =	ssyncset.s32 $0xFFFFF086  }
0x25: {  	[simem:s6], [sflag:s4] =	dma.local [hbm:s3], $0xF7A  }
0x26: {  	[smem:$0x3FA0] =	sst s1;
	(tag) =	ssettag s2;
	_ =	strace s9  }
0x27: {  	s1 =	sld [smem:$0x3FB0]  }
0x28: {  	s2 =	sld [smem:$0x3FB1]  }
0x29: {  	s4 =	sld [smem:$0x3FB3]  }
0x2a: {  	p0 =	seq.s32 s5, $0x0;
	s5 =	sld [smem:$0x3FB4]  }
0x2b: {  	s6 =	sld [smem:$0x3FB5]  }
0x2c: {  	s7 =	sld [smem:$0x3FB6]  }
0x2d: {  	s3 =	simm.s32 $0x108;
	s8 =	sld [smem:$0x3FB7]  }
0x2e: {  	s3 =	simm.s32 @!p0 $0x1082;
	s9 =	sld [smem:$0x3FB8]  }
0x2f: {  	lr =	sadd.s32 s0, s3;
	s0 =	sld [smem:$0x3FAF]  }
0x30: {  	s3 =	sld [smem:$0x3FB2]  }
0x31: {  	[smem:$0x3FBB] =	sst s10  }
0x32: {  	s10 =	sld [smem:$0x3FB9];
	_ =	sdelay $0x3  }
0x33: {  	p0 =	seq.s32 s10, $0x1;
	s10 =	sld [smem:$0x3FBB];
	_ =	sdelay $0x3  }
0x34: {  	[smem:$0x3FBB] =	sst s10  }
0x35: {  	s10 =	sld [smem:$0x3FBA];
	_ =	sdelay $0x3  }
0x36: {  	p1 =	seq.s32 s10, $0x1;
	s10 =	sld [smem:$0x3FBB];
	_ =	sdelay $0x3  }
0x37: {  	[smem:$0x3FBB] =	sst s10  }
0x38: {  	s10 =	sld [smem:$0x3FBC]  }
0x39: {  	_ = 	snop;
	(pc) =	sbr.ind lr, $3  }
0x3a: {  	_ = 	snop  }
0x3b: {  	_ = 	snop  }
0x3c: {  	p2 =	seq.s32 s10, $0x1;
	s10 =	sld [smem:$0x3FBB]  }
0x3d: {  	_ =	shalt  }
0x3e: {  	_ =	shalt  }
0x3f: {  	_ =	shalt  }
0x40: {  	_ =	shalt  }
0x41: {  	_ =	shalt  }
0x42: {  	_ =	shalt  }
0x43: {  	_ =	shalt  }
0x44: {  	_ =	shalt  }
0x45: {  	_ =	shalt  }
0x46: {  	_ =	shalt  }
0x47: {  	_ =	shalt  }
0x48: {  	_ =	shalt  }
0x49: {  	_ =	shalt  }
0x4a: {  	_ =	shalt  }
0x4b: {  	_ =	shalt  }
0x4c: {  	_ =	shalt  }
0x4d: {  	_ =	shalt  }
0x4e: {  	_ =	shalt  }
0x4f: {  	_ =	shalt  }
0x50: {  	_ =	shalt  }
0x51: {  	_ =	shalt  }
0x52: {  	_ =	shalt  }
0x53: {  	_ =	shalt  }
0x54: {  	_ =	shalt  }
0x55: {  	_ =	shalt  }
0x56: {  	_ =	shalt  }
0x57: {  	_ =	shalt  }
0x58: {  	_ =	shalt  }
0x59: {  	_ =	shalt  }
0x5a: {  	_ =	shalt  }
0x5b: {  	_ =	shalt  }
0x5c: {  	_ =	shalt  }
0x5d: {  	_ =	shalt  }
0x5e: {  	_ =	shalt  }
0x5f: {  	_ =	shalt  }
0x60: {  	_ =	shalt  }
0x61: {  	_ =	shalt  }
0x62: {  	_ =	shalt  }
0x63: {  	_ =	shalt  }
0x64: {  	_ =	shalt  }
0x65: {  	_ =	shalt  }
0x66: {  	_ =	shalt  }
0x67: {  	_ =	shalt  }
0x68: {  	_ =	shalt  }
0x69: {  	_ =	shalt  }
0x6a: {  	_ =	shalt  }
0x6b: {  	_ =	shalt  }
0x6c: {  	_ =	shalt  }
0x6d: {  	_ =	shalt  }
0x6e: {  	_ =	shalt  }
0x6f: {  	_ =	shalt  }
0x70: {  	_ =	shalt  }
0x71: {  	_ =	shalt  }
0x72: {  	_ =	shalt  }
0x73: {  	_ =	shalt  }
0x74: {  	_ =	shalt  }
0x75: {  	_ =	shalt  }
0x76: {  	_ =	shalt  }
0x77: {  	_ =	shalt  }
0x78: {  	_ =	shalt  }
0x79: {  	_ =	shalt  }
0x7a: {  	_ =	shalt  }
0x7b: {  	_ =	shalt  }
0x7c: {  	_ =	shalt  }
0x7d: {  	_ =	shalt  }
0x7e: {  	_ =	shalt  }
0x7f: {  	_ =	shalt  }
0x80: {  	_ =	shalt  }
0x81: {  	_ =	shalt  }
0x82: {  	_ =	shalt  }
0x83: {  	_ =	shalt  }
0x84: {  	_ =	shalt  }
0x85: {  	_ =	shalt  }
0x86: {  	_ =	shalt  }
0x87: {  	_ =	shalt  }
.Lfunc_end0:
.L_simem_size_0:
called_computation_lowered:
.L_overlay_start_0:
0x88: {  	s2 =	sld [smem:$0x3FD9]  }
0x89: {  	s3 =	sld [smem:$0x3FFE];
	_ =	sdelay $0x1  }
0x8a: {  	s1 =	srdreg.scid  }
0x8b: {  	s0 =	sand.u32 $0x1, s1  }
0x8c: {  	s17 =	sshll.u32 s0, $0xA;
	s2 =	sadd.s32 s3, s2  }
0x8d: {  	s2 =	sadd.s32 s2, s17  }
0x8e: {  	[smem:$0x3FC7] =	sst s2  }
0x8f: {  	_ = 	snop  }
0x90: {  	(tm) =	ssettm $0x1  }
0x91: {  	s18 =	sld [smem:$0x3FFB];
	_ =	sdelay $0x3  }
0x92: {  	_ =	strace s18  }
0x93: {  	s2 =	sld [smem:$0x3FFC];
	_ =	sdelay $0x3  }
0x94: {  	_ =	strace s2  }
0x95: {  	s2 =	sld [smem:$0x3FFD];
	_ =	sdelay $0x3  }
0x96: {  	_ =	strace s2  }
0x97: {  	_ =	strace $0x8FFFFFFF  }
0x98: {  	s19 =	sld [smem:$0x3FDB];
	_ =	sdelay $0x1  }
0x99: {  	s20 =	simm.s32 $_scs_section_size  }
0x9a: {  	s4 =	simm.s32 $_size__tile_overlayer_lowered;
	s5 =	simm.s32 $_tile_overlayer_lowered  }
0x9b: {  	s6 =	simm.s32 $0x1BFF;
	s21 =	sshll.u32 s5, $0x1;
	s3 =	sadd.s32 s20, s19  }
0x9c: {  	s22 =	simm.s32 $0x0;
	s4 =	sshll.u32 s4, $0x1;
	s5 =	sadd.s32 s21, s3  }
0x9d: {  	[timem:s22], [sflag:s6] =	dma.local [hbm:s5], s4  }
0x9e: {  	_ =	swait.ge [sflag:s6], s4  }
0x9f: {  	s4 =	ssub.s32 $0x0, s4;
	[sflag:s6] =	ssyncset.done $0x0  }
0xa0: {  	[sflag:s6] =	ssyncadd.s32 s4;
	_ =	sdelay $0x1  }
0xa1: {  	s23 =	simm.s32 $0x1B8B  }
0xa2: {  	_ =	swait.ge [sflag:s23], $0x1  }
0xa3: {  	[sflag:s23] =	ssyncset.done $0x0  }
0xa4: {  	[sflag:s23] =	ssyncadd.s32 $0xFFFFFFFF  }
0xa5: {  	s4 =	sld [smem:$0x0]  }
0xa6: {  	s5 =	sand.u32 $0xFFFFFFFE, s1  }
0xa7: {  	p0 =	sne.s32 s1, s5  }
0xa8: {  	s5 =	sshll.u32 @p0 s5, $0xE  }
0xa9: {  	s5 =	sadd.s32 @p0 $0x11B8D, s5;
	s6 =	sshll.u32 @p0 s4, $0x11  }
0xaa: {  	s5 =	sor.u32 @p0 s6, s5  }
0xab: {  	[sflag:s5] =	ssyncadd.remote.s32 @p0 $0x1;
	_ =	sdelay $0x1  }
0xac: {  	s5 =	simm.s32 @p0 $0x1B8D  }
0xad: {  	_ =	swait.eq @p0 [sflag:s5], $0x1  }
0xae: {  	[sflag:s5] =	ssyncadd.s32 @p0 $0xFFFFFFFF  }
0xaf: {  	s6 =	sshll.u32 @!p0 s1, $0xE  }
0xb0: {  	s6 =	sor.u32 @!p0 $0x4000, s6;
	s5 =	simm.s32 @!p0 $0x1B8D  }
0xb1: {  	s4 =	sshll.u32 @!p0 s4, $0x11;
	s6 =	sadd.s32 @!p0 $0x11B8D, s6;
	_ =	swait.eq @!p0 [sflag:s5], $0x1  }
0xb2: {  	s4 =	sor.u32 @!p0 s4, s6;
	[sflag:s5] =	ssyncadd.s32 @!p0 $0xFFFFFFFF  }
0xb3: {  	s25 =	simm.s32 $0x1B8E;
	s24 =	sld [smem:$0x3FFE];
	[sflag:s4] =	ssyncadd.remote.s32 @!p0 $0x1  }
0xb4: {  	s26 =	simm.s32 $execute0_lowered;
	[smem:$0x3FD2] =	sst s25  }
0xb5: {  	s5 =	sshll.u32 s26, $0x1;
	_ =	strace $0x80000049;
	[dreg:$0x1] =	wrdreg $0xFFFFFFFF  }
0xb6: {  	s28 =	simm.s32 $_size_execute0_lowered;
	s3 =	sadd.s32 s3, s5;
	[dreg:$0x0] =	wrdreg $0x0  }
0xb7: {  	s5 =	sshll.u32 s28, $0x1;
	[dreg:$0x2] =	wrdreg s3  }
0xb8: {  	[dreg:$0x3] =	wrdreg s5  }
0xb9: {  	[dreg:$0x4] =	wrdreg $0xC0  }
0xba: {  	_ =	task [dreg:s22], $0x5FFFF  }
0xbb: {  	[dreg:$0x1] =	wrdreg $0xFFFFFFFF  }
0xbc: {  	[dreg:$0x0] =	wrdreg $0x60  }
0xbd: {  	[dreg:$0x2] =	wrdreg s24  }
0xbe: {  	[dreg:$0x3] =	wrdreg $0x9  }
0xbf: {  	_ =	task.clear_ibuf [dreg:s22], $0x4FFFF;
	_ =	strace $0x90000049  }
0xc0: {  	s29 =	simm.s32 $0x9;
	_ =	strace $0x8000004B  }
0xc1: {  	_ =	swait.ge [sflag:s29], $0x1  }
0xc2: {  	[sflag:s29] =	ssyncadd.s32 $0xFFFFFFFF  }
0xc3: {  	_ =	strace $0x9000004B  }
0xc4: {  	_ =	sfence  }
0xc5: {  	s30 =	sld [smem:$0x0];
	_ =	sdelay $0x2  }
0xc6: {  	s31 =	sshll.u32 s1, $0xD;
	s1 =	sshrl.u32 s1, $0x2  }
0xc7: {  	s4 =	sand.u32 $0x4000, s31;
	s1 =	sadd.s32 s1, s30  }
0xc8: {  	s0 =	sor.u32 s4, s0;
	s1 =	sshll.u32 s1, $0x11  }
0xc9: {  	s0 =	sor.u32 s1, s0  }
0xca: {  	s0 =	sadd.s32 $0x8F2B, s0  }
0xcb: {  	[sflag:s0] =	ssyncadd.remote.s32 $0x1  }
0xcc: {  	_ =	sfence.sel $0xFFFF  }
0xcd: {  	[dreg:$0x0] =	wrdreg $0xFFFFFFFF;
	(pc) =	sbr.abs _section_cstart, $3  }
0xce: {  	[dreg:$0x1] =	wrdreg $0xFFFFFFFF  }
0xcf: {  	_ =	task.clear_ibuf [dreg:s22], $0x2FFFF;
	_ =	strace $0x9FFFFFFF  }
0xd0: {  	(tm) =	ssettm $0x7FFFFFFF  }
0xd1: {  	_ =	shalt  }
tec
execute0_lowered:
.L_overlay_start_1:
0x0: {  	(tag) =	ssettag $0x1  }
0x1: {  	s4 =	rddreg [dreg:$0x0]  }
0x2: {  	s0 =	rddreg [dreg:$0x1];
	s2 =	simm.s32 $0x0;
	s3 =	srdreg.scid  }
0x3: {  	s1 =	stileid.u32;
	s11 =	simm.s32 $0x14000;
	s12 =	simm.s32 $0x1  }
0x4: {  	s13 =	simm.s32 $0x2;
	s14 =	simm.s32 $0x18000;
	s15 =	simm.s32 $0x3  }
0x5: {  	s16 =	simm.s32 $0x0;
	s5 =	sand.u32 $0x1, s3;
	s29 =	sshll.u32 s1, $0x1  }
0x6: {  	[smem:$0x7FF] =	sst s2;
	s3 =	sadd.s32 $0x100200, s4;
	s6 =	sor.u32 s5, s29  }
0x7: {  	_ =	strace $0x8000004A;
	s5 =	ssub.s32 $0x2, s5;
	s7 =	sshll.u32 s6, $0x4  }
0x8: {  	s30 =	sshrl.u32 s5, $0x1;
	s31 =	sshll.u32 s6, $0xF;
	s10 =	sshll.u32 s6, $0x12  }
0x9: {  	s8 =	sadd.s32 s7, s4;
	s9 =	ssub.s32 s5, s30;
	s4 =	sadd.s32 s3, s31  }
0xa: {  	s6 =	sor.u32 $0x8000, s10;
	s7 =	sor.u32 $0xC000, s10;
	s10 =	simm.s32 $0x10000  }
0xb: {  	v0 =	vimm.s32 $0x0;
	v1 =	vimm.s32 $0x1;
	s5 =	sadd.s32 $0x800, s4;
	s8 =	sadd.s32 $0x200200, s8;
	s9 =	smax.u32 s9, $0x1  }
.LBB2_1:
0xc: {  	s17 =	simm.s32 $0x40  }
0xd: {  	[tilespmem:s17+$0xFFFFFFC0] =	vst v0  }
0xe: {  	[tilespmem:s17+$0x30] =	vst v0  }
0xf: {  	[tilespmem:s17+$0x20] =	vst v0  }
0x10: {  	[tilespmem:s17+$0x10] =	vst v0  }
0x11: {  	[tilespmem:s17+$0x0] =	vst v0  }
0x12: {  	[tilespmem:s17+$0xFFFFFFF0] =	vst v0  }
0x13: {  	s18 =	simm.s32 $0x0;
	[tilespmem:s17+$0xFFFFFFE0] =	vst v0  }
.LBB2_2:
0x14: {  	s18 =	sadd.s32 $0x8, s18;
	[tilespmem:s17+$0xFFFFFFD0] =	vst v0;
	s17 =	sadd.s32 $0x80, s17  }
0x15: {  	[tilespmem:s17+$0xFFFFFFC0] =	vst v0;
	p0 =	slt.u32 s18, $0xFF8  }
0x16: {  	[tilespmem:s17+$0x30] =	vst v0  }
.Ltmp0:
0x17: {  	[tilespmem:s17+$0x20] =	vst v0;
	(pc) =	sbr.rel @p0 .LBB2_2-.Ltmp0, $4  }
0x18: {  	[tilespmem:s17+$0x10] =	vst v0  }
0x19: {  	[tilespmem:s17+$0x0] =	vst v0  }
0x1a: {  	[tilespmem:s17+$0xFFFFFFF0] =	vst v0  }
0x1b: {  	[tilespmem:s17+$0xFFFFFFE0] =	vst v0  }
0x1c: {  	[tilespmem:s17+$0xFFFFFFD0] =	vst v0;
	s17 =	simm.s32 $0x0  }
0x1d: {  	[tilespmem:s10], [sflag:$0x1] =	stream.linear.gather [hbm4b:s4+s17], $0x4000, $0x38;
	[tilespmem:$0x18080] =	vst v63  }
0x1e: {  	s18 =	simm.s32 $0x0  }
0x1f: {  	[tilespmem:s11], [sflag:$0x2] =	stream.linear.gather [hbm4b:s5+s17], $0x4000, $0x38;
	[tilespmem:$0x18080] =	vst v63  }
.LBB2_4:
0x20: {  	_ =	swait.ge [sflag:s12], $0x4000  }
0x21: {  	s19 =	sand.u32 $0x3000, s17;
	s20 =	sand.u32 $0x380, s17;
	[sflag:s12] =	ssyncset.done $0x0  }
0x22: {  	s19 =	sor.u32 s20, s19;
	[sflag:s12] =	ssyncadd.s32 $0xFFFFC000  }
0x23: {  	v2 =	vld [tilespmem:s19+$0x10000]  }
0x24: {  	v3 =	vld [tilespmem:s19+$0x10010]  }
0x25: {  	v4 =	vld [tilespmem:s19+$0x10020]  }
0x26: {  	v5 =	vld [tilespmem:s19+$0x10030]  }
0x27: {  	v6 =	vld [tilespmem:s19+$0x10040]  }
0x28: {  	v7 =	vld [tilespmem:s19+$0x10050];
	v8 =	vshrl.u32 v2, $0x5  }
0x29: {  	v9 =	vld [tilespmem:s19+$0x10060];
	v2 =	vand.u32 $0x18, v2;
	v10 =	vshrl.u32 v3, $0x5;
	v8 =	vand.u32 $0xFFFF, v8  }
0x2a: {  	v11 =	vld [tilespmem:s19+$0x10070];
	v3 =	vand.u32 $0x18, v3;
	v12 =	vshrl.u32 v4, $0x5;
	v10 =	vand.u32 $0xFFFF, v10  }
0x2b: {  	v4 =	vand.u32 $0x18, v4;
	v13 =	vshrl.u32 v5, $0x5;
	v12 =	vand.u32 $0xFFFF, v12  }
0x2c: {  	v5 =	vand.u32 $0x18, v5;
	v14 =	vshrl.u32 v6, $0x5;
	v13 =	vand.u32 $0xFFFF, v13  }
0x2d: {  	v15 =	vshrl.u32 v7, $0x5;
	v2 =	vshll.u32 v1, v2;
	v14 =	vand.u32 $0xFFFF, v14  }
0x2e: {  	v19 =	vshrl.u32 v9, $0x5;
	[tilespmem:v8+s2+$0x0] =	vst.idx.add.s32.msk $0xffff, v2;
	v2 =	vshll.u32 v1, v3;
	v3 =	vand.u32 $0xFFFF, v15  }
0x2f: {  	v20 =	vshrl.u32 v11, $0x5;
	[tilespmem:v10+s2+$0x0] =	vst.idx.add.s32.msk $0xffff, v2;
	v2 =	vshll.u32 v1, v4;
	v4 =	vand.u32 $0xFFFF, v19  }
0x30: {  	v6 =	vand.u32 $0x18, v6;
	[tilespmem:v12+s2+$0x0] =	vst.idx.add.s32.msk $0xffff, v2;
	v2 =	vshll.u32 v1, v5;
	v5 =	vand.u32 $0xFFFF, v20  }
0x31: {  	v21 =	vand.u32 $0x18, v7;
	[tilespmem:v13+s2+$0x0] =	vst.idx.add.s32.msk $0xffff, v2;
	v2 =	vshll.u32 v1, v6  }
0x32: {  	v22 =	vand.u32 $0x18, v9;
	[tilespmem:v14+s2+$0x0] =	vst.idx.add.s32.msk $0xffff, v2;
	v2 =	vshll.u32 v1, v21  }
0x33: {  	v23 =	vand.u32 $0x18, v11;
	[tilespmem:v3+s2+$0x0] =	vst.idx.add.s32.msk $0xffff, v2;
	v2 =	vshll.u32 v1, v22  }
0x34: {  	[tilespmem:v4+s2+$0x0] =	vst.idx.add.s32.msk $0xffff, v2;
	v2 =	vshll.u32 v1, v23  }
0x35: {  	[tilespmem:v5+s2+$0x0] =	vst.idx.add.s32.msk $0xffff, v2  }
0x36: {  	v2 =	vld [tilespmem:s19+$0x10400]  }
0x37: {  	v3 =	vld [tilespmem:s19+$0x10410]  }
0x38: {  	v4 =	vld [tilespmem:s19+$0x10420]  }
0x39: {  	v5 =	vld [tilespmem:s19+$0x10430]  }
0x3a: {  	v24 =	vld [tilespmem:s19+$0x10440]  }
0x3b: {  	v25 =	vld [tilespmem:s19+$0x10450];
	v26 =	vshrl.u32 v2, $0x5  }
0x3c: {  	v27 =	vld [tilespmem:s19+$0x10460];
	v2 =	vand.u32 $0x18, v2;
	v28 =	vshrl.u32 v3, $0x5;
	v8 =	vand.u32 $0xFFFF, v26  }
0x3d: {  	v29 =	vld [tilespmem:s19+$0x10470];
	v3 =	vand.u32 $0x18, v3;
	v30 =	vshrl.u32 v4, $0x5;
	v10 =	vand.u32 $0xFFFF, v28  }
0x3e: {  	v4 =	vand.u32 $0x18, v4;
	v31 =	vshrl.u32 v5, $0x5;
	v12 =	vand.u32 $0xFFFF, v30  }
0x3f: {  	v5 =	vand.u32 $0x18, v5;
	v32 =	vshrl.u32 v24, $0x5;
	v13 =	vand.u32 $0xFFFF, v31  }
0x40: {  	v33 =	vshrl.u32 v25, $0x5;
	v2 =	vshll.u32 v1, v2;
	v14 =	vand.u32 $0xFFFF, v32  }
0x41: {  	v34 =	vshrl.u32 v27, $0x5;
	[tilespmem:v8+s2+$0x0] =	vst.idx.add.s32.msk $0xffff, v2;
	v2 =	vshll.u32 v1, v3;
	v3 =	vand.u32 $0xFFFF, v33  }
0x42: {  	v35 =	vshrl.u32 v29, $0x5;
	[tilespmem:v10+s2+$0x0] =	vst.idx.add.s32.msk $0xffff, v2;
	v2 =	vshll.u32 v1, v4;
	v4 =	vand.u32 $0xFFFF, v34  }
0x43: {  	v6 =	vand.u32 $0x18, v24;
	[tilespmem:v12+s2+$0x0] =	vst.idx.add.s32.msk $0xffff, v2;
	v2 =	vshll.u32 v1, v5;
	v5 =	vand.u32 $0xFFFF, v35  }
0x44: {  	v36 =	vand.u32 $0x18, v25;
	[tilespmem:v13+s2+$0x0] =	vst.idx.add.s32.msk $0xffff, v2;
	v2 =	vshll.u32 v1, v6  }
0x45: {  	v37 =	vand.u32 $0x18, v27;
	[tilespmem:v14+s2+$0x0] =	vst.idx.add.s32.msk $0xffff, v2;
	v2 =	vshll.u32 v1, v36  }
0x46: {  	v38 =	vand.u32 $0x18, v29;
	[tilespmem:v3+s2+$0x0] =	vst.idx.add.s32.msk $0xffff, v2;
	v2 =	vshll.u32 v1, v37  }
0x47: {  	[tilespmem:v4+s2+$0x0] =	vst.idx.add.s32.msk $0xffff, v2;
	v2 =	vshll.u32 v1, v38  }
0x48: {  	[tilespmem:v5+s2+$0x0] =	vst.idx.add.s32.msk $0xffff, v2  }
0x49: {  	v2 =	vld [tilespmem:s19+$0x10800]  }
0x4a: {  	v3 =	vld [tilespmem:s19+$0x10810]  }
0x4b: {  	v4 =	vld [tilespmem:s19+$0x10820]  }
0x4c: {  	v5 =	vld [tilespmem:s19+$0x10830]  }
0x4d: {  	v39 =	vld [tilespmem:s19+$0x10840]  }
0x4e: {  	v40 =	vld [tilespmem:s19+$0x10850];
	v41 =	vshrl.u32 v2, $0x5  }
0x4f: {  	v42 =	vld [tilespmem:s19+$0x10860];
	v2 =	vand.u32 $0x18, v2;
	v43 =	vshrl.u32 v3, $0x5;
	v8 =	vand.u32 $0xFFFF, v41  }
0x50: {  	v44 =	vld [tilespmem:s19+$0x10870];
	v3 =	vand.u32 $0x18, v3;
	v45 =	vshrl.u32 v4, $0x5;
	v10 =	vand.u32 $0xFFFF, v43  }
0x51: {  	v4 =	vand.u32 $0x18, v4;
	v46 =	vshrl.u32 v5, $0x5;
	v12 =	vand.u32 $0xFFFF, v45  }
0x52: {  	v5 =	vand.u32 $0x18, v5;
	v47 =	vshrl.u32 v39, $0x5;
	v13 =	vand.u32 $0xFFFF, v46  }
0x53: {  	v48 =	vshrl.u32 v40, $0x5;
	v2 =	vshll.u32 v1, v2;
	v14 =	vand.u32 $0xFFFF, v47  }
0x54: {  	v49 =	vshrl.u32 v42, $0x5;
	[tilespmem:v8+s2+$0x0] =	vst.idx.add.s32.msk $0xffff, v2;
	v2 =	vshll.u32 v1, v3;
	v3 =	vand.u32 $0xFFFF, v48  }
0x55: {  	v50 =	vshrl.u32 v44, $0x5;
	[tilespmem:v10+s2+$0x0] =	vst.idx.add.s32.msk $0xffff, v2;
	v2 =	vshll.u32 v1, v4;
	v4 =	vand.u32 $0xFFFF, v49  }
0x56: {  	v51 =	vand.u32 $0xFFFF, v50;
	[tilespmem:v12+s2+$0x0] =	vst.idx.add.s32.msk $0xffff, v2;
	v2 =	vshll.u32 v1, v5;
	v5 =	vand.u32 $0x18, v39  }
0x57: {  	[tilespmem:v13+s2+$0x0] =	vst.idx.add.s32.msk $0xffff, v2;
	v2 =	vshll.u32 v1, v5;
	v5 =	vand.u32 $0x18, v40  }
0x58: {  	[tilespmem:v14+s2+$0x0] =	vst.idx.add.s32.msk $0xffff, v2;
	v2 =	vshll.u32 v1, v5;
	v5 =	vand.u32 $0x18, v42  }
0x59: {  	v52 =	vand.u32 $0x18, v44;
	[tilespmem:v3+s2+$0x0] =	vst.idx.add.s32.msk $0xffff, v2;
	v2 =	vshll.u32 v1, v5  }
0x5a: {  	[tilespmem:v4+s2+$0x0] =	vst.idx.add.s32.msk $0xffff, v2;
	v2 =	vshll.u32 v1, v52  }
0x5b: {  	[tilespmem:v51+s2+$0x0] =	vst.idx.add.s32.msk $0xffff, v2  }
0x5c: {  	v2 =	vld [tilespmem:s19+$0x10C00]  }
0x5d: {  	v3 =	vld [tilespmem:s19+$0x10C10]  }
0x5e: {  	v4 =	vld [tilespmem:s19+$0x10C20]  }
0x5f: {  	v5 =	vld [tilespmem:s19+$0x10C30]  }
0x60: {  	v6 =	vld [tilespmem:s19+$0x10C40]  }
0x61: {  	v53 =	vld [tilespmem:s19+$0x10C50];
	v54 =	vshrl.u32 v2, $0x5  }
0x62: {  	v56 =	vshrl.u32 v3, $0x5;
	v8 =	vand.u32 $0xFFFF, v54  }
0x63: {  	v57 =	vshrl.u32 v4, $0x5;
	v10 =	vand.u32 $0xFFFF, v56  }
0x64: {  	v55 =	vld [tilespmem:s19+$0x10C60];
	v2 =	vand.u32 $0x18, v2;
	v58 =	vshrl.u32 v5, $0x5;
	v11 =	vand.u32 $0xFFFF, v57  }
0x65: {  	v3 =	vand.u32 $0x18, v3;
	v59 =	vshrl.u32 v6, $0x5;
	v12 =	vand.u32 $0xFFFF, v58  }
0x66: {  	v14 =	vld [tilespmem:s19+$0x10C70];
	v60 =	vshrl.u32 v53, $0x5;
	v2 =	vshll.u32 v1, v2;
	v13 =	vand.u32 $0xFFFF, v59  }
0x67: {  	v4 =	vand.u32 $0x18, v4;
	[tilespmem:v8+s2+$0x0] =	vst.idx.add.s32.msk $0xffff, v2;
	v2 =	vshll.u32 v1, v3;
	v3 =	vand.u32 $0xFFFF, v60  }
0x68: {  	v5 =	vand.u32 $0x18, v5;
	[tilespmem:v10+s2+$0x0] =	vst.idx.add.s32.msk $0xffff, v2;
	v2 =	vshll.u32 v1, v4  }
0x69: {  	v61 =	vshrl.u32 v55, $0x5;
	v6 =	vand.u32 $0x18, v6;
	[tilespmem:v11+s2+$0x0] =	vst.idx.add.s32.msk $0xffff, v2;
	v2 =	vshll.u32 v1, v5  }
0x6a: {  	v4 =	vand.u32 $0xFFFF, v61;
	v5 =	vand.u32 $0x18, v53;
	[tilespmem:v12+s2+$0x0] =	vst.idx.add.s32.msk $0xffff, v2;
	v2 =	vshll.u32 v1, v6  }
0x6b: {  	v62 =	vshrl.u32 v14, $0x5;
	[tilespmem:v13+s2+$0x0] =	vst.idx.add.s32.msk $0xffff, v2;
	v2 =	vshll.u32 v1, v5  }
0x6c: {  	[tilespmem:v3+s2+$0x0] =	vst.idx.add.s32.msk $0xffff, v2;
	v2 =	vand.u32 $0xFFFF, v62  }
0x6d: {  	v5 =	vand.u32 $0x18, v55  }
0x6e: {  	s21 =	simm.s32 $0x200;
	s19 =	simm.s32 $0x80;
	v63 =	vand.u32 $0x18, v14;
	v3 =	vshll.u32 v1, v5  }
0x6f: {  	s20 =	simm.s32 $0x400;
	s21 =	sand.u32 $0x3000, s21;
	s22 =	sand.u32 $0x380, s19;
	[tilespmem:v4+s2+$0x0] =	vst.idx.add.s32.msk $0xffff, v3;
	v3 =	vshll.u32 v1, v63  }
.LBB2_5:
0x70: {  	p0 =	sne.s32 s20, $0x3E00  }
0x71: {  	s22 =	sor.u32 s22, s21;
	[tilespmem:v2+s2+$0x0] =	vst.idx.add.s32.msk $0xffff, v3;
	s21 =	smov.u32 s20;
	s20 =	sadd.s32 $0x200, s20  }
0x72: {  	v2 =	vld [tilespmem:s22+$0x10000]  }
0x73: {  	v3 =	vld [tilespmem:s22+$0x10010]  }
0x74: {  	v4 =	vld [tilespmem:s22+$0x10020]  }
0x75: {  	v5 =	vld [tilespmem:s22+$0x10030]  }
0x76: {  	v6 =	vld [tilespmem:s22+$0x10040]  }
0x77: {  	v7 =	vld [tilespmem:s22+$0x10050];
	v8 =	vshrl.u32 v2, $0x5;
	v2 =	vand.u32 $0x18, v2  }
0x78: {  	v9 =	vld [tilespmem:s22+$0x10060];
	v8 =	vand.u32 $0xFFFF, v8;
	v10 =	vshrl.u32 v3, $0x5;
	v3 =	vand.u32 $0x18, v3  }
0x79: {  	v11 =	vld [tilespmem:s22+$0x10070];
	v10 =	vand.u32 $0xFFFF, v10;
	v12 =	vshrl.u32 v4, $0x5;
	v4 =	vand.u32 $0x18, v4  }
0x7a: {  	v12 =	vand.u32 $0xFFFF, v12;
	v13 =	vshrl.u32 v5, $0x5;
	v5 =	vand.u32 $0x18, v5  }
0x7b: {  	v13 =	vand.u32 $0xFFFF, v13;
	v14 =	vshrl.u32 v6, $0x5;
	v6 =	vand.u32 $0x18, v6  }
0x7c: {  	v2 =	vshll.u32 v1, v2;
	v14 =	vand.u32 $0xFFFF, v14;
	v15 =	vshrl.u32 v7, $0x5  }
0x7d: {  	[tilespmem:v8+s2+$0x0] =	vst.idx.add.s32.msk $0xffff, v2;
	v2 =	vshll.u32 v1, v3;
	v3 =	vand.u32 $0xFFFF, v15;
	v8 =	vshrl.u32 v9, $0x5  }
0x7e: {  	[tilespmem:v10+s2+$0x0] =	vst.idx.add.s32.msk $0xffff, v2;
	v2 =	vshll.u32 v1, v4;
	v4 =	vand.u32 $0xFFFF, v8;
	v8 =	vshrl.u32 v11, $0x5  }
0x7f: {  	[tilespmem:v12+s2+$0x0] =	vst.idx.add.s32.msk $0xffff, v2;
	v2 =	vshll.u32 v1, v5;
	v5 =	vand.u32 $0x18, v11;
	v8 =	vand.u32 $0xFFFF, v8  }
0x80: {  	[tilespmem:v13+s2+$0x0] =	vst.idx.add.s32.msk $0xffff, v2;
	v2 =	vshll.u32 v1, v6;
	v6 =	vand.u32 $0x18, v7  }
0x81: {  	[tilespmem:v14+s2+$0x0] =	vst.idx.add.s32.msk $0xffff, v2;
	v2 =	vshll.u32 v1, v6;
	v6 =	vand.u32 $0x18, v9  }
0x82: {  	[tilespmem:v3+s2+$0x0] =	vst.idx.add.s32.msk $0xffff, v2;
	v2 =	vshll.u32 v1, v6  }
0x83: {  	[tilespmem:v4+s2+$0x0] =	vst.idx.add.s32.msk $0xffff, v2;
	v2 =	vshll.u32 v1, v5  }
0x84: {  	[tilespmem:v8+s2+$0x0] =	vst.idx.add.s32.msk $0xffff, v2  }
0x85: {  	v2 =	vld [tilespmem:s22+$0x10400]  }
0x86: {  	v3 =	vld [tilespmem:s22+$0x10410]  }
0x87: {  	v4 =	vld [tilespmem:s22+$0x10420]  }
0x88: {  	v5 =	vld [tilespmem:s22+$0x10430]  }
0x89: {  	v6 =	vld [tilespmem:s22+$0x10440]  }
0x8a: {  	v7 =	vld [tilespmem:s22+$0x10450];
	v8 =	vshrl.u32 v2, $0x5;
	v2 =	vand.u32 $0x18, v2  }
0x8b: {  	v9 =	vld [tilespmem:s22+$0x10460];
	v8 =	vand.u32 $0xFFFF, v8;
	v10 =	vshrl.u32 v3, $0x5;
	v3 =	vand.u32 $0x18, v3  }
0x8c: {  	v11 =	vld [tilespmem:s22+$0x10470];
	v10 =	vand.u32 $0xFFFF, v10;
	v12 =	vshrl.u32 v4, $0x5;
	v4 =	vand.u32 $0x18, v4  }
0x8d: {  	v12 =	vand.u32 $0xFFFF, v12;
	v13 =	vshrl.u32 v5, $0x5;
	v5 =	vand.u32 $0x18, v5  }
0x8e: {  	v13 =	vand.u32 $0xFFFF, v13;
	v14 =	vshrl.u32 v6, $0x5;
	v6 =	vand.u32 $0x18, v6  }
0x8f: {  	v2 =	vshll.u32 v1, v2;
	v14 =	vand.u32 $0xFFFF, v14;
	v15 =	vshrl.u32 v7, $0x5  }
0x90: {  	[tilespmem:v8+s2+$0x0] =	vst.idx.add.s32.msk $0xffff, v2;
	v2 =	vshll.u32 v1, v3;
	v3 =	vand.u32 $0xFFFF, v15;
	v8 =	vshrl.u32 v9, $0x5  }
0x91: {  	[tilespmem:v10+s2+$0x0] =	vst.idx.add.s32.msk $0xffff, v2;
	v2 =	vshll.u32 v1, v4;
	v4 =	vand.u32 $0xFFFF, v8;
	v8 =	vshrl.u32 v11, $0x5  }
0x92: {  	[tilespmem:v12+s2+$0x0] =	vst.idx.add.s32.msk $0xffff, v2;
	v2 =	vshll.u32 v1, v5;
	v5 =	vand.u32 $0x18, v11;
	v8 =	vand.u32 $0xFFFF, v8  }
0x93: {  	[tilespmem:v13+s2+$0x0] =	vst.idx.add.s32.msk $0xffff, v2;
	v2 =	vshll.u32 v1, v6;
	v6 =	vand.u32 $0x18, v7  }
0x94: {  	[tilespmem:v14+s2+$0x0] =	vst.idx.add.s32.msk $0xffff, v2;
	v2 =	vshll.u32 v1, v6;
	v6 =	vand.u32 $0x18, v9  }
0x95: {  	[tilespmem:v3+s2+$0x0] =	vst.idx.add.s32.msk $0xffff, v2;
	v2 =	vshll.u32 v1, v6  }
0x96: {  	[tilespmem:v4+s2+$0x0] =	vst.idx.add.s32.msk $0xffff, v2;
	v2 =	vshll.u32 v1, v5  }
0x97: {  	[tilespmem:v8+s2+$0x0] =	vst.idx.add.s32.msk $0xffff, v2  }
0x98: {  	v2 =	vld [tilespmem:s22+$0x10800]  }
0x99: {  	v3 =	vld [tilespmem:s22+$0x10810]  }
0x9a: {  	v4 =	vld [tilespmem:s22+$0x10820]  }
0x9b: {  	v5 =	vld [tilespmem:s22+$0x10830]  }
0x9c: {  	v6 =	vld [tilespmem:s22+$0x10840]  }
0x9d: {  	v7 =	vld [tilespmem:s22+$0x10850];
	v8 =	vshrl.u32 v2, $0x5;
	v2 =	vand.u32 $0x18, v2  }
0x9e: {  	v9 =	vld [tilespmem:s22+$0x10860];
	v8 =	vand.u32 $0xFFFF, v8;
	v10 =	vshrl.u32 v3, $0x5;
	v3 =	vand.u32 $0x18, v3  }
0x9f: {  	v11 =	vld [tilespmem:s22+$0x10870];
	v10 =	vand.u32 $0xFFFF, v10;
	v12 =	vshrl.u32 v4, $0x5;
	v4 =	vand.u32 $0x18, v4  }
0xa0: {  	v12 =	vand.u32 $0xFFFF, v12;
	v13 =	vshrl.u32 v5, $0x5;
	v5 =	vand.u32 $0x18, v5  }
0xa1: {  	v13 =	vand.u32 $0xFFFF, v13;
	v14 =	vshrl.u32 v6, $0x5  }
0xa2: {  	v2 =	vshll.u32 v1, v2;
	v14 =	vand.u32 $0xFFFF, v14;
	v15 =	vshrl.u32 v7, $0x5  }
0xa3: {  	[tilespmem:v8+s2+$0x0] =	vst.idx.add.s32.msk $0xffff, v2;
	v2 =	vshll.u32 v1, v3;
	v3 =	vand.u32 $0xFFFF, v15;
	v8 =	vshrl.u32 v9, $0x5  }
0xa4: {  	[tilespmem:v10+s2+$0x0] =	vst.idx.add.s32.msk $0xffff, v2;
	v2 =	vshll.u32 v1, v4;
	v4 =	vand.u32 $0xFFFF, v8;
	v8 =	vshrl.u32 v11, $0x5  }
0xa5: {  	[tilespmem:v12+s2+$0x0] =	vst.idx.add.s32.msk $0xffff, v2;
	v2 =	vshll.u32 v1, v5;
	v5 =	vand.u32 $0x18, v6;
	v6 =	vand.u32 $0xFFFF, v8  }
0xa6: {  	[tilespmem:v13+s2+$0x0] =	vst.idx.add.s32.msk $0xffff, v2;
	v2 =	vshll.u32 v1, v5;
	v5 =	vand.u32 $0x18, v7;
	v7 =	vand.u32 $0x18, v11  }
0xa7: {  	[tilespmem:v14+s2+$0x0] =	vst.idx.add.s32.msk $0xffff, v2;
	v2 =	vshll.u32 v1, v5;
	v5 =	vand.u32 $0x18, v9  }
0xa8: {  	[tilespmem:v3+s2+$0x0] =	vst.idx.add.s32.msk $0xffff, v2;
	v2 =	vshll.u32 v1, v5  }
0xa9: {  	[tilespmem:v4+s2+$0x0] =	vst.idx.add.s32.msk $0xffff, v2;
	v2 =	vshll.u32 v1, v7  }
0xaa: {  	[tilespmem:v6+s2+$0x0] =	vst.idx.add.s32.msk $0xffff, v2  }
0xab: {  	v2 =	vld [tilespmem:s22+$0x10C00]  }
0xac: {  	v3 =	vld [tilespmem:s22+$0x10C10]  }
0xad: {  	v4 =	vld [tilespmem:s22+$0x10C20]  }
0xae: {  	v5 =	vld [tilespmem:s22+$0x10C30]  }
0xaf: {  	v6 =	vld [tilespmem:s22+$0x10C40]  }
0xb0: {  	v7 =	vld [tilespmem:s22+$0x10C50];
	v8 =	vshrl.u32 v2, $0x5;
	v2 =	vand.u32 $0x18, v2  }
0xb1: {  	v9 =	vld [tilespmem:s22+$0x10C60];
	v8 =	vand.u32 $0xFFFF, v8;
	v10 =	vshrl.u32 v3, $0x5;
	v3 =	vand.u32 $0x18, v3  }
0xb2: {  	v11 =	vld [tilespmem:s22+$0x10C70];
	v10 =	vand.u32 $0xFFFF, v10;
	v12 =	vshrl.u32 v4, $0x5;
	v4 =	vand.u32 $0x18, v4  }
0xb3: {  	v12 =	vand.u32 $0xFFFF, v12;
	v13 =	vshrl.u32 v5, $0x5;
	v5 =	vand.u32 $0x18, v5  }
0xb4: {  	v13 =	vand.u32 $0xFFFF, v13;
	v14 =	vshrl.u32 v6, $0x5;
	v6 =	vand.u32 $0x18, v6  }
0xb5: {  	v2 =	vshll.u32 v1, v2;
	v14 =	vand.u32 $0xFFFF, v14;
	v15 =	vshrl.u32 v7, $0x5  }
0xb6: {  	[tilespmem:v8+s2+$0x0] =	vst.idx.add.s32.msk $0xffff, v2;
	v2 =	vshll.u32 v1, v3;
	v3 =	vand.u32 $0xFFFF, v15;
	v8 =	vshrl.u32 v9, $0x5  }
0xb7: {  	[tilespmem:v10+s2+$0x0] =	vst.idx.add.s32.msk $0xffff, v2;
	v2 =	vshll.u32 v1, v4;
	v4 =	vand.u32 $0xFFFF, v8;
	v8 =	vshrl.u32 v11, $0x5  }
.Ltmp1:
0xb8: {  	v5 =	vshll.u32 v1, v5;
	v10 =	vand.u32 $0x18, v11;
	[tilespmem:v12+s2+$0x0] =	vst.idx.add.s32.msk $0xffff, v2;
	v2 =	vand.u32 $0xFFFF, v8;
	(pc) =	sbr.rel @p0 .LBB2_5-.Ltmp1, $4  }
0xb9: {  	[tilespmem:v13+s2+$0x0] =	vst.idx.add.s32.msk $0xffff, v5;
	v5 =	vshll.u32 v1, v6;
	v6 =	vand.u32 $0x18, v7  }
0xba: {  	[tilespmem:v14+s2+$0x0] =	vst.idx.add.s32.msk $0xffff, v5;
	v5 =	vshll.u32 v1, v6;
	v6 =	vand.u32 $0x18, v9  }
0xbb: {  	s19 =	sadd.s32 $0x80, s19;
	[tilespmem:v3+s2+$0x0] =	vst.idx.add.s32.msk $0xffff, v5;
	v3 =	vshll.u32 v1, v6  }
0xbc: {  	s21 =	sand.u32 $0x3000, s21;
	s22 =	sand.u32 $0x380, s19;
	[tilespmem:v4+s2+$0x0] =	vst.idx.add.s32.msk $0xffff, v3;
	v3 =	vshll.u32 v1, v10  }
0xbd: {  	_ =	sdelay $0x3  }
0xbe: {  	s19 =	sor.u32 s22, s21;
	[tilespmem:v2+s2+$0x0] =	vst.idx.add.s32.msk $0xffff, v3  }
0xbf: {  	v2 =	vld [tilespmem:s19+$0x10000]  }
0xc0: {  	v3 =	vld [tilespmem:s19+$0x10010]  }
0xc1: {  	v4 =	vld [tilespmem:s19+$0x10020]  }
0xc2: {  	v5 =	vld [tilespmem:s19+$0x10030]  }
0xc3: {  	v6 =	vld [tilespmem:s19+$0x10040]  }
0xc4: {  	v7 =	vld [tilespmem:s19+$0x10050];
	v8 =	vshrl.u32 v2, $0x5  }
0xc5: {  	v9 =	vld [tilespmem:s19+$0x10060];
	v2 =	vand.u32 $0x18, v2;
	v10 =	vshrl.u32 v3, $0x5;
	v8 =	vand.u32 $0xFFFF, v8  }
0xc6: {  	v11 =	vld [tilespmem:s19+$0x10070];
	v3 =	vand.u32 $0x18, v3;
	v12 =	vshrl.u32 v4, $0x5;
	v10 =	vand.u32 $0xFFFF, v10  }
0xc7: {  	v4 =	vand.u32 $0x18, v4;
	v13 =	vshrl.u32 v5, $0x5;
	v12 =	vand.u32 $0xFFFF, v12  }
0xc8: {  	v5 =	vand.u32 $0x18, v5;
	v14 =	vshrl.u32 v6, $0x5;
	v13 =	vand.u32 $0xFFFF, v13  }
0xc9: {  	v15 =	vshrl.u32 v7, $0x5;
	v2 =	vshll.u32 v1, v2;
	v14 =	vand.u32 $0xFFFF, v14  }
0xca: {  	v21 =	vshrl.u32 v9, $0x5;
	[tilespmem:v8+s2+$0x0] =	vst.idx.add.s32.msk $0xffff, v2;
	v2 =	vshll.u32 v1, v3;
	v3 =	vand.u32 $0xFFFF, v15  }
0xcb: {  	v22 =	vshrl.u32 v11, $0x5;
	[tilespmem:v10+s2+$0x0] =	vst.idx.add.s32.msk $0xffff, v2;
	v2 =	vshll.u32 v1, v4;
	v4 =	vand.u32 $0xFFFF, v21  }
0xcc: {  	v6 =	vand.u32 $0x18, v6;
	[tilespmem:v12+s2+$0x0] =	vst.idx.add.s32.msk $0xffff, v2;
	v2 =	vshll.u32 v1, v5;
	v5 =	vand.u32 $0xFFFF, v22  }
0xcd: {  	v23 =	vand.u32 $0x18, v7;
	[tilespmem:v13+s2+$0x0] =	vst.idx.add.s32.msk $0xffff, v2;
	v2 =	vshll.u32 v1, v6  }
0xce: {  	v24 =	vand.u32 $0x18, v9;
	[tilespmem:v14+s2+$0x0] =	vst.idx.add.s32.msk $0xffff, v2;
	v2 =	vshll.u32 v1, v23  }
0xcf: {  	v25 =	vand.u32 $0x18, v11;
	[tilespmem:v3+s2+$0x0] =	vst.idx.add.s32.msk $0xffff, v2;
	v2 =	vshll.u32 v1, v24  }
0xd0: {  	[tilespmem:v4+s2+$0x0] =	vst.idx.add.s32.msk $0xffff, v2;
	v2 =	vshll.u32 v1, v25  }
0xd1: {  	[tilespmem:v5+s2+$0x0] =	vst.idx.add.s32.msk $0xffff, v2  }
0xd2: {  	v2 =	vld [tilespmem:s19+$0x10400]  }
0xd3: {  	v3 =	vld [tilespmem:s19+$0x10410]  }
0xd4: {  	v4 =	vld [tilespmem:s19+$0x10420]  }
0xd5: {  	v5 =	vld [tilespmem:s19+$0x10430]  }
0xd6: {  	v26 =	vld [tilespmem:s19+$0x10440]  }
0xd7: {  	v27 =	vld [tilespmem:s19+$0x10450];
	v28 =	vshrl.u32 v2, $0x5  }
0xd8: {  	v29 =	vld [tilespmem:s19+$0x10460];
	v2 =	vand.u32 $0x18, v2;
	v30 =	vshrl.u32 v3, $0x5;
	v8 =	vand.u32 $0xFFFF, v28  }
0xd9: {  	v31 =	vld [tilespmem:s19+$0x10470];
	v3 =	vand.u32 $0x18, v3;
	v32 =	vshrl.u32 v4, $0x5;
	v10 =	vand.u32 $0xFFFF, v30  }
0xda: {  	v4 =	vand.u32 $0x18, v4;
	v33 =	vshrl.u32 v5, $0x5;
	v12 =	vand.u32 $0xFFFF, v32  }
0xdb: {  	v5 =	vand.u32 $0x18, v5;
	v34 =	vshrl.u32 v26, $0x5;
	v13 =	vand.u32 $0xFFFF, v33  }
0xdc: {  	v35 =	vshrl.u32 v27, $0x5;
	v2 =	vshll.u32 v1, v2;
	v14 =	vand.u32 $0xFFFF, v34  }
0xdd: {  	v36 =	vshrl.u32 v29, $0x5;
	[tilespmem:v8+s2+$0x0] =	vst.idx.add.s32.msk $0xffff, v2;
	v2 =	vshll.u32 v1, v3;
	v3 =	vand.u32 $0xFFFF, v35  }
0xde: {  	v37 =	vshrl.u32 v31, $0x5;
	[tilespmem:v10+s2+$0x0] =	vst.idx.add.s32.msk $0xffff, v2;
	v2 =	vshll.u32 v1, v4;
	v4 =	vand.u32 $0xFFFF, v36  }
0xdf: {  	v6 =	vand.u32 $0x18, v26;
	[tilespmem:v12+s2+$0x0] =	vst.idx.add.s32.msk $0xffff, v2;
	v2 =	vshll.u32 v1, v5;
	v5 =	vand.u32 $0xFFFF, v37  }
0xe0: {  	v38 =	vand.u32 $0x18, v27;
	[tilespmem:v13+s2+$0x0] =	vst.idx.add.s32.msk $0xffff, v2;
	v2 =	vshll.u32 v1, v6  }
0xe1: {  	v39 =	vand.u32 $0x18, v29;
	[tilespmem:v14+s2+$0x0] =	vst.idx.add.s32.msk $0xffff, v2;
	v2 =	vshll.u32 v1, v38  }
0xe2: {  	v40 =	vand.u32 $0x18, v31;
	[tilespmem:v3+s2+$0x0] =	vst.idx.add.s32.msk $0xffff, v2;
	v2 =	vshll.u32 v1, v39  }
0xe3: {  	[tilespmem:v4+s2+$0x0] =	vst.idx.add.s32.msk $0xffff, v2;
	v2 =	vshll.u32 v1, v40  }
0xe4: {  	[tilespmem:v5+s2+$0x0] =	vst.idx.add.s32.msk $0xffff, v2  }
0xe5: {  	v2 =	vld [tilespmem:s19+$0x10800]  }
0xe6: {  	v3 =	vld [tilespmem:s19+$0x10810]  }
0xe7: {  	v4 =	vld [tilespmem:s19+$0x10820]  }
0xe8: {  	v5 =	vld [tilespmem:s19+$0x10830]  }
0xe9: {  	v41 =	vld [tilespmem:s19+$0x10840]  }
0xea: {  	v42 =	vld [tilespmem:s19+$0x10850];
	v43 =	vshrl.u32 v2, $0x5  }
0xeb: {  	v44 =	vld [tilespmem:s19+$0x10860];
	v2 =	vand.u32 $0x18, v2;
	v45 =	vshrl.u32 v3, $0x5;
	v8 =	vand.u32 $0xFFFF, v43  }
0xec: {  	v46 =	vld [tilespmem:s19+$0x10870];
	v3 =	vand.u32 $0x18, v3;
	v47 =	vshrl.u32 v4, $0x5;
	v10 =	vand.u32 $0xFFFF, v45  }
0xed: {  	v4 =	vand.u32 $0x18, v4;
	v48 =	vshrl.u32 v5, $0x5;
	v12 =	vand.u32 $0xFFFF, v47  }
0xee: {  	v5 =	vand.u32 $0x18, v5;
	v49 =	vshrl.u32 v41, $0x5;
	v13 =	vand.u32 $0xFFFF, v48  }
0xef: {  	v50 =	vshrl.u32 v42, $0x5;
	v2 =	vshll.u32 v1, v2;
	v14 =	vand.u32 $0xFFFF, v49  }
0xf0: {  	v51 =	vshrl.u32 v44, $0x5;
	[tilespmem:v8+s2+$0x0] =	vst.idx.add.s32.msk $0xffff, v2;
	v2 =	vshll.u32 v1, v3;
	v3 =	vand.u32 $0xFFFF, v50  }
0xf1: {  	v52 =	vshrl.u32 v46, $0x5;
	[tilespmem:v10+s2+$0x0] =	vst.idx.add.s32.msk $0xffff, v2;
	v2 =	vshll.u32 v1, v4;
	v4 =	vand.u32 $0xFFFF, v51  }
0xf2: {  	v53 =	vand.u32 $0xFFFF, v52;
	[tilespmem:v12+s2+$0x0] =	vst.idx.add.s32.msk $0xffff, v2;
	v2 =	vshll.u32 v1, v5;
	v5 =	vand.u32 $0x18, v41  }
0xf3: {  	[tilespmem:v13+s2+$0x0] =	vst.idx.add.s32.msk $0xffff, v2;
	v2 =	vshll.u32 v1, v5;
	v5 =	vand.u32 $0x18, v42  }
0xf4: {  	[tilespmem:v14+s2+$0x0] =	vst.idx.add.s32.msk $0xffff, v2;
	v2 =	vshll.u32 v1, v5;
	v5 =	vand.u32 $0x18, v44  }
0xf5: {  	v54 =	vand.u32 $0x18, v46;
	[tilespmem:v3+s2+$0x0] =	vst.idx.add.s32.msk $0xffff, v2;
	v2 =	vshll.u32 v1, v5  }
0xf6: {  	[tilespmem:v4+s2+$0x0] =	vst.idx.add.s32.msk $0xffff, v2;
	v2 =	vshll.u32 v1, v54  }
0xf7: {  	[tilespmem:v53+s2+$0x0] =	vst.idx.add.s32.msk $0xffff, v2  }
0xf8: {  	v2 =	vld [tilespmem:s19+$0x10C00]  }
0xf9: {  	v3 =	vld [tilespmem:s19+$0x10C10]  }
0xfa: {  	v4 =	vld [tilespmem:s19+$0x10C20]  }
0xfb: {  	v5 =	vld [tilespmem:s19+$0x10C30]  }
0xfc: {  	v6 =	vld [tilespmem:s19+$0x10C40]  }
0xfd: {  	v55 =	vld [tilespmem:s19+$0x10C50];
	v56 =	vshrl.u32 v2, $0x5  }
0xfe: {  	v57 =	vld [tilespmem:s19+$0x10C60];
	v2 =	vand.u32 $0x18, v2;
	v58 =	vshrl.u32 v3, $0x5;
	v8 =	vand.u32 $0xFFFF, v56  }
0xff: {  	v59 =	vld [tilespmem:s19+$0x10C70];
	v3 =	vand.u32 $0x18, v3;
	v60 =	vshrl.u32 v4, $0x5;
	v10 =	vand.u32 $0xFFFF, v58  }
0x100: {  	v4 =	vand.u32 $0x18, v4;
	v61 =	vshrl.u32 v5, $0x5;
	v12 =	vand.u32 $0xFFFF, v60  }
0x101: {  	v5 =	vand.u32 $0x18, v5;
	v62 =	vshrl.u32 v6, $0x5;
	v13 =	vand.u32 $0xFFFF, v61  }
0x102: {  	v63 =	vshrl.u32 v55, $0x5;
	v2 =	vshll.u32 v1, v2;
	v14 =	vand.u32 $0xFFFF, v62  }
0x103: {  	v17 =	vshrl.u32 v57, $0x5;
	[tilespmem:v8+s2+$0x0] =	vst.idx.add.s32.msk $0xffff, v2;
	v2 =	vshll.u32 v1, v3;
	v3 =	vand.u32 $0xFFFF, v63  }
0x104: {  	v18 =	vshrl.u32 v59, $0x5;
	[tilespmem:v10+s2+$0x0] =	vst.idx.add.s32.msk $0xffff, v2;
	v2 =	vshll.u32 v1, v4;
	v4 =	vand.u32 $0xFFFF, v17  }
0x105: {  	v6 =	vand.u32 $0x18, v6;
	[tilespmem:v12+s2+$0x0] =	vst.idx.add.s32.msk $0xffff, v2;
	v2 =	vshll.u32 v1, v5;
	v5 =	vand.u32 $0xFFFF, v18  }
0x106: {  	v19 =	vand.u32 $0x18, v55;
	[tilespmem:v13+s2+$0x0] =	vst.idx.add.s32.msk $0xffff, v2;
	v2 =	vshll.u32 v1, v6  }
0x107: {  	p0 =	seq.s32 s18, $0x7;
	s19 =	sshll.u32 s18, $0xF;
	v20 =	vand.u32 $0x18, v57;
	[tilespmem:v14+s2+$0x0] =	vst.idx.add.s32.msk $0xffff, v2;
	v2 =	vshll.u32 v1, v19  }
0x108: {  	s20 =	sadd.s32 @!p0 s19, s6;
	v21 =	vand.u32 $0x18, v59;
	[tilespmem:v3+s2+$0x0] =	vst.idx.add.s32.msk $0xffff, v2;
	v2 =	vshll.u32 v1, v20  }
0x109: {  	s20 =	sshrl.u32 @!p0 s20, $0x3;
	[tilespmem:v4+s2+$0x0] =	vst.idx.add.s32.msk $0xffff, v2;
	v2 =	vshll.u32 v1, v21  }
0x10a: {  	s21 =	simm.s32 @!p0 $0x0;
	s22 =	simm.s32 @!p0 $0x10000;
	s20 =	sadd.s32 @!p0 s3, s20;
	[tilespmem:v5+s2+$0x0] =	vst.idx.add.s32.msk $0xffff, v2  }
0x10b: {  	[tilespmem:s22], [sflag:$0x1] =	stream.linear.gather @!p0 [hbm4b:s20+s21], $0x4000, $0x38;
	[tilespmem:$0x18080] =	vst v63  }
0x10c: {  	s20 =	simm.s32 $0x0;
	_ =	swait.ge [sflag:s13], $0x4000  }
0x10d: {  	s30 =	sand.u32 $0x3000, s20;
	s31 =	sand.u32 $0x380, s20;
	[sflag:s13] =	ssyncset.done $0x0  }
0x10e: {  	s22 =	sor.u32 s31, s30;
	[sflag:s13] =	ssyncadd.s32 $0xFFFFC000  }
0x10f: {  	v2 =	vld [tilespmem:s22+$0x14000]  }
0x110: {  	v3 =	vld [tilespmem:s22+$0x14010]  }
0x111: {  	v4 =	vld [tilespmem:s22+$0x14020]  }
0x112: {  	v5 =	vld [tilespmem:s22+$0x14030]  }
0x113: {  	v22 =	vld [tilespmem:s22+$0x14040]  }
0x114: {  	v23 =	vld [tilespmem:s22+$0x14050];
	v24 =	vshrl.u32 v2, $0x5  }
0x115: {  	v25 =	vld [tilespmem:s22+$0x14060];
	v2 =	vand.u32 $0x18, v2;
	v26 =	vshrl.u32 v3, $0x5;
	v8 =	vand.u32 $0xFFFF, v24  }
0x116: {  	v27 =	vld [tilespmem:s22+$0x14070];
	v3 =	vand.u32 $0x18, v3;
	v28 =	vshrl.u32 v4, $0x5;
	v10 =	vand.u32 $0xFFFF, v26  }
0x117: {  	v4 =	vand.u32 $0x18, v4;
	v29 =	vshrl.u32 v5, $0x5;
	v12 =	vand.u32 $0xFFFF, v28  }
0x118: {  	v5 =	vand.u32 $0x18, v5;
	v30 =	vshrl.u32 v22, $0x5;
	v13 =	vand.u32 $0xFFFF, v29  }
0x119: {  	v31 =	vshrl.u32 v23, $0x5;
	v2 =	vshll.u32 v1, v2;
	v14 =	vand.u32 $0xFFFF, v30  }
0x11a: {  	v32 =	vshrl.u32 v25, $0x5;
	[tilespmem:v8+s2+$0x0] =	vst.idx.add.s32.msk $0xffff, v2;
	v2 =	vshll.u32 v1, v3;
	v3 =	vand.u32 $0xFFFF, v31  }
0x11b: {  	v33 =	vshrl.u32 v27, $0x5;
	[tilespmem:v10+s2+$0x0] =	vst.idx.add.s32.msk $0xffff, v2;
	v2 =	vshll.u32 v1, v4;
	v4 =	vand.u32 $0xFFFF, v32  }
0x11c: {  	v6 =	vand.u32 $0x18, v22;
	[tilespmem:v12+s2+$0x0] =	vst.idx.add.s32.msk $0xffff, v2;
	v2 =	vshll.u32 v1, v5;
	v5 =	vand.u32 $0xFFFF, v33  }
0x11d: {  	v34 =	vand.u32 $0x18, v23;
	[tilespmem:v13+s2+$0x0] =	vst.idx.add.s32.msk $0xffff, v2;
	v2 =	vshll.u32 v1, v6  }
0x11e: {  	v35 =	vand.u32 $0x18, v25;
	[tilespmem:v14+s2+$0x0] =	vst.idx.add.s32.msk $0xffff, v2;
	v2 =	vshll.u32 v1, v34  }
0x11f: {  	v36 =	vand.u32 $0x18, v27;
	[tilespmem:v3+s2+$0x0] =	vst.idx.add.s32.msk $0xffff, v2;
	v2 =	vshll.u32 v1, v35  }
0x120: {  	[tilespmem:v4+s2+$0x0] =	vst.idx.add.s32.msk $0xffff, v2;
	v2 =	vshll.u32 v1, v36  }
0x121: {  	[tilespmem:v5+s2+$0x0] =	vst.idx.add.s32.msk $0xffff, v2  }
0x122: {  	v2 =	vld [tilespmem:s22+$0x14400]  }
0x123: {  	v3 =	vld [tilespmem:s22+$0x14410]  }
0x124: {  	v4 =	vld [tilespmem:s22+$0x14420]  }
0x125: {  	v5 =	vld [tilespmem:s22+$0x14430]  }
0x126: {  	v37 =	vld [tilespmem:s22+$0x14440]  }
0x127: {  	v38 =	vld [tilespmem:s22+$0x14450];
	v39 =	vshrl.u32 v2, $0x5  }
0x128: {  	v40 =	vld [tilespmem:s22+$0x14460];
	v2 =	vand.u32 $0x18, v2;
	v41 =	vshrl.u32 v3, $0x5;
	v8 =	vand.u32 $0xFFFF, v39  }
0x129: {  	v42 =	vld [tilespmem:s22+$0x14470];
	v3 =	vand.u32 $0x18, v3;
	v43 =	vshrl.u32 v4, $0x5;
	v10 =	vand.u32 $0xFFFF, v41  }
0x12a: {  	v4 =	vand.u32 $0x18, v4;
	v44 =	vshrl.u32 v5, $0x5;
	v12 =	vand.u32 $0xFFFF, v43  }
0x12b: {  	v5 =	vand.u32 $0x18, v5;
	v45 =	vshrl.u32 v37, $0x5;
	v13 =	vand.u32 $0xFFFF, v44  }
0x12c: {  	v46 =	vshrl.u32 v38, $0x5;
	v2 =	vshll.u32 v1, v2;
	v14 =	vand.u32 $0xFFFF, v45  }
0x12d: {  	v47 =	vshrl.u32 v40, $0x5;
	[tilespmem:v8+s2+$0x0] =	vst.idx.add.s32.msk $0xffff, v2;
	v2 =	vshll.u32 v1, v3;
	v3 =	vand.u32 $0xFFFF, v46  }
0x12e: {  	v48 =	vshrl.u32 v42, $0x5;
	[tilespmem:v10+s2+$0x0] =	vst.idx.add.s32.msk $0xffff, v2;
	v2 =	vshll.u32 v1, v4;
	v4 =	vand.u32 $0xFFFF, v47  }
0x12f: {  	v6 =	vand.u32 $0x18, v37;
	[tilespmem:v12+s2+$0x0] =	vst.idx.add.s32.msk $0xffff, v2;
	v2 =	vshll.u32 v1, v5;
	v5 =	vand.u32 $0xFFFF, v48  }
0x130: {  	v49 =	vand.u32 $0x18, v38;
	[tilespmem:v13+s2+$0x0] =	vst.idx.add.s32.msk $0xffff, v2;
	v2 =	vshll.u32 v1, v6  }
0x131: {  	v50 =	vand.u32 $0x18, v40;
	[tilespmem:v14+s2+$0x0] =	vst.idx.add.s32.msk $0xffff, v2;
	v2 =	vshll.u32 v1, v49  }
0x132: {  	v51 =	vand.u32 $0x18, v42;
	[tilespmem:v3+s2+$0x0] =	vst.idx.add.s32.msk $0xffff, v2;
	v2 =	vshll.u32 v1, v50  }
0x133: {  	[tilespmem:v4+s2+$0x0] =	vst.idx.add.s32.msk $0xffff, v2;
	v2 =	vshll.u32 v1, v51  }
0x134: {  	[tilespmem:v5+s2+$0x0] =	vst.idx.add.s32.msk $0xffff, v2  }
0x135: {  	v2 =	vld [tilespmem:s22+$0x14800]  }
0x136: {  	v3 =	vld [tilespmem:s22+$0x14810]  }
0x137: {  	v4 =	vld [tilespmem:s22+$0x14820]  }
0x138: {  	v5 =	vld [tilespmem:s22+$0x14830]  }
0x139: {  	v52 =	vld [tilespmem:s22+$0x14840]  }
0x13a: {  	v53 =	vld [tilespmem:s22+$0x14850];
	v54 =	vshrl.u32 v2, $0x5  }
0x13b: {  	v56 =	vshrl.u32 v3, $0x5;
	v8 =	vand.u32 $0xFFFF, v54  }
0x13c: {  	v57 =	vshrl.u32 v4, $0x5;
	v10 =	vand.u32 $0xFFFF, v56  }
0x13d: {  	v55 =	vld [tilespmem:s22+$0x14860];
	v2 =	vand.u32 $0x18, v2;
	v58 =	vshrl.u32 v5, $0x5;
	v11 =	vand.u32 $0xFFFF, v57  }
0x13e: {  	v3 =	vand.u32 $0x18, v3;
	v59 =	vshrl.u32 v52, $0x5;
	v12 =	vand.u32 $0xFFFF, v58  }
0x13f: {  	v14 =	vld [tilespmem:s22+$0x14870];
	v60 =	vshrl.u32 v53, $0x5;
	v2 =	vshll.u32 v1, v2;
	v13 =	vand.u32 $0xFFFF, v59  }
0x140: {  	v4 =	vand.u32 $0x18, v4;
	[tilespmem:v8+s2+$0x0] =	vst.idx.add.s32.msk $0xffff, v2;
	v2 =	vshll.u32 v1, v3;
	v3 =	vand.u32 $0xFFFF, v60  }
0x141: {  	v5 =	vand.u32 $0x18, v5;
	[tilespmem:v10+s2+$0x0] =	vst.idx.add.s32.msk $0xffff, v2;
	v2 =	vshll.u32 v1, v4  }
0x142: {  	v61 =	vshrl.u32 v55, $0x5;
	v6 =	vand.u32 $0x18, v52;
	[tilespmem:v11+s2+$0x0] =	vst.idx.add.s32.msk $0xffff, v2;
	v2 =	vshll.u32 v1, v5  }
0x143: {  	v4 =	vand.u32 $0xFFFF, v61;
	v5 =	vand.u32 $0x18, v53;
	[tilespmem:v12+s2+$0x0] =	vst.idx.add.s32.msk $0xffff, v2;
	v2 =	vshll.u32 v1, v6  }
0x144: {  	v62 =	vshrl.u32 v14, $0x5;
	[tilespmem:v13+s2+$0x0] =	vst.idx.add.s32.msk $0xffff, v2;
	v2 =	vshll.u32 v1, v5  }
0x145: {  	[tilespmem:v3+s2+$0x0] =	vst.idx.add.s32.msk $0xffff, v2;
	v2 =	vand.u32 $0xFFFF, v62  }
0x146: {  	v5 =	vand.u32 $0x18, v55  }
0x147: {  	s21 =	sor.u32 s30, s20;
	v63 =	vand.u32 $0x18, v14;
	v3 =	vshll.u32 v1, v5  }
0x148: {  	s21 =	sor.u32 $0x4C00, s21;
	s22 =	simm.s32 $0x200;
	[tilespmem:v4+s2+$0x0] =	vst.idx.add.s32.msk $0xffff, v3;
	v3 =	vshll.u32 v1, v63  }
.LBB2_7:
0x149: {  	p1 =	sne.s32 s22, $0x3E00  }
0x14a: {  	[tilespmem:v2+s2+$0x0] =	vst.idx.add.s32.msk $0xffff, v3;
	s20 =	sadd.s32 $0x80, s20;
	s23 =	smov.u32 s22;
	s22 =	sadd.s32 $0x200, s22  }
0x14b: {  	s24 =	sand.u32 $0x3000, s23;
	s23 =	sand.u32 $0x380, s20;
	v2 =	vld [tilespmem:s21+$0x10030]  }
0x14c: {  	s23 =	sor.u32 s23, s24;
	s24 =	sor.u32 s24, s20;
	v3 =	vld [tilespmem:s21+$0x10010]  }
0x14d: {  	s24 =	sor.u32 $0x4C00, s24;
	v4 =	vld [tilespmem:s21+$0x10000]  }
0x14e: {  	v5 =	vld [tilespmem:s21+$0x10020]  }
0x14f: {  	v6 =	vld [tilespmem:s21+$0x10040]  }
0x150: {  	v7 =	vld [tilespmem:s21+$0x10050];
	v8 =	vshrl.u32 v2, $0x5;
	v2 =	vand.u32 $0x18, v2  }
0x151: {  	v9 =	vld [tilespmem:s21+$0x10060];
	v10 =	vshrl.u32 v3, $0x5;
	v3 =	vand.u32 $0x18, v3  }
0x152: {  	v11 =	vld [tilespmem:s21+$0x10070];
	v12 =	vshrl.u32 v4, $0x5;
	v4 =	vand.u32 $0x18, v4;
	s21 =	smov.u32 s24  }
0x153: {  	v12 =	vand.u32 $0xFFFF, v12;
	v13 =	vshrl.u32 v5, $0x5;
	v5 =	vand.u32 $0x18, v5  }
0x154: {  	v10 =	vand.u32 $0xFFFF, v10;
	v14 =	vshrl.u32 v6, $0x5;
	v6 =	vand.u32 $0x18, v6  }
0x155: {  	v13 =	vand.u32 $0xFFFF, v13;
	v15 =	vshrl.u32 v7, $0x5  }
0x156: {  	v8 =	vand.u32 $0xFFFF, v8;
	v16 =	vshrl.u32 v9, $0x5;
	v9 =	vand.u32 $0x18, v9  }
0x157: {  	v4 =	vshll.u32 v1, v4;
	v14 =	vand.u32 $0xFFFF, v14;
	v17 =	vand.u32 $0x18, v11  }
0x158: {  	v3 =	vshll.u32 v1, v3;
	[tilespmem:v12+s2+$0x0] =	vst.idx.add.s32.msk $0xffff, v4;
	v4 =	vand.u32 $0xFFFF, v15  }
0x159: {  	[tilespmem:v10+s2+$0x0] =	vst.idx.add.s32.msk $0xffff, v3;
	v3 =	vshll.u32 v1, v5;
	v5 =	vand.u32 $0xFFFF, v16;
	v10 =	vshrl.u32 v11, $0x5  }
0x15a: {  	v2 =	vshll.u32 v1, v2;
	[tilespmem:v13+s2+$0x0] =	vst.idx.add.s32.msk $0xffff, v3;
	v3 =	vand.u32 $0xFFFF, v10  }
0x15b: {  	[tilespmem:v8+s2+$0x0] =	vst.idx.add.s32.msk $0xffff, v2;
	v2 =	vshll.u32 v1, v6;
	v6 =	vand.u32 $0x18, v7  }
0x15c: {  	[tilespmem:v14+s2+$0x0] =	vst.idx.add.s32.msk $0xffff, v2;
	v2 =	vshll.u32 v1, v6  }
0x15d: {  	[tilespmem:v4+s2+$0x0] =	vst.idx.add.s32.msk $0xffff, v2;
	v2 =	vshll.u32 v1, v9  }
0x15e: {  	[tilespmem:v5+s2+$0x0] =	vst.idx.add.s32.msk $0xffff, v2;
	v2 =	vshll.u32 v1, v17  }
0x15f: {  	[tilespmem:v3+s2+$0x0] =	vst.idx.add.s32.msk $0xffff, v2  }
0x160: {  	v2 =	vld [tilespmem:s23+$0x14000]  }
0x161: {  	v3 =	vld [tilespmem:s23+$0x14010]  }
0x162: {  	v4 =	vld [tilespmem:s23+$0x14020]  }
0x163: {  	v5 =	vld [tilespmem:s23+$0x14030]  }
0x164: {  	v6 =	vld [tilespmem:s23+$0x14040]  }
0x165: {  	v7 =	vld [tilespmem:s23+$0x14050];
	v8 =	vshrl.u32 v2, $0x5;
	v2 =	vand.u32 $0x18, v2  }
0x166: {  	v9 =	vld [tilespmem:s23+$0x14060];
	v8 =	vand.u32 $0xFFFF, v8;
	v10 =	vshrl.u32 v3, $0x5;
	v3 =	vand.u32 $0x18, v3  }
0x167: {  	v11 =	vld [tilespmem:s23+$0x14070];
	v10 =	vand.u32 $0xFFFF, v10;
	v12 =	vshrl.u32 v4, $0x5;
	v4 =	vand.u32 $0x18, v4  }
0x168: {  	v12 =	vand.u32 $0xFFFF, v12;
	v13 =	vshrl.u32 v5, $0x5;
	v5 =	vand.u32 $0x18, v5  }
0x169: {  	v13 =	vand.u32 $0xFFFF, v13;
	v14 =	vshrl.u32 v6, $0x5;
	v6 =	vand.u32 $0x18, v6  }
0x16a: {  	v2 =	vshll.u32 v1, v2;
	v14 =	vand.u32 $0xFFFF, v14;
	v15 =	vshrl.u32 v7, $0x5  }
0x16b: {  	[tilespmem:v8+s2+$0x0] =	vst.idx.add.s32.msk $0xffff, v2;
	v2 =	vshll.u32 v1, v3;
	v3 =	vand.u32 $0xFFFF, v15;
	v8 =	vshrl.u32 v9, $0x5  }
0x16c: {  	[tilespmem:v10+s2+$0x0] =	vst.idx.add.s32.msk $0xffff, v2;
	v2 =	vshll.u32 v1, v4;
	v4 =	vand.u32 $0xFFFF, v8;
	v8 =	vshrl.u32 v11, $0x5  }
0x16d: {  	[tilespmem:v12+s2+$0x0] =	vst.idx.add.s32.msk $0xffff, v2;
	v2 =	vshll.u32 v1, v5;
	v5 =	vand.u32 $0x18, v9;
	v8 =	vand.u32 $0xFFFF, v8  }
0x16e: {  	[tilespmem:v13+s2+$0x0] =	vst.idx.add.s32.msk $0xffff, v2;
	v2 =	vshll.u32 v1, v6;
	v6 =	vand.u32 $0x18, v7;
	v7 =	vand.u32 $0x18, v11  }
0x16f: {  	[tilespmem:v14+s2+$0x0] =	vst.idx.add.s32.msk $0xffff, v2;
	v2 =	vshll.u32 v1, v6  }
0x170: {  	[tilespmem:v3+s2+$0x0] =	vst.idx.add.s32.msk $0xffff, v2;
	v2 =	vshll.u32 v1, v5  }
0x171: {  	[tilespmem:v4+s2+$0x0] =	vst.idx.add.s32.msk $0xffff, v2;
	v2 =	vshll.u32 v1, v7  }
0x172: {  	[tilespmem:v8+s2+$0x0] =	vst.idx.add.s32.msk $0xffff, v2  }
0x173: {  	v2 =	vld [tilespmem:s23+$0x14400]  }
0x174: {  	v3 =	vld [tilespmem:s23+$0x14410]  }
0x175: {  	v4 =	vld [tilespmem:s23+$0x14420]  }
0x176: {  	v5 =	vld [tilespmem:s23+$0x14430]  }
0x177: {  	v6 =	vld [tilespmem:s23+$0x14440]  }
0x178: {  	v7 =	vld [tilespmem:s23+$0x14450];
	v8 =	vshrl.u32 v2, $0x5;
	v2 =	vand.u32 $0x18, v2  }
0x179: {  	v9 =	vld [tilespmem:s23+$0x14460];
	v8 =	vand.u32 $0xFFFF, v8;
	v10 =	vshrl.u32 v3, $0x5;
	v3 =	vand.u32 $0x18, v3  }
0x17a: {  	v11 =	vld [tilespmem:s23+$0x14470];
	v10 =	vand.u32 $0xFFFF, v10;
	v12 =	vshrl.u32 v4, $0x5;
	v4 =	vand.u32 $0x18, v4  }
0x17b: {  	v12 =	vand.u32 $0xFFFF, v12;
	v13 =	vshrl.u32 v5, $0x5;
	v5 =	vand.u32 $0x18, v5  }
0x17c: {  	v13 =	vand.u32 $0xFFFF, v13;
	v14 =	vshrl.u32 v6, $0x5;
	v6 =	vand.u32 $0x18, v6  }
0x17d: {  	v2 =	vshll.u32 v1, v2;
	v14 =	vand.u32 $0xFFFF, v14;
	v15 =	vshrl.u32 v7, $0x5  }
0x17e: {  	[tilespmem:v8+s2+$0x0] =	vst.idx.add.s32.msk $0xffff, v2;
	v2 =	vshll.u32 v1, v3;
	v3 =	vand.u32 $0xFFFF, v15;
	v8 =	vshrl.u32 v9, $0x5  }
0x17f: {  	[tilespmem:v10+s2+$0x0] =	vst.idx.add.s32.msk $0xffff, v2;
	v2 =	vshll.u32 v1, v4;
	v4 =	vand.u32 $0xFFFF, v8;
	v8 =	vshrl.u32 v11, $0x5  }
0x180: {  	[tilespmem:v12+s2+$0x0] =	vst.idx.add.s32.msk $0xffff, v2;
	v2 =	vshll.u32 v1, v5;
	v5 =	vand.u32 $0x18, v11;
	v8 =	vand.u32 $0xFFFF, v8  }
0x181: {  	[tilespmem:v13+s2+$0x0] =	vst.idx.add.s32.msk $0xffff, v2;
	v2 =	vshll.u32 v1, v6;
	v6 =	vand.u32 $0x18, v7  }
0x182: {  	[tilespmem:v14+s2+$0x0] =	vst.idx.add.s32.msk $0xffff, v2;
	v2 =	vshll.u32 v1, v6;
	v6 =	vand.u32 $0x18, v9  }
0x183: {  	[tilespmem:v3+s2+$0x0] =	vst.idx.add.s32.msk $0xffff, v2;
	v2 =	vshll.u32 v1, v6  }
0x184: {  	[tilespmem:v4+s2+$0x0] =	vst.idx.add.s32.msk $0xffff, v2;
	v2 =	vshll.u32 v1, v5  }
0x185: {  	[tilespmem:v8+s2+$0x0] =	vst.idx.add.s32.msk $0xffff, v2  }
0x186: {  	v2 =	vld [tilespmem:s23+$0x14800]  }
0x187: {  	v3 =	vld [tilespmem:s23+$0x14810]  }
0x188: {  	v4 =	vld [tilespmem:s23+$0x14820]  }
0x189: {  	v5 =	vld [tilespmem:s23+$0x14830]  }
0x18a: {  	v6 =	vld [tilespmem:s23+$0x14840]  }
0x18b: {  	v7 =	vld [tilespmem:s23+$0x14850];
	v8 =	vshrl.u32 v2, $0x5;
	v2 =	vand.u32 $0x18, v2  }
0x18c: {  	v9 =	vld [tilespmem:s23+$0x14860];
	v8 =	vand.u32 $0xFFFF, v8;
	v10 =	vshrl.u32 v3, $0x5;
	v3 =	vand.u32 $0x18, v3  }
0x18d: {  	v11 =	vld [tilespmem:s23+$0x14870];
	v10 =	vand.u32 $0xFFFF, v10;
	v12 =	vshrl.u32 v4, $0x5;
	v4 =	vand.u32 $0x18, v4  }
0x18e: {  	v12 =	vand.u32 $0xFFFF, v12;
	v13 =	vshrl.u32 v5, $0x5;
	v5 =	vand.u32 $0x18, v5  }
0x18f: {  	v13 =	vand.u32 $0xFFFF, v13;
	v14 =	vshrl.u32 v6, $0x5;
	v6 =	vand.u32 $0x18, v6  }
0x190: {  	v2 =	vshll.u32 v1, v2;
	v14 =	vand.u32 $0xFFFF, v14;
	v15 =	vshrl.u32 v7, $0x5  }
0x191: {  	[tilespmem:v8+s2+$0x0] =	vst.idx.add.s32.msk $0xffff, v2;
	v2 =	vshll.u32 v1, v3;
	v3 =	vand.u32 $0xFFFF, v15;
	v8 =	vshrl.u32 v9, $0x5  }
0x192: {  	[tilespmem:v10+s2+$0x0] =	vst.idx.add.s32.msk $0xffff, v2;
	v2 =	vshll.u32 v1, v4;
	v4 =	vand.u32 $0xFFFF, v8;
	v8 =	vshrl.u32 v11, $0x5  }
.Ltmp2:
0x193: {  	v5 =	vshll.u32 v1, v5;
	v10 =	vand.u32 $0x18, v11;
	[tilespmem:v12+s2+$0x0] =	vst.idx.add.s32.msk $0xffff, v2;
	v2 =	vand.u32 $0xFFFF, v8;
	(pc) =	sbr.rel @p1 .LBB2_7-.Ltmp2, $4  }
0x194: {  	[tilespmem:v13+s2+$0x0] =	vst.idx.add.s32.msk $0xffff, v5;
	v5 =	vshll.u32 v1, v6;
	v6 =	vand.u32 $0x18, v7  }
0x195: {  	[tilespmem:v14+s2+$0x0] =	vst.idx.add.s32.msk $0xffff, v5;
	v5 =	vshll.u32 v1, v6;
	v6 =	vand.u32 $0x18, v9  }
0x196: {  	[tilespmem:v3+s2+$0x0] =	vst.idx.add.s32.msk $0xffff, v5;
	v3 =	vshll.u32 v1, v6  }
0x197: {  	[tilespmem:v4+s2+$0x0] =	vst.idx.add.s32.msk $0xffff, v3;
	v3 =	vshll.u32 v1, v10  }
0x198: {  	_ =	sdelay $0x3  }
0x199: {  	[tilespmem:v2+s2+$0x0] =	vst.idx.add.s32.msk $0xffff, v3  }
0x19a: {  	v2 =	vld [tilespmem:s21+$0x10030]  }
0x19b: {  	v3 =	vld [tilespmem:s21+$0x10000]  }
0x19c: {  	v4 =	vld [tilespmem:s21+$0x10010]  }
0x19d: {  	v5 =	vld [tilespmem:s21+$0x10020];
	_ =	sdelay $0x1  }
0x19e: {  	v6 =	vld [tilespmem:s21+$0x10040]  }
0x19f: {  	v7 =	vld [tilespmem:s21+$0x10050];
	v8 =	vshrl.u32 v3, $0x5  }
0x1a0: {  	v10 =	vld [tilespmem:s21+$0x10060];
	v9 =	vshrl.u32 v2, $0x5;
	v11 =	vshrl.u32 v4, $0x5;
	v8 =	vand.u32 $0xFFFF, v8  }
0x1a1: {  	v12 =	vld [tilespmem:s21+$0x10070];
	v2 =	vand.u32 $0x18, v2;
	v13 =	vshrl.u32 v5, $0x5;
	v11 =	vand.u32 $0xFFFF, v11  }
0x1a2: {  	v4 =	vand.u32 $0x18, v4;
	v3 =	vand.u32 $0x18, v3;
	v13 =	vand.u32 $0xFFFF, v13  }
0x1a3: {  	v5 =	vand.u32 $0x18, v5;
	v14 =	vshrl.u32 v6, $0x5;
	v9 =	vand.u32 $0xFFFF, v9  }
0x1a4: {  	v15 =	vshrl.u32 v7, $0x5;
	v3 =	vshll.u32 v1, v3;
	v14 =	vand.u32 $0xFFFF, v14  }
0x1a5: {  	v16 =	vshrl.u32 v10, $0x5;
	v58 =	vand.u32 $0xFFFF, v15;
	[tilespmem:v8+s2+$0x0] =	vst.idx.add.s32.msk $0xffff, v3;
	v3 =	vshll.u32 v1, v4  }
0x1a6: {  	v60 =	vshrl.u32 v12, $0x5;
	v59 =	vand.u32 $0xFFFF, v16;
	[tilespmem:v11+s2+$0x0] =	vst.idx.add.s32.msk $0xffff, v3;
	v3 =	vshll.u32 v1, v5  }
0x1a7: {  	v6 =	vand.u32 $0x18, v6;
	v2 =	vshll.u32 v1, v2;
	[tilespmem:v13+s2+$0x0] =	vst.idx.add.s32.msk $0xffff, v3;
	v3 =	vand.u32 $0xFFFF, v60  }
.Ltmp3:
0x1a8: {  	v61 =	vand.u32 $0x18, v7;
	[tilespmem:v9+s2+$0x0] =	vst.idx.add.s32.msk $0xffff, v2;
	v2 =	vshll.u32 v1, v6;
	(pc) =	sbr.rel @p0 .LBB2_9-.Ltmp3, $4  }
0x1a9: {  	v62 =	vand.u32 $0x18, v10;
	[tilespmem:v14+s2+$0x0] =	vst.idx.add.s32.msk $0xffff, v2;
	v2 =	vshll.u32 v1, v61  }
0x1aa: {  	v63 =	vand.u32 $0x18, v12;
	[tilespmem:v58+s2+$0x0] =	vst.idx.add.s32.msk $0xffff, v2;
	v2 =	vshll.u32 v1, v62  }
0x1ab: {  	[tilespmem:v59+s2+$0x0] =	vst.idx.add.s32.msk $0xffff, v2;
	v2 =	vshll.u32 v1, v63  }
0x1ac: {  	[tilespmem:v3+s2+$0x0] =	vst.idx.add.s32.msk $0xffff, v2  }
.Ltmp4:
0x1ad: {  	(pc) =	sbr.rel .LBB2_4-.Ltmp4, $4  }
0x1ae: {  	s19 =	sadd.s32 s19, s7  }
0x1af: {  	s19 =	sshrl.u32 s19, $0x3  }
0x1b0: {  	s18 =	sadd.s32 $0x1, s18;
	s19 =	sadd.s32 s3, s19  }
0x1b1: {  	[tilespmem:s11], [sflag:$0x2] =	stream.linear.gather [hbm4b:s19+s2], $0x4000, $0x38;
	[tilespmem:$0x18080] =	vst v63  }
.LBB2_9:
0x1b2: {  	s17 =	simm.s32 $0x0  }
0x1b3: {  	v2 =	vld [tilespmem:s17+$0x20]  }
0x1b4: {  	v4 =	vld [tilespmem:s17+$0x0];
	_ =	sdelay $0x1  }
0x1b5: {  	v5 =	vld [tilespmem:s17+$0x10];
	_ =	sdelay $0x1  }
0x1b6: {  	v7 =	vld [tilespmem:s17+$0x30];
	[tilespmem:s17+$0x20] =	vst v0;
	v6 =	vshrl.u32 v2, $0x4  }
0x1b7: {  	[tilespmem:s17+$0x10] =	vst v0;
	v2 =	vor.u32 v2, v6;
	v6 =	vshrl.u32 v4, $0x4  }
0x1b8: {  	[tilespmem:s17+$0x0] =	vst v0;
	v8 =	vshrl.u32 v2, $0x2;
	v4 =	vor.u32 v4, v6  }
0x1b9: {  	s18 =	simm.s32 $0x40;
	[tilespmem:s17+$0x30] =	vst v0;
	v6 =	vshrl.u32 v5, $0x4;
	v2 =	vor.u32 v2, v8;
	v8 =	vshrl.u32 v4, $0x2  }
0x1ba: {  	v12 =	vld [tilespmem:s18+$0x0];
	v5 =	vor.u32 v5, v6;
	v6 =	vshrl.u32 v2, $0x1;
	v4 =	vor.u32 v4, v8  }
0x1bb: {  	v10 =	vld [tilespmem:s18+$0x20];
	v8 =	vshrl.u32 v7, $0x4;
	v2 =	vor.u32 v2, v6;
	v6 =	vshrl.u32 v5, $0x2  }
0x1bc: {  	v9 =	vshrl.u32 v4, $0x1;
	v5 =	vor.u32 v5, v6;
	v6 =	vor.u32 v7, v8;
	v7 =	vld [tilespmem:s18+$0x10]  }
0x1bd: {  	v4 =	vor.u32 v4, v9;
	v11 =	vshrl.u32 v6, $0x2  }
0x1be: {  	v8 =	vshrl.u32 v5, $0x1;
	v4 =	vand.u32 $0x1010101, v4;
	v6 =	vor.u32 v6, v11  }
0x1bf: {  	v5 =	vor.u32 v5, v8;
	v11 =	vshrl.u32 v12, $0x4;
	v8 =	vshrl.u32 v6, $0x1  }
0x1c0: {  	v5 =	vand.u32 $0x1010101, v5;
	v6 =	vor.u32 v6, v8;
	v8 =	vshrl.u32 v10, $0x4  }
0x1c1: {  	v5 =	vmul.u32 $0x1010101, v5;
	v9 =	vshrl.u32 v7, $0x4;
	v8 =	vor.u32 v10, v8  }
0x1c2: {  	v10 =	vmul.u32 $0x1010101, v4;
	v4 =	vor.u32 v7, v9;
	v7 =	vshrl.u32 v8, $0x2  }
0x1c3: {  	v2 =	vand.u32 $0x1010101, v2;
	v9 =	vor.u32 v12, v11;
	v7 =	vor.u32 v8, v7  }
0x1c4: {  	v8 =	vshrl.u32 v5, $0x18;
	v5 =	vshrl.u32 v9, $0x2;
	v11 =	vshrl.u32 v7, $0x1  }
0x1c5: {  	v2 =	vmul.u32 $0x1010101, v2;
	v5 =	vor.u32 v9, v5;
	v9 =	vor.u32 v7, v11;
	v7 =	vld [tilespmem:s18+$0x30]  }
0x1c6: {  	v3 =	vimm.s32 $0x0;
	[tilespmem:s18+$0x20] =	vst v0;
	v6 =	vand.u32 $0x1010101, v6  }
0x1c7: {  	[tilespmem:s18+$0x0] =	vst v0;
	v2 =	vshrl.u32 v2, $0x18;
	v6 =	vmul.u32 $0x1010101, v6;
	v10 =	vshrl.u32 v10, $0x18  }
0x1c8: {  	[tilespmem:s18+$0x10] =	vst v0;
	v10 =	vadd.s32 v3, v10;
	v11 =	vshrl.u32 v5, $0x1;
	v9 =	vand.u32 $0x1010101, v9  }
0x1c9: {  	s17 =	simm.s32 $0x200;
	[tilespmem:s18+$0x30] =	vst v0;
	v8 =	vadd.s32 v8, v10;
	v5 =	vor.u32 v5, v11;
	v3 =	vmul.u32 $0x1010101, v9  }
.LBB2_10:
0x1ca: {  	s18 =	sshra.s32 s17, $0x2;
	p0 =	sne.s32 s17, $0x3FF00;
	s17 =	sadd.s32 $0x100, s17;
	v9 =	vshrl.u32 v4, $0x2;
	v10 =	vshrl.u32 v7, $0x4;
	v2 =	vadd.s32 v2, v8  }
0x1cb: {  	v6 =	vshrl.u32 v6, $0x18;
	v8 =	vld [tilespmem:s18+$0x20];
	v4 =	vor.u32 v4, v9;
	v7 =	vor.u32 v7, v10  }
0x1cc: {  	v12 =	vadd.s32 v6, v2;
	v9 =	vld [tilespmem:s18+$0x10];
	[tilespmem:s18+$0x20] =	vst v0;
	v10 =	vshrl.u32 v4, $0x1;
	v11 =	vshrl.u32 v7, $0x2  }
0x1cd: {  	v6 =	vld [tilespmem:s18+$0x0];
	[tilespmem:s18+$0x10] =	vst v0;
	v2 =	vor.u32 v4, v10;
	v4 =	vor.u32 v7, v11  }
0x1ce: {  	[tilespmem:s18+$0x0] =	vst v0;
	v2 =	vand.u32 $0x1010101, v2;
	v7 =	vshrl.u32 v4, $0x1  }
0x1cf: {  	v10 =	vmul.u32 $0x1010101, v2;
	v2 =	vshrl.u32 v3, $0x18;
	v3 =	vor.u32 v4, v7  }
0x1d0: {  	v5 =	vand.u32 $0x1010101, v5;
	v4 =	vshrl.u32 v8, $0x4;
	v3 =	vand.u32 $0x1010101, v3  }
0x1d1: {  	v5 =	vmul.u32 $0x1010101, v5;
	v7 =	vshrl.u32 v9, $0x4;
	v8 =	vor.u32 v8, v4  }
0x1d2: {  	v11 =	vshrl.u32 v6, $0x4;
	v4 =	vor.u32 v9, v7;
	v9 =	vshrl.u32 v8, $0x2  }
.Ltmp5:
0x1d3: {  	v7 =	vld [tilespmem:s18+$0x30];
	v6 =	vor.u32 v6, v11;
	v8 =	vor.u32 v8, v9;
	v9 =	vshrl.u32 v10, $0x18;
	(pc) =	sbr.rel @p0 .LBB2_10-.Ltmp5, $4  }
0x1d4: {  	v5 =	vshrl.u32 v5, $0x18;
	v10 =	vshrl.u32 v6, $0x2;
	v11 =	vshrl.u32 v8, $0x1;
	[tilespmem:s18+$0x30] =	vst v0  }
0x1d5: {  	v10 =	vor.u32 v6, v10;
	v8 =	vor.u32 v8, v11;
	v6 =	vmul.u32 $0x1010101, v3  }
0x1d6: {  	v11 =	vadd.s32 v12, v5;
	v3 =	vshrl.u32 v10, $0x1;
	v8 =	vand.u32 $0x1010101, v8  }
0x1d7: {  	v5 =	vor.u32 v10, v3;
	v3 =	vmul.u32 $0x1010101, v8;
	v8 =	vadd.s32 v9, v11  }
0x1d8: {  	v9 =	vshrl.u32 v4, $0x2;
	v10 =	vshrl.u32 v7, $0x4  }
0x1d9: {  	v4 =	vor.u32 v4, v9;
	v7 =	vor.u32 v7, v10  }
0x1da: {  	v2 =	vadd.s32 v2, v8;
	v60 =	vshrl.u32 v4, $0x1;
	v61 =	vshrl.u32 v7, $0x2  }
0x1db: {  	v5 =	vand.u32 $0x1010101, v5;
	v4 =	vor.u32 v4, v60;
	v7 =	vor.u32 v7, v61  }
0x1dc: {  	v5 =	vmul.u32 $0x1010101, v5;
	v4 =	vand.u32 $0x1010101, v4;
	v62 =	vshrl.u32 v7, $0x1  }
0x1dd: {  	v6 =	vshrl.u32 v6, $0x18;
	v4 =	vmul.u32 $0x1010101, v4;
	v7 =	vor.u32 v7, v62  }
0x1de: {  	v2 =	vadd.s32 v6, v2;
	v5 =	vshrl.u32 v5, $0x18;
	v63 =	vand.u32 $0x1010101, v7  }
0x1df: {  	v2 =	vadd.s32 v2, v5;
	v4 =	vshrl.u32 v4, $0x18;
	v6 =	vmul.u32 $0x1010101, v63  }
0x1e0: {  	v3 =	vshrl.u32 v3, $0x18;
	v2 =	vadd.s32 v4, v2  }
0x1e1: {  	v2 =	vadd.s32 v3, v2;
	v3 =	vshrl.u32 v6, $0x18  }
0x1e2: {  	v2 =	vadd.s32 v3, v2  }
0x1e3: {  	(xrf0) =	vadd.scan.msk.s32 $0xffff, v2;
	_ =	sdelay $0x5  }
0x1e4: {  	v2, _, _ =	vpop (xrf0)  }
0x1e5: {  	s16 =	sadd.s32 $0x1, s16;
	v2 =	vbroadcast v2, $0xF  }
0x1e6: {  	p0 =	sne.s32 s16, s9  }
.Ltmp6:
0x1e7: {  	[tilespmem:$0x18000] =	vst v2;
	(pc) =	sbr.rel @p0 .LBB2_1-.Ltmp6, $4  }
0x1e8: {  	[hbm4b:s8+s2] =	stream.linear.scatter [tilespmem:s14], [sflag:$0x3], $0x80, $0x38;
	[tilespmem:$0x18080] =	vst v63  }
0x1e9: {  	_ =	swait.ge [sflag:s15], $0x80  }
0x1ea: {  	[sflag:s15] =	ssyncset.done $0x0  }
0x1eb: {  	[sflag:s15] =	ssyncadd.s32 $0xFFFFFF80  }
0x1ec: {  	_ =	sfence.sel $0x180000  }
0x1ed: {  	[bflag:$0x0] =	sbarrier.arrive $0xFFFF  }
0x1ee: {  	p0 =	sne.s32 s1, $0x0;
	_ =	strace $0x9000004A  }
0x1ef: {  	s0 =	sadd.s32 @!p0 $0x100000, s0;
	[bflag:$0x2] =	sbarrier.arrive $0xFFFF  }
0x1f0: {  	[sflag:s0] =	ssyncadd.tile.s32 @!p0 $0x1;
	_ =	shalt  }
.Lfunc_end2:
_tile_overlayer_lowered:
.L_overlay_start_2:
0x1f1: {  	(tag) =	ssettag $0x2  }
0x1f2: {  	s0 =	rddreg [dreg:$0x0];
	s2 =	stileid.u32  }
0x1f3: {  	s1 =	rddreg [dreg:$0x1];
	p0 =	sne.s32 s2, $0x0  }
0x1f4: {  	s3 =	rddreg [dreg:$0x2];
	[bflag:$0x3] =	sbarrier.arrive $0xFFFF;
	s2 =	simm.s32 @!p0 $0x1C03  }
0x1f5: {  	[timem:s3], [sflag:s2] =	dma.local @!p0 [hbm:s0], s1  }
0x1f6: {  	s0 =	simm.s32 @!p0 $0x3  }
0x1f7: {  	_ =	swait.ge @!p0 [sflag:s0], s1  }
0x1f8: {  	s1 =	ssub.s32 @!p0 $0x0, s1;
	[sflag:s0] =	ssyncset.done @!p0 $0x0  }
0x1f9: {  	[sflag:s0] =	ssyncadd.s32 @!p0 s1  }
0x1fa: {  	[bflag:$0x3] =	sbarrier.arrive $0xFFFF  }
0x1fb: {  	_ =	shalt  }

</sc_bundles>
